<compile_context>
chip_gen: v7x
topology: tpu7x:2x2x1
jax: 0.10.2.dev20260603
libtpu: 0.0.44.dev20260713+nightly
codegen_flags: <defaults>
</compile_context>

<pallas_src>
import functools

import jax
import jax.numpy as jnp
from jax import lax
from jax.experimental import pallas as pl
from jax.experimental.pallas import tpu as pltpu
from jax.experimental.pallas import tpu_sc as plsc

N_NODES = 10000
N_EDGES = 320000
D = 128
OUT = 64
NC = 2
NS = 16
NW = NC * NS
EPW = N_EDGES // NW
LANES = 16
CHUNKS = EPW // LANES
WIN = 10240
WCHUNKS = WIN // LANES
BLK = 16
NBLK = WCHUNKS // BLK
NSLICE = 4
SL_ED = WIN // NSLICE
SL_BLK = NBLK // NSLICE
NOPOS = 1 << 27


def _sc_filter_gather(emb_hbm, edges_hbm, sum_out, deg_out,
                      edgeb, srcwb, idxb, rowsb, accb, degb,
                      degfb, sem_d0, sem_d1, sem_d2, sem_d3, sem_s, sem_g):
    wid = lax.axis_index("s") * NC + lax.axis_index("c")
    base = wid * EPW
    ab = jnp.minimum((base // 128) * 128, N_EDGES - WIN)
    lo = (base - ab) // LANES
    sems = [sem_d0, sem_d1, sem_d2, sem_d3]
    dcs = [
        pltpu.async_copy(edges_hbm.at[1, pl.ds(ab + s * SL_ED, SL_ED)],
                         edgeb.at[pl.ds(s * SL_ED, SL_ED)], sems[s])
        for s in range(NSLICE)
    ]
    scp = pltpu.async_copy(edges_hbm.at[0, pl.ds(ab, WIN)], srcwb, sem_s)

    zf = jnp.zeros((LANES,), jnp.float32)
    for k in range(D // LANES):
        accb[pl.ds(k * LANES, LANES)] = zf
    degb[...] = jnp.zeros((LANES,), jnp.int32)

    ones = jnp.ones((LANES,), jnp.int32)

    def neutralize(c, carry):
        edgeb[pl.ds(c * LANES, LANES)] = ones
        return carry

    def acc_row(r, c2):
        for k in range(D // LANES):
            sl = pl.ds(k * LANES, LANES)
            accb[sl] = accb[sl] + rowsb[r, sl]
        return c2

    def screen_blk(b, carry):
        cnt, bpmin, bpmax = carry
        off0 = b * BLK * LANES
        mns = [edgeb[pl.ds(off0 + t * LANES, LANES)] for t in range(BLK)]
        while len(mns) > 1:
            mns = [jnp.minimum(mns[i], mns[i + 1])
                   for i in range(0, len(mns), 2)]
        m = mns[0] == 0
        cnt = cnt + jnp.where(m, 1, 0).astype(jnp.int32)
        bpmin = jnp.minimum(bpmin, jnp.where(m, b, NOPOS))
        bpmax = jnp.maximum(bpmax, jnp.where(m, b, -1))
        return cnt, bpmin, bpmax

    st = (jnp.zeros((LANES,), jnp.int32),
          jnp.full((LANES,), NOPOS, jnp.int32),
          jnp.full((LANES,), -1, jnp.int32))
    for s in range(NSLICE):
        dcs[s].wait()
        if s == 0:
            lax.fori_loop(0, lo, neutralize, 0)
        if s == NSLICE - 1:
            lax.fori_loop(lo + CHUNKS, WCHUNKS, neutralize, 0)
        st = lax.fori_loop(s * SL_BLK, (s + 1) * SL_BLK, screen_blk, st)
    cnt, bpmin, bpmax = st

    def fine(c, carry):
        off = c * LANES
        dv = edgeb[pl.ds(off, LANES)]
        m = dv == 0
        mi = jnp.where(m, 1, 0).astype(jnp.int32)
        cnt = jnp.sum(mi)

        @pl.when(cnt > 0)
        def _():
            sv = srcwb[pl.ds(off, LANES)]
            idxb[...] = jnp.zeros((LANES,), jnp.int32)
            plsc.store_compressed(idxb.at[pl.ds(0, LANES)], sv, mask=m)
            degb[...] = degb[...] + mi
            pltpu.async_copy(emb_hbm.at[idxb], rowsb, sem_g).wait()
            lax.fori_loop(0, cnt, acc_row, 0)

        return carry

    def rescan(b, carry):
        off0 = b * BLK * LANES
        mn = edgeb[pl.ds(off0, LANES)]
        for t in range(1, BLK):
            mn = jnp.minimum(mn, edgeb[pl.ds(off0 + t * LANES, LANES)])

        @pl.when(jnp.min(mn) == 0)
        def _():
            lax.fori_loop(b * BLK, (b + 1) * BLK, fine, 0)

        return carry

    total_blk = jnp.sum(cnt)
    scp.wait()

    @pl.when(total_blk > 0)
    def _():
        mxb = jnp.max(cnt)

        @pl.when(mxb <= 2)
        def _():
            iot = lax.iota(jnp.int32, 16)
            onlyb = cnt == 2
            blkA = jnp.where(cnt >= 1, bpmin, 0)
            blkB = jnp.where(onlyb, bpmax, 0)

            def resolve(blkv, emask):
                cva = jnp.zeros((LANES,), jnp.int32)
                pma = jnp.full((LANES,), NOPOS, jnp.int32)
                for t in range(BLK):
                    cvec = blkv * BLK + t
                    dv = plsc.load_gather(edgeb, [cvec * LANES + iot])
                    m = dv == 0
                    if emask is not None:
                        m = jnp.logical_and(m, emask)
                    cva = cva + jnp.where(m, 1, 0).astype(jnp.int32)
                    pma = jnp.minimum(pma, jnp.where(m, cvec, NOPOS))
                return cva, pma

            cvA, pmA = resolve(blkA, None)
            cvB, pmB = resolve(blkB, onlyb)
            mxc = jnp.maximum(jnp.max(cvA), jnp.max(cvB))

            @pl.when(mxc <= 1)
            def _():
                degb[...] = cvA + cvB
                hasA = cvA == 1
                pa = jnp.where(hasA, pmA, 0)
                sva = plsc.load_gather(srcwb, [pa * LANES + iot])
                sva = jnp.where(hasA, sva, 0)
                idxb[...] = jnp.zeros((LANES,), jnp.int32)
                plsc.store_compressed(idxb.at[pl.ds(0, LANES)], sva,
                                      mask=hasA)
                ta = jnp.sum(cvA)
                pltpu.async_copy(emb_hbm.at[idxb], rowsb, sem_g).wait()
                lax.fori_loop(0, ta, acc_row, 0)

                tb = jnp.sum(cvB)

                @pl.when(tb > 0)
                def _():
                    hasB = cvB == 1
                    pb = jnp.where(hasB, pmB, 0)
                    svb = plsc.load_gather(srcwb, [pb * LANES + iot])
                    svb = jnp.where(hasB, svb, 0)
                    idxb[...] = jnp.zeros((LANES,), jnp.int32)
                    plsc.store_compressed(idxb.at[pl.ds(0, LANES)], svb,
                                          mask=hasB)
                    pltpu.async_copy(emb_hbm.at[idxb], rowsb, sem_g).wait()
                    lax.fori_loop(0, tb, acc_row, 0)

            @pl.when(mxc > 1)
            def _():
                lax.fori_loop(0, NBLK, rescan, 0)

        @pl.when(mxb > 2)
        def _():
            lax.fori_loop(0, NBLK, rescan, 0)

    pltpu.sync_copy(accb, sum_out.at[wid])
    dt = jnp.sum(degb[...]).astype(jnp.float32)
    for k in range(D // LANES):
        degfb[pl.ds(k * LANES, LANES)] = jnp.full((LANES,), dt, jnp.float32)
    pltpu.sync_copy(degfb, deg_out.at[wid])


def _tc_finish(part_ref, deg_ref, emb_ref, ws_ref, wn_ref, bs_ref,
               wc_ref, bc_ref, out_ref):
    s = jnp.sum(part_ref[...], axis=0, keepdims=True)
    deg = jnp.sum(deg_ref[...], axis=0, keepdims=True)[0:1, 0:1]
    agg = s / jnp.maximum(deg, 1.0)
    e0 = emb_ref[0:1, :]
    h = jnp.maximum(
        jnp.dot(e0, ws_ref[...], preferred_element_type=jnp.float32)
        + jnp.dot(agg, wn_ref[...], preferred_element_type=jnp.float32)
        + bs_ref[...][None, :], 0.0)
    out_ref[...] = (jnp.dot(h, wc_ref[...], preferred_element_type=jnp.float32)
                    + bc_ref[...][None, :])


def kernel(embedding, edges, W_self, W_neigh, b_sage, W_cls, b_cls):
    edges = edges.astype(jnp.int32)

    mesh = plsc.VectorSubcoreMesh(core_axis_name="c", subcore_axis_name="s")
    sc_call = functools.partial(
        pl.kernel,
        mesh=mesh,
        compiler_params=pltpu.CompilerParams(needs_layout_passes=False),
        out_type=(
            jax.ShapeDtypeStruct((NW, D), jnp.float32),
            jax.ShapeDtypeStruct((NW, D), jnp.float32),
        ),
        scratch_types=[
            pltpu.VMEM((WIN,), jnp.int32),
            pltpu.VMEM((WIN,), jnp.int32),
            pltpu.VMEM((LANES,), jnp.int32),
            pltpu.VMEM((LANES, D), jnp.float32),
            pltpu.VMEM((D,), jnp.float32),
            pltpu.VMEM((LANES,), jnp.int32),
            pltpu.VMEM((D,), jnp.float32),
            pltpu.SemaphoreType.DMA,
            pltpu.SemaphoreType.DMA,
            pltpu.SemaphoreType.DMA,
            pltpu.SemaphoreType.DMA,
            pltpu.SemaphoreType.DMA,
            pltpu.SemaphoreType.DMA,
        ],
    )
    partials, degs = sc_call(_sc_filter_gather)(embedding, edges)

    out = pl.pallas_call(
        _tc_finish,
        out_shape=jax.ShapeDtypeStruct((1, OUT), jnp.float32),
        grid=(1,),
        in_specs=[
            pl.BlockSpec((NW, D), lambda i: (0, 0)),
            pl.BlockSpec((NW, D), lambda i: (0, 0)),
            pl.BlockSpec((8, D), lambda i: (0, 0)),
            pl.BlockSpec((D, D), lambda i: (0, 0)),
            pl.BlockSpec((D, D), lambda i: (0, 0)),
            pl.BlockSpec((D,), lambda i: (0,)),
            pl.BlockSpec((D, OUT), lambda i: (0, 0)),
            pl.BlockSpec((OUT,), lambda i: (0,)),
        ],
        out_specs=pl.BlockSpec((1, OUT), lambda i: (0, 0)),
    )(partials, degs, embedding, W_self, W_neigh, b_sage, W_cls, b_cls)

    return out

# --- scband reference (transcript-rebuilt; emitter-appended) ---
"""Pipeline reference for scband-sage-model-86577950753151 (READ-ONLY COPY).

The authoritative reference and input builder live on the scoring server;
editing this copy changes nothing except your own understanding.
"""

import jax, jax.numpy as jnp
import numpy as np

N_NODES = 10000
N_EDGES = 320000
IN_DIM = 128
HIDDEN_DIM = 128
OUT_DIM = 64


def setup_inputs(seed: int = 0) -> dict:
    key = jax.random.key(seed)
    ks = jax.random.split(key, 8)
    embedding = jax.random.normal(ks[0], (N_NODES, IN_DIM), dtype=jnp.float32)
    edges = jax.random.randint(ks[1], (2, N_EDGES), 0, N_NODES, dtype=jnp.int64)
    # GraphSAGE layer params (self transform + neighbor-mean transform)
    W_self = jax.random.normal(ks[2], (IN_DIM, HIDDEN_DIM), dtype=jnp.float32) * (1.0 / np.sqrt(IN_DIM))
    W_neigh = jax.random.normal(ks[3], (IN_DIM, HIDDEN_DIM), dtype=jnp.float32) * (1.0 / np.sqrt(IN_DIM))
    b_sage = jnp.zeros((HIDDEN_DIM,), dtype=jnp.float32)
    # classifier params
    W_cls = jax.random.normal(ks[4], (HIDDEN_DIM, OUT_DIM), dtype=jnp.float32) * (1.0 / np.sqrt(HIDDEN_DIM))
    b_cls = jnp.zeros((OUT_DIM,), dtype=jnp.float32)
    return {
        "embedding": embedding,
        "edges": edges,
        "W_self": W_self,
        "W_neigh": W_neigh,
        "b_sage": b_sage,
        "W_cls": W_cls,
        "b_cls": b_cls,
    }


def reference(embedding, edges, W_self, W_neigh, b_sage, W_cls, b_cls):
    N = embedding.shape[0]
    src = edges[0]
    dst = edges[1]
    # mean aggregation of neighbor features (gather by src, scatter-add by dst)
    msgs = jnp.take(embedding, src, axis=0)
    agg_sum = jax.ops.segment_sum(msgs, dst, num_segments=N)
    deg = jax.ops.segment_sum(jnp.ones((src.shape[0],), dtype=embedding.dtype), dst, num_segments=N)
    agg_mean = agg_sum / jnp.clip(deg, 1.0)[:, None]
    # single GraphSAGE layer: self path + neighbor path, relu
    h = jax.nn.relu(embedding @ W_self + agg_mean @ W_neigh + b_sage)
    # classifier, then take node 0 logits and unsqueeze(0)
    logits_all = h @ W_cls + b_cls
    logits = logits_all[0][None, :]
    return logits

if __name__ == "__main__":
    import jax
    _d = setup_inputs()
    print(jax.jit(kernel)(*tuple(_d.values())))

</pallas_src>

<mosaic_0001>
#map = affine_map<(d0, d1) -> (0, 0)>
module attributes {stable_mosaic.version = 14 : i64} {
  func.func @_sc_filter_gather(%arg0: i32, %arg1: i32, %arg2: memref<10000x128xf32, #tpu.memory_space<hbm>>, %arg3: memref<2x320000xi32, #tpu.memory_space<hbm>>, %arg4: memref<32x128xf32, #tpu.memory_space<hbm>>, %arg5: memref<32x128xf32, #tpu.memory_space<hbm>>, %arg6: memref<10240xi32, #tpu.memory_space<vmem>>, %arg7: memref<10240xi32, #tpu.memory_space<vmem>>, %arg8: memref<16xi32, #tpu.memory_space<vmem>>, %arg9: memref<16x128xf32, #tpu.memory_space<vmem>>, %arg10: memref<128xf32, #tpu.memory_space<vmem>>, %arg11: memref<16xi32, #tpu.memory_space<vmem>>, %arg12: memref<128xf32, #tpu.memory_space<vmem>>, %arg13: memref<!tpu.dma_semaphore, #tpu.memory_space<semaphore_mem>>, %arg14: memref<!tpu.dma_semaphore, #tpu.memory_space<semaphore_mem>>, %arg15: memref<!tpu.dma_semaphore, #tpu.memory_space<semaphore_mem>>, %arg16: memref<!tpu.dma_semaphore, #tpu.memory_space<semaphore_mem>>, %arg17: memref<!tpu.dma_semaphore, #tpu.memory_space<semaphore_mem>>, %arg18: memref<!tpu.dma_semaphore, #tpu.memory_space<semaphore_mem>>) attributes {dimension_semantics = [#tpu.dimension_semantics<core_parallel>, #tpu.dimension_semantics<subcore_parallel>], iteration_bounds = array<i64: 2, 16>, scalar_prefetch = 0 : i64, scratch_operands = 13 : i64, tpu.core_type = #tpu.core_type<sc_vector_subcore>, window_params = [{transform_indices = #map}, {transform_indices = #map}, {transform_indices = #map}, {transform_indices = #map}]} {
    %mul3A = arith.constant 2 : i32
    %mul3A_0 = arith.muli %arg1, %mul3A : i32
    %add3A = arith.addi %mul3A_0, %arg0 : i32
    %mul3A_1 = arith.constant 10000 : i32
    %mul3A_2 = arith.muli %add3A, %mul3A_1 : i32
    %jit3A = arith.constant 128 : i32
    %div3A = arith.divsi %mul3A_2, %jit3A : i32
    %sign3A = arith.constant 0 : i32
    %sign3A_3 = arith.cmpi sgt, %mul3A_2, %sign3A : i32
    %sign3A_4 = arith.extui %sign3A_3 : i1 to i32
    %sign3A_5 = arith.constant 0 : i32
    %sign3A_6 = arith.cmpi slt, %mul3A_2, %sign3A_5 : i32
    %sign3A_7 = arith.extui %sign3A_6 : i1 to i32
    %sign3A_8 = arith.subi %sign3A_4, %sign3A_7 : i32
    %sign3A_9 = arith.constant 0 : i32
    %sign3A_10 = arith.cmpi sgt, %jit3A, %sign3A_9 : i32
    %sign3A_11 = arith.extui %sign3A_10 : i1 to i32
    %sign3A_12 = arith.constant 0 : i32
    %sign3A_13 = arith.cmpi slt, %jit3A, %sign3A_12 : i32
    %sign3A_14 = arith.extui %sign3A_13 : i1 to i32
    %sign3A_15 = arith.subi %sign3A_11, %sign3A_14 : i32
    %ne3A = arith.cmpi ne, %sign3A_8, %sign3A_15 : i32
    %rem3A = arith.remsi %mul3A_2, %jit3A : i32
    %ne3A_16 = arith.constant 0 : i32
    %ne3A_17 = arith.cmpi ne, %rem3A, %ne3A_16 : i32
    %and3A = arith.andi %ne3A, %ne3A_17 : i1
    %sub3A = arith.constant 1 : i32
    %sub3A_18 = arith.subi %div3A, %sub3A : i32
    %select_n3A = arith.select %and3A, %sub3A_18, %div3A : i32
    %mul3A_19 = arith.constant 128 : i32
    %mul3A_20 = arith.muli %select_n3A, %mul3A_19 : i32
    %min3A = arith.constant 309760 : i32
    %min3A_21 = arith.minsi %mul3A_20, %min3A : i32
    %sub3A_22 = arith.subi %mul3A_2, %min3A_21 : i32
    %jit3A_23 = arith.constant 16 : i32
    %div3A_24 = arith.divsi %sub3A_22, %jit3A_23 : i32
    %sign3A_25 = arith.constant 0 : i32
    %sign3A_26 = arith.cmpi sgt, %sub3A_22, %sign3A_25 : i32
    %sign3A_27 = arith.extui %sign3A_26 : i1 to i32
    %sign3A_28 = arith.constant 0 : i32
    %sign3A_29 = arith.cmpi slt, %sub3A_22, %sign3A_28 : i32
    %sign3A_30 = arith.extui %sign3A_29 : i1 to i32
    %sign3A_31 = arith.subi %sign3A_27, %sign3A_30 : i32
    %sign3A_32 = arith.constant 0 : i32
    %sign3A_33 = arith.cmpi sgt, %jit3A_23, %sign3A_32 : i32
    %sign3A_34 = arith.extui %sign3A_33 : i1 to i32
    %sign3A_35 = arith.constant 0 : i32
    %sign3A_36 = arith.cmpi slt, %jit3A_23, %sign3A_35 : i32
    %sign3A_37 = arith.extui %sign3A_36 : i1 to i32
    %sign3A_38 = arith.subi %sign3A_34, %sign3A_37 : i32
    %ne3A_39 = arith.cmpi ne, %sign3A_31, %sign3A_38 : i32
    %rem3A_40 = arith.remsi %sub3A_22, %jit3A_23 : i32
    %ne3A_41 = arith.constant 0 : i32
    %ne3A_42 = arith.cmpi ne, %rem3A_40, %ne3A_41 : i32
    %and3A_43 = arith.andi %ne3A_39, %ne3A_42 : i1
    %sub3A_44 = arith.constant 1 : i32
    %sub3A_45 = arith.subi %div3A_24, %sub3A_44 : i32
    %select_n3A_46 = arith.select %and3A_43, %sub3A_45, %div3A_24 : i32
    %add3A_47 = arith.constant 0 : i32
    %add3A_48 = arith.addi %min3A_21, %add3A_47 : i32
    %dma_start3A = arith.constant 1 : i32
    %dma_start3A_49 = arith.constant 0 : i32
    %dma_start3A_50 = tpu.memref_slice %arg6[%dma_start3A_49] : memref<10240xi32, #tpu.memory_space<vmem>> -> memref<2560xi32, #tpu.memory_space<vmem>>
    %dma_start3A_51 = tpu.memref_slice %arg3[%dma_start3A, %add3A_48] : memref<2x320000xi32, #tpu.memory_space<hbm>> -> memref<1x2560xi32, #tpu.memory_space<hbm>>
    %dma_start3A_52 = tpu.memref_squeeze %dma_start3A_51 : memref<1x2560xi32, #tpu.memory_space<hbm>> -> memref<2560xi32, #tpu.memory_space<hbm>>
    %dma_start3A_53 = arith.constant 0 : i32
    %dma_start3A_54 = tpu.memref_slice %arg6[%dma_start3A_53] : memref<10240xi32, #tpu.memory_space<vmem>> -> memref<2560xi32, #tpu.memory_space<vmem>>
    %dma_start3A_55 = tpu.memref_slice %arg3[%dma_start3A, %add3A_48] : memref<2x320000xi32, #tpu.memory_space<hbm>> -> memref<1x2560xi32, #tpu.memory_space<hbm>>
    %dma_start3A_56 = tpu.memref_squeeze %dma_start3A_55 : memref<1x2560xi32, #tpu.memory_space<hbm>> -> memref<2560xi32, #tpu.memory_space<hbm>>
    tpu.enqueue_dma source(%dma_start3A_56 : memref<2560xi32, #tpu.memory_space<hbm>>) target(%dma_start3A_54 : memref<2560xi32, #tpu.memory_space<vmem>>) target_semaphore(%arg13 : memref<!tpu.dma_semaphore, #tpu.memory_space<semaphore_mem>>)
    %add3A_57 = arith.constant 2560 : i32
    %add3A_58 = arith.addi %min3A_21, %add3A_57 : i32
    %dma_start3A_59 = arith.constant 1 : i32
    %dma_start3A_60 = arith.constant 2560 : i32
    %dma_start3A_61 = tpu.memref_slice %arg6[%dma_start3A_60] : memref<10240xi32, #tpu.memory_space<vmem>> -> memref<2560xi32, #tpu.memory_space<vmem>>
    %dma_start3A_62 = tpu.memref_slice %arg3[%dma_start3A_59, %add3A_58] : memref<2x320000xi32, #tpu.memory_space<hbm>> -> memref<1x2560xi32, #tpu.memory_space<hbm>>
    %dma_start3A_63 = tpu.memref_squeeze %dma_start3A_62 : memref<1x2560xi32, #tpu.memory_space<hbm>> -> memref<2560xi32, #tpu.memory_space<hbm>>
    %dma_start3A_64 = arith.constant 2560 : i32
    %dma_start3A_65 = tpu.memref_slice %arg6[%dma_start3A_64] : memref<10240xi32, #tpu.memory_space<vmem>> -> memref<2560xi32, #tpu.memory_space<vmem>>
    %dma_start3A_66 = tpu.memref_slice %arg3[%dma_start3A_59, %add3A_58] : memref<2x320000xi32, #tpu.memory_space<hbm>> -> memref<1x2560xi32, #tpu.memory_space<hbm>>
    %dma_start3A_67 = tpu.memref_squeeze %dma_start3A_66 : memref<1x2560xi32, #tpu.memory_space<hbm>> -> memref<2560xi32, #tpu.memory_space<hbm>>
    tpu.enqueue_dma source(%dma_start3A_67 : memref<2560xi32, #tpu.memory_space<hbm>>) target(%dma_start3A_65 : memref<2560xi32, #tpu.memory_space<vmem>>) target_semaphore(%arg14 : memref<!tpu.dma_semaphore, #tpu.memory_space<semaphore_mem>>)
    %add3A_68 = arith.constant 5120 : i32
    %add3A_69 = arith.addi %min3A_21, %add3A_68 : i32
    %dma_start3A_70 = arith.constant 1 : i32
    %dma_start3A_71 = arith.constant 5120 : i32
    %dma_start3A_72 = tpu.memref_slice %arg6[%dma_start3A_71] : memref<10240xi32, #tpu.memory_space<vmem>> -> memref<2560xi32, #tpu.memory_space<vmem>>
    %dma_start3A_73 = tpu.memref_slice %arg3[%dma_start3A_70, %add3A_69] : memref<2x320000xi32, #tpu.memory_space<hbm>> -> memref<1x2560xi32, #tpu.memory_space<hbm>>
    %dma_start3A_74 = tpu.memref_squeeze %dma_start3A_73 : memref<1x2560xi32, #tpu.memory_space<hbm>> -> memref<2560xi32, #tpu.memory_space<hbm>>
    %dma_start3A_75 = arith.constant 5120 : i32
    %dma_start3A_76 = tpu.memref_slice %arg6[%dma_start3A_75] : memref<10240xi32, #tpu.memory_space<vmem>> -> memref<2560xi32, #tpu.memory_space<vmem>>
    %dma_start3A_77 = tpu.memref_slice %arg3[%dma_start3A_70, %add3A_69] : memref<2x320000xi32, #tpu.memory_space<hbm>> -> memref<1x2560xi32, #tpu.memory_space<hbm>>
    %dma_start3A_78 = tpu.memref_squeeze %dma_start3A_77 : memref<1x2560xi32, #tpu.memory_space<hbm>> -> memref<2560xi32, #tpu.memory_space<hbm>>
    tpu.enqueue_dma source(%dma_start3A_78 : memref<2560xi32, #tpu.memory_space<hbm>>) target(%dma_start3A_76 : memref<2560xi32, #tpu.memory_space<vmem>>) target_semaphore(%arg15 : memref<!tpu.dma_semaphore, #tpu.memory_space<semaphore_mem>>)
    %add3A_79 = arith.constant 7680 : i32
    %add3A_80 = arith.addi %min3A_21, %add3A_79 : i32
    %dma_start3A_81 = arith.constant 1 : i32
    %dma_start3A_82 = arith.constant 7680 : i32
    %dma_start3A_83 = tpu.memref_slice %arg6[%dma_start3A_82] : memref<10240xi32, #tpu.memory_space<vmem>> -> memref<2560xi32, #tpu.memory_space<vmem>>
    %dma_start3A_84 = tpu.memref_slice %arg3[%dma_start3A_81, %add3A_80] : memref<2x320000xi32, #tpu.memory_space<hbm>> -> memref<1x2560xi32, #tpu.memory_space<hbm>>
    %dma_start3A_85 = tpu.memref_squeeze %dma_start3A_84 : memref<1x2560xi32, #tpu.memory_space<hbm>> -> memref<2560xi32, #tpu.memory_space<hbm>>
    %dma_start3A_86 = arith.constant 7680 : i32
    %dma_start3A_87 = tpu.memref_slice %arg6[%dma_start3A_86] : memref<10240xi32, #tpu.memory_space<vmem>> -> memref<2560xi32, #tpu.memory_space<vmem>>
    %dma_start3A_88 = tpu.memref_slice %arg3[%dma_start3A_81, %add3A_80] : memref<2x320000xi32, #tpu.memory_space<hbm>> -> memref<1x2560xi32, #tpu.memory_space<hbm>>
    %dma_start3A_89 = tpu.memref_squeeze %dma_start3A_88 : memref<1x2560xi32, #tpu.memory_space<hbm>> -> memref<2560xi32, #tpu.memory_space<hbm>>
    tpu.enqueue_dma source(%dma_start3A_89 : memref<2560xi32, #tpu.memory_space<hbm>>) target(%dma_start3A_87 : memref<2560xi32, #tpu.memory_space<vmem>>) target_semaphore(%arg16 : memref<!tpu.dma_semaphore, #tpu.memory_space<semaphore_mem>>)
    %dma_start3A_90 = arith.constant 0 : i32
    %dma_start3A_91 = tpu.memref_slice %arg3[%dma_start3A_90, %min3A_21] : memref<2x320000xi32, #tpu.memory_space<hbm>> -> memref<1x10240xi32, #tpu.memory_space<hbm>>
    %dma_start3A_92 = tpu.memref_squeeze %dma_start3A_91 : memref<1x10240xi32, #tpu.memory_space<hbm>> -> memref<10240xi32, #tpu.memory_space<hbm>>
    %dma_start3A_93 = tpu.memref_slice %arg3[%dma_start3A_90, %min3A_21] : memref<2x320000xi32, #tpu.memory_space<hbm>> -> memref<1x10240xi32, #tpu.memory_space<hbm>>
    %dma_start3A_94 = tpu.memref_squeeze %dma_start3A_93 : memref<1x10240xi32, #tpu.memory_space<hbm>> -> memref<10240xi32, #tpu.memory_space<hbm>>
    tpu.enqueue_dma source(%dma_start3A_94 : memref<10240xi32, #tpu.memory_space<hbm>>) target(%arg7 : memref<10240xi32, #tpu.memory_space<vmem>>) target_semaphore(%arg17 : memref<!tpu.dma_semaphore, #tpu.memory_space<semaphore_mem>>)
    %broadcast_in_dim3A = arith.constant 0.000000e+00 : f32
    %broadcast_in_dim3A_95 = vector.broadcast %broadcast_in_dim3A : f32 to vector<16xf32>
    %swap3A = arith.constant 0 : index
    %swap3A_96 = tpu.vector_load %arg10[%swap3A] {strides = array<i32>} : memref<128xf32, #tpu.memory_space<vmem>>, vector<16xf32>,
    tpu.vector_store %arg10[%swap3A], %broadcast_in_dim3A_95 {strides = array<i32>} : memref<128xf32, #tpu.memory_space<vmem>>, vector<16xf32>,
    %swap3A_97 = arith.constant 16 : index
    %swap3A_98 = tpu.vector_load %arg10[%swap3A_97] {strides = array<i32>} : memref<128xf32, #tpu.memory_space<vmem>>, vector<16xf32>,
    tpu.vector_store %arg10[%swap3A_97], %broadcast_in_dim3A_95 {strides = array<i32>} : memref<128xf32, #tpu.memory_space<vmem>>, vector<16xf32>,
    %swap3A_99 = arith.constant 32 : index
    %swap3A_100 = tpu.vector_load %arg10[%swap3A_99] {strides = array<i32>} : memref<128xf32, #tpu.memory_space<vmem>>, vector<16xf32>,
    tpu.vector_store %arg10[%swap3A_99], %broadcast_in_dim3A_95 {strides = array<i32>} : memref<128xf32, #tpu.memory_space<vmem>>, vector<16xf32>,
    %swap3A_101 = arith.constant 48 : index
    %swap3A_102 = tpu.vector_load %arg10[%swap3A_101] {strides = array<i32>} : memref<128xf32, #tpu.memory_space<vmem>>, vector<16xf32>,
    tpu.vector_store %arg10[%swap3A_101], %broadcast_in_dim3A_95 {strides = array<i32>} : memref<128xf32, #tpu.memory_space<vmem>>, vector<16xf32>,
    %swap3A_103 = arith.constant 64 : index
    %swap3A_104 = tpu.vector_load %arg10[%swap3A_103] {strides = array<i32>} : memref<128xf32, #tpu.memory_space<vmem>>, vector<16xf32>,
    tpu.vector_store %arg10[%swap3A_103], %broadcast_in_dim3A_95 {strides = array<i32>} : memref<128xf32, #tpu.memory_space<vmem>>, vector<16xf32>,
    %swap3A_105 = arith.constant 80 : index
    %swap3A_106 = tpu.vector_load %arg10[%swap3A_105] {strides = array<i32>} : memref<128xf32, #tpu.memory_space<vmem>>, vector<16xf32>,
    tpu.vector_store %arg10[%swap3A_105], %broadcast_in_dim3A_95 {strides = array<i32>} : memref<128xf32, #tpu.memory_space<vmem>>, vector<16xf32>,
    %swap3A_107 = arith.constant 96 : index
    %swap3A_108 = tpu.vector_load %arg10[%swap3A_107] {strides = array<i32>} : memref<128xf32, #tpu.memory_space<vmem>>, vector<16xf32>,
    tpu.vector_store %arg10[%swap3A_107], %broadcast_in_dim3A_95 {strides = array<i32>} : memref<128xf32, #tpu.memory_space<vmem>>, vector<16xf32>,
    %swap3A_109 = arith.constant 112 : index
    %swap3A_110 = tpu.vector_load %arg10[%swap3A_109] {strides = array<i32>} : memref<128xf32, #tpu.memory_space<vmem>>, vector<16xf32>,
    tpu.vector_store %arg10[%swap3A_109], %broadcast_in_dim3A_95 {strides = array<i32>} : memref<128xf32, #tpu.memory_space<vmem>>, vector<16xf32>,
    %broadcast_in_dim3A_111 = arith.constant 0 : i32
    %broadcast_in_dim3A_112 = vector.broadcast %broadcast_in_dim3A_111 : i32 to vector<16xi32>
    %swap3A_113 = arith.constant 0 : index
    %swap3A_114 = tpu.vector_load %arg11[%swap3A_113] {strides = array<i32>} : memref<16xi32, #tpu.memory_space<vmem>>, vector<16xi32>,
    tpu.vector_store %arg11[%swap3A_113], %broadcast_in_dim3A_112 {strides = array<i32>} : memref<16xi32, #tpu.memory_space<vmem>>, vector<16xi32>,
    %broadcast_in_dim3A_115 = arith.constant 1 : i32
    %broadcast_in_dim3A_116 = vector.broadcast %broadcast_in_dim3A_115 : i32 to vector<16xi32>
    %broadcast_in_dim3A_117 = arith.constant 0 : i32
    %broadcast_in_dim3A_118 = vector.broadcast %broadcast_in_dim3A_117 : i32 to vector<16xi32>
    %broadcast_in_dim3A_119 = arith.constant 134217728 : i32
    %broadcast_in_dim3A_120 = vector.broadcast %broadcast_in_dim3A_119 : i32 to vector<16xi32>
    %broadcast_in_dim3A_121 = arith.constant -1 : i32
    %broadcast_in_dim3A_122 = vector.broadcast %broadcast_in_dim3A_121 : i32 to vector<16xi32>
    %dma_wait3A = arith.constant 1 : i32
    %dma_wait3A_123 = arith.constant 0 : i32
    %dma_wait3A_124 = tpu.memref_slice %arg6[%dma_wait3A_123] : memref<10240xi32, #tpu.memory_space<vmem>> -> memref<2560xi32, #tpu.memory_space<vmem>>
    %dma_wait3A_125 = tpu.memref_slice %arg3[%dma_wait3A, %add3A_48] : memref<2x320000xi32, #tpu.memory_space<hbm>> -> memref<1x2560xi32, #tpu.memory_space<hbm>>
    %dma_wait3A_126 = tpu.memref_squeeze %dma_wait3A_125 : memref<1x2560xi32, #tpu.memory_space<hbm>> -> memref<2560xi32, #tpu.memory_space<hbm>>
    %dma_wait3A_127 = arith.constant 0 : i32
    %dma_wait3A_128 = tpu.memref_slice %arg6[%dma_wait3A_127] : memref<10240xi32, #tpu.memory_space<vmem>> -> memref<2560xi32, #tpu.memory_space<vmem>>
    %dma_wait3A_129 = tpu.memref_slice %arg3[%dma_wait3A, %add3A_48] : memref<2x320000xi32, #tpu.memory_space<hbm>> -> memref<1x2560xi32, #tpu.memory_space<hbm>>
    %dma_wait3A_130 = tpu.memref_squeeze %dma_wait3A_129 : memref<1x2560xi32, #tpu.memory_space<hbm>> -> memref<2560xi32, #tpu.memory_space<hbm>>
    tpu.wait_dma2 semaphore(%arg13 : memref<!tpu.dma_semaphore, #tpu.memory_space<semaphore_mem>>) src(%dma_wait3A_130 : memref<2560xi32, #tpu.memory_space<hbm>>) dst(%dma_wait3A_128 : memref<2560xi32, #tpu.memory_space<vmem>>)
    %while3A = arith.constant 0 : i32
    %while3A_131 = arith.constant 0 : i32
    %while3A_132 = arith.subi %select_n3A_46, %while3A_131 : i32
    %while3A_133 = arith.addi %while3A_131, %while3A_132 : i32
    %while3A_134 = arith.constant 1 : i32
    %while3A_135 = arith.divsi %while3A_132, %while3A_134 : i32
    %while3A_136 = arith.muli %while3A_135, %while3A_134 : i32
    %while3A_137 = arith.addi %while3A_131, %while3A_136 : i32
    %while3A_138 = arith.constant 1 : i32
    scf.for %while3A_242 = %while3A_131 to %while3A_137 step %while3A_138  : i32 {
      %mul3A_243 = arith.constant 16 : i32
      %mul3A_244 = arith.muli %while3A_242, %mul3A_243 : i32
      %swap3A_245 = arith.index_cast %mul3A_244 : i32 to index
      %swap3A_246 = tpu.vector_load %arg6[%swap3A_245] {strides = array<i32>} : memref<10240xi32, #tpu.memory_space<vmem>>, vector<16xi32>,
      tpu.vector_store %arg6[%swap3A_245], %broadcast_in_dim3A_116 {strides = array<i32>} : memref<10240xi32, #tpu.memory_space<vmem>>, vector<16xi32>,
    }
    %while3A_139 = arith.constant 1 : i32
    scf.for %while3A_242 = %while3A_137 to %while3A_133 step %while3A_139  : i32 {
      %mul3A_243 = arith.constant 16 : i32
      %mul3A_244 = arith.muli %while3A_242, %mul3A_243 : i32
      %swap3A_245 = arith.index_cast %mul3A_244 : i32 to index
      %swap3A_246 = tpu.vector_load %arg6[%swap3A_245] {strides = array<i32>} : memref<10240xi32, #tpu.memory_space<vmem>>, vector<16xi32>,
      tpu.vector_store %arg6[%swap3A_245], %broadcast_in_dim3A_116 {strides = array<i32>} : memref<10240xi32, #tpu.memory_space<vmem>>, vector<16xi32>,
    }
    %scan3A = arith.constant 0 : i32
    %scan3A_140 = arith.constant 10 : i32
    %scan3A_141 = arith.addi %scan3A, %scan3A_140 : i32
    %scan3A_142 = arith.constant 1 : i32
    %scan3A_143:3 = scf.for %scan3A_242 = %scan3A to %scan3A_141 step %scan3A_142 iter_args(%scan3A_243 = %broadcast_in_dim3A_118, %scan3A_244 = %broadcast_in_dim3A_120, %scan3A_245 = %broadcast_in_dim3A_122) -> (vector<16xi32>, vector<16xi32>, vector<16xi32>)  : i32 {
      %mul3A_246 = arith.constant 16 : i32
      %mul3A_247 = arith.muli %scan3A_242, %mul3A_246 : i32
      %mul3A_248 = arith.constant 16 : i32
      %mul3A_249 = arith.muli %mul3A_247, %mul3A_248 : i32
      %add3A_250 = arith.constant 0 : i32
      %add3A_251 = arith.addi %mul3A_249, %add3A_250 : i32
      %get3A_252 = arith.index_cast %add3A_251 : i32 to index
      %get3A_253 = tpu.vector_load %arg6[%get3A_252] {strides = array<i32>} : memref<10240xi32, #tpu.memory_space<vmem>>, vector<16xi32>,
      %add3A_254 = arith.constant 16 : i32
      %add3A_255 = arith.addi %mul3A_249, %add3A_254 : i32
      %get3A_256 = arith.index_cast %add3A_255 : i32 to index
      %get3A_257 = tpu.vector_load %arg6[%get3A_256] {strides = array<i32>} : memref<10240xi32, #tpu.memory_space<vmem>>, vector<16xi32>,
      %add3A_258 = arith.constant 32 : i32
      %add3A_259 = arith.addi %mul3A_249, %add3A_258 : i32
      %get3A_260 = arith.index_cast %add3A_259 : i32 to index
      %get3A_261 = tpu.vector_load %arg6[%get3A_260] {strides = array<i32>} : memref<10240xi32, #tpu.memory_space<vmem>>, vector<16xi32>,
      %add3A_262 = arith.constant 48 : i32
      %add3A_263 = arith.addi %mul3A_249, %add3A_262 : i32
      %get3A_264 = arith.index_cast %add3A_263 : i32 to index
      %get3A_265 = tpu.vector_load %arg6[%get3A_264] {strides = array<i32>} : memref<10240xi32, #tpu.memory_space<vmem>>, vector<16xi32>,
      %add3A_266 = arith.constant 64 : i32
      %add3A_267 = arith.addi %mul3A_249, %add3A_266 : i32
      %get3A_268 = arith.index_cast %add3A_267 : i32 to index
      %get3A_269 = tpu.vector_load %arg6[%get3A_268] {strides = array<i32>} : memref<10240xi32, #tpu.memory_space<vmem>>, vector<16xi32>,
      %add3A_270 = arith.constant 80 : i32
      %add3A_271 = arith.addi %mul3A_249, %add3A_270 : i32
      %get3A_272 = arith.index_cast %add3A_271 : i32 to index
      %get3A_273 = tpu.vector_load %arg6[%get3A_272] {strides = array<i32>} : memref<10240xi32, #tpu.memory_space<vmem>>, vector<16xi32>,
      %add3A_274 = arith.constant 96 : i32
      %add3A_275 = arith.addi %mul3A_249, %add3A_274 : i32
      %get3A_276 = arith.index_cast %add3A_275 : i32 to index
      %get3A_277 = tpu.vector_load %arg6[%get3A_276] {strides = array<i32>} : memref<10240xi32, #tpu.memory_space<vmem>>, vector<16xi32>,
      %add3A_278 = arith.constant 112 : i32
      %add3A_279 = arith.addi %mul3A_249, %add3A_278 : i32
      %get3A_280 = arith.index_cast %add3A_279 : i32 to index
      %get3A_281 = tpu.vector_load %arg6[%get3A_280] {strides = array<i32>} : memref<10240xi32, #tpu.memory_space<vmem>>, vector<16xi32>,
      %add3A_282 = arith.constant 128 : i32
      %add3A_283 = arith.addi %mul3A_249, %add3A_282 : i32
      %get3A_284 = arith.index_cast %add3A_283 : i32 to index
      %get3A_285 = tpu.vector_load %arg6[%get3A_284] {strides = array<i32>} : memref<10240xi32, #tpu.memory_space<vmem>>, vector<16xi32>,
      %add3A_286 = arith.constant 144 : i32
      %add3A_287 = arith.addi %mul3A_249, %add3A_286 : i32
      %get3A_288 = arith.index_cast %add3A_287 : i32 to index
      %get3A_289 = tpu.vector_load %arg6[%get3A_288] {strides = array<i32>} : memref<10240xi32, #tpu.memory_space<vmem>>, vector<16xi32>,
      %add3A_290 = arith.constant 160 : i32
      %add3A_291 = arith.addi %mul3A_249, %add3A_290 : i32
      %get3A_292 = arith.index_cast %add3A_291 : i32 to index
      %get3A_293 = tpu.vector_load %arg6[%get3A_292] {strides = array<i32>} : memref<10240xi32, #tpu.memory_space<vmem>>, vector<16xi32>,
      %add3A_294 = arith.constant 176 : i32
      %add3A_295 = arith.addi %mul3A_249, %add3A_294 : i32
      %get3A_296 = arith.index_cast %add3A_295 : i32 to index
      %get3A_297 = tpu.vector_load %arg6[%get3A_296] {strides = array<i32>} : memref<10240xi32, #tpu.memory_space<vmem>>, vector<16xi32>,
      %add3A_298 = arith.constant 192 : i32
      %add3A_299 = arith.addi %mul3A_249, %add3A_298 : i32
      %get3A_300 = arith.index_cast %add3A_299 : i32 to index
      %get3A_301 = tpu.vector_load %arg6[%get3A_300] {strides = array<i32>} : memref<10240xi32, #tpu.memory_space<vmem>>, vector<16xi32>,
      %add3A_302 = arith.constant 208 : i32
      %add3A_303 = arith.addi %mul3A_249, %add3A_302 : i32
      %get3A_304 = arith.index_cast %add3A_303 : i32 to index
      %get3A_305 = tpu.vector_load %arg6[%get3A_304] {strides = array<i32>} : memref<10240xi32, #tpu.memory_space<vmem>>, vector<16xi32>,
      %add3A_306 = arith.constant 224 : i32
      %add3A_307 = arith.addi %mul3A_249, %add3A_306 : i32
      %get3A_308 = arith.index_cast %add3A_307 : i32 to index
      %get3A_309 = tpu.vector_load %arg6[%get3A_308] {strides = array<i32>} : memref<10240xi32, #tpu.memory_space<vmem>>, vector<16xi32>,
      %add3A_310 = arith.constant 240 : i32
      %add3A_311 = arith.addi %mul3A_249, %add3A_310 : i32
      %get3A_312 = arith.index_cast %add3A_311 : i32 to index
      %get3A_313 = tpu.vector_load %arg6[%get3A_312] {strides = array<i32>} : memref<10240xi32, #tpu.memory_space<vmem>>, vector<16xi32>,
      %min3A_314 = arith.minsi %get3A_253, %get3A_257 : vector<16xi32>
      %min3A_315 = arith.minsi %get3A_261, %get3A_265 : vector<16xi32>
      %min3A_316 = arith.minsi %get3A_269, %get3A_273 : vector<16xi32>
      %min3A_317 = arith.minsi %get3A_277, %get3A_281 : vector<16xi32>
      %min3A_318 = arith.minsi %get3A_285, %get3A_289 : vector<16xi32>
      %min3A_319 = arith.minsi %get3A_293, %get3A_297 : vector<16xi32>
      %min3A_320 = arith.minsi %get3A_301, %get3A_305 : vector<16xi32>
      %min3A_321 = arith.minsi %get3A_309, %get3A_313 : vector<16xi32>
      %min3A_322 = arith.minsi %min3A_314, %min3A_315 : vector<16xi32>
      %min3A_323 = arith.minsi %min3A_316, %min3A_317 : vector<16xi32>
      %min3A_324 = arith.minsi %min3A_318, %min3A_319 : vector<16xi32>
      %min3A_325 = arith.minsi %min3A_320, %min3A_321 : vector<16xi32>
      %min3A_326 = arith.minsi %min3A_322, %min3A_323 : vector<16xi32>
      %min3A_327 = arith.minsi %min3A_324, %min3A_325 : vector<16xi32>
      %min3A_328 = arith.minsi %min3A_326, %min3A_327 : vector<16xi32>
      %eq3A = arith.constant 0 : i32
      %eq3A_329 = vector.broadcast %eq3A : i32 to vector<16xi32>
      %eq3A_330 = arith.cmpi eq, %min3A_328, %eq3A_329 : vector<16xi32>
      %jit3A_331 = arith.constant 1 : i32
      %jit3A_332 = arith.constant 0 : i32
      %broadcast_in_dim3A_333 = vector.broadcast %jit3A_331 : i32 to vector<16xi32>
      %broadcast_in_dim3A_334 = vector.broadcast %jit3A_332 : i32 to vector<16xi32>
      %select_n3A_335 = arith.select %eq3A_330, %broadcast_in_dim3A_333, %broadcast_in_dim3A_334 : vector<16xi1>, vector<16xi32>
      %add3A_336 = arith.addi %scan3A_243, %select_n3A_335 : vector<16xi32>
      %jit3A_337 = arith.constant 134217728 : i32
      %broadcast_in_dim3A_338 = vector.broadcast %scan3A_242 : i32 to vector<16xi32>
      %broadcast_in_dim3A_339 = vector.broadcast %jit3A_337 : i32 to vector<16xi32>
      %select_n3A_340 = arith.select %eq3A_330, %broadcast_in_dim3A_338, %broadcast_in_dim3A_339 : vector<16xi1>, vector<16xi32>
      %min3A_341 = arith.minsi %scan3A_244, %select_n3A_340 : vector<16xi32>
      %jit3A_342 = arith.constant -1 : i32
      %broadcast_in_dim3A_343 = vector.broadcast %scan3A_242 : i32 to vector<16xi32>
      %broadcast_in_dim3A_344 = vector.broadcast %jit3A_342 : i32 to vector<16xi32>
      %select_n3A_345 = arith.select %eq3A_330, %broadcast_in_dim3A_343, %broadcast_in_dim3A_344 : vector<16xi1>, vector<16xi32>
      %max3A = arith.maxsi %scan3A_245, %select_n3A_345 : vector<16xi32>
      scf.yield %add3A_336, %min3A_341, %max3A : vector<16xi32>, vector<16xi32>, vector<16xi32>
    }
    %scan3A_144 = arith.constant 10 : i32
    %dma_wait3A_145 = arith.constant 1 : i32
    %dma_wait3A_146 = arith.constant 2560 : i32
    %dma_wait3A_147 = tpu.memref_slice %arg6[%dma_wait3A_146] : memref<10240xi32, #tpu.memory_space<vmem>> -> memref<2560xi32, #tpu.memory_space<vmem>>
    %dma_wait3A_148 = tpu.memref_slice %arg3[%dma_wait3A_145, %add3A_58] : memref<2x320000xi32, #tpu.memory_space<hbm>> -> memref<1x2560xi32, #tpu.memory_space<hbm>>
    %dma_wait3A_149 = tpu.memref_squeeze %dma_wait3A_148 : memref<1x2560xi32, #tpu.memory_space<hbm>> -> memref<2560xi32, #tpu.memory_space<hbm>>
    %dma_wait3A_150 = arith.constant 2560 : i32
    %dma_wait3A_151 = tpu.memref_slice %arg6[%dma_wait3A_150] : memref<10240xi32, #tpu.memory_space<vmem>> -> memref<2560xi32, #tpu.memory_space<vmem>>
    %dma_wait3A_152 = tpu.memref_slice %arg3[%dma_wait3A_145, %add3A_58] : memref<2x320000xi32, #tpu.memory_space<hbm>> -> memref<1x2560xi32, #tpu.memory_space<hbm>>
    %dma_wait3A_153 = tpu.memref_squeeze %dma_wait3A_152 : memref<1x2560xi32, #tpu.memory_space<hbm>> -> memref<2560xi32, #tpu.memory_space<hbm>>
    tpu.wait_dma2 semaphore(%arg14 : memref<!tpu.dma_semaphore, #tpu.memory_space<semaphore_mem>>) src(%dma_wait3A_153 : memref<2560xi32, #tpu.memory_space<hbm>>) dst(%dma_wait3A_151 : memref<2560xi32, #tpu.memory_space<vmem>>)
    %scan3A_154 = arith.constant 10 : i32
    %scan3A_155 = arith.constant 10 : i32
    %scan3A_156 = arith.addi %scan3A_154, %scan3A_155 : i32
    %scan3A_157 = arith.constant 1 : i32
    %scan3A_158:3 = scf.for %scan3A_242 = %scan3A_154 to %scan3A_156 step %scan3A_157 iter_args(%scan3A_243 = %scan3A_143#0, %scan3A_244 = %scan3A_143#1, %scan3A_245 = %scan3A_143#2) -> (vector<16xi32>, vector<16xi32>, vector<16xi32>)  : i32 {
      %mul3A_246 = arith.constant 16 : i32
      %mul3A_247 = arith.muli %scan3A_242, %mul3A_246 : i32
      %mul3A_248 = arith.constant 16 : i32
      %mul3A_249 = arith.muli %mul3A_247, %mul3A_248 : i32
      %add3A_250 = arith.constant 0 : i32
      %add3A_251 = arith.addi %mul3A_249, %add3A_250 : i32
      %get3A_252 = arith.index_cast %add3A_251 : i32 to index
      %get3A_253 = tpu.vector_load %arg6[%get3A_252] {strides = array<i32>} : memref<10240xi32, #tpu.memory_space<vmem>>, vector<16xi32>,
      %add3A_254 = arith.constant 16 : i32
      %add3A_255 = arith.addi %mul3A_249, %add3A_254 : i32
      %get3A_256 = arith.index_cast %add3A_255 : i32 to index
      %get3A_257 = tpu.vector_load %arg6[%get3A_256] {strides = array<i32>} : memref<10240xi32, #tpu.memory_space<vmem>>, vector<16xi32>,
      %add3A_258 = arith.constant 32 : i32
      %add3A_259 = arith.addi %mul3A_249, %add3A_258 : i32
      %get3A_260 = arith.index_cast %add3A_259 : i32 to index
      %get3A_261 = tpu.vector_load %arg6[%get3A_260] {strides = array<i32>} : memref<10240xi32, #tpu.memory_space<vmem>>, vector<16xi32>,
      %add3A_262 = arith.constant 48 : i32
      %add3A_263 = arith.addi %mul3A_249, %add3A_262 : i32
      %get3A_264 = arith.index_cast %add3A_263 : i32 to index
      %get3A_265 = tpu.vector_load %arg6[%get3A_264] {strides = array<i32>} : memref<10240xi32, #tpu.memory_space<vmem>>, vector<16xi32>,
      %add3A_266 = arith.constant 64 : i32
      %add3A_267 = arith.addi %mul3A_249, %add3A_266 : i32
      %get3A_268 = arith.index_cast %add3A_267 : i32 to index
      %get3A_269 = tpu.vector_load %arg6[%get3A_268] {strides = array<i32>} : memref<10240xi32, #tpu.memory_space<vmem>>, vector<16xi32>,
      %add3A_270 = arith.constant 80 : i32
      %add3A_271 = arith.addi %mul3A_249, %add3A_270 : i32
      %get3A_272 = arith.index_cast %add3A_271 : i32 to index
      %get3A_273 = tpu.vector_load %arg6[%get3A_272] {strides = array<i32>} : memref<10240xi32, #tpu.memory_space<vmem>>, vector<16xi32>,
      %add3A_274 = arith.constant 96 : i32
      %add3A_275 = arith.addi %mul3A_249, %add3A_274 : i32
      %get3A_276 = arith.index_cast %add3A_275 : i32 to index
      %get3A_277 = tpu.vector_load %arg6[%get3A_276] {strides = array<i32>} : memref<10240xi32, #tpu.memory_space<vmem>>, vector<16xi32>,
      %add3A_278 = arith.constant 112 : i32
      %add3A_279 = arith.addi %mul3A_249, %add3A_278 : i32
      %get3A_280 = arith.index_cast %add3A_279 : i32 to index
      %get3A_281 = tpu.vector_load %arg6[%get3A_280] {strides = array<i32>} : memref<10240xi32, #tpu.memory_space<vmem>>, vector<16xi32>,
      %add3A_282 = arith.constant 128 : i32
      %add3A_283 = arith.addi %mul3A_249, %add3A_282 : i32
      %get3A_284 = arith.index_cast %add3A_283 : i32 to index
      %get3A_285 = tpu.vector_load %arg6[%get3A_284] {strides = array<i32>} : memref<10240xi32, #tpu.memory_space<vmem>>, vector<16xi32>,
      %add3A_286 = arith.constant 144 : i32
      %add3A_287 = arith.addi %mul3A_249, %add3A_286 : i32
      %get3A_288 = arith.index_cast %add3A_287 : i32 to index
      %get3A_289 = tpu.vector_load %arg6[%get3A_288] {strides = array<i32>} : memref<10240xi32, #tpu.memory_space<vmem>>, vector<16xi32>,
      %add3A_290 = arith.constant 160 : i32
      %add3A_291 = arith.addi %mul3A_249, %add3A_290 : i32
      %get3A_292 = arith.index_cast %add3A_291 : i32 to index
      %get3A_293 = tpu.vector_load %arg6[%get3A_292] {strides = array<i32>} : memref<10240xi32, #tpu.memory_space<vmem>>, vector<16xi32>,
      %add3A_294 = arith.constant 176 : i32
      %add3A_295 = arith.addi %mul3A_249, %add3A_294 : i32
      %get3A_296 = arith.index_cast %add3A_295 : i32 to index
      %get3A_297 = tpu.vector_load %arg6[%get3A_296] {strides = array<i32>} : memref<10240xi32, #tpu.memory_space<vmem>>, vector<16xi32>,
      %add3A_298 = arith.constant 192 : i32
      %add3A_299 = arith.addi %mul3A_249, %add3A_298 : i32
      %get3A_300 = arith.index_cast %add3A_299 : i32 to index
      %get3A_301 = tpu.vector_load %arg6[%get3A_300] {strides = array<i32>} : memref<10240xi32, #tpu.memory_space<vmem>>, vector<16xi32>,
      %add3A_302 = arith.constant 208 : i32
      %add3A_303 = arith.addi %mul3A_249, %add3A_302 : i32
      %get3A_304 = arith.index_cast %add3A_303 : i32 to index
      %get3A_305 = tpu.vector_load %arg6[%get3A_304] {strides = array<i32>} : memref<10240xi32, #tpu.memory_space<vmem>>, vector<16xi32>,
      %add3A_306 = arith.constant 224 : i32
      %add3A_307 = arith.addi %mul3A_249, %add3A_306 : i32
      %get3A_308 = arith.index_cast %add3A_307 : i32 to index
      %get3A_309 = tpu.vector_load %arg6[%get3A_308] {strides = array<i32>} : memref<10240xi32, #tpu.memory_space<vmem>>, vector<16xi32>,
      %add3A_310 = arith.constant 240 : i32
      %add3A_311 = arith.addi %mul3A_249, %add3A_310 : i32
      %get3A_312 = arith.index_cast %add3A_311 : i32 to index
      %get3A_313 = tpu.vector_load %arg6[%get3A_312] {strides = array<i32>} : memref<10240xi32, #tpu.memory_space<vmem>>, vector<16xi32>,
      %min3A_314 = arith.minsi %get3A_253, %get3A_257 : vector<16xi32>
      %min3A_315 = arith.minsi %get3A_261, %get3A_265 : vector<16xi32>
      %min3A_316 = arith.minsi %get3A_269, %get3A_273 : vector<16xi32>
      %min3A_317 = arith.minsi %get3A_277, %get3A_281 : vector<16xi32>
      %min3A_318 = arith.minsi %get3A_285, %get3A_289 : vector<16xi32>
      %min3A_319 = arith.minsi %get3A_293, %get3A_297 : vector<16xi32>
      %min3A_320 = arith.minsi %get3A_301, %get3A_305 : vector<16xi32>
      %min3A_321 = arith.minsi %get3A_309, %get3A_313 : vector<16xi32>
      %min3A_322 = arith.minsi %min3A_314, %min3A_315 : vector<16xi32>
      %min3A_323 = arith.minsi %min3A_316, %min3A_317 : vector<16xi32>
      %min3A_324 = arith.minsi %min3A_318, %min3A_319 : vector<16xi32>
      %min3A_325 = arith.minsi %min3A_320, %min3A_321 : vector<16xi32>
      %min3A_326 = arith.minsi %min3A_322, %min3A_323 : vector<16xi32>
      %min3A_327 = arith.minsi %min3A_324, %min3A_325 : vector<16xi32>
      %min3A_328 = arith.minsi %min3A_326, %min3A_327 : vector<16xi32>
      %eq3A = arith.constant 0 : i32
      %eq3A_329 = vector.broadcast %eq3A : i32 to vector<16xi32>
      %eq3A_330 = arith.cmpi eq, %min3A_328, %eq3A_329 : vector<16xi32>
      %jit3A_331 = arith.constant 1 : i32
      %jit3A_332 = arith.constant 0 : i32
      %broadcast_in_dim3A_333 = vector.broadcast %jit3A_331 : i32 to vector<16xi32>
      %broadcast_in_dim3A_334 = vector.broadcast %jit3A_332 : i32 to vector<16xi32>
      %select_n3A_335 = arith.select %eq3A_330, %broadcast_in_dim3A_333, %broadcast_in_dim3A_334 : vector<16xi1>, vector<16xi32>
      %add3A_336 = arith.addi %scan3A_243, %select_n3A_335 : vector<16xi32>
      %jit3A_337 = arith.constant 134217728 : i32
      %broadcast_in_dim3A_338 = vector.broadcast %scan3A_242 : i32 to vector<16xi32>
      %broadcast_in_dim3A_339 = vector.broadcast %jit3A_337 : i32 to vector<16xi32>
      %select_n3A_340 = arith.select %eq3A_330, %broadcast_in_dim3A_338, %broadcast_in_dim3A_339 : vector<16xi1>, vector<16xi32>
      %min3A_341 = arith.minsi %scan3A_244, %select_n3A_340 : vector<16xi32>
      %jit3A_342 = arith.constant -1 : i32
      %broadcast_in_dim3A_343 = vector.broadcast %scan3A_242 : i32 to vector<16xi32>
      %broadcast_in_dim3A_344 = vector.broadcast %jit3A_342 : i32 to vector<16xi32>
      %select_n3A_345 = arith.select %eq3A_330, %broadcast_in_dim3A_343, %broadcast_in_dim3A_344 : vector<16xi1>, vector<16xi32>
      %max3A = arith.maxsi %scan3A_245, %select_n3A_345 : vector<16xi32>
      scf.yield %add3A_336, %min3A_341, %max3A : vector<16xi32>, vector<16xi32>, vector<16xi32>
    }
    %scan3A_159 = arith.constant 10 : i32
    %dma_wait3A_160 = arith.constant 1 : i32
    %dma_wait3A_161 = arith.constant 5120 : i32
    %dma_wait3A_162 = tpu.memref_slice %arg6[%dma_wait3A_161] : memref<10240xi32, #tpu.memory_space<vmem>> -> memref<2560xi32, #tpu.memory_space<vmem>>
    %dma_wait3A_163 = tpu.memref_slice %arg3[%dma_wait3A_160, %add3A_69] : memref<2x320000xi32, #tpu.memory_space<hbm>> -> memref<1x2560xi32, #tpu.memory_space<hbm>>
    %dma_wait3A_164 = tpu.memref_squeeze %dma_wait3A_163 : memref<1x2560xi32, #tpu.memory_space<hbm>> -> memref<2560xi32, #tpu.memory_space<hbm>>
    %dma_wait3A_165 = arith.constant 5120 : i32
    %dma_wait3A_166 = tpu.memref_slice %arg6[%dma_wait3A_165] : memref<10240xi32, #tpu.memory_space<vmem>> -> memref<2560xi32, #tpu.memory_space<vmem>>
    %dma_wait3A_167 = tpu.memref_slice %arg3[%dma_wait3A_160, %add3A_69] : memref<2x320000xi32, #tpu.memory_space<hbm>> -> memref<1x2560xi32, #tpu.memory_space<hbm>>
    %dma_wait3A_168 = tpu.memref_squeeze %dma_wait3A_167 : memref<1x2560xi32, #tpu.memory_space<hbm>> -> memref<2560xi32, #tpu.memory_space<hbm>>
    tpu.wait_dma2 semaphore(%arg15 : memref<!tpu.dma_semaphore, #tpu.memory_space<semaphore_mem>>) src(%dma_wait3A_168 : memref<2560xi32, #tpu.memory_space<hbm>>) dst(%dma_wait3A_166 : memref<2560xi32, #tpu.memory_space<vmem>>)
    %scan3A_169 = arith.constant 20 : i32
    %scan3A_170 = arith.constant 10 : i32
    %scan3A_171 = arith.addi %scan3A_169, %scan3A_170 : i32
    %scan3A_172 = arith.constant 1 : i32
    %scan3A_173:3 = scf.for %scan3A_242 = %scan3A_169 to %scan3A_171 step %scan3A_172 iter_args(%scan3A_243 = %scan3A_158#0, %scan3A_244 = %scan3A_158#1, %scan3A_245 = %scan3A_158#2) -> (vector<16xi32>, vector<16xi32>, vector<16xi32>)  : i32 {
      %mul3A_246 = arith.constant 16 : i32
      %mul3A_247 = arith.muli %scan3A_242, %mul3A_246 : i32
      %mul3A_248 = arith.constant 16 : i32
      %mul3A_249 = arith.muli %mul3A_247, %mul3A_248 : i32
      %add3A_250 = arith.constant 0 : i32
      %add3A_251 = arith.addi %mul3A_249, %add3A_250 : i32
      %get3A_252 = arith.index_cast %add3A_251 : i32 to index
      %get3A_253 = tpu.vector_load %arg6[%get3A_252] {strides = array<i32>} : memref<10240xi32, #tpu.memory_space<vmem>>, vector<16xi32>,
      %add3A_254 = arith.constant 16 : i32
      %add3A_255 = arith.addi %mul3A_249, %add3A_254 : i32
      %get3A_256 = arith.index_cast %add3A_255 : i32 to index
      %get3A_257 = tpu.vector_load %arg6[%get3A_256] {strides = array<i32>} : memref<10240xi32, #tpu.memory_space<vmem>>, vector<16xi32>,
      %add3A_258 = arith.constant 32 : i32
      %add3A_259 = arith.addi %mul3A_249, %add3A_258 : i32
      %get3A_260 = arith.index_cast %add3A_259 : i32 to index
      %get3A_261 = tpu.vector_load %arg6[%get3A_260] {strides = array<i32>} : memref<10240xi32, #tpu.memory_space<vmem>>, vector<16xi32>,
      %add3A_262 = arith.constant 48 : i32
      %add3A_263 = arith.addi %mul3A_249, %add3A_262 : i32
      %get3A_264 = arith.index_cast %add3A_263 : i32 to index
      %get3A_265 = tpu.vector_load %arg6[%get3A_264] {strides = array<i32>} : memref<10240xi32, #tpu.memory_space<vmem>>, vector<16xi32>,
      %add3A_266 = arith.constant 64 : i32
      %add3A_267 = arith.addi %mul3A_249, %add3A_266 : i32
      %get3A_268 = arith.index_cast %add3A_267 : i32 to index
      %get3A_269 = tpu.vector_load %arg6[%get3A_268] {strides = array<i32>} : memref<10240xi32, #tpu.memory_space<vmem>>, vector<16xi32>,
      %add3A_270 = arith.constant 80 : i32
      %add3A_271 = arith.addi %mul3A_249, %add3A_270 : i32
      %get3A_272 = arith.index_cast %add3A_271 : i32 to index
      %get3A_273 = tpu.vector_load %arg6[%get3A_272] {strides = array<i32>} : memref<10240xi32, #tpu.memory_space<vmem>>, vector<16xi32>,
      %add3A_274 = arith.constant 96 : i32
      %add3A_275 = arith.addi %mul3A_249, %add3A_274 : i32
      %get3A_276 = arith.index_cast %add3A_275 : i32 to index
      %get3A_277 = tpu.vector_load %arg6[%get3A_276] {strides = array<i32>} : memref<10240xi32, #tpu.memory_space<vmem>>, vector<16xi32>,
      %add3A_278 = arith.constant 112 : i32
      %add3A_279 = arith.addi %mul3A_249, %add3A_278 : i32
      %get3A_280 = arith.index_cast %add3A_279 : i32 to index
      %get3A_281 = tpu.vector_load %arg6[%get3A_280] {strides = array<i32>} : memref<10240xi32, #tpu.memory_space<vmem>>, vector<16xi32>,
      %add3A_282 = arith.constant 128 : i32
      %add3A_283 = arith.addi %mul3A_249, %add3A_282 : i32
      %get3A_284 = arith.index_cast %add3A_283 : i32 to index
      %get3A_285 = tpu.vector_load %arg6[%get3A_284] {strides = array<i32>} : memref<10240xi32, #tpu.memory_space<vmem>>, vector<16xi32>,
      %add3A_286 = arith.constant 144 : i32
      %add3A_287 = arith.addi %mul3A_249, %add3A_286 : i32
      %get3A_288 = arith.index_cast %add3A_287 : i32 to index
      %get3A_289 = tpu.vector_load %arg6[%get3A_288] {strides = array<i32>} : memref<10240xi32, #tpu.memory_space<vmem>>, vector<16xi32>,
      %add3A_290 = arith.constant 160 : i32
      %add3A_291 = arith.addi %mul3A_249, %add3A_290 : i32
      %get3A_292 = arith.index_cast %add3A_291 : i32 to index
      %get3A_293 = tpu.vector_load %arg6[%get3A_292] {strides = array<i32>} : memref<10240xi32, #tpu.memory_space<vmem>>, vector<16xi32>,
      %add3A_294 = arith.constant 176 : i32
      %add3A_295 = arith.addi %mul3A_249, %add3A_294 : i32
      %get3A_296 = arith.index_cast %add3A_295 : i32 to index
      %get3A_297 = tpu.vector_load %arg6[%get3A_296] {strides = array<i32>} : memref<10240xi32, #tpu.memory_space<vmem>>, vector<16xi32>,
      %add3A_298 = arith.constant 192 : i32
      %add3A_299 = arith.addi %mul3A_249, %add3A_298 : i32
      %get3A_300 = arith.index_cast %add3A_299 : i32 to index
      %get3A_301 = tpu.vector_load %arg6[%get3A_300] {strides = array<i32>} : memref<10240xi32, #tpu.memory_space<vmem>>, vector<16xi32>,
      %add3A_302 = arith.constant 208 : i32
      %add3A_303 = arith.addi %mul3A_249, %add3A_302 : i32
      %get3A_304 = arith.index_cast %add3A_303 : i32 to index
      %get3A_305 = tpu.vector_load %arg6[%get3A_304] {strides = array<i32>} : memref<10240xi32, #tpu.memory_space<vmem>>, vector<16xi32>,
      %add3A_306 = arith.constant 224 : i32
      %add3A_307 = arith.addi %mul3A_249, %add3A_306 : i32
      %get3A_308 = arith.index_cast %add3A_307 : i32 to index
      %get3A_309 = tpu.vector_load %arg6[%get3A_308] {strides = array<i32>} : memref<10240xi32, #tpu.memory_space<vmem>>, vector<16xi32>,
      %add3A_310 = arith.constant 240 : i32
      %add3A_311 = arith.addi %mul3A_249, %add3A_310 : i32
      %get3A_312 = arith.index_cast %add3A_311 : i32 to index
      %get3A_313 = tpu.vector_load %arg6[%get3A_312] {strides = array<i32>} : memref<10240xi32, #tpu.memory_space<vmem>>, vector<16xi32>,
      %min3A_314 = arith.minsi %get3A_253, %get3A_257 : vector<16xi32>
      %min3A_315 = arith.minsi %get3A_261, %get3A_265 : vector<16xi32>
      %min3A_316 = arith.minsi %get3A_269, %get3A_273 : vector<16xi32>
      %min3A_317 = arith.minsi %get3A_277, %get3A_281 : vector<16xi32>
      %min3A_318 = arith.minsi %get3A_285, %get3A_289 : vector<16xi32>
      %min3A_319 = arith.minsi %get3A_293, %get3A_297 : vector<16xi32>
      %min3A_320 = arith.minsi %get3A_301, %get3A_305 : vector<16xi32>
      %min3A_321 = arith.minsi %get3A_309, %get3A_313 : vector<16xi32>
      %min3A_322 = arith.minsi %min3A_314, %min3A_315 : vector<16xi32>
      %min3A_323 = arith.minsi %min3A_316, %min3A_317 : vector<16xi32>
      %min3A_324 = arith.minsi %min3A_318, %min3A_319 : vector<16xi32>
      %min3A_325 = arith.minsi %min3A_320, %min3A_321 : vector<16xi32>
      %min3A_326 = arith.minsi %min3A_322, %min3A_323 : vector<16xi32>
      %min3A_327 = arith.minsi %min3A_324, %min3A_325 : vector<16xi32>
      %min3A_328 = arith.minsi %min3A_326, %min3A_327 : vector<16xi32>
      %eq3A = arith.constant 0 : i32
      %eq3A_329 = vector.broadcast %eq3A : i32 to vector<16xi32>
      %eq3A_330 = arith.cmpi eq, %min3A_328, %eq3A_329 : vector<16xi32>
      %jit3A_331 = arith.constant 1 : i32
      %jit3A_332 = arith.constant 0 : i32
      %broadcast_in_dim3A_333 = vector.broadcast %jit3A_331 : i32 to vector<16xi32>
      %broadcast_in_dim3A_334 = vector.broadcast %jit3A_332 : i32 to vector<16xi32>
      %select_n3A_335 = arith.select %eq3A_330, %broadcast_in_dim3A_333, %broadcast_in_dim3A_334 : vector<16xi1>, vector<16xi32>
      %add3A_336 = arith.addi %scan3A_243, %select_n3A_335 : vector<16xi32>
      %jit3A_337 = arith.constant 134217728 : i32
      %broadcast_in_dim3A_338 = vector.broadcast %scan3A_242 : i32 to vector<16xi32>
      %broadcast_in_dim3A_339 = vector.broadcast %jit3A_337 : i32 to vector<16xi32>
      %select_n3A_340 = arith.select %eq3A_330, %broadcast_in_dim3A_338, %broadcast_in_dim3A_339 : vector<16xi1>, vector<16xi32>
      %min3A_341 = arith.minsi %scan3A_244, %select_n3A_340 : vector<16xi32>
      %jit3A_342 = arith.constant -1 : i32
      %broadcast_in_dim3A_343 = vector.broadcast %scan3A_242 : i32 to vector<16xi32>
      %broadcast_in_dim3A_344 = vector.broadcast %jit3A_342 : i32 to vector<16xi32>
      %select_n3A_345 = arith.select %eq3A_330, %broadcast_in_dim3A_343, %broadcast_in_dim3A_344 : vector<16xi1>, vector<16xi32>
      %max3A = arith.maxsi %scan3A_245, %select_n3A_345 : vector<16xi32>
      scf.yield %add3A_336, %min3A_341, %max3A : vector<16xi32>, vector<16xi32>, vector<16xi32>
    }
    %scan3A_174 = arith.constant 10 : i32
    %dma_wait3A_175 = arith.constant 1 : i32
    %dma_wait3A_176 = arith.constant 7680 : i32
    %dma_wait3A_177 = tpu.memref_slice %arg6[%dma_wait3A_176] : memref<10240xi32, #tpu.memory_space<vmem>> -> memref<2560xi32, #tpu.memory_space<vmem>>
    %dma_wait3A_178 = tpu.memref_slice %arg3[%dma_wait3A_175, %add3A_80] : memref<2x320000xi32, #tpu.memory_space<hbm>> -> memref<1x2560xi32, #tpu.memory_space<hbm>>
    %dma_wait3A_179 = tpu.memref_squeeze %dma_wait3A_178 : memref<1x2560xi32, #tpu.memory_space<hbm>> -> memref<2560xi32, #tpu.memory_space<hbm>>
    %dma_wait3A_180 = arith.constant 7680 : i32
    %dma_wait3A_181 = tpu.memref_slice %arg6[%dma_wait3A_180] : memref<10240xi32, #tpu.memory_space<vmem>> -> memref<2560xi32, #tpu.memory_space<vmem>>
    %dma_wait3A_182 = tpu.memref_slice %arg3[%dma_wait3A_175, %add3A_80] : memref<2x320000xi32, #tpu.memory_space<hbm>> -> memref<1x2560xi32, #tpu.memory_space<hbm>>
    %dma_wait3A_183 = tpu.memref_squeeze %dma_wait3A_182 : memref<1x2560xi32, #tpu.memory_space<hbm>> -> memref<2560xi32, #tpu.memory_space<hbm>>
    tpu.wait_dma2 semaphore(%arg16 : memref<!tpu.dma_semaphore, #tpu.memory_space<semaphore_mem>>) src(%dma_wait3A_183 : memref<2560xi32, #tpu.memory_space<hbm>>) dst(%dma_wait3A_181 : memref<2560xi32, #tpu.memory_space<vmem>>)
    %add3A_184 = arith.constant 625 : i32
    %add3A_185 = arith.addi %select_n3A_46, %add3A_184 : i32
    %while3A_186 = arith.constant 0 : i32
    %while3A_187 = arith.constant 640 : i32
    %while3A_188 = arith.subi %while3A_187, %add3A_185 : i32
    %while3A_189 = arith.addi %add3A_185, %while3A_188 : i32
    %while3A_190 = arith.constant 1 : i32
    %while3A_191 = arith.divsi %while3A_188, %while3A_190 : i32
    %while3A_192 = arith.muli %while3A_191, %while3A_190 : i32
    %while3A_193 = arith.addi %add3A_185, %while3A_192 : i32
    %while3A_194 = arith.constant 1 : i32
    scf.for %while3A_242 = %add3A_185 to %while3A_193 step %while3A_194  : i32 {
      %mul3A_243 = arith.constant 16 : i32
      %mul3A_244 = arith.muli %while3A_242, %mul3A_243 : i32
      %swap3A_245 = arith.index_cast %mul3A_244 : i32 to index
      %swap3A_246 = tpu.vector_load %arg6[%swap3A_245] {strides = array<i32>} : memref<10240xi32, #tpu.memory_space<vmem>>, vector<16xi32>,
      tpu.vector_store %arg6[%swap3A_245], %broadcast_in_dim3A_116 {strides = array<i32>} : memref<10240xi32, #tpu.memory_space<vmem>>, vector<16xi32>,
    }
    %while3A_195 = arith.constant 1 : i32
    scf.for %while3A_242 = %while3A_193 to %while3A_189 step %while3A_195  : i32 {
      %mul3A_243 = arith.constant 16 : i32
      %mul3A_244 = arith.muli %while3A_242, %mul3A_243 : i32
      %swap3A_245 = arith.index_cast %mul3A_244 : i32 to index
      %swap3A_246 = tpu.vector_load %arg6[%swap3A_245] {strides = array<i32>} : memref<10240xi32, #tpu.memory_space<vmem>>, vector<16xi32>,
      tpu.vector_store %arg6[%swap3A_245], %broadcast_in_dim3A_116 {strides = array<i32>} : memref<10240xi32, #tpu.memory_space<vmem>>, vector<16xi32>,
    }
    %scan3A_196 = arith.constant 30 : i32
    %scan3A_197 = arith.constant 10 : i32
    %scan3A_198 = arith.addi %scan3A_196, %scan3A_197 : i32
    %scan3A_199 = arith.constant 1 : i32
    %scan3A_200:3 = scf.for %scan3A_242 = %scan3A_196 to %scan3A_198 step %scan3A_199 iter_args(%scan3A_243 = %scan3A_173#0, %scan3A_244 = %scan3A_173#1, %scan3A_245 = %scan3A_173#2) -> (vector<16xi32>, vector<16xi32>, vector<16xi32>)  : i32 {
      %mul3A_246 = arith.constant 16 : i32
      %mul3A_247 = arith.muli %scan3A_242, %mul3A_246 : i32
      %mul3A_248 = arith.constant 16 : i32
      %mul3A_249 = arith.muli %mul3A_247, %mul3A_248 : i32
      %add3A_250 = arith.constant 0 : i32
      %add3A_251 = arith.addi %mul3A_249, %add3A_250 : i32
      %get3A_252 = arith.index_cast %add3A_251 : i32 to index
      %get3A_253 = tpu.vector_load %arg6[%get3A_252] {strides = array<i32>} : memref<10240xi32, #tpu.memory_space<vmem>>, vector<16xi32>,
      %add3A_254 = arith.constant 16 : i32
      %add3A_255 = arith.addi %mul3A_249, %add3A_254 : i32
      %get3A_256 = arith.index_cast %add3A_255 : i32 to index
      %get3A_257 = tpu.vector_load %arg6[%get3A_256] {strides = array<i32>} : memref<10240xi32, #tpu.memory_space<vmem>>, vector<16xi32>,
      %add3A_258 = arith.constant 32 : i32
      %add3A_259 = arith.addi %mul3A_249, %add3A_258 : i32
      %get3A_260 = arith.index_cast %add3A_259 : i32 to index
      %get3A_261 = tpu.vector_load %arg6[%get3A_260] {strides = array<i32>} : memref<10240xi32, #tpu.memory_space<vmem>>, vector<16xi32>,
      %add3A_262 = arith.constant 48 : i32
      %add3A_263 = arith.addi %mul3A_249, %add3A_262 : i32
      %get3A_264 = arith.index_cast %add3A_263 : i32 to index
      %get3A_265 = tpu.vector_load %arg6[%get3A_264] {strides = array<i32>} : memref<10240xi32, #tpu.memory_space<vmem>>, vector<16xi32>,
      %add3A_266 = arith.constant 64 : i32
      %add3A_267 = arith.addi %mul3A_249, %add3A_266 : i32
      %get3A_268 = arith.index_cast %add3A_267 : i32 to index
      %get3A_269 = tpu.vector_load %arg6[%get3A_268] {strides = array<i32>} : memref<10240xi32, #tpu.memory_space<vmem>>, vector<16xi32>,
      %add3A_270 = arith.constant 80 : i32
      %add3A_271 = arith.addi %mul3A_249, %add3A_270 : i32
      %get3A_272 = arith.index_cast %add3A_271 : i32 to index
      %get3A_273 = tpu.vector_load %arg6[%get3A_272] {strides = array<i32>} : memref<10240xi32, #tpu.memory_space<vmem>>, vector<16xi32>,
      %add3A_274 = arith.constant 96 : i32
      %add3A_275 = arith.addi %mul3A_249, %add3A_274 : i32
      %get3A_276 = arith.index_cast %add3A_275 : i32 to index
      %get3A_277 = tpu.vector_load %arg6[%get3A_276] {strides = array<i32>} : memref<10240xi32, #tpu.memory_space<vmem>>, vector<16xi32>,
      %add3A_278 = arith.constant 112 : i32
      %add3A_279 = arith.addi %mul3A_249, %add3A_278 : i32
      %get3A_280 = arith.index_cast %add3A_279 : i32 to index
      %get3A_281 = tpu.vector_load %arg6[%get3A_280] {strides = array<i32>} : memref<10240xi32, #tpu.memory_space<vmem>>, vector<16xi32>,
      %add3A_282 = arith.constant 128 : i32
      %add3A_283 = arith.addi %mul3A_249, %add3A_282 : i32
      %get3A_284 = arith.index_cast %add3A_283 : i32 to index
      %get3A_285 = tpu.vector_load %arg6[%get3A_284] {strides = array<i32>} : memref<10240xi32, #tpu.memory_space<vmem>>, vector<16xi32>,
      %add3A_286 = arith.constant 144 : i32
      %add3A_287 = arith.addi %mul3A_249, %add3A_286 : i32
      %get3A_288 = arith.index_cast %add3A_287 : i32 to index
      %get3A_289 = tpu.vector_load %arg6[%get3A_288] {strides = array<i32>} : memref<10240xi32, #tpu.memory_space<vmem>>, vector<16xi32>,
      %add3A_290 = arith.constant 160 : i32
      %add3A_291 = arith.addi %mul3A_249, %add3A_290 : i32
      %get3A_292 = arith.index_cast %add3A_291 : i32 to index
      %get3A_293 = tpu.vector_load %arg6[%get3A_292] {strides = array<i32>} : memref<10240xi32, #tpu.memory_space<vmem>>, vector<16xi32>,
      %add3A_294 = arith.constant 176 : i32
      %add3A_295 = arith.addi %mul3A_249, %add3A_294 : i32
      %get3A_296 = arith.index_cast %add3A_295 : i32 to index
      %get3A_297 = tpu.vector_load %arg6[%get3A_296] {strides = array<i32>} : memref<10240xi32, #tpu.memory_space<vmem>>, vector<16xi32>,
      %add3A_298 = arith.constant 192 : i32
      %add3A_299 = arith.addi %mul3A_249, %add3A_298 : i32
      %get3A_300 = arith.index_cast %add3A_299 : i32 to index
      %get3A_301 = tpu.vector_load %arg6[%get3A_300] {strides = array<i32>} : memref<10240xi32, #tpu.memory_space<vmem>>, vector<16xi32>,
      %add3A_302 = arith.constant 208 : i32
      %add3A_303 = arith.addi %mul3A_249, %add3A_302 : i32
      %get3A_304 = arith.index_cast %add3A_303 : i32 to index
      %get3A_305 = tpu.vector_load %arg6[%get3A_304] {strides = array<i32>} : memref<10240xi32, #tpu.memory_space<vmem>>, vector<16xi32>,
      %add3A_306 = arith.constant 224 : i32
      %add3A_307 = arith.addi %mul3A_249, %add3A_306 : i32
      %get3A_308 = arith.index_cast %add3A_307 : i32 to index
      %get3A_309 = tpu.vector_load %arg6[%get3A_308] {strides = array<i32>} : memref<10240xi32, #tpu.memory_space<vmem>>, vector<16xi32>,
      %add3A_310 = arith.constant 240 : i32
      %add3A_311 = arith.addi %mul3A_249, %add3A_310 : i32
      %get3A_312 = arith.index_cast %add3A_311 : i32 to index
      %get3A_313 = tpu.vector_load %arg6[%get3A_312] {strides = array<i32>} : memref<10240xi32, #tpu.memory_space<vmem>>, vector<16xi32>,
      %min3A_314 = arith.minsi %get3A_253, %get3A_257 : vector<16xi32>
      %min3A_315 = arith.minsi %get3A_261, %get3A_265 : vector<16xi32>
      %min3A_316 = arith.minsi %get3A_269, %get3A_273 : vector<16xi32>
      %min3A_317 = arith.minsi %get3A_277, %get3A_281 : vector<16xi32>
      %min3A_318 = arith.minsi %get3A_285, %get3A_289 : vector<16xi32>
      %min3A_319 = arith.minsi %get3A_293, %get3A_297 : vector<16xi32>
      %min3A_320 = arith.minsi %get3A_301, %get3A_305 : vector<16xi32>
      %min3A_321 = arith.minsi %get3A_309, %get3A_313 : vector<16xi32>
      %min3A_322 = arith.minsi %min3A_314, %min3A_315 : vector<16xi32>
      %min3A_323 = arith.minsi %min3A_316, %min3A_317 : vector<16xi32>
      %min3A_324 = arith.minsi %min3A_318, %min3A_319 : vector<16xi32>
      %min3A_325 = arith.minsi %min3A_320, %min3A_321 : vector<16xi32>
      %min3A_326 = arith.minsi %min3A_322, %min3A_323 : vector<16xi32>
      %min3A_327 = arith.minsi %min3A_324, %min3A_325 : vector<16xi32>
      %min3A_328 = arith.minsi %min3A_326, %min3A_327 : vector<16xi32>
      %eq3A = arith.constant 0 : i32
      %eq3A_329 = vector.broadcast %eq3A : i32 to vector<16xi32>
      %eq3A_330 = arith.cmpi eq, %min3A_328, %eq3A_329 : vector<16xi32>
      %jit3A_331 = arith.constant 1 : i32
      %jit3A_332 = arith.constant 0 : i32
      %broadcast_in_dim3A_333 = vector.broadcast %jit3A_331 : i32 to vector<16xi32>
      %broadcast_in_dim3A_334 = vector.broadcast %jit3A_332 : i32 to vector<16xi32>
      %select_n3A_335 = arith.select %eq3A_330, %broadcast_in_dim3A_333, %broadcast_in_dim3A_334 : vector<16xi1>, vector<16xi32>
      %add3A_336 = arith.addi %scan3A_243, %select_n3A_335 : vector<16xi32>
      %jit3A_337 = arith.constant 134217728 : i32
      %broadcast_in_dim3A_338 = vector.broadcast %scan3A_242 : i32 to vector<16xi32>
      %broadcast_in_dim3A_339 = vector.broadcast %jit3A_337 : i32 to vector<16xi32>
      %select_n3A_340 = arith.select %eq3A_330, %broadcast_in_dim3A_338, %broadcast_in_dim3A_339 : vector<16xi1>, vector<16xi32>
      %min3A_341 = arith.minsi %scan3A_244, %select_n3A_340 : vector<16xi32>
      %jit3A_342 = arith.constant -1 : i32
      %broadcast_in_dim3A_343 = vector.broadcast %scan3A_242 : i32 to vector<16xi32>
      %broadcast_in_dim3A_344 = vector.broadcast %jit3A_342 : i32 to vector<16xi32>
      %select_n3A_345 = arith.select %eq3A_330, %broadcast_in_dim3A_343, %broadcast_in_dim3A_344 : vector<16xi1>, vector<16xi32>
      %max3A = arith.maxsi %scan3A_245, %select_n3A_345 : vector<16xi32>
      scf.yield %add3A_336, %min3A_341, %max3A : vector<16xi32>, vector<16xi32>, vector<16xi32>
    }
    %scan3A_201 = arith.constant 10 : i32
    %reduce_sum3A = arith.constant true
    %reduce_sum3A_202 = vector.broadcast %reduce_sum3A : i1 to vector<16xi1>
    %reduce_sum3A_203 = tpu.scan <sum>, %scan3A_200#0 masked %reduce_sum3A_202 : vector<16xi32>, vector<16xi1> -> vector<16xi32>
    %reduce_sum3A_204 = vector.extract %reduce_sum3A_203[15] : i32 from vector<16xi32>
    %dma_wait3A_205 = arith.constant 0 : i32
    %dma_wait3A_206 = tpu.memref_slice %arg3[%dma_wait3A_205, %min3A_21] : memref<2x320000xi32, #tpu.memory_space<hbm>> -> memref<1x10240xi32, #tpu.memory_space<hbm>>
    %dma_wait3A_207 = tpu.memref_squeeze %dma_wait3A_206 : memref<1x10240xi32, #tpu.memory_space<hbm>> -> memref<10240xi32, #tpu.memory_space<hbm>>
    %dma_wait3A_208 = tpu.memref_slice %arg3[%dma_wait3A_205, %min3A_21] : memref<2x320000xi32, #tpu.memory_space<hbm>> -> memref<1x10240xi32, #tpu.memory_space<hbm>>
    %dma_wait3A_209 = tpu.memref_squeeze %dma_wait3A_208 : memref<1x10240xi32, #tpu.memory_space<hbm>> -> memref<10240xi32, #tpu.memory_space<hbm>>
    tpu.wait_dma2 semaphore(%arg17 : memref<!tpu.dma_semaphore, #tpu.memory_space<semaphore_mem>>) src(%dma_wait3A_209 : memref<10240xi32, #tpu.memory_space<hbm>>) dst(%arg7 : memref<10240xi32, #tpu.memory_space<vmem>>)
    %gt3A = arith.constant 0 : i32
    %gt3A_210 = arith.cmpi sgt, %reduce_sum3A_204, %gt3A : i32
    %convert_element_type3A = arith.extui %gt3A_210 : i1 to i32
    %cond3A = arith.constant 0 : i32
    %cond3A_211 = arith.cmpi ne, %convert_element_type3A, %cond3A : i32
    scf.if %cond3A_211 {
      %reduce_max3A = arith.constant true
      %reduce_max3A_242 = vector.broadcast %reduce_max3A : i1 to vector<16xi1>
      %reduce_max3A_243 = arith.constant -2147483648 : i32
      %reduce_max3A_244 = vector.broadcast %reduce_max3A_243 : i32 to vector<16xi32>
      %reduce_max3A_245 = arith.xori %scan3A_200#0, %reduce_max3A_244 : vector<16xi32>
      %reduce_max3A_246 = tpu.scan <max>, %reduce_max3A_245 masked %reduce_max3A_242 : vector<16xi32>, vector<16xi1> -> vector<16xi32>
      %reduce_max3A_247 = arith.xori %reduce_max3A_246, %reduce_max3A_244 : vector<16xi32>
      %reduce_max3A_248 = vector.extract %reduce_max3A_247[15] : i32 from vector<16xi32>
      %le3A = arith.constant 2 : i32
      %le3A_249 = arith.cmpi sle, %reduce_max3A_248, %le3A : i32
      %convert_element_type3A_250 = arith.extui %le3A_249 : i1 to i32
      %cond3A_251 = arith.constant 0 : i32
      %cond3A_252 = arith.cmpi ne, %convert_element_type3A_250, %cond3A_251 : i32
      scf.if %cond3A_252 {
        %iota3A = tpu.iota {dimensions = array<i32: 0>} : vector<16xi32>
        %eq3A = arith.constant 2 : i32
        %eq3A_258 = vector.broadcast %eq3A : i32 to vector<16xi32>
        %eq3A_259 = arith.cmpi eq, %scan3A_200#0, %eq3A_258 : vector<16xi32>
        %ge3A = arith.constant 1 : i32
        %ge3A_260 = vector.broadcast %ge3A : i32 to vector<16xi32>
        %ge3A_261 = arith.cmpi sge, %scan3A_200#0, %ge3A_260 : vector<16xi32>
        %jit3A_262 = arith.constant 0 : i32
        %broadcast_in_dim3A_263 = vector.broadcast %jit3A_262 : i32 to vector<16xi32>
        %select_n3A_264 = arith.select %ge3A_261, %scan3A_200#1, %broadcast_in_dim3A_263 : vector<16xi1>, vector<16xi32>
        %jit3A_265 = arith.constant 0 : i32
        %broadcast_in_dim3A_266 = vector.broadcast %jit3A_265 : i32 to vector<16xi32>
        %select_n3A_267 = arith.select %eq3A_259, %scan3A_200#2, %broadcast_in_dim3A_266 : vector<16xi1>, vector<16xi32>
        %broadcast_in_dim3A_268 = arith.constant 0 : i32
        %broadcast_in_dim3A_269 = vector.broadcast %broadcast_in_dim3A_268 : i32 to vector<16xi32>
        %broadcast_in_dim3A_270 = arith.constant 134217728 : i32
        %broadcast_in_dim3A_271 = vector.broadcast %broadcast_in_dim3A_270 : i32 to vector<16xi32>
        %mul3A_272 = arith.constant 16 : i32
        %mul3A_273 = vector.broadcast %mul3A_272 : i32 to vector<16xi32>
        %mul3A_274 = arith.muli %select_n3A_264, %mul3A_273 : vector<16xi32>
        %add3A_275 = arith.constant 0 : i32
        %add3A_276 = vector.broadcast %add3A_275 : i32 to vector<16xi32>
        %add3A_277 = arith.addi %mul3A_274, %add3A_276 : vector<16xi32>
        %mul3A_278 = arith.constant 16 : i32
        %mul3A_279 = vector.broadcast %mul3A_278 : i32 to vector<16xi32>
        %mul3A_280 = arith.muli %add3A_277, %mul3A_279 : vector<16xi32>
        %add3A_281 = arith.addi %mul3A_280, %iota3A : vector<16xi32>
        %gather3A = tpu.vector_load_idx %arg6[%add3A_281] : memref<10240xi32, #tpu.memory_space<vmem>>[vector<16xi32>], vector<16xi32>,
        %eq3A_282 = arith.constant 0 : i32
        %eq3A_283 = vector.broadcast %eq3A_282 : i32 to vector<16xi32>
        %eq3A_284 = arith.cmpi eq, %gather3A, %eq3A_283 : vector<16xi32>
        %jit3A_285 = arith.constant 1 : i32
        %jit3A_286 = arith.constant 0 : i32
        %broadcast_in_dim3A_287 = vector.broadcast %jit3A_285 : i32 to vector<16xi32>
        %broadcast_in_dim3A_288 = vector.broadcast %jit3A_286 : i32 to vector<16xi32>
        %select_n3A_289 = arith.select %eq3A_284, %broadcast_in_dim3A_287, %broadcast_in_dim3A_288 : vector<16xi1>, vector<16xi32>
        %add3A_290 = arith.addi %broadcast_in_dim3A_269, %select_n3A_289 : vector<16xi32>
        %jit3A_291 = arith.constant 134217728 : i32
        %broadcast_in_dim3A_292 = vector.broadcast %jit3A_291 : i32 to vector<16xi32>
        %select_n3A_293 = arith.select %eq3A_284, %add3A_277, %broadcast_in_dim3A_292 : vector<16xi1>, vector<16xi32>
        %min3A_294 = arith.minsi %broadcast_in_dim3A_271, %select_n3A_293 : vector<16xi32>
        %mul3A_295 = arith.constant 16 : i32
        %mul3A_296 = vector.broadcast %mul3A_295 : i32 to vector<16xi32>
        %mul3A_297 = arith.muli %select_n3A_264, %mul3A_296 : vector<16xi32>
        %add3A_298 = arith.constant 1 : i32
        %add3A_299 = vector.broadcast %add3A_298 : i32 to vector<16xi32>
        %add3A_300 = arith.addi %mul3A_297, %add3A_299 : vector<16xi32>
        %mul3A_301 = arith.constant 16 : i32
        %mul3A_302 = vector.broadcast %mul3A_301 : i32 to vector<16xi32>
        %mul3A_303 = arith.muli %add3A_300, %mul3A_302 : vector<16xi32>
        %add3A_304 = arith.addi %mul3A_303, %iota3A : vector<16xi32>
        %gather3A_305 = tpu.vector_load_idx %arg6[%add3A_304] : memref<10240xi32, #tpu.memory_space<vmem>>[vector<16xi32>], vector<16xi32>,
        %eq3A_306 = arith.constant 0 : i32
        %eq3A_307 = vector.broadcast %eq3A_306 : i32 to vector<16xi32>
        %eq3A_308 = arith.cmpi eq, %gather3A_305, %eq3A_307 : vector<16xi32>
        %jit3A_309 = arith.constant 1 : i32
        %jit3A_310 = arith.constant 0 : i32
        %broadcast_in_dim3A_311 = vector.broadcast %jit3A_309 : i32 to vector<16xi32>
        %broadcast_in_dim3A_312 = vector.broadcast %jit3A_310 : i32 to vector<16xi32>
        %select_n3A_313 = arith.select %eq3A_308, %broadcast_in_dim3A_311, %broadcast_in_dim3A_312 : vector<16xi1>, vector<16xi32>
        %add3A_314 = arith.addi %add3A_290, %select_n3A_313 : vector<16xi32>
        %jit3A_315 = arith.constant 134217728 : i32
        %broadcast_in_dim3A_316 = vector.broadcast %jit3A_315 : i32 to vector<16xi32>
        %select_n3A_317 = arith.select %eq3A_308, %add3A_300, %broadcast_in_dim3A_316 : vector<16xi1>, vector<16xi32>
        %min3A_318 = arith.minsi %min3A_294, %select_n3A_317 : vector<16xi32>
        %mul3A_319 = arith.constant 16 : i32
        %mul3A_320 = vector.broadcast %mul3A_319 : i32 to vector<16xi32>
        %mul3A_321 = arith.muli %select_n3A_264, %mul3A_320 : vector<16xi32>
        %add3A_322 = arith.constant 2 : i32
        %add3A_323 = vector.broadcast %add3A_322 : i32 to vector<16xi32>
        %add3A_324 = arith.addi %mul3A_321, %add3A_323 : vector<16xi32>
        %mul3A_325 = arith.constant 16 : i32
        %mul3A_326 = vector.broadcast %mul3A_325 : i32 to vector<16xi32>
        %mul3A_327 = arith.muli %add3A_324, %mul3A_326 : vector<16xi32>
        %add3A_328 = arith.addi %mul3A_327, %iota3A : vector<16xi32>
        %gather3A_329 = tpu.vector_load_idx %arg6[%add3A_328] : memref<10240xi32, #tpu.memory_space<vmem>>[vector<16xi32>], vector<16xi32>,
        %eq3A_330 = arith.constant 0 : i32
        %eq3A_331 = vector.broadcast %eq3A_330 : i32 to vector<16xi32>
        %eq3A_332 = arith.cmpi eq, %gather3A_329, %eq3A_331 : vector<16xi32>
        %jit3A_333 = arith.constant 1 : i32
        %jit3A_334 = arith.constant 0 : i32
        %broadcast_in_dim3A_335 = vector.broadcast %jit3A_333 : i32 to vector<16xi32>
        %broadcast_in_dim3A_336 = vector.broadcast %jit3A_334 : i32 to vector<16xi32>
        %select_n3A_337 = arith.select %eq3A_332, %broadcast_in_dim3A_335, %broadcast_in_dim3A_336 : vector<16xi1>, vector<16xi32>
        %add3A_338 = arith.addi %add3A_314, %select_n3A_337 : vector<16xi32>
        %jit3A_339 = arith.constant 134217728 : i32
        %broadcast_in_dim3A_340 = vector.broadcast %jit3A_339 : i32 to vector<16xi32>
        %select_n3A_341 = arith.select %eq3A_332, %add3A_324, %broadcast_in_dim3A_340 : vector<16xi1>, vector<16xi32>
        %min3A_342 = arith.minsi %min3A_318, %select_n3A_341 : vector<16xi32>
        %mul3A_343 = arith.constant 16 : i32
        %mul3A_344 = vector.broadcast %mul3A_343 : i32 to vector<16xi32>
        %mul3A_345 = arith.muli %select_n3A_264, %mul3A_344 : vector<16xi32>
        %add3A_346 = arith.constant 3 : i32
        %add3A_347 = vector.broadcast %add3A_346 : i32 to vector<16xi32>
        %add3A_348 = arith.addi %mul3A_345, %add3A_347 : vector<16xi32>
        %mul3A_349 = arith.constant 16 : i32
        %mul3A_350 = vector.broadcast %mul3A_349 : i32 to vector<16xi32>
        %mul3A_351 = arith.muli %add3A_348, %mul3A_350 : vector<16xi32>
        %add3A_352 = arith.addi %mul3A_351, %iota3A : vector<16xi32>
        %gather3A_353 = tpu.vector_load_idx %arg6[%add3A_352] : memref<10240xi32, #tpu.memory_space<vmem>>[vector<16xi32>], vector<16xi32>,
        %eq3A_354 = arith.constant 0 : i32
        %eq3A_355 = vector.broadcast %eq3A_354 : i32 to vector<16xi32>
        %eq3A_356 = arith.cmpi eq, %gather3A_353, %eq3A_355 : vector<16xi32>
        %jit3A_357 = arith.constant 1 : i32
        %jit3A_358 = arith.constant 0 : i32
        %broadcast_in_dim3A_359 = vector.broadcast %jit3A_357 : i32 to vector<16xi32>
        %broadcast_in_dim3A_360 = vector.broadcast %jit3A_358 : i32 to vector<16xi32>
        %select_n3A_361 = arith.select %eq3A_356, %broadcast_in_dim3A_359, %broadcast_in_dim3A_360 : vector<16xi1>, vector<16xi32>
        %add3A_362 = arith.addi %add3A_338, %select_n3A_361 : vector<16xi32>
        %jit3A_363 = arith.constant 134217728 : i32
        %broadcast_in_dim3A_364 = vector.broadcast %jit3A_363 : i32 to vector<16xi32>
        %select_n3A_365 = arith.select %eq3A_356, %add3A_348, %broadcast_in_dim3A_364 : vector<16xi1>, vector<16xi32>
        %min3A_366 = arith.minsi %min3A_342, %select_n3A_365 : vector<16xi32>
        %mul3A_367 = arith.constant 16 : i32
        %mul3A_368 = vector.broadcast %mul3A_367 : i32 to vector<16xi32>
        %mul3A_369 = arith.muli %select_n3A_264, %mul3A_368 : vector<16xi32>
        %add3A_370 = arith.constant 4 : i32
        %add3A_371 = vector.broadcast %add3A_370 : i32 to vector<16xi32>
        %add3A_372 = arith.addi %mul3A_369, %add3A_371 : vector<16xi32>
        %mul3A_373 = arith.constant 16 : i32
        %mul3A_374 = vector.broadcast %mul3A_373 : i32 to vector<16xi32>
        %mul3A_375 = arith.muli %add3A_372, %mul3A_374 : vector<16xi32>
        %add3A_376 = arith.addi %mul3A_375, %iota3A : vector<16xi32>
        %gather3A_377 = tpu.vector_load_idx %arg6[%add3A_376] : memref<10240xi32, #tpu.memory_space<vmem>>[vector<16xi32>], vector<16xi32>,
        %eq3A_378 = arith.constant 0 : i32
        %eq3A_379 = vector.broadcast %eq3A_378 : i32 to vector<16xi32>
        %eq3A_380 = arith.cmpi eq, %gather3A_377, %eq3A_379 : vector<16xi32>
        %jit3A_381 = arith.constant 1 : i32
        %jit3A_382 = arith.constant 0 : i32
        %broadcast_in_dim3A_383 = vector.broadcast %jit3A_381 : i32 to vector<16xi32>
        %broadcast_in_dim3A_384 = vector.broadcast %jit3A_382 : i32 to vector<16xi32>
        %select_n3A_385 = arith.select %eq3A_380, %broadcast_in_dim3A_383, %broadcast_in_dim3A_384 : vector<16xi1>, vector<16xi32>
        %add3A_386 = arith.addi %add3A_362, %select_n3A_385 : vector<16xi32>
        %jit3A_387 = arith.constant 134217728 : i32
        %broadcast_in_dim3A_388 = vector.broadcast %jit3A_387 : i32 to vector<16xi32>
        %select_n3A_389 = arith.select %eq3A_380, %add3A_372, %broadcast_in_dim3A_388 : vector<16xi1>, vector<16xi32>
        %min3A_390 = arith.minsi %min3A_366, %select_n3A_389 : vector<16xi32>
        %mul3A_391 = arith.constant 16 : i32
        %mul3A_392 = vector.broadcast %mul3A_391 : i32 to vector<16xi32>
        %mul3A_393 = arith.muli %select_n3A_264, %mul3A_392 : vector<16xi32>
        %add3A_394 = arith.constant 5 : i32
        %add3A_395 = vector.broadcast %add3A_394 : i32 to vector<16xi32>
        %add3A_396 = arith.addi %mul3A_393, %add3A_395 : vector<16xi32>
        %mul3A_397 = arith.constant 16 : i32
        %mul3A_398 = vector.broadcast %mul3A_397 : i32 to vector<16xi32>
        %mul3A_399 = arith.muli %add3A_396, %mul3A_398 : vector<16xi32>
        %add3A_400 = arith.addi %mul3A_399, %iota3A : vector<16xi32>
        %gather3A_401 = tpu.vector_load_idx %arg6[%add3A_400] : memref<10240xi32, #tpu.memory_space<vmem>>[vector<16xi32>], vector<16xi32>,
        %eq3A_402 = arith.constant 0 : i32
        %eq3A_403 = vector.broadcast %eq3A_402 : i32 to vector<16xi32>
        %eq3A_404 = arith.cmpi eq, %gather3A_401, %eq3A_403 : vector<16xi32>
        %jit3A_405 = arith.constant 1 : i32
        %jit3A_406 = arith.constant 0 : i32
        %broadcast_in_dim3A_407 = vector.broadcast %jit3A_405 : i32 to vector<16xi32>
        %broadcast_in_dim3A_408 = vector.broadcast %jit3A_406 : i32 to vector<16xi32>
        %select_n3A_409 = arith.select %eq3A_404, %broadcast_in_dim3A_407, %broadcast_in_dim3A_408 : vector<16xi1>, vector<16xi32>
        %add3A_410 = arith.addi %add3A_386, %select_n3A_409 : vector<16xi32>
        %jit3A_411 = arith.constant 134217728 : i32
        %broadcast_in_dim3A_412 = vector.broadcast %jit3A_411 : i32 to vector<16xi32>
        %select_n3A_413 = arith.select %eq3A_404, %add3A_396, %broadcast_in_dim3A_412 : vector<16xi1>, vector<16xi32>
        %min3A_414 = arith.minsi %min3A_390, %select_n3A_413 : vector<16xi32>
        %mul3A_415 = arith.constant 16 : i32
        %mul3A_416 = vector.broadcast %mul3A_415 : i32 to vector<16xi32>
        %mul3A_417 = arith.muli %select_n3A_264, %mul3A_416 : vector<16xi32>
        %add3A_418 = arith.constant 6 : i32
        %add3A_419 = vector.broadcast %add3A_418 : i32 to vector<16xi32>
        %add3A_420 = arith.addi %mul3A_417, %add3A_419 : vector<16xi32>
        %mul3A_421 = arith.constant 16 : i32
        %mul3A_422 = vector.broadcast %mul3A_421 : i32 to vector<16xi32>
        %mul3A_423 = arith.muli %add3A_420, %mul3A_422 : vector<16xi32>
        %add3A_424 = arith.addi %mul3A_423, %iota3A : vector<16xi32>
        %gather3A_425 = tpu.vector_load_idx %arg6[%add3A_424] : memref<10240xi32, #tpu.memory_space<vmem>>[vector<16xi32>], vector<16xi32>,
        %eq3A_426 = arith.constant 0 : i32
        %eq3A_427 = vector.broadcast %eq3A_426 : i32 to vector<16xi32>
        %eq3A_428 = arith.cmpi eq, %gather3A_425, %eq3A_427 : vector<16xi32>
        %jit3A_429 = arith.constant 1 : i32
        %jit3A_430 = arith.constant 0 : i32
        %broadcast_in_dim3A_431 = vector.broadcast %jit3A_429 : i32 to vector<16xi32>
        %broadcast_in_dim3A_432 = vector.broadcast %jit3A_430 : i32 to vector<16xi32>
        %select_n3A_433 = arith.select %eq3A_428, %broadcast_in_dim3A_431, %broadcast_in_dim3A_432 : vector<16xi1>, vector<16xi32>
        %add3A_434 = arith.addi %add3A_410, %select_n3A_433 : vector<16xi32>
        %jit3A_435 = arith.constant 134217728 : i32
        %broadcast_in_dim3A_436 = vector.broadcast %jit3A_435 : i32 to vector<16xi32>
        %select_n3A_437 = arith.select %eq3A_428, %add3A_420, %broadcast_in_dim3A_436 : vector<16xi1>, vector<16xi32>
        %min3A_438 = arith.minsi %min3A_414, %select_n3A_437 : vector<16xi32>
        %mul3A_439 = arith.constant 16 : i32
        %mul3A_440 = vector.broadcast %mul3A_439 : i32 to vector<16xi32>
        %mul3A_441 = arith.muli %select_n3A_264, %mul3A_440 : vector<16xi32>
        %add3A_442 = arith.constant 7 : i32
        %add3A_443 = vector.broadcast %add3A_442 : i32 to vector<16xi32>
        %add3A_444 = arith.addi %mul3A_441, %add3A_443 : vector<16xi32>
        %mul3A_445 = arith.constant 16 : i32
        %mul3A_446 = vector.broadcast %mul3A_445 : i32 to vector<16xi32>
        %mul3A_447 = arith.muli %add3A_444, %mul3A_446 : vector<16xi32>
        %add3A_448 = arith.addi %mul3A_447, %iota3A : vector<16xi32>
        %gather3A_449 = tpu.vector_load_idx %arg6[%add3A_448] : memref<10240xi32, #tpu.memory_space<vmem>>[vector<16xi32>], vector<16xi32>,
        %eq3A_450 = arith.constant 0 : i32
        %eq3A_451 = vector.broadcast %eq3A_450 : i32 to vector<16xi32>
        %eq3A_452 = arith.cmpi eq, %gather3A_449, %eq3A_451 : vector<16xi32>
        %jit3A_453 = arith.constant 1 : i32
        %jit3A_454 = arith.constant 0 : i32
        %broadcast_in_dim3A_455 = vector.broadcast %jit3A_453 : i32 to vector<16xi32>
        %broadcast_in_dim3A_456 = vector.broadcast %jit3A_454 : i32 to vector<16xi32>
        %select_n3A_457 = arith.select %eq3A_452, %broadcast_in_dim3A_455, %broadcast_in_dim3A_456 : vector<16xi1>, vector<16xi32>
        %add3A_458 = arith.addi %add3A_434, %select_n3A_457 : vector<16xi32>
        %jit3A_459 = arith.constant 134217728 : i32
        %broadcast_in_dim3A_460 = vector.broadcast %jit3A_459 : i32 to vector<16xi32>
        %select_n3A_461 = arith.select %eq3A_452, %add3A_444, %broadcast_in_dim3A_460 : vector<16xi1>, vector<16xi32>
        %min3A_462 = arith.minsi %min3A_438, %select_n3A_461 : vector<16xi32>
        %mul3A_463 = arith.constant 16 : i32
        %mul3A_464 = vector.broadcast %mul3A_463 : i32 to vector<16xi32>
        %mul3A_465 = arith.muli %select_n3A_264, %mul3A_464 : vector<16xi32>
        %add3A_466 = arith.constant 8 : i32
        %add3A_467 = vector.broadcast %add3A_466 : i32 to vector<16xi32>
        %add3A_468 = arith.addi %mul3A_465, %add3A_467 : vector<16xi32>
        %mul3A_469 = arith.constant 16 : i32
        %mul3A_470 = vector.broadcast %mul3A_469 : i32 to vector<16xi32>
        %mul3A_471 = arith.muli %add3A_468, %mul3A_470 : vector<16xi32>
        %add3A_472 = arith.addi %mul3A_471, %iota3A : vector<16xi32>
        %gather3A_473 = tpu.vector_load_idx %arg6[%add3A_472] : memref<10240xi32, #tpu.memory_space<vmem>>[vector<16xi32>], vector<16xi32>,
        %eq3A_474 = arith.constant 0 : i32
        %eq3A_475 = vector.broadcast %eq3A_474 : i32 to vector<16xi32>
        %eq3A_476 = arith.cmpi eq, %gather3A_473, %eq3A_475 : vector<16xi32>
        %jit3A_477 = arith.constant 1 : i32
        %jit3A_478 = arith.constant 0 : i32
        %broadcast_in_dim3A_479 = vector.broadcast %jit3A_477 : i32 to vector<16xi32>
        %broadcast_in_dim3A_480 = vector.broadcast %jit3A_478 : i32 to vector<16xi32>
        %select_n3A_481 = arith.select %eq3A_476, %broadcast_in_dim3A_479, %broadcast_in_dim3A_480 : vector<16xi1>, vector<16xi32>
        %add3A_482 = arith.addi %add3A_458, %select_n3A_481 : vector<16xi32>
        %jit3A_483 = arith.constant 134217728 : i32
        %broadcast_in_dim3A_484 = vector.broadcast %jit3A_483 : i32 to vector<16xi32>
        %select_n3A_485 = arith.select %eq3A_476, %add3A_468, %broadcast_in_dim3A_484 : vector<16xi1>, vector<16xi32>
        %min3A_486 = arith.minsi %min3A_462, %select_n3A_485 : vector<16xi32>
        %mul3A_487 = arith.constant 16 : i32
        %mul3A_488 = vector.broadcast %mul3A_487 : i32 to vector<16xi32>
        %mul3A_489 = arith.muli %select_n3A_264, %mul3A_488 : vector<16xi32>
        %add3A_490 = arith.constant 9 : i32
        %add3A_491 = vector.broadcast %add3A_490 : i32 to vector<16xi32>
        %add3A_492 = arith.addi %mul3A_489, %add3A_491 : vector<16xi32>
        %mul3A_493 = arith.constant 16 : i32
        %mul3A_494 = vector.broadcast %mul3A_493 : i32 to vector<16xi32>
        %mul3A_495 = arith.muli %add3A_492, %mul3A_494 : vector<16xi32>
        %add3A_496 = arith.addi %mul3A_495, %iota3A : vector<16xi32>
        %gather3A_497 = tpu.vector_load_idx %arg6[%add3A_496] : memref<10240xi32, #tpu.memory_space<vmem>>[vector<16xi32>], vector<16xi32>,
        %eq3A_498 = arith.constant 0 : i32
        %eq3A_499 = vector.broadcast %eq3A_498 : i32 to vector<16xi32>
        %eq3A_500 = arith.cmpi eq, %gather3A_497, %eq3A_499 : vector<16xi32>
        %jit3A_501 = arith.constant 1 : i32
        %jit3A_502 = arith.constant 0 : i32
        %broadcast_in_dim3A_503 = vector.broadcast %jit3A_501 : i32 to vector<16xi32>
        %broadcast_in_dim3A_504 = vector.broadcast %jit3A_502 : i32 to vector<16xi32>
        %select_n3A_505 = arith.select %eq3A_500, %broadcast_in_dim3A_503, %broadcast_in_dim3A_504 : vector<16xi1>, vector<16xi32>
        %add3A_506 = arith.addi %add3A_482, %select_n3A_505 : vector<16xi32>
        %jit3A_507 = arith.constant 134217728 : i32
        %broadcast_in_dim3A_508 = vector.broadcast %jit3A_507 : i32 to vector<16xi32>
        %select_n3A_509 = arith.select %eq3A_500, %add3A_492, %broadcast_in_dim3A_508 : vector<16xi1>, vector<16xi32>
        %min3A_510 = arith.minsi %min3A_486, %select_n3A_509 : vector<16xi32>
        %mul3A_511 = arith.constant 16 : i32
        %mul3A_512 = vector.broadcast %mul3A_511 : i32 to vector<16xi32>
        %mul3A_513 = arith.muli %select_n3A_264, %mul3A_512 : vector<16xi32>
        %add3A_514 = arith.constant 10 : i32
        %add3A_515 = vector.broadcast %add3A_514 : i32 to vector<16xi32>
        %add3A_516 = arith.addi %mul3A_513, %add3A_515 : vector<16xi32>
        %mul3A_517 = arith.constant 16 : i32
        %mul3A_518 = vector.broadcast %mul3A_517 : i32 to vector<16xi32>
        %mul3A_519 = arith.muli %add3A_516, %mul3A_518 : vector<16xi32>
        %add3A_520 = arith.addi %mul3A_519, %iota3A : vector<16xi32>
        %gather3A_521 = tpu.vector_load_idx %arg6[%add3A_520] : memref<10240xi32, #tpu.memory_space<vmem>>[vector<16xi32>], vector<16xi32>,
        %eq3A_522 = arith.constant 0 : i32
        %eq3A_523 = vector.broadcast %eq3A_522 : i32 to vector<16xi32>
        %eq3A_524 = arith.cmpi eq, %gather3A_521, %eq3A_523 : vector<16xi32>
        %jit3A_525 = arith.constant 1 : i32
        %jit3A_526 = arith.constant 0 : i32
        %broadcast_in_dim3A_527 = vector.broadcast %jit3A_525 : i32 to vector<16xi32>
        %broadcast_in_dim3A_528 = vector.broadcast %jit3A_526 : i32 to vector<16xi32>
        %select_n3A_529 = arith.select %eq3A_524, %broadcast_in_dim3A_527, %broadcast_in_dim3A_528 : vector<16xi1>, vector<16xi32>
        %add3A_530 = arith.addi %add3A_506, %select_n3A_529 : vector<16xi32>
        %jit3A_531 = arith.constant 134217728 : i32
        %broadcast_in_dim3A_532 = vector.broadcast %jit3A_531 : i32 to vector<16xi32>
        %select_n3A_533 = arith.select %eq3A_524, %add3A_516, %broadcast_in_dim3A_532 : vector<16xi1>, vector<16xi32>
        %min3A_534 = arith.minsi %min3A_510, %select_n3A_533 : vector<16xi32>
        %mul3A_535 = arith.constant 16 : i32
        %mul3A_536 = vector.broadcast %mul3A_535 : i32 to vector<16xi32>
        %mul3A_537 = arith.muli %select_n3A_264, %mul3A_536 : vector<16xi32>
        %add3A_538 = arith.constant 11 : i32
        %add3A_539 = vector.broadcast %add3A_538 : i32 to vector<16xi32>
        %add3A_540 = arith.addi %mul3A_537, %add3A_539 : vector<16xi32>
        %mul3A_541 = arith.constant 16 : i32
        %mul3A_542 = vector.broadcast %mul3A_541 : i32 to vector<16xi32>
        %mul3A_543 = arith.muli %add3A_540, %mul3A_542 : vector<16xi32>
        %add3A_544 = arith.addi %mul3A_543, %iota3A : vector<16xi32>
        %gather3A_545 = tpu.vector_load_idx %arg6[%add3A_544] : memref<10240xi32, #tpu.memory_space<vmem>>[vector<16xi32>], vector<16xi32>,
        %eq3A_546 = arith.constant 0 : i32
        %eq3A_547 = vector.broadcast %eq3A_546 : i32 to vector<16xi32>
        %eq3A_548 = arith.cmpi eq, %gather3A_545, %eq3A_547 : vector<16xi32>
        %jit3A_549 = arith.constant 1 : i32
        %jit3A_550 = arith.constant 0 : i32
        %broadcast_in_dim3A_551 = vector.broadcast %jit3A_549 : i32 to vector<16xi32>
        %broadcast_in_dim3A_552 = vector.broadcast %jit3A_550 : i32 to vector<16xi32>
        %select_n3A_553 = arith.select %eq3A_548, %broadcast_in_dim3A_551, %broadcast_in_dim3A_552 : vector<16xi1>, vector<16xi32>
        %add3A_554 = arith.addi %add3A_530, %select_n3A_553 : vector<16xi32>
        %jit3A_555 = arith.constant 134217728 : i32
        %broadcast_in_dim3A_556 = vector.broadcast %jit3A_555 : i32 to vector<16xi32>
        %select_n3A_557 = arith.select %eq3A_548, %add3A_540, %broadcast_in_dim3A_556 : vector<16xi1>, vector<16xi32>
        %min3A_558 = arith.minsi %min3A_534, %select_n3A_557 : vector<16xi32>
        %mul3A_559 = arith.constant 16 : i32
        %mul3A_560 = vector.broadcast %mul3A_559 : i32 to vector<16xi32>
        %mul3A_561 = arith.muli %select_n3A_264, %mul3A_560 : vector<16xi32>
        %add3A_562 = arith.constant 12 : i32
        %add3A_563 = vector.broadcast %add3A_562 : i32 to vector<16xi32>
        %add3A_564 = arith.addi %mul3A_561, %add3A_563 : vector<16xi32>
        %mul3A_565 = arith.constant 16 : i32
        %mul3A_566 = vector.broadcast %mul3A_565 : i32 to vector<16xi32>
        %mul3A_567 = arith.muli %add3A_564, %mul3A_566 : vector<16xi32>
        %add3A_568 = arith.addi %mul3A_567, %iota3A : vector<16xi32>
        %gather3A_569 = tpu.vector_load_idx %arg6[%add3A_568] : memref<10240xi32, #tpu.memory_space<vmem>>[vector<16xi32>], vector<16xi32>,
        %eq3A_570 = arith.constant 0 : i32
        %eq3A_571 = vector.broadcast %eq3A_570 : i32 to vector<16xi32>
        %eq3A_572 = arith.cmpi eq, %gather3A_569, %eq3A_571 : vector<16xi32>
        %jit3A_573 = arith.constant 1 : i32
        %jit3A_574 = arith.constant 0 : i32
        %broadcast_in_dim3A_575 = vector.broadcast %jit3A_573 : i32 to vector<16xi32>
        %broadcast_in_dim3A_576 = vector.broadcast %jit3A_574 : i32 to vector<16xi32>
        %select_n3A_577 = arith.select %eq3A_572, %broadcast_in_dim3A_575, %broadcast_in_dim3A_576 : vector<16xi1>, vector<16xi32>
        %add3A_578 = arith.addi %add3A_554, %select_n3A_577 : vector<16xi32>
        %jit3A_579 = arith.constant 134217728 : i32
        %broadcast_in_dim3A_580 = vector.broadcast %jit3A_579 : i32 to vector<16xi32>
        %select_n3A_581 = arith.select %eq3A_572, %add3A_564, %broadcast_in_dim3A_580 : vector<16xi1>, vector<16xi32>
        %min3A_582 = arith.minsi %min3A_558, %select_n3A_581 : vector<16xi32>
        %mul3A_583 = arith.constant 16 : i32
        %mul3A_584 = vector.broadcast %mul3A_583 : i32 to vector<16xi32>
        %mul3A_585 = arith.muli %select_n3A_264, %mul3A_584 : vector<16xi32>
        %add3A_586 = arith.constant 13 : i32
        %add3A_587 = vector.broadcast %add3A_586 : i32 to vector<16xi32>
        %add3A_588 = arith.addi %mul3A_585, %add3A_587 : vector<16xi32>
        %mul3A_589 = arith.constant 16 : i32
        %mul3A_590 = vector.broadcast %mul3A_589 : i32 to vector<16xi32>
        %mul3A_591 = arith.muli %add3A_588, %mul3A_590 : vector<16xi32>
        %add3A_592 = arith.addi %mul3A_591, %iota3A : vector<16xi32>
        %gather3A_593 = tpu.vector_load_idx %arg6[%add3A_592] : memref<10240xi32, #tpu.memory_space<vmem>>[vector<16xi32>], vector<16xi32>,
        %eq3A_594 = arith.constant 0 : i32
        %eq3A_595 = vector.broadcast %eq3A_594 : i32 to vector<16xi32>
        %eq3A_596 = arith.cmpi eq, %gather3A_593, %eq3A_595 : vector<16xi32>
        %jit3A_597 = arith.constant 1 : i32
        %jit3A_598 = arith.constant 0 : i32
        %broadcast_in_dim3A_599 = vector.broadcast %jit3A_597 : i32 to vector<16xi32>
        %broadcast_in_dim3A_600 = vector.broadcast %jit3A_598 : i32 to vector<16xi32>
        %select_n3A_601 = arith.select %eq3A_596, %broadcast_in_dim3A_599, %broadcast_in_dim3A_600 : vector<16xi1>, vector<16xi32>
        %add3A_602 = arith.addi %add3A_578, %select_n3A_601 : vector<16xi32>
        %jit3A_603 = arith.constant 134217728 : i32
        %broadcast_in_dim3A_604 = vector.broadcast %jit3A_603 : i32 to vector<16xi32>
        %select_n3A_605 = arith.select %eq3A_596, %add3A_588, %broadcast_in_dim3A_604 : vector<16xi1>, vector<16xi32>
        %min3A_606 = arith.minsi %min3A_582, %select_n3A_605 : vector<16xi32>
        %mul3A_607 = arith.constant 16 : i32
        %mul3A_608 = vector.broadcast %mul3A_607 : i32 to vector<16xi32>
        %mul3A_609 = arith.muli %select_n3A_264, %mul3A_608 : vector<16xi32>
        %add3A_610 = arith.constant 14 : i32
        %add3A_611 = vector.broadcast %add3A_610 : i32 to vector<16xi32>
        %add3A_612 = arith.addi %mul3A_609, %add3A_611 : vector<16xi32>
        %mul3A_613 = arith.constant 16 : i32
        %mul3A_614 = vector.broadcast %mul3A_613 : i32 to vector<16xi32>
        %mul3A_615 = arith.muli %add3A_612, %mul3A_614 : vector<16xi32>
        %add3A_616 = arith.addi %mul3A_615, %iota3A : vector<16xi32>
        %gather3A_617 = tpu.vector_load_idx %arg6[%add3A_616] : memref<10240xi32, #tpu.memory_space<vmem>>[vector<16xi32>], vector<16xi32>,
        %eq3A_618 = arith.constant 0 : i32
        %eq3A_619 = vector.broadcast %eq3A_618 : i32 to vector<16xi32>
        %eq3A_620 = arith.cmpi eq, %gather3A_617, %eq3A_619 : vector<16xi32>
        %jit3A_621 = arith.constant 1 : i32
        %jit3A_622 = arith.constant 0 : i32
        %broadcast_in_dim3A_623 = vector.broadcast %jit3A_621 : i32 to vector<16xi32>
        %broadcast_in_dim3A_624 = vector.broadcast %jit3A_622 : i32 to vector<16xi32>
        %select_n3A_625 = arith.select %eq3A_620, %broadcast_in_dim3A_623, %broadcast_in_dim3A_624 : vector<16xi1>, vector<16xi32>
        %add3A_626 = arith.addi %add3A_602, %select_n3A_625 : vector<16xi32>
        %jit3A_627 = arith.constant 134217728 : i32
        %broadcast_in_dim3A_628 = vector.broadcast %jit3A_627 : i32 to vector<16xi32>
        %select_n3A_629 = arith.select %eq3A_620, %add3A_612, %broadcast_in_dim3A_628 : vector<16xi1>, vector<16xi32>
        %min3A_630 = arith.minsi %min3A_606, %select_n3A_629 : vector<16xi32>
        %mul3A_631 = arith.constant 16 : i32
        %mul3A_632 = vector.broadcast %mul3A_631 : i32 to vector<16xi32>
        %mul3A_633 = arith.muli %select_n3A_264, %mul3A_632 : vector<16xi32>
        %add3A_634 = arith.constant 15 : i32
        %add3A_635 = vector.broadcast %add3A_634 : i32 to vector<16xi32>
        %add3A_636 = arith.addi %mul3A_633, %add3A_635 : vector<16xi32>
        %mul3A_637 = arith.constant 16 : i32
        %mul3A_638 = vector.broadcast %mul3A_637 : i32 to vector<16xi32>
        %mul3A_639 = arith.muli %add3A_636, %mul3A_638 : vector<16xi32>
        %add3A_640 = arith.addi %mul3A_639, %iota3A : vector<16xi32>
        %gather3A_641 = tpu.vector_load_idx %arg6[%add3A_640] : memref<10240xi32, #tpu.memory_space<vmem>>[vector<16xi32>], vector<16xi32>,
        %eq3A_642 = arith.constant 0 : i32
        %eq3A_643 = vector.broadcast %eq3A_642 : i32 to vector<16xi32>
        %eq3A_644 = arith.cmpi eq, %gather3A_641, %eq3A_643 : vector<16xi32>
        %jit3A_645 = arith.constant 1 : i32
        %jit3A_646 = arith.constant 0 : i32
        %broadcast_in_dim3A_647 = vector.broadcast %jit3A_645 : i32 to vector<16xi32>
        %broadcast_in_dim3A_648 = vector.broadcast %jit3A_646 : i32 to vector<16xi32>
        %select_n3A_649 = arith.select %eq3A_644, %broadcast_in_dim3A_647, %broadcast_in_dim3A_648 : vector<16xi1>, vector<16xi32>
        %add3A_650 = arith.addi %add3A_626, %select_n3A_649 : vector<16xi32>
        %jit3A_651 = arith.constant 134217728 : i32
        %broadcast_in_dim3A_652 = vector.broadcast %jit3A_651 : i32 to vector<16xi32>
        %select_n3A_653 = arith.select %eq3A_644, %add3A_636, %broadcast_in_dim3A_652 : vector<16xi1>, vector<16xi32>
        %min3A_654 = arith.minsi %min3A_630, %select_n3A_653 : vector<16xi32>
        %broadcast_in_dim3A_655 = arith.constant 0 : i32
        %broadcast_in_dim3A_656 = vector.broadcast %broadcast_in_dim3A_655 : i32 to vector<16xi32>
        %broadcast_in_dim3A_657 = arith.constant 134217728 : i32
        %broadcast_in_dim3A_658 = vector.broadcast %broadcast_in_dim3A_657 : i32 to vector<16xi32>
        %mul3A_659 = arith.constant 16 : i32
        %mul3A_660 = vector.broadcast %mul3A_659 : i32 to vector<16xi32>
        %mul3A_661 = arith.muli %select_n3A_267, %mul3A_660 : vector<16xi32>
        %add3A_662 = arith.constant 0 : i32
        %add3A_663 = vector.broadcast %add3A_662 : i32 to vector<16xi32>
        %add3A_664 = arith.addi %mul3A_661, %add3A_663 : vector<16xi32>
        %mul3A_665 = arith.constant 16 : i32
        %mul3A_666 = vector.broadcast %mul3A_665 : i32 to vector<16xi32>
        %mul3A_667 = arith.muli %add3A_664, %mul3A_666 : vector<16xi32>
        %add3A_668 = arith.addi %mul3A_667, %iota3A : vector<16xi32>
        %gather3A_669 = tpu.vector_load_idx %arg6[%add3A_668] : memref<10240xi32, #tpu.memory_space<vmem>>[vector<16xi32>], vector<16xi32>,
        %eq3A_670 = arith.constant 0 : i32
        %eq3A_671 = vector.broadcast %eq3A_670 : i32 to vector<16xi32>
        %eq3A_672 = arith.cmpi eq, %gather3A_669, %eq3A_671 : vector<16xi32>
        %and3A_673 = arith.andi %eq3A_672, %eq3A_259 : vector<16xi1>
        %jit3A_674 = arith.constant 1 : i32
        %jit3A_675 = arith.constant 0 : i32
        %broadcast_in_dim3A_676 = vector.broadcast %jit3A_674 : i32 to vector<16xi32>
        %broadcast_in_dim3A_677 = vector.broadcast %jit3A_675 : i32 to vector<16xi32>
        %select_n3A_678 = arith.select %and3A_673, %broadcast_in_dim3A_676, %broadcast_in_dim3A_677 : vector<16xi1>, vector<16xi32>
        %add3A_679 = arith.addi %broadcast_in_dim3A_656, %select_n3A_678 : vector<16xi32>
        %jit3A_680 = arith.constant 134217728 : i32
        %broadcast_in_dim3A_681 = vector.broadcast %jit3A_680 : i32 to vector<16xi32>
        %select_n3A_682 = arith.select %and3A_673, %add3A_664, %broadcast_in_dim3A_681 : vector<16xi1>, vector<16xi32>
        %min3A_683 = arith.minsi %broadcast_in_dim3A_658, %select_n3A_682 : vector<16xi32>
        %mul3A_684 = arith.constant 16 : i32
        %mul3A_685 = vector.broadcast %mul3A_684 : i32 to vector<16xi32>
        %mul3A_686 = arith.muli %select_n3A_267, %mul3A_685 : vector<16xi32>
        %add3A_687 = arith.constant 1 : i32
        %add3A_688 = vector.broadcast %add3A_687 : i32 to vector<16xi32>
        %add3A_689 = arith.addi %mul3A_686, %add3A_688 : vector<16xi32>
        %mul3A_690 = arith.constant 16 : i32
        %mul3A_691 = vector.broadcast %mul3A_690 : i32 to vector<16xi32>
        %mul3A_692 = arith.muli %add3A_689, %mul3A_691 : vector<16xi32>
        %add3A_693 = arith.addi %mul3A_692, %iota3A : vector<16xi32>
        %gather3A_694 = tpu.vector_load_idx %arg6[%add3A_693] : memref<10240xi32, #tpu.memory_space<vmem>>[vector<16xi32>], vector<16xi32>,
        %eq3A_695 = arith.constant 0 : i32
        %eq3A_696 = vector.broadcast %eq3A_695 : i32 to vector<16xi32>
        %eq3A_697 = arith.cmpi eq, %gather3A_694, %eq3A_696 : vector<16xi32>
        %and3A_698 = arith.andi %eq3A_697, %eq3A_259 : vector<16xi1>
        %jit3A_699 = arith.constant 1 : i32
        %jit3A_700 = arith.constant 0 : i32
        %broadcast_in_dim3A_701 = vector.broadcast %jit3A_699 : i32 to vector<16xi32>
        %broadcast_in_dim3A_702 = vector.broadcast %jit3A_700 : i32 to vector<16xi32>
        %select_n3A_703 = arith.select %and3A_698, %broadcast_in_dim3A_701, %broadcast_in_dim3A_702 : vector<16xi1>, vector<16xi32>
        %add3A_704 = arith.addi %add3A_679, %select_n3A_703 : vector<16xi32>
        %jit3A_705 = arith.constant 134217728 : i32
        %broadcast_in_dim3A_706 = vector.broadcast %jit3A_705 : i32 to vector<16xi32>
        %select_n3A_707 = arith.select %and3A_698, %add3A_689, %broadcast_in_dim3A_706 : vector<16xi1>, vector<16xi32>
        %min3A_708 = arith.minsi %min3A_683, %select_n3A_707 : vector<16xi32>
        %mul3A_709 = arith.constant 16 : i32
        %mul3A_710 = vector.broadcast %mul3A_709 : i32 to vector<16xi32>
        %mul3A_711 = arith.muli %select_n3A_267, %mul3A_710 : vector<16xi32>
        %add3A_712 = arith.constant 2 : i32
        %add3A_713 = vector.broadcast %add3A_712 : i32 to vector<16xi32>
        %add3A_714 = arith.addi %mul3A_711, %add3A_713 : vector<16xi32>
        %mul3A_715 = arith.constant 16 : i32
        %mul3A_716 = vector.broadcast %mul3A_715 : i32 to vector<16xi32>
        %mul3A_717 = arith.muli %add3A_714, %mul3A_716 : vector<16xi32>
        %add3A_718 = arith.addi %mul3A_717, %iota3A : vector<16xi32>
        %gather3A_719 = tpu.vector_load_idx %arg6[%add3A_718] : memref<10240xi32, #tpu.memory_space<vmem>>[vector<16xi32>], vector<16xi32>,
        %eq3A_720 = arith.constant 0 : i32
        %eq3A_721 = vector.broadcast %eq3A_720 : i32 to vector<16xi32>
        %eq3A_722 = arith.cmpi eq, %gather3A_719, %eq3A_721 : vector<16xi32>
        %and3A_723 = arith.andi %eq3A_722, %eq3A_259 : vector<16xi1>
        %jit3A_724 = arith.constant 1 : i32
        %jit3A_725 = arith.constant 0 : i32
        %broadcast_in_dim3A_726 = vector.broadcast %jit3A_724 : i32 to vector<16xi32>
        %broadcast_in_dim3A_727 = vector.broadcast %jit3A_725 : i32 to vector<16xi32>
        %select_n3A_728 = arith.select %and3A_723, %broadcast_in_dim3A_726, %broadcast_in_dim3A_727 : vector<16xi1>, vector<16xi32>
        %add3A_729 = arith.addi %add3A_704, %select_n3A_728 : vector<16xi32>
        %jit3A_730 = arith.constant 134217728 : i32
        %broadcast_in_dim3A_731 = vector.broadcast %jit3A_730 : i32 to vector<16xi32>
        %select_n3A_732 = arith.select %and3A_723, %add3A_714, %broadcast_in_dim3A_731 : vector<16xi1>, vector<16xi32>
        %min3A_733 = arith.minsi %min3A_708, %select_n3A_732 : vector<16xi32>
        %mul3A_734 = arith.constant 16 : i32
        %mul3A_735 = vector.broadcast %mul3A_734 : i32 to vector<16xi32>
        %mul3A_736 = arith.muli %select_n3A_267, %mul3A_735 : vector<16xi32>
        %add3A_737 = arith.constant 3 : i32
        %add3A_738 = vector.broadcast %add3A_737 : i32 to vector<16xi32>
        %add3A_739 = arith.addi %mul3A_736, %add3A_738 : vector<16xi32>
        %mul3A_740 = arith.constant 16 : i32
        %mul3A_741 = vector.broadcast %mul3A_740 : i32 to vector<16xi32>
        %mul3A_742 = arith.muli %add3A_739, %mul3A_741 : vector<16xi32>
        %add3A_743 = arith.addi %mul3A_742, %iota3A : vector<16xi32>
        %gather3A_744 = tpu.vector_load_idx %arg6[%add3A_743] : memref<10240xi32, #tpu.memory_space<vmem>>[vector<16xi32>], vector<16xi32>,
        %eq3A_745 = arith.constant 0 : i32
        %eq3A_746 = vector.broadcast %eq3A_745 : i32 to vector<16xi32>
        %eq3A_747 = arith.cmpi eq, %gather3A_744, %eq3A_746 : vector<16xi32>
        %and3A_748 = arith.andi %eq3A_747, %eq3A_259 : vector<16xi1>
        %jit3A_749 = arith.constant 1 : i32
        %jit3A_750 = arith.constant 0 : i32
        %broadcast_in_dim3A_751 = vector.broadcast %jit3A_749 : i32 to vector<16xi32>
        %broadcast_in_dim3A_752 = vector.broadcast %jit3A_750 : i32 to vector<16xi32>
        %select_n3A_753 = arith.select %and3A_748, %broadcast_in_dim3A_751, %broadcast_in_dim3A_752 : vector<16xi1>, vector<16xi32>
        %add3A_754 = arith.addi %add3A_729, %select_n3A_753 : vector<16xi32>
        %jit3A_755 = arith.constant 134217728 : i32
        %broadcast_in_dim3A_756 = vector.broadcast %jit3A_755 : i32 to vector<16xi32>
        %select_n3A_757 = arith.select %and3A_748, %add3A_739, %broadcast_in_dim3A_756 : vector<16xi1>, vector<16xi32>
        %min3A_758 = arith.minsi %min3A_733, %select_n3A_757 : vector<16xi32>
        %mul3A_759 = arith.constant 16 : i32
        %mul3A_760 = vector.broadcast %mul3A_759 : i32 to vector<16xi32>
        %mul3A_761 = arith.muli %select_n3A_267, %mul3A_760 : vector<16xi32>
        %add3A_762 = arith.constant 4 : i32
        %add3A_763 = vector.broadcast %add3A_762 : i32 to vector<16xi32>
        %add3A_764 = arith.addi %mul3A_761, %add3A_763 : vector<16xi32>
        %mul3A_765 = arith.constant 16 : i32
        %mul3A_766 = vector.broadcast %mul3A_765 : i32 to vector<16xi32>
        %mul3A_767 = arith.muli %add3A_764, %mul3A_766 : vector<16xi32>
        %add3A_768 = arith.addi %mul3A_767, %iota3A : vector<16xi32>
        %gather3A_769 = tpu.vector_load_idx %arg6[%add3A_768] : memref<10240xi32, #tpu.memory_space<vmem>>[vector<16xi32>], vector<16xi32>,
        %eq3A_770 = arith.constant 0 : i32
        %eq3A_771 = vector.broadcast %eq3A_770 : i32 to vector<16xi32>
        %eq3A_772 = arith.cmpi eq, %gather3A_769, %eq3A_771 : vector<16xi32>
        %and3A_773 = arith.andi %eq3A_772, %eq3A_259 : vector<16xi1>
        %jit3A_774 = arith.constant 1 : i32
        %jit3A_775 = arith.constant 0 : i32
        %broadcast_in_dim3A_776 = vector.broadcast %jit3A_774 : i32 to vector<16xi32>
        %broadcast_in_dim3A_777 = vector.broadcast %jit3A_775 : i32 to vector<16xi32>
        %select_n3A_778 = arith.select %and3A_773, %broadcast_in_dim3A_776, %broadcast_in_dim3A_777 : vector<16xi1>, vector<16xi32>
        %add3A_779 = arith.addi %add3A_754, %select_n3A_778 : vector<16xi32>
        %jit3A_780 = arith.constant 134217728 : i32
        %broadcast_in_dim3A_781 = vector.broadcast %jit3A_780 : i32 to vector<16xi32>
        %select_n3A_782 = arith.select %and3A_773, %add3A_764, %broadcast_in_dim3A_781 : vector<16xi1>, vector<16xi32>
        %min3A_783 = arith.minsi %min3A_758, %select_n3A_782 : vector<16xi32>
        %mul3A_784 = arith.constant 16 : i32
        %mul3A_785 = vector.broadcast %mul3A_784 : i32 to vector<16xi32>
        %mul3A_786 = arith.muli %select_n3A_267, %mul3A_785 : vector<16xi32>
        %add3A_787 = arith.constant 5 : i32
        %add3A_788 = vector.broadcast %add3A_787 : i32 to vector<16xi32>
        %add3A_789 = arith.addi %mul3A_786, %add3A_788 : vector<16xi32>
        %mul3A_790 = arith.constant 16 : i32
        %mul3A_791 = vector.broadcast %mul3A_790 : i32 to vector<16xi32>
        %mul3A_792 = arith.muli %add3A_789, %mul3A_791 : vector<16xi32>
        %add3A_793 = arith.addi %mul3A_792, %iota3A : vector<16xi32>
        %gather3A_794 = tpu.vector_load_idx %arg6[%add3A_793] : memref<10240xi32, #tpu.memory_space<vmem>>[vector<16xi32>], vector<16xi32>,
        %eq3A_795 = arith.constant 0 : i32
        %eq3A_796 = vector.broadcast %eq3A_795 : i32 to vector<16xi32>
        %eq3A_797 = arith.cmpi eq, %gather3A_794, %eq3A_796 : vector<16xi32>
        %and3A_798 = arith.andi %eq3A_797, %eq3A_259 : vector<16xi1>
        %jit3A_799 = arith.constant 1 : i32
        %jit3A_800 = arith.constant 0 : i32
        %broadcast_in_dim3A_801 = vector.broadcast %jit3A_799 : i32 to vector<16xi32>
        %broadcast_in_dim3A_802 = vector.broadcast %jit3A_800 : i32 to vector<16xi32>
        %select_n3A_803 = arith.select %and3A_798, %broadcast_in_dim3A_801, %broadcast_in_dim3A_802 : vector<16xi1>, vector<16xi32>
        %add3A_804 = arith.addi %add3A_779, %select_n3A_803 : vector<16xi32>
        %jit3A_805 = arith.constant 134217728 : i32
        %broadcast_in_dim3A_806 = vector.broadcast %jit3A_805 : i32 to vector<16xi32>
        %select_n3A_807 = arith.select %and3A_798, %add3A_789, %broadcast_in_dim3A_806 : vector<16xi1>, vector<16xi32>
        %min3A_808 = arith.minsi %min3A_783, %select_n3A_807 : vector<16xi32>
        %mul3A_809 = arith.constant 16 : i32
        %mul3A_810 = vector.broadcast %mul3A_809 : i32 to vector<16xi32>
        %mul3A_811 = arith.muli %select_n3A_267, %mul3A_810 : vector<16xi32>
        %add3A_812 = arith.constant 6 : i32
        %add3A_813 = vector.broadcast %add3A_812 : i32 to vector<16xi32>
        %add3A_814 = arith.addi %mul3A_811, %add3A_813 : vector<16xi32>
        %mul3A_815 = arith.constant 16 : i32
        %mul3A_816 = vector.broadcast %mul3A_815 : i32 to vector<16xi32>
        %mul3A_817 = arith.muli %add3A_814, %mul3A_816 : vector<16xi32>
        %add3A_818 = arith.addi %mul3A_817, %iota3A : vector<16xi32>
        %gather3A_819 = tpu.vector_load_idx %arg6[%add3A_818] : memref<10240xi32, #tpu.memory_space<vmem>>[vector<16xi32>], vector<16xi32>,
        %eq3A_820 = arith.constant 0 : i32
        %eq3A_821 = vector.broadcast %eq3A_820 : i32 to vector<16xi32>
        %eq3A_822 = arith.cmpi eq, %gather3A_819, %eq3A_821 : vector<16xi32>
        %and3A_823 = arith.andi %eq3A_822, %eq3A_259 : vector<16xi1>
        %jit3A_824 = arith.constant 1 : i32
        %jit3A_825 = arith.constant 0 : i32
        %broadcast_in_dim3A_826 = vector.broadcast %jit3A_824 : i32 to vector<16xi32>
        %broadcast_in_dim3A_827 = vector.broadcast %jit3A_825 : i32 to vector<16xi32>
        %select_n3A_828 = arith.select %and3A_823, %broadcast_in_dim3A_826, %broadcast_in_dim3A_827 : vector<16xi1>, vector<16xi32>
        %add3A_829 = arith.addi %add3A_804, %select_n3A_828 : vector<16xi32>
        %jit3A_830 = arith.constant 134217728 : i32
        %broadcast_in_dim3A_831 = vector.broadcast %jit3A_830 : i32 to vector<16xi32>
        %select_n3A_832 = arith.select %and3A_823, %add3A_814, %broadcast_in_dim3A_831 : vector<16xi1>, vector<16xi32>
        %min3A_833 = arith.minsi %min3A_808, %select_n3A_832 : vector<16xi32>
        %mul3A_834 = arith.constant 16 : i32
        %mul3A_835 = vector.broadcast %mul3A_834 : i32 to vector<16xi32>
        %mul3A_836 = arith.muli %select_n3A_267, %mul3A_835 : vector<16xi32>
        %add3A_837 = arith.constant 7 : i32
        %add3A_838 = vector.broadcast %add3A_837 : i32 to vector<16xi32>
        %add3A_839 = arith.addi %mul3A_836, %add3A_838 : vector<16xi32>
        %mul3A_840 = arith.constant 16 : i32
        %mul3A_841 = vector.broadcast %mul3A_840 : i32 to vector<16xi32>
        %mul3A_842 = arith.muli %add3A_839, %mul3A_841 : vector<16xi32>
        %add3A_843 = arith.addi %mul3A_842, %iota3A : vector<16xi32>
        %gather3A_844 = tpu.vector_load_idx %arg6[%add3A_843] : memref<10240xi32, #tpu.memory_space<vmem>>[vector<16xi32>], vector<16xi32>,
        %eq3A_845 = arith.constant 0 : i32
        %eq3A_846 = vector.broadcast %eq3A_845 : i32 to vector<16xi32>
        %eq3A_847 = arith.cmpi eq, %gather3A_844, %eq3A_846 : vector<16xi32>
        %and3A_848 = arith.andi %eq3A_847, %eq3A_259 : vector<16xi1>
        %jit3A_849 = arith.constant 1 : i32
        %jit3A_850 = arith.constant 0 : i32
        %broadcast_in_dim3A_851 = vector.broadcast %jit3A_849 : i32 to vector<16xi32>
        %broadcast_in_dim3A_852 = vector.broadcast %jit3A_850 : i32 to vector<16xi32>
        %select_n3A_853 = arith.select %and3A_848, %broadcast_in_dim3A_851, %broadcast_in_dim3A_852 : vector<16xi1>, vector<16xi32>
        %add3A_854 = arith.addi %add3A_829, %select_n3A_853 : vector<16xi32>
        %jit3A_855 = arith.constant 134217728 : i32
        %broadcast_in_dim3A_856 = vector.broadcast %jit3A_855 : i32 to vector<16xi32>
        %select_n3A_857 = arith.select %and3A_848, %add3A_839, %broadcast_in_dim3A_856 : vector<16xi1>, vector<16xi32>
        %min3A_858 = arith.minsi %min3A_833, %select_n3A_857 : vector<16xi32>
        %mul3A_859 = arith.constant 16 : i32
        %mul3A_860 = vector.broadcast %mul3A_859 : i32 to vector<16xi32>
        %mul3A_861 = arith.muli %select_n3A_267, %mul3A_860 : vector<16xi32>
        %add3A_862 = arith.constant 8 : i32
        %add3A_863 = vector.broadcast %add3A_862 : i32 to vector<16xi32>
        %add3A_864 = arith.addi %mul3A_861, %add3A_863 : vector<16xi32>
        %mul3A_865 = arith.constant 16 : i32
        %mul3A_866 = vector.broadcast %mul3A_865 : i32 to vector<16xi32>
        %mul3A_867 = arith.muli %add3A_864, %mul3A_866 : vector<16xi32>
        %add3A_868 = arith.addi %mul3A_867, %iota3A : vector<16xi32>
        %gather3A_869 = tpu.vector_load_idx %arg6[%add3A_868] : memref<10240xi32, #tpu.memory_space<vmem>>[vector<16xi32>], vector<16xi32>,
        %eq3A_870 = arith.constant 0 : i32
        %eq3A_871 = vector.broadcast %eq3A_870 : i32 to vector<16xi32>
        %eq3A_872 = arith.cmpi eq, %gather3A_869, %eq3A_871 : vector<16xi32>
        %and3A_873 = arith.andi %eq3A_872, %eq3A_259 : vector<16xi1>
        %jit3A_874 = arith.constant 1 : i32
        %jit3A_875 = arith.constant 0 : i32
        %broadcast_in_dim3A_876 = vector.broadcast %jit3A_874 : i32 to vector<16xi32>
        %broadcast_in_dim3A_877 = vector.broadcast %jit3A_875 : i32 to vector<16xi32>
        %select_n3A_878 = arith.select %and3A_873, %broadcast_in_dim3A_876, %broadcast_in_dim3A_877 : vector<16xi1>, vector<16xi32>
        %add3A_879 = arith.addi %add3A_854, %select_n3A_878 : vector<16xi32>
        %jit3A_880 = arith.constant 134217728 : i32
        %broadcast_in_dim3A_881 = vector.broadcast %jit3A_880 : i32 to vector<16xi32>
        %select_n3A_882 = arith.select %and3A_873, %add3A_864, %broadcast_in_dim3A_881 : vector<16xi1>, vector<16xi32>
        %min3A_883 = arith.minsi %min3A_858, %select_n3A_882 : vector<16xi32>
        %mul3A_884 = arith.constant 16 : i32
        %mul3A_885 = vector.broadcast %mul3A_884 : i32 to vector<16xi32>
        %mul3A_886 = arith.muli %select_n3A_267, %mul3A_885 : vector<16xi32>
        %add3A_887 = arith.constant 9 : i32
        %add3A_888 = vector.broadcast %add3A_887 : i32 to vector<16xi32>
        %add3A_889 = arith.addi %mul3A_886, %add3A_888 : vector<16xi32>
        %mul3A_890 = arith.constant 16 : i32
        %mul3A_891 = vector.broadcast %mul3A_890 : i32 to vector<16xi32>
        %mul3A_892 = arith.muli %add3A_889, %mul3A_891 : vector<16xi32>
        %add3A_893 = arith.addi %mul3A_892, %iota3A : vector<16xi32>
        %gather3A_894 = tpu.vector_load_idx %arg6[%add3A_893] : memref<10240xi32, #tpu.memory_space<vmem>>[vector<16xi32>], vector<16xi32>,
        %eq3A_895 = arith.constant 0 : i32
        %eq3A_896 = vector.broadcast %eq3A_895 : i32 to vector<16xi32>
        %eq3A_897 = arith.cmpi eq, %gather3A_894, %eq3A_896 : vector<16xi32>
        %and3A_898 = arith.andi %eq3A_897, %eq3A_259 : vector<16xi1>
        %jit3A_899 = arith.constant 1 : i32
        %jit3A_900 = arith.constant 0 : i32
        %broadcast_in_dim3A_901 = vector.broadcast %jit3A_899 : i32 to vector<16xi32>
        %broadcast_in_dim3A_902 = vector.broadcast %jit3A_900 : i32 to vector<16xi32>
        %select_n3A_903 = arith.select %and3A_898, %broadcast_in_dim3A_901, %broadcast_in_dim3A_902 : vector<16xi1>, vector<16xi32>
        %add3A_904 = arith.addi %add3A_879, %select_n3A_903 : vector<16xi32>
        %jit3A_905 = arith.constant 134217728 : i32
        %broadcast_in_dim3A_906 = vector.broadcast %jit3A_905 : i32 to vector<16xi32>
        %select_n3A_907 = arith.select %and3A_898, %add3A_889, %broadcast_in_dim3A_906 : vector<16xi1>, vector<16xi32>
        %min3A_908 = arith.minsi %min3A_883, %select_n3A_907 : vector<16xi32>
        %mul3A_909 = arith.constant 16 : i32
        %mul3A_910 = vector.broadcast %mul3A_909 : i32 to vector<16xi32>
        %mul3A_911 = arith.muli %select_n3A_267, %mul3A_910 : vector<16xi32>
        %add3A_912 = arith.constant 10 : i32
        %add3A_913 = vector.broadcast %add3A_912 : i32 to vector<16xi32>
        %add3A_914 = arith.addi %mul3A_911, %add3A_913 : vector<16xi32>
        %mul3A_915 = arith.constant 16 : i32
        %mul3A_916 = vector.broadcast %mul3A_915 : i32 to vector<16xi32>
        %mul3A_917 = arith.muli %add3A_914, %mul3A_916 : vector<16xi32>
        %add3A_918 = arith.addi %mul3A_917, %iota3A : vector<16xi32>
        %gather3A_919 = tpu.vector_load_idx %arg6[%add3A_918] : memref<10240xi32, #tpu.memory_space<vmem>>[vector<16xi32>], vector<16xi32>,
        %eq3A_920 = arith.constant 0 : i32
        %eq3A_921 = vector.broadcast %eq3A_920 : i32 to vector<16xi32>
        %eq3A_922 = arith.cmpi eq, %gather3A_919, %eq3A_921 : vector<16xi32>
        %and3A_923 = arith.andi %eq3A_922, %eq3A_259 : vector<16xi1>
        %jit3A_924 = arith.constant 1 : i32
        %jit3A_925 = arith.constant 0 : i32
        %broadcast_in_dim3A_926 = vector.broadcast %jit3A_924 : i32 to vector<16xi32>
        %broadcast_in_dim3A_927 = vector.broadcast %jit3A_925 : i32 to vector<16xi32>
        %select_n3A_928 = arith.select %and3A_923, %broadcast_in_dim3A_926, %broadcast_in_dim3A_927 : vector<16xi1>, vector<16xi32>
        %add3A_929 = arith.addi %add3A_904, %select_n3A_928 : vector<16xi32>
        %jit3A_930 = arith.constant 134217728 : i32
        %broadcast_in_dim3A_931 = vector.broadcast %jit3A_930 : i32 to vector<16xi32>
        %select_n3A_932 = arith.select %and3A_923, %add3A_914, %broadcast_in_dim3A_931 : vector<16xi1>, vector<16xi32>
        %min3A_933 = arith.minsi %min3A_908, %select_n3A_932 : vector<16xi32>
        %mul3A_934 = arith.constant 16 : i32
        %mul3A_935 = vector.broadcast %mul3A_934 : i32 to vector<16xi32>
        %mul3A_936 = arith.muli %select_n3A_267, %mul3A_935 : vector<16xi32>
        %add3A_937 = arith.constant 11 : i32
        %add3A_938 = vector.broadcast %add3A_937 : i32 to vector<16xi32>
        %add3A_939 = arith.addi %mul3A_936, %add3A_938 : vector<16xi32>
        %mul3A_940 = arith.constant 16 : i32
        %mul3A_941 = vector.broadcast %mul3A_940 : i32 to vector<16xi32>
        %mul3A_942 = arith.muli %add3A_939, %mul3A_941 : vector<16xi32>
        %add3A_943 = arith.addi %mul3A_942, %iota3A : vector<16xi32>
        %gather3A_944 = tpu.vector_load_idx %arg6[%add3A_943] : memref<10240xi32, #tpu.memory_space<vmem>>[vector<16xi32>], vector<16xi32>,
        %eq3A_945 = arith.constant 0 : i32
        %eq3A_946 = vector.broadcast %eq3A_945 : i32 to vector<16xi32>
        %eq3A_947 = arith.cmpi eq, %gather3A_944, %eq3A_946 : vector<16xi32>
        %and3A_948 = arith.andi %eq3A_947, %eq3A_259 : vector<16xi1>
        %jit3A_949 = arith.constant 1 : i32
        %jit3A_950 = arith.constant 0 : i32
        %broadcast_in_dim3A_951 = vector.broadcast %jit3A_949 : i32 to vector<16xi32>
        %broadcast_in_dim3A_952 = vector.broadcast %jit3A_950 : i32 to vector<16xi32>
        %select_n3A_953 = arith.select %and3A_948, %broadcast_in_dim3A_951, %broadcast_in_dim3A_952 : vector<16xi1>, vector<16xi32>
        %add3A_954 = arith.addi %add3A_929, %select_n3A_953 : vector<16xi32>
        %jit3A_955 = arith.constant 134217728 : i32
        %broadcast_in_dim3A_956 = vector.broadcast %jit3A_955 : i32 to vector<16xi32>
        %select_n3A_957 = arith.select %and3A_948, %add3A_939, %broadcast_in_dim3A_956 : vector<16xi1>, vector<16xi32>
        %min3A_958 = arith.minsi %min3A_933, %select_n3A_957 : vector<16xi32>
        %mul3A_959 = arith.constant 16 : i32
        %mul3A_960 = vector.broadcast %mul3A_959 : i32 to vector<16xi32>
        %mul3A_961 = arith.muli %select_n3A_267, %mul3A_960 : vector<16xi32>
        %add3A_962 = arith.constant 12 : i32
        %add3A_963 = vector.broadcast %add3A_962 : i32 to vector<16xi32>
        %add3A_964 = arith.addi %mul3A_961, %add3A_963 : vector<16xi32>
        %mul3A_965 = arith.constant 16 : i32
        %mul3A_966 = vector.broadcast %mul3A_965 : i32 to vector<16xi32>
        %mul3A_967 = arith.muli %add3A_964, %mul3A_966 : vector<16xi32>
        %add3A_968 = arith.addi %mul3A_967, %iota3A : vector<16xi32>
        %gather3A_969 = tpu.vector_load_idx %arg6[%add3A_968] : memref<10240xi32, #tpu.memory_space<vmem>>[vector<16xi32>], vector<16xi32>,
        %eq3A_970 = arith.constant 0 : i32
        %eq3A_971 = vector.broadcast %eq3A_970 : i32 to vector<16xi32>
        %eq3A_972 = arith.cmpi eq, %gather3A_969, %eq3A_971 : vector<16xi32>
        %and3A_973 = arith.andi %eq3A_972, %eq3A_259 : vector<16xi1>
        %jit3A_974 = arith.constant 1 : i32
        %jit3A_975 = arith.constant 0 : i32
        %broadcast_in_dim3A_976 = vector.broadcast %jit3A_974 : i32 to vector<16xi32>
        %broadcast_in_dim3A_977 = vector.broadcast %jit3A_975 : i32 to vector<16xi32>
        %select_n3A_978 = arith.select %and3A_973, %broadcast_in_dim3A_976, %broadcast_in_dim3A_977 : vector<16xi1>, vector<16xi32>
        %add3A_979 = arith.addi %add3A_954, %select_n3A_978 : vector<16xi32>
        %jit3A_980 = arith.constant 134217728 : i32
        %broadcast_in_dim3A_981 = vector.broadcast %jit3A_980 : i32 to vector<16xi32>
        %select_n3A_982 = arith.select %and3A_973, %add3A_964, %broadcast_in_dim3A_981 : vector<16xi1>, vector<16xi32>
        %min3A_983 = arith.minsi %min3A_958, %select_n3A_982 : vector<16xi32>
        %mul3A_984 = arith.constant 16 : i32
        %mul3A_985 = vector.broadcast %mul3A_984 : i32 to vector<16xi32>
        %mul3A_986 = arith.muli %select_n3A_267, %mul3A_985 : vector<16xi32>
        %add3A_987 = arith.constant 13 : i32
        %add3A_988 = vector.broadcast %add3A_987 : i32 to vector<16xi32>
        %add3A_989 = arith.addi %mul3A_986, %add3A_988 : vector<16xi32>
        %mul3A_990 = arith.constant 16 : i32
        %mul3A_991 = vector.broadcast %mul3A_990 : i32 to vector<16xi32>
        %mul3A_992 = arith.muli %add3A_989, %mul3A_991 : vector<16xi32>
        %add3A_993 = arith.addi %mul3A_992, %iota3A : vector<16xi32>
        %gather3A_994 = tpu.vector_load_idx %arg6[%add3A_993] : memref<10240xi32, #tpu.memory_space<vmem>>[vector<16xi32>], vector<16xi32>,
        %eq3A_995 = arith.constant 0 : i32
        %eq3A_996 = vector.broadcast %eq3A_995 : i32 to vector<16xi32>
        %eq3A_997 = arith.cmpi eq, %gather3A_994, %eq3A_996 : vector<16xi32>
        %and3A_998 = arith.andi %eq3A_997, %eq3A_259 : vector<16xi1>
        %jit3A_999 = arith.constant 1 : i32
        %jit3A_1000 = arith.constant 0 : i32
        %broadcast_in_dim3A_1001 = vector.broadcast %jit3A_999 : i32 to vector<16xi32>
        %broadcast_in_dim3A_1002 = vector.broadcast %jit3A_1000 : i32 to vector<16xi32>
        %select_n3A_1003 = arith.select %and3A_998, %broadcast_in_dim3A_1001, %broadcast_in_dim3A_1002 : vector<16xi1>, vector<16xi32>
        %add3A_1004 = arith.addi %add3A_979, %select_n3A_1003 : vector<16xi32>
        %jit3A_1005 = arith.constant 134217728 : i32
        %broadcast_in_dim3A_1006 = vector.broadcast %jit3A_1005 : i32 to vector<16xi32>
        %select_n3A_1007 = arith.select %and3A_998, %add3A_989, %broadcast_in_dim3A_1006 : vector<16xi1>, vector<16xi32>
        %min3A_1008 = arith.minsi %min3A_983, %select_n3A_1007 : vector<16xi32>
        %mul3A_1009 = arith.constant 16 : i32
        %mul3A_1010 = vector.broadcast %mul3A_1009 : i32 to vector<16xi32>
        %mul3A_1011 = arith.muli %select_n3A_267, %mul3A_1010 : vector<16xi32>
        %add3A_1012 = arith.constant 14 : i32
        %add3A_1013 = vector.broadcast %add3A_1012 : i32 to vector<16xi32>
        %add3A_1014 = arith.addi %mul3A_1011, %add3A_1013 : vector<16xi32>
        %mul3A_1015 = arith.constant 16 : i32
        %mul3A_1016 = vector.broadcast %mul3A_1015 : i32 to vector<16xi32>
        %mul3A_1017 = arith.muli %add3A_1014, %mul3A_1016 : vector<16xi32>
        %add3A_1018 = arith.addi %mul3A_1017, %iota3A : vector<16xi32>
        %gather3A_1019 = tpu.vector_load_idx %arg6[%add3A_1018] : memref<10240xi32, #tpu.memory_space<vmem>>[vector<16xi32>], vector<16xi32>,
        %eq3A_1020 = arith.constant 0 : i32
        %eq3A_1021 = vector.broadcast %eq3A_1020 : i32 to vector<16xi32>
        %eq3A_1022 = arith.cmpi eq, %gather3A_1019, %eq3A_1021 : vector<16xi32>
        %and3A_1023 = arith.andi %eq3A_1022, %eq3A_259 : vector<16xi1>
        %jit3A_1024 = arith.constant 1 : i32
        %jit3A_1025 = arith.constant 0 : i32
        %broadcast_in_dim3A_1026 = vector.broadcast %jit3A_1024 : i32 to vector<16xi32>
        %broadcast_in_dim3A_1027 = vector.broadcast %jit3A_1025 : i32 to vector<16xi32>
        %select_n3A_1028 = arith.select %and3A_1023, %broadcast_in_dim3A_1026, %broadcast_in_dim3A_1027 : vector<16xi1>, vector<16xi32>
        %add3A_1029 = arith.addi %add3A_1004, %select_n3A_1028 : vector<16xi32>
        %jit3A_1030 = arith.constant 134217728 : i32
        %broadcast_in_dim3A_1031 = vector.broadcast %jit3A_1030 : i32 to vector<16xi32>
        %select_n3A_1032 = arith.select %and3A_1023, %add3A_1014, %broadcast_in_dim3A_1031 : vector<16xi1>, vector<16xi32>
        %min3A_1033 = arith.minsi %min3A_1008, %select_n3A_1032 : vector<16xi32>
        %mul3A_1034 = arith.constant 16 : i32
        %mul3A_1035 = vector.broadcast %mul3A_1034 : i32 to vector<16xi32>
        %mul3A_1036 = arith.muli %select_n3A_267, %mul3A_1035 : vector<16xi32>
        %add3A_1037 = arith.constant 15 : i32
        %add3A_1038 = vector.broadcast %add3A_1037 : i32 to vector<16xi32>
        %add3A_1039 = arith.addi %mul3A_1036, %add3A_1038 : vector<16xi32>
        %mul3A_1040 = arith.constant 16 : i32
        %mul3A_1041 = vector.broadcast %mul3A_1040 : i32 to vector<16xi32>
        %mul3A_1042 = arith.muli %add3A_1039, %mul3A_1041 : vector<16xi32>
        %add3A_1043 = arith.addi %mul3A_1042, %iota3A : vector<16xi32>
        %gather3A_1044 = tpu.vector_load_idx %arg6[%add3A_1043] : memref<10240xi32, #tpu.memory_space<vmem>>[vector<16xi32>], vector<16xi32>,
        %eq3A_1045 = arith.constant 0 : i32
        %eq3A_1046 = vector.broadcast %eq3A_1045 : i32 to vector<16xi32>
        %eq3A_1047 = arith.cmpi eq, %gather3A_1044, %eq3A_1046 : vector<16xi32>
        %and3A_1048 = arith.andi %eq3A_1047, %eq3A_259 : vector<16xi1>
        %jit3A_1049 = arith.constant 1 : i32
        %jit3A_1050 = arith.constant 0 : i32
        %broadcast_in_dim3A_1051 = vector.broadcast %jit3A_1049 : i32 to vector<16xi32>
        %broadcast_in_dim3A_1052 = vector.broadcast %jit3A_1050 : i32 to vector<16xi32>
        %select_n3A_1053 = arith.select %and3A_1048, %broadcast_in_dim3A_1051, %broadcast_in_dim3A_1052 : vector<16xi1>, vector<16xi32>
        %add3A_1054 = arith.addi %add3A_1029, %select_n3A_1053 : vector<16xi32>
        %jit3A_1055 = arith.constant 134217728 : i32
        %broadcast_in_dim3A_1056 = vector.broadcast %jit3A_1055 : i32 to vector<16xi32>
        %select_n3A_1057 = arith.select %and3A_1048, %add3A_1039, %broadcast_in_dim3A_1056 : vector<16xi1>, vector<16xi32>
        %min3A_1058 = arith.minsi %min3A_1033, %select_n3A_1057 : vector<16xi32>
        %reduce_max3A_1059 = arith.constant true
        %reduce_max3A_1060 = vector.broadcast %reduce_max3A_1059 : i1 to vector<16xi1>
        %reduce_max3A_1061 = arith.constant -2147483648 : i32
        %reduce_max3A_1062 = vector.broadcast %reduce_max3A_1061 : i32 to vector<16xi32>
        %reduce_max3A_1063 = arith.xori %add3A_650, %reduce_max3A_1062 : vector<16xi32>
        %reduce_max3A_1064 = tpu.scan <max>, %reduce_max3A_1063 masked %reduce_max3A_1060 : vector<16xi32>, vector<16xi1> -> vector<16xi32>
        %reduce_max3A_1065 = arith.xori %reduce_max3A_1064, %reduce_max3A_1062 : vector<16xi32>
        %reduce_max3A_1066 = vector.extract %reduce_max3A_1065[15] : i32 from vector<16xi32>
        %reduce_max3A_1067 = arith.constant true
        %reduce_max3A_1068 = vector.broadcast %reduce_max3A_1067 : i1 to vector<16xi1>
        %reduce_max3A_1069 = arith.constant -2147483648 : i32
        %reduce_max3A_1070 = vector.broadcast %reduce_max3A_1069 : i32 to vector<16xi32>
        %reduce_max3A_1071 = arith.xori %add3A_1054, %reduce_max3A_1070 : vector<16xi32>
        %reduce_max3A_1072 = tpu.scan <max>, %reduce_max3A_1071 masked %reduce_max3A_1068 : vector<16xi32>, vector<16xi1> -> vector<16xi32>
        %reduce_max3A_1073 = arith.xori %reduce_max3A_1072, %reduce_max3A_1070 : vector<16xi32>
        %reduce_max3A_1074 = vector.extract %reduce_max3A_1073[15] : i32 from vector<16xi32>
        %max3A = arith.maxsi %reduce_max3A_1066, %reduce_max3A_1074 : i32
        %le3A_1075 = arith.constant 1 : i32
        %le3A_1076 = arith.cmpi sle, %max3A, %le3A_1075 : i32
        %convert_element_type3A_1077 = arith.extui %le3A_1076 : i1 to i32
        %cond3A_1078 = arith.constant 0 : i32
        %cond3A_1079 = arith.cmpi ne, %convert_element_type3A_1077, %cond3A_1078 : i32
        scf.if %cond3A_1079 {
          %add3A_1085 = arith.addi %add3A_650, %add3A_1054 : vector<16xi32>
          %swap3A_1086 = arith.constant 0 : index
          %swap3A_1087 = tpu.vector_load %arg11[%swap3A_1086] {strides = array<i32>} : memref<16xi32, #tpu.memory_space<vmem>>, vector<16xi32>,
          tpu.vector_store %arg11[%swap3A_1086], %add3A_1085 {strides = array<i32>} : memref<16xi32, #tpu.memory_space<vmem>>, vector<16xi32>,
          %eq3A_1088 = arith.constant 1 : i32
          %eq3A_1089 = vector.broadcast %eq3A_1088 : i32 to vector<16xi32>
          %eq3A_1090 = arith.cmpi eq, %add3A_650, %eq3A_1089 : vector<16xi32>
          %jit3A_1091 = arith.constant 0 : i32
          %broadcast_in_dim3A_1092 = vector.broadcast %jit3A_1091 : i32 to vector<16xi32>
          %select_n3A_1093 = arith.select %eq3A_1090, %min3A_654, %broadcast_in_dim3A_1092 : vector<16xi1>, vector<16xi32>
          %mul3A_1094 = arith.constant 16 : i32
          %mul3A_1095 = vector.broadcast %mul3A_1094 : i32 to vector<16xi32>
          %mul3A_1096 = arith.muli %select_n3A_1093, %mul3A_1095 : vector<16xi32>
          %add3A_1097 = arith.addi %mul3A_1096, %iota3A : vector<16xi32>
          %gather3A_1098 = tpu.vector_load_idx %arg7[%add3A_1097] : memref<10240xi32, #tpu.memory_space<vmem>>[vector<16xi32>], vector<16xi32>,
          %jit3A_1099 = arith.constant 0 : i32
          %broadcast_in_dim3A_1100 = vector.broadcast %jit3A_1099 : i32 to vector<16xi32>
          %select_n3A_1101 = arith.select %eq3A_1090, %gather3A_1098, %broadcast_in_dim3A_1100 : vector<16xi1>, vector<16xi32>
          %broadcast_in_dim3A_1102 = arith.constant 0 : i32
          %broadcast_in_dim3A_1103 = vector.broadcast %broadcast_in_dim3A_1102 : i32 to vector<16xi32>
          %swap3A_1104 = arith.constant 0 : index
          %swap3A_1105 = tpu.vector_load %arg8[%swap3A_1104] {strides = array<i32>} : memref<16xi32, #tpu.memory_space<vmem>>, vector<16xi32>,
          tpu.vector_store %arg8[%swap3A_1104], %broadcast_in_dim3A_1103 {strides = array<i32>} : memref<16xi32, #tpu.memory_space<vmem>>, vector<16xi32>,
          %swap3A_1106 = arith.constant 0 : index
          %swap3A_1107 = tpu.vector_load %arg8[%swap3A_1106] masked %eq3A_1090 {strides = array<i32>} : memref<16xi32, #tpu.memory_space<vmem>>, vector<16xi32>, vector<16xi1>
          tpu.vector_store %arg8[%swap3A_1106], %select_n3A_1101 masked %eq3A_1090 {strides = array<i32>} : memref<16xi32, #tpu.memory_space<vmem>>, vector<16xi32>, vector<16xi1>
          %reduce_sum3A_1108 = arith.constant true
          %reduce_sum3A_1109 = vector.broadcast %reduce_sum3A_1108 : i1 to vector<16xi1>
          %reduce_sum3A_1110 = tpu.scan <sum>, %add3A_650 masked %reduce_sum3A_1109 : vector<16xi32>, vector<16xi1> -> vector<16xi32>
          %reduce_sum3A_1111 = vector.extract %reduce_sum3A_1110[15] : i32 from vector<16xi32>
          %dma_start3A_1112 = arith.constant 0 : i32
          %dma_start3A_1113 = arith.constant 0 : i32
          %dma_start3A_1114 = tpu.memref_slice %arg2[%dma_start3A_1112, %dma_start3A_1113] : memref<10000x128xf32, #tpu.memory_space<hbm>> -> memref<10000x128xf32, #tpu.memory_space<hbm>>
          tpu.enqueue_indirect_dma source(%dma_start3A_1114 : memref<10000x128xf32, #tpu.memory_space<hbm>>) target(%arg9 : memref<16x128xf32, #tpu.memory_space<vmem>>) offsets(%arg8 : memref<16xi32, #tpu.memory_space<vmem>>) semaphore(%arg18 : memref<!tpu.dma_semaphore, #tpu.memory_space<semaphore_mem>>)
          %dma_wait3A_1115 = arith.constant 0 : i32
          %dma_wait3A_1116 = arith.constant 0 : i32
          %dma_wait3A_1117 = tpu.memref_slice %arg2[%dma_wait3A_1115, %dma_wait3A_1116] : memref<10000x128xf32, #tpu.memory_space<hbm>> -> memref<10000x128xf32, #tpu.memory_space<hbm>>
          tpu.wait_indirect_dma semaphore(%arg18 : memref<!tpu.dma_semaphore, #tpu.memory_space<semaphore_mem>>) src(%dma_wait3A_1117 : memref<10000x128xf32, #tpu.memory_space<hbm>>) dst(%arg9 : memref<16x128xf32, #tpu.memory_space<vmem>>)
          %while3A_1118 = arith.constant 0 : i32
          %while3A_1119 = arith.constant 0 : i32
          %while3A_1120 = arith.subi %reduce_sum3A_1111, %while3A_1119 : i32
          %while3A_1121 = arith.addi %while3A_1119, %while3A_1120 : i32
          %while3A_1122 = arith.constant 1 : i32
          %while3A_1123 = arith.divsi %while3A_1120, %while3A_1122 : i32
          %while3A_1124 = arith.muli %while3A_1123, %while3A_1122 : i32
          %while3A_1125 = arith.addi %while3A_1119, %while3A_1124 : i32
          %while3A_1126 = arith.constant 1 : i32
          scf.for %while3A_1137 = %while3A_1119 to %while3A_1125 step %while3A_1126  : i32 {
            %get3A_1138 = arith.constant 0 : index
            %get3A_1139 = tpu.vector_load %arg10[%get3A_1138] {strides = array<i32>} : memref<128xf32, #tpu.memory_space<vmem>>, vector<16xf32>,
            %get3A_1140 = arith.index_cast %while3A_1137 : i32 to index
            %get3A_1141 = arith.constant 0 : index
            %get3A_1142 = tpu.vector_load %arg9[%get3A_1140, %get3A_1141] {strides = array<i32>} : memref<16x128xf32, #tpu.memory_space<vmem>>, vector<16xf32>,
            %add3A_1143 = arith.addf %get3A_1139, %get3A_1142 : vector<16xf32>
            %swap3A_1144 = arith.constant 0 : index
            %swap3A_1145 = tpu.vector_load %arg10[%swap3A_1144] {strides = array<i32>} : memref<128xf32, #tpu.memory_space<vmem>>, vector<16xf32>,
            tpu.vector_store %arg10[%swap3A_1144], %add3A_1143 {strides = array<i32>} : memref<128xf32, #tpu.memory_space<vmem>>, vector<16xf32>,
            %get3A_1146 = arith.constant 16 : index
            %get3A_1147 = tpu.vector_load %arg10[%get3A_1146] {strides = array<i32>} : memref<128xf32, #tpu.memory_space<vmem>>, vector<16xf32>,
            %get3A_1148 = arith.index_cast %while3A_1137 : i32 to index
            %get3A_1149 = arith.constant 16 : index
            %get3A_1150 = tpu.vector_load %arg9[%get3A_1148, %get3A_1149] {strides = array<i32>} : memref<16x128xf32, #tpu.memory_space<vmem>>, vector<16xf32>,
            %add3A_1151 = arith.addf %get3A_1147, %get3A_1150 : vector<16xf32>
            %swap3A_1152 = arith.constant 16 : index
            %swap3A_1153 = tpu.vector_load %arg10[%swap3A_1152] {strides = array<i32>} : memref<128xf32, #tpu.memory_space<vmem>>, vector<16xf32>,
            tpu.vector_store %arg10[%swap3A_1152], %add3A_1151 {strides = array<i32>} : memref<128xf32, #tpu.memory_space<vmem>>, vector<16xf32>,
            %get3A_1154 = arith.constant 32 : index
            %get3A_1155 = tpu.vector_load %arg10[%get3A_1154] {strides = array<i32>} : memref<128xf32, #tpu.memory_space<vmem>>, vector<16xf32>,
            %get3A_1156 = arith.index_cast %while3A_1137 : i32 to index
            %get3A_1157 = arith.constant 32 : index
            %get3A_1158 = tpu.vector_load %arg9[%get3A_1156, %get3A_1157] {strides = array<i32>} : memref<16x128xf32, #tpu.memory_space<vmem>>, vector<16xf32>,
            %add3A_1159 = arith.addf %get3A_1155, %get3A_1158 : vector<16xf32>
            %swap3A_1160 = arith.constant 32 : index
            %swap3A_1161 = tpu.vector_load %arg10[%swap3A_1160] {strides = array<i32>} : memref<128xf32, #tpu.memory_space<vmem>>, vector<16xf32>,
            tpu.vector_store %arg10[%swap3A_1160], %add3A_1159 {strides = array<i32>} : memref<128xf32, #tpu.memory_space<vmem>>, vector<16xf32>,
            %get3A_1162 = arith.constant 48 : index
            %get3A_1163 = tpu.vector_load %arg10[%get3A_1162] {strides = array<i32>} : memref<128xf32, #tpu.memory_space<vmem>>, vector<16xf32>,
            %get3A_1164 = arith.index_cast %while3A_1137 : i32 to index
            %get3A_1165 = arith.constant 48 : index
            %get3A_1166 = tpu.vector_load %arg9[%get3A_1164, %get3A_1165] {strides = array<i32>} : memref<16x128xf32, #tpu.memory_space<vmem>>, vector<16xf32>,
            %add3A_1167 = arith.addf %get3A_1163, %get3A_1166 : vector<16xf32>
            %swap3A_1168 = arith.constant 48 : index
            %swap3A_1169 = tpu.vector_load %arg10[%swap3A_1168] {strides = array<i32>} : memref<128xf32, #tpu.memory_space<vmem>>, vector<16xf32>,
            tpu.vector_store %arg10[%swap3A_1168], %add3A_1167 {strides = array<i32>} : memref<128xf32, #tpu.memory_space<vmem>>, vector<16xf32>,
            %get3A_1170 = arith.constant 64 : index
            %get3A_1171 = tpu.vector_load %arg10[%get3A_1170] {strides = array<i32>} : memref<128xf32, #tpu.memory_space<vmem>>, vector<16xf32>,
            %get3A_1172 = arith.index_cast %while3A_1137 : i32 to index
            %get3A_1173 = arith.constant 64 : index
            %get3A_1174 = tpu.vector_load %arg9[%get3A_1172, %get3A_1173] {strides = array<i32>} : memref<16x128xf32, #tpu.memory_space<vmem>>, vector<16xf32>,
            %add3A_1175 = arith.addf %get3A_1171, %get3A_1174 : vector<16xf32>
            %swap3A_1176 = arith.constant 64 : index
            %swap3A_1177 = tpu.vector_load %arg10[%swap3A_1176] {strides = array<i32>} : memref<128xf32, #tpu.memory_space<vmem>>, vector<16xf32>,
            tpu.vector_store %arg10[%swap3A_1176], %add3A_1175 {strides = array<i32>} : memref<128xf32, #tpu.memory_space<vmem>>, vector<16xf32>,
            %get3A_1178 = arith.constant 80 : index
            %get3A_1179 = tpu.vector_load %arg10[%get3A_1178] {strides = array<i32>} : memref<128xf32, #tpu.memory_space<vmem>>, vector<16xf32>,
            %get3A_1180 = arith.index_cast %while3A_1137 : i32 to index
            %get3A_1181 = arith.constant 80 : index
            %get3A_1182 = tpu.vector_load %arg9[%get3A_1180, %get3A_1181] {strides = array<i32>} : memref<16x128xf32, #tpu.memory_space<vmem>>, vector<16xf32>,
            %add3A_1183 = arith.addf %get3A_1179, %get3A_1182 : vector<16xf32>
            %swap3A_1184 = arith.constant 80 : index
            %swap3A_1185 = tpu.vector_load %arg10[%swap3A_1184] {strides = array<i32>} : memref<128xf32, #tpu.memory_space<vmem>>, vector<16xf32>,
            tpu.vector_store %arg10[%swap3A_1184], %add3A_1183 {strides = array<i32>} : memref<128xf32, #tpu.memory_space<vmem>>, vector<16xf32>,
            %get3A_1186 = arith.constant 96 : index
            %get3A_1187 = tpu.vector_load %arg10[%get3A_1186] {strides = array<i32>} : memref<128xf32, #tpu.memory_space<vmem>>, vector<16xf32>,
            %get3A_1188 = arith.index_cast %while3A_1137 : i32 to index
            %get3A_1189 = arith.constant 96 : index
            %get3A_1190 = tpu.vector_load %arg9[%get3A_1188, %get3A_1189] {strides = array<i32>} : memref<16x128xf32, #tpu.memory_space<vmem>>, vector<16xf32>,
            %add3A_1191 = arith.addf %get3A_1187, %get3A_1190 : vector<16xf32>
            %swap3A_1192 = arith.constant 96 : index
            %swap3A_1193 = tpu.vector_load %arg10[%swap3A_1192] {strides = array<i32>} : memref<128xf32, #tpu.memory_space<vmem>>, vector<16xf32>,
            tpu.vector_store %arg10[%swap3A_1192], %add3A_1191 {strides = array<i32>} : memref<128xf32, #tpu.memory_space<vmem>>, vector<16xf32>,
            %get3A_1194 = arith.constant 112 : index
            %get3A_1195 = tpu.vector_load %arg10[%get3A_1194] {strides = array<i32>} : memref<128xf32, #tpu.memory_space<vmem>>, vector<16xf32>,
            %get3A_1196 = arith.index_cast %while3A_1137 : i32 to index
            %get3A_1197 = arith.constant 112 : index
            %get3A_1198 = tpu.vector_load %arg9[%get3A_1196, %get3A_1197] {strides = array<i32>} : memref<16x128xf32, #tpu.memory_space<vmem>>, vector<16xf32>,
            %add3A_1199 = arith.addf %get3A_1195, %get3A_1198 : vector<16xf32>
            %swap3A_1200 = arith.constant 112 : index
            %swap3A_1201 = tpu.vector_load %arg10[%swap3A_1200] {strides = array<i32>} : memref<128xf32, #tpu.memory_space<vmem>>, vector<16xf32>,
            tpu.vector_store %arg10[%swap3A_1200], %add3A_1199 {strides = array<i32>} : memref<128xf32, #tpu.memory_space<vmem>>, vector<16xf32>,
          }
          %while3A_1127 = arith.constant 1 : i32
          scf.for %while3A_1137 = %while3A_1125 to %while3A_1121 step %while3A_1127  : i32 {
            %get3A_1138 = arith.constant 0 : index
            %get3A_1139 = tpu.vector_load %arg10[%get3A_1138] {strides = array<i32>} : memref<128xf32, #tpu.memory_space<vmem>>, vector<16xf32>,
            %get3A_1140 = arith.index_cast %while3A_1137 : i32 to index
            %get3A_1141 = arith.constant 0 : index
            %get3A_1142 = tpu.vector_load %arg9[%get3A_1140, %get3A_1141] {strides = array<i32>} : memref<16x128xf32, #tpu.memory_space<vmem>>, vector<16xf32>,
            %add3A_1143 = arith.addf %get3A_1139, %get3A_1142 : vector<16xf32>
            %swap3A_1144 = arith.constant 0 : index
            %swap3A_1145 = tpu.vector_load %arg10[%swap3A_1144] {strides = array<i32>} : memref<128xf32, #tpu.memory_space<vmem>>, vector<16xf32>,
            tpu.vector_store %arg10[%swap3A_1144], %add3A_1143 {strides = array<i32>} : memref<128xf32, #tpu.memory_space<vmem>>, vector<16xf32>,
            %get3A_1146 = arith.constant 16 : index
            %get3A_1147 = tpu.vector_load %arg10[%get3A_1146] {strides = array<i32>} : memref<128xf32, #tpu.memory_space<vmem>>, vector<16xf32>,
            %get3A_1148 = arith.index_cast %while3A_1137 : i32 to index
            %get3A_1149 = arith.constant 16 : index
            %get3A_1150 = tpu.vector_load %arg9[%get3A_1148, %get3A_1149] {strides = array<i32>} : memref<16x128xf32, #tpu.memory_space<vmem>>, vector<16xf32>,
            %add3A_1151 = arith.addf %get3A_1147, %get3A_1150 : vector<16xf32>
            %swap3A_1152 = arith.constant 16 : index
            %swap3A_1153 = tpu.vector_load %arg10[%swap3A_1152] {strides = array<i32>} : memref<128xf32, #tpu.memory_space<vmem>>, vector<16xf32>,
            tpu.vector_store %arg10[%swap3A_1152], %add3A_1151 {strides = array<i32>} : memref<128xf32, #tpu.memory_space<vmem>>, vector<16xf32>,
            %get3A_1154 = arith.constant 32 : index
            %get3A_1155 = tpu.vector_load %arg10[%get3A_1154] {strides = array<i32>} : memref<128xf32, #tpu.memory_space<vmem>>, vector<16xf32>,
            %get3A_1156 = arith.index_cast %while3A_1137 : i32 to index
            %get3A_1157 = arith.constant 32 : index
            %get3A_1158 = tpu.vector_load %arg9[%get3A_1156, %get3A_1157] {strides = array<i32>} : memref<16x128xf32, #tpu.memory_space<vmem>>, vector<16xf32>,
            %add3A_1159 = arith.addf %get3A_1155, %get3A_1158 : vector<16xf32>
            %swap3A_1160 = arith.constant 32 : index
            %swap3A_1161 = tpu.vector_load %arg10[%swap3A_1160] {strides = array<i32>} : memref<128xf32, #tpu.memory_space<vmem>>, vector<16xf32>,
            tpu.vector_store %arg10[%swap3A_1160], %add3A_1159 {strides = array<i32>} : memref<128xf32, #tpu.memory_space<vmem>>, vector<16xf32>,
            %get3A_1162 = arith.constant 48 : index
            %get3A_1163 = tpu.vector_load %arg10[%get3A_1162] {strides = array<i32>} : memref<128xf32, #tpu.memory_space<vmem>>, vector<16xf32>,
            %get3A_1164 = arith.index_cast %while3A_1137 : i32 to index
            %get3A_1165 = arith.constant 48 : index
            %get3A_1166 = tpu.vector_load %arg9[%get3A_1164, %get3A_1165] {strides = array<i32>} : memref<16x128xf32, #tpu.memory_space<vmem>>, vector<16xf32>,
            %add3A_1167 = arith.addf %get3A_1163, %get3A_1166 : vector<16xf32>
            %swap3A_1168 = arith.constant 48 : index
            %swap3A_1169 = tpu.vector_load %arg10[%swap3A_1168] {strides = array<i32>} : memref<128xf32, #tpu.memory_space<vmem>>, vector<16xf32>,
            tpu.vector_store %arg10[%swap3A_1168], %add3A_1167 {strides = array<i32>} : memref<128xf32, #tpu.memory_space<vmem>>, vector<16xf32>,
            %get3A_1170 = arith.constant 64 : index
            %get3A_1171 = tpu.vector_load %arg10[%get3A_1170] {strides = array<i32>} : memref<128xf32, #tpu.memory_space<vmem>>, vector<16xf32>,
            %get3A_1172 = arith.index_cast %while3A_1137 : i32 to index
            %get3A_1173 = arith.constant 64 : index
            %get3A_1174 = tpu.vector_load %arg9[%get3A_1172, %get3A_1173] {strides = array<i32>} : memref<16x128xf32, #tpu.memory_space<vmem>>, vector<16xf32>,
            %add3A_1175 = arith.addf %get3A_1171, %get3A_1174 : vector<16xf32>
            %swap3A_1176 = arith.constant 64 : index
            %swap3A_1177 = tpu.vector_load %arg10[%swap3A_1176] {strides = array<i32>} : memref<128xf32, #tpu.memory_space<vmem>>, vector<16xf32>,
            tpu.vector_store %arg10[%swap3A_1176], %add3A_1175 {strides = array<i32>} : memref<128xf32, #tpu.memory_space<vmem>>, vector<16xf32>,
            %get3A_1178 = arith.constant 80 : index
            %get3A_1179 = tpu.vector_load %arg10[%get3A_1178] {strides = array<i32>} : memref<128xf32, #tpu.memory_space<vmem>>, vector<16xf32>,
            %get3A_1180 = arith.index_cast %while3A_1137 : i32 to index
            %get3A_1181 = arith.constant 80 : index
            %get3A_1182 = tpu.vector_load %arg9[%get3A_1180, %get3A_1181] {strides = array<i32>} : memref<16x128xf32, #tpu.memory_space<vmem>>, vector<16xf32>,
            %add3A_1183 = arith.addf %get3A_1179, %get3A_1182 : vector<16xf32>
            %swap3A_1184 = arith.constant 80 : index
            %swap3A_1185 = tpu.vector_load %arg10[%swap3A_1184] {strides = array<i32>} : memref<128xf32, #tpu.memory_space<vmem>>, vector<16xf32>,
            tpu.vector_store %arg10[%swap3A_1184], %add3A_1183 {strides = array<i32>} : memref<128xf32, #tpu.memory_space<vmem>>, vector<16xf32>,
            %get3A_1186 = arith.constant 96 : index
            %get3A_1187 = tpu.vector_load %arg10[%get3A_1186] {strides = array<i32>} : memref<128xf32, #tpu.memory_space<vmem>>, vector<16xf32>,
            %get3A_1188 = arith.index_cast %while3A_1137 : i32 to index
            %get3A_1189 = arith.constant 96 : index
            %get3A_1190 = tpu.vector_load %arg9[%get3A_1188, %get3A_1189] {strides = array<i32>} : memref<16x128xf32, #tpu.memory_space<vmem>>, vector<16xf32>,
            %add3A_1191 = arith.addf %get3A_1187, %get3A_1190 : vector<16xf32>
            %swap3A_1192 = arith.constant 96 : index
            %swap3A_1193 = tpu.vector_load %arg10[%swap3A_1192] {strides = array<i32>} : memref<128xf32, #tpu.memory_space<vmem>>, vector<16xf32>,
            tpu.vector_store %arg10[%swap3A_1192], %add3A_1191 {strides = array<i32>} : memref<128xf32, #tpu.memory_space<vmem>>, vector<16xf32>,
            %get3A_1194 = arith.constant 112 : index
            %get3A_1195 = tpu.vector_load %arg10[%get3A_1194] {strides = array<i32>} : memref<128xf32, #tpu.memory_space<vmem>>, vector<16xf32>,
            %get3A_1196 = arith.index_cast %while3A_1137 : i32 to index
            %get3A_1197 = arith.constant 112 : index
            %get3A_1198 = tpu.vector_load %arg9[%get3A_1196, %get3A_1197] {strides = array<i32>} : memref<16x128xf32, #tpu.memory_space<vmem>>, vector<16xf32>,
            %add3A_1199 = arith.addf %get3A_1195, %get3A_1198 : vector<16xf32>
            %swap3A_1200 = arith.constant 112 : index
            %swap3A_1201 = tpu.vector_load %arg10[%swap3A_1200] {strides = array<i32>} : memref<128xf32, #tpu.memory_space<vmem>>, vector<16xf32>,
            tpu.vector_store %arg10[%swap3A_1200], %add3A_1199 {strides = array<i32>} : memref<128xf32, #tpu.memory_space<vmem>>, vector<16xf32>,
          }
          %reduce_sum3A_1128 = arith.constant true
          %reduce_sum3A_1129 = vector.broadcast %reduce_sum3A_1128 : i1 to vector<16xi1>
          %reduce_sum3A_1130 = tpu.scan <sum>, %add3A_1054 masked %reduce_sum3A_1129 : vector<16xi32>, vector<16xi1> -> vector<16xi32>
          %reduce_sum3A_1131 = vector.extract %reduce_sum3A_1130[15] : i32 from vector<16xi32>
          %gt3A_1132 = arith.constant 0 : i32
          %gt3A_1133 = arith.cmpi sgt, %reduce_sum3A_1131, %gt3A_1132 : i32
          %convert_element_type3A_1134 = arith.extui %gt3A_1133 : i1 to i32
          %cond3A_1135 = arith.constant 0 : i32
          %cond3A_1136 = arith.cmpi ne, %convert_element_type3A_1134, %cond3A_1135 : i32
          scf.if %cond3A_1136 {
            %eq3A_1137 = arith.constant 1 : i32
            %eq3A_1138 = vector.broadcast %eq3A_1137 : i32 to vector<16xi32>
            %eq3A_1139 = arith.cmpi eq, %add3A_1054, %eq3A_1138 : vector<16xi32>
            %jit3A_1140 = arith.constant 0 : i32
            %broadcast_in_dim3A_1141 = vector.broadcast %jit3A_1140 : i32 to vector<16xi32>
            %select_n3A_1142 = arith.select %eq3A_1139, %min3A_1058, %broadcast_in_dim3A_1141 : vector<16xi1>, vector<16xi32>
            %mul3A_1143 = arith.constant 16 : i32
            %mul3A_1144 = vector.broadcast %mul3A_1143 : i32 to vector<16xi32>
            %mul3A_1145 = arith.muli %select_n3A_1142, %mul3A_1144 : vector<16xi32>
            %add3A_1146 = arith.addi %mul3A_1145, %iota3A : vector<16xi32>
            %gather3A_1147 = tpu.vector_load_idx %arg7[%add3A_1146] : memref<10240xi32, #tpu.memory_space<vmem>>[vector<16xi32>], vector<16xi32>,
            %jit3A_1148 = arith.constant 0 : i32
            %broadcast_in_dim3A_1149 = vector.broadcast %jit3A_1148 : i32 to vector<16xi32>
            %select_n3A_1150 = arith.select %eq3A_1139, %gather3A_1147, %broadcast_in_dim3A_1149 : vector<16xi1>, vector<16xi32>
            %broadcast_in_dim3A_1151 = arith.constant 0 : i32
            %broadcast_in_dim3A_1152 = vector.broadcast %broadcast_in_dim3A_1151 : i32 to vector<16xi32>
            %swap3A_1153 = arith.constant 0 : index
            %swap3A_1154 = tpu.vector_load %arg8[%swap3A_1153] {strides = array<i32>} : memref<16xi32, #tpu.memory_space<vmem>>, vector<16xi32>,
            tpu.vector_store %arg8[%swap3A_1153], %broadcast_in_dim3A_1152 {strides = array<i32>} : memref<16xi32, #tpu.memory_space<vmem>>, vector<16xi32>,
            %swap3A_1155 = arith.constant 0 : index
            %swap3A_1156 = tpu.vector_load %arg8[%swap3A_1155] masked %eq3A_1139 {strides = array<i32>} : memref<16xi32, #tpu.memory_space<vmem>>, vector<16xi32>, vector<16xi1>
            tpu.vector_store %arg8[%swap3A_1155], %select_n3A_1150 masked %eq3A_1139 {strides = array<i32>} : memref<16xi32, #tpu.memory_space<vmem>>, vector<16xi32>, vector<16xi1>
            %dma_start3A_1157 = arith.constant 0 : i32
            %dma_start3A_1158 = arith.constant 0 : i32
            %dma_start3A_1159 = tpu.memref_slice %arg2[%dma_start3A_1157, %dma_start3A_1158] : memref<10000x128xf32, #tpu.memory_space<hbm>> -> memref<10000x128xf32, #tpu.memory_space<hbm>>
            tpu.enqueue_indirect_dma source(%dma_start3A_1159 : memref<10000x128xf32, #tpu.memory_space<hbm>>) target(%arg9 : memref<16x128xf32, #tpu.memory_space<vmem>>) offsets(%arg8 : memref<16xi32, #tpu.memory_space<vmem>>) semaphore(%arg18 : memref<!tpu.dma_semaphore, #tpu.memory_space<semaphore_mem>>)
            %dma_wait3A_1160 = arith.constant 0 : i32
            %dma_wait3A_1161 = arith.constant 0 : i32
            %dma_wait3A_1162 = tpu.memref_slice %arg2[%dma_wait3A_1160, %dma_wait3A_1161] : memref<10000x128xf32, #tpu.memory_space<hbm>> -> memref<10000x128xf32, #tpu.memory_space<hbm>>
            tpu.wait_indirect_dma semaphore(%arg18 : memref<!tpu.dma_semaphore, #tpu.memory_space<semaphore_mem>>) src(%dma_wait3A_1162 : memref<10000x128xf32, #tpu.memory_space<hbm>>) dst(%arg9 : memref<16x128xf32, #tpu.memory_space<vmem>>)
            %while3A_1163 = arith.constant 0 : i32
            %while3A_1164 = arith.constant 0 : i32
            %while3A_1165 = arith.subi %reduce_sum3A_1131, %while3A_1164 : i32
            %while3A_1166 = arith.addi %while3A_1164, %while3A_1165 : i32
            %while3A_1167 = arith.constant 1 : i32
            %while3A_1168 = arith.divsi %while3A_1165, %while3A_1167 : i32
            %while3A_1169 = arith.muli %while3A_1168, %while3A_1167 : i32
            %while3A_1170 = arith.addi %while3A_1164, %while3A_1169 : i32
            %while3A_1171 = arith.constant 1 : i32
            scf.for %while3A_1173 = %while3A_1164 to %while3A_1170 step %while3A_1171  : i32 {
              %get3A_1174 = arith.constant 0 : index
              %get3A_1175 = tpu.vector_load %arg10[%get3A_1174] {strides = array<i32>} : memref<128xf32, #tpu.memory_space<vmem>>, vector<16xf32>,
              %get3A_1176 = arith.index_cast %while3A_1173 : i32 to index
              %get3A_1177 = arith.constant 0 : index
              %get3A_1178 = tpu.vector_load %arg9[%get3A_1176, %get3A_1177] {strides = array<i32>} : memref<16x128xf32, #tpu.memory_space<vmem>>, vector<16xf32>,
              %add3A_1179 = arith.addf %get3A_1175, %get3A_1178 : vector<16xf32>
              %swap3A_1180 = arith.constant 0 : index
              %swap3A_1181 = tpu.vector_load %arg10[%swap3A_1180] {strides = array<i32>} : memref<128xf32, #tpu.memory_space<vmem>>, vector<16xf32>,
              tpu.vector_store %arg10[%swap3A_1180], %add3A_1179 {strides = array<i32>} : memref<128xf32, #tpu.memory_space<vmem>>, vector<16xf32>,
              %get3A_1182 = arith.constant 16 : index
              %get3A_1183 = tpu.vector_load %arg10[%get3A_1182] {strides = array<i32>} : memref<128xf32, #tpu.memory_space<vmem>>, vector<16xf32>,
              %get3A_1184 = arith.index_cast %while3A_1173 : i32 to index
              %get3A_1185 = arith.constant 16 : index
              %get3A_1186 = tpu.vector_load %arg9[%get3A_1184, %get3A_1185] {strides = array<i32>} : memref<16x128xf32, #tpu.memory_space<vmem>>, vector<16xf32>,
              %add3A_1187 = arith.addf %get3A_1183, %get3A_1186 : vector<16xf32>
              %swap3A_1188 = arith.constant 16 : index
              %swap3A_1189 = tpu.vector_load %arg10[%swap3A_1188] {strides = array<i32>} : memref<128xf32, #tpu.memory_space<vmem>>, vector<16xf32>,
              tpu.vector_store %arg10[%swap3A_1188], %add3A_1187 {strides = array<i32>} : memref<128xf32, #tpu.memory_space<vmem>>, vector<16xf32>,
              %get3A_1190 = arith.constant 32 : index
              %get3A_1191 = tpu.vector_load %arg10[%get3A_1190] {strides = array<i32>} : memref<128xf32, #tpu.memory_space<vmem>>, vector<16xf32>,
              %get3A_1192 = arith.index_cast %while3A_1173 : i32 to index
              %get3A_1193 = arith.constant 32 : index
              %get3A_1194 = tpu.vector_load %arg9[%get3A_1192, %get3A_1193] {strides = array<i32>} : memref<16x128xf32, #tpu.memory_space<vmem>>, vector<16xf32>,
              %add3A_1195 = arith.addf %get3A_1191, %get3A_1194 : vector<16xf32>
              %swap3A_1196 = arith.constant 32 : index
              %swap3A_1197 = tpu.vector_load %arg10[%swap3A_1196] {strides = array<i32>} : memref<128xf32, #tpu.memory_space<vmem>>, vector<16xf32>,
              tpu.vector_store %arg10[%swap3A_1196], %add3A_1195 {strides = array<i32>} : memref<128xf32, #tpu.memory_space<vmem>>, vector<16xf32>,
              %get3A_1198 = arith.constant 48 : index
              %get3A_1199 = tpu.vector_load %arg10[%get3A_1198] {strides = array<i32>} : memref<128xf32, #tpu.memory_space<vmem>>, vector<16xf32>,
              %get3A_1200 = arith.index_cast %while3A_1173 : i32 to index
              %get3A_1201 = arith.constant 48 : index
              %get3A_1202 = tpu.vector_load %arg9[%get3A_1200, %get3A_1201] {strides = array<i32>} : memref<16x128xf32, #tpu.memory_space<vmem>>, vector<16xf32>,
              %add3A_1203 = arith.addf %get3A_1199, %get3A_1202 : vector<16xf32>
              %swap3A_1204 = arith.constant 48 : index
              %swap3A_1205 = tpu.vector_load %arg10[%swap3A_1204] {strides = array<i32>} : memref<128xf32, #tpu.memory_space<vmem>>, vector<16xf32>,
              tpu.vector_store %arg10[%swap3A_1204], %add3A_1203 {strides = array<i32>} : memref<128xf32, #tpu.memory_space<vmem>>, vector<16xf32>,
              %get3A_1206 = arith.constant 64 : index
              %get3A_1207 = tpu.vector_load %arg10[%get3A_1206] {strides = array<i32>} : memref<128xf32, #tpu.memory_space<vmem>>, vector<16xf32>,
              %get3A_1208 = arith.index_cast %while3A_1173 : i32 to index
              %get3A_1209 = arith.constant 64 : index
              %get3A_1210 = tpu.vector_load %arg9[%get3A_1208, %get3A_1209] {strides = array<i32>} : memref<16x128xf32, #tpu.memory_space<vmem>>, vector<16xf32>,
              %add3A_1211 = arith.addf %get3A_1207, %get3A_1210 : vector<16xf32>
              %swap3A_1212 = arith.constant 64 : index
              %swap3A_1213 = tpu.vector_load %arg10[%swap3A_1212] {strides = array<i32>} : memref<128xf32, #tpu.memory_space<vmem>>, vector<16xf32>,
              tpu.vector_store %arg10[%swap3A_1212], %add3A_1211 {strides = array<i32>} : memref<128xf32, #tpu.memory_space<vmem>>, vector<16xf32>,
              %get3A_1214 = arith.constant 80 : index
              %get3A_1215 = tpu.vector_load %arg10[%get3A_1214] {strides = array<i32>} : memref<128xf32, #tpu.memory_space<vmem>>, vector<16xf32>,
              %get3A_1216 = arith.index_cast %while3A_1173 : i32 to index
              %get3A_1217 = arith.constant 80 : index
              %get3A_1218 = tpu.vector_load %arg9[%get3A_1216, %get3A_1217] {strides = array<i32>} : memref<16x128xf32, #tpu.memory_space<vmem>>, vector<16xf32>,
              %add3A_1219 = arith.addf %get3A_1215, %get3A_1218 : vector<16xf32>
              %swap3A_1220 = arith.constant 80 : index
              %swap3A_1221 = tpu.vector_load %arg10[%swap3A_1220] {strides = array<i32>} : memref<128xf32, #tpu.memory_space<vmem>>, vector<16xf32>,
              tpu.vector_store %arg10[%swap3A_1220], %add3A_1219 {strides = array<i32>} : memref<128xf32, #tpu.memory_space<vmem>>, vector<16xf32>,
              %get3A_1222 = arith.constant 96 : index
              %get3A_1223 = tpu.vector_load %arg10[%get3A_1222] {strides = array<i32>} : memref<128xf32, #tpu.memory_space<vmem>>, vector<16xf32>,
              %get3A_1224 = arith.index_cast %while3A_1173 : i32 to index
              %get3A_1225 = arith.constant 96 : index
              %get3A_1226 = tpu.vector_load %arg9[%get3A_1224, %get3A_1225] {strides = array<i32>} : memref<16x128xf32, #tpu.memory_space<vmem>>, vector<16xf32>,
              %add3A_1227 = arith.addf %get3A_1223, %get3A_1226 : vector<16xf32>
              %swap3A_1228 = arith.constant 96 : index
              %swap3A_1229 = tpu.vector_load %arg10[%swap3A_1228] {strides = array<i32>} : memref<128xf32, #tpu.memory_space<vmem>>, vector<16xf32>,
              tpu.vector_store %arg10[%swap3A_1228], %add3A_1227 {strides = array<i32>} : memref<128xf32, #tpu.memory_space<vmem>>, vector<16xf32>,
              %get3A_1230 = arith.constant 112 : index
              %get3A_1231 = tpu.vector_load %arg10[%get3A_1230] {strides = array<i32>} : memref<128xf32, #tpu.memory_space<vmem>>, vector<16xf32>,
              %get3A_1232 = arith.index_cast %while3A_1173 : i32 to index
              %get3A_1233 = arith.constant 112 : index
              %get3A_1234 = tpu.vector_load %arg9[%get3A_1232, %get3A_1233] {strides = array<i32>} : memref<16x128xf32, #tpu.memory_space<vmem>>, vector<16xf32>,
              %add3A_1235 = arith.addf %get3A_1231, %get3A_1234 : vector<16xf32>
              %swap3A_1236 = arith.constant 112 : index
              %swap3A_1237 = tpu.vector_load %arg10[%swap3A_1236] {strides = array<i32>} : memref<128xf32, #tpu.memory_space<vmem>>, vector<16xf32>,
              tpu.vector_store %arg10[%swap3A_1236], %add3A_1235 {strides = array<i32>} : memref<128xf32, #tpu.memory_space<vmem>>, vector<16xf32>,
            }
            %while3A_1172 = arith.constant 1 : i32
            scf.for %while3A_1173 = %while3A_1170 to %while3A_1166 step %while3A_1172  : i32 {
              %get3A_1174 = arith.constant 0 : index
              %get3A_1175 = tpu.vector_load %arg10[%get3A_1174] {strides = array<i32>} : memref<128xf32, #tpu.memory_space<vmem>>, vector<16xf32>,
              %get3A_1176 = arith.index_cast %while3A_1173 : i32 to index
              %get3A_1177 = arith.constant 0 : index
              %get3A_1178 = tpu.vector_load %arg9[%get3A_1176, %get3A_1177] {strides = array<i32>} : memref<16x128xf32, #tpu.memory_space<vmem>>, vector<16xf32>,
              %add3A_1179 = arith.addf %get3A_1175, %get3A_1178 : vector<16xf32>
              %swap3A_1180 = arith.constant 0 : index
              %swap3A_1181 = tpu.vector_load %arg10[%swap3A_1180] {strides = array<i32>} : memref<128xf32, #tpu.memory_space<vmem>>, vector<16xf32>,
              tpu.vector_store %arg10[%swap3A_1180], %add3A_1179 {strides = array<i32>} : memref<128xf32, #tpu.memory_space<vmem>>, vector<16xf32>,
              %get3A_1182 = arith.constant 16 : index
              %get3A_1183 = tpu.vector_load %arg10[%get3A_1182] {strides = array<i32>} : memref<128xf32, #tpu.memory_space<vmem>>, vector<16xf32>,
              %get3A_1184 = arith.index_cast %while3A_1173 : i32 to index
              %get3A_1185 = arith.constant 16 : index
              %get3A_1186 = tpu.vector_load %arg9[%get3A_1184, %get3A_1185] {strides = array<i32>} : memref<16x128xf32, #tpu.memory_space<vmem>>, vector<16xf32>,
              %add3A_1187 = arith.addf %get3A_1183, %get3A_1186 : vector<16xf32>
              %swap3A_1188 = arith.constant 16 : index
              %swap3A_1189 = tpu.vector_load %arg10[%swap3A_1188] {strides = array<i32>} : memref<128xf32, #tpu.memory_space<vmem>>, vector<16xf32>,
              tpu.vector_store %arg10[%swap3A_1188], %add3A_1187 {strides = array<i32>} : memref<128xf32, #tpu.memory_space<vmem>>, vector<16xf32>,
              %get3A_1190 = arith.constant 32 : index
              %get3A_1191 = tpu.vector_load %arg10[%get3A_1190] {strides = array<i32>} : memref<128xf32, #tpu.memory_space<vmem>>, vector<16xf32>,
              %get3A_1192 = arith.index_cast %while3A_1173 : i32 to index
              %get3A_1193 = arith.constant 32 : index
              %get3A_1194 = tpu.vector_load %arg9[%get3A_1192, %get3A_1193] {strides = array<i32>} : memref<16x128xf32, #tpu.memory_space<vmem>>, vector<16xf32>,
              %add3A_1195 = arith.addf %get3A_1191, %get3A_1194 : vector<16xf32>
              %swap3A_1196 = arith.constant 32 : index
              %swap3A_1197 = tpu.vector_load %arg10[%swap3A_1196] {strides = array<i32>} : memref<128xf32, #tpu.memory_space<vmem>>, vector<16xf32>,
              tpu.vector_store %arg10[%swap3A_1196], %add3A_1195 {strides = array<i32>} : memref<128xf32, #tpu.memory_space<vmem>>, vector<16xf32>,
              %get3A_1198 = arith.constant 48 : index
              %get3A_1199 = tpu.vector_load %arg10[%get3A_1198] {strides = array<i32>} : memref<128xf32, #tpu.memory_space<vmem>>, vector<16xf32>,
              %get3A_1200 = arith.index_cast %while3A_1173 : i32 to index
              %get3A_1201 = arith.constant 48 : index
              %get3A_1202 = tpu.vector_load %arg9[%get3A_1200, %get3A_1201] {strides = array<i32>} : memref<16x128xf32, #tpu.memory_space<vmem>>, vector<16xf32>,
              %add3A_1203 = arith.addf %get3A_1199, %get3A_1202 : vector<16xf32>
              %swap3A_1204 = arith.constant 48 : index
              %swap3A_1205 = tpu.vector_load %arg10[%swap3A_1204] {strides = array<i32>} : memref<128xf32, #tpu.memory_space<vmem>>, vector<16xf32>,
              tpu.vector_store %arg10[%swap3A_1204], %add3A_1203 {strides = array<i32>} : memref<128xf32, #tpu.memory_space<vmem>>, vector<16xf32>,
              %get3A_1206 = arith.constant 64 : index
              %get3A_1207 = tpu.vector_load %arg10[%get3A_1206] {strides = array<i32>} : memref<128xf32, #tpu.memory_space<vmem>>, vector<16xf32>,
              %get3A_1208 = arith.index_cast %while3A_1173 : i32 to index
              %get3A_1209 = arith.constant 64 : index
              %get3A_1210 = tpu.vector_load %arg9[%get3A_1208, %get3A_1209] {strides = array<i32>} : memref<16x128xf32, #tpu.memory_space<vmem>>, vector<16xf32>,
              %add3A_1211 = arith.addf %get3A_1207, %get3A_1210 : vector<16xf32>
              %swap3A_1212 = arith.constant 64 : index
              %swap3A_1213 = tpu.vector_load %arg10[%swap3A_1212] {strides = array<i32>} : memref<128xf32, #tpu.memory_space<vmem>>, vector<16xf32>,
              tpu.vector_store %arg10[%swap3A_1212], %add3A_1211 {strides = array<i32>} : memref<128xf32, #tpu.memory_space<vmem>>, vector<16xf32>,
              %get3A_1214 = arith.constant 80 : index
              %get3A_1215 = tpu.vector_load %arg10[%get3A_1214] {strides = array<i32>} : memref<128xf32, #tpu.memory_space<vmem>>, vector<16xf32>,
              %get3A_1216 = arith.index_cast %while3A_1173 : i32 to index
              %get3A_1217 = arith.constant 80 : index
              %get3A_1218 = tpu.vector_load %arg9[%get3A_1216, %get3A_1217] {strides = array<i32>} : memref<16x128xf32, #tpu.memory_space<vmem>>, vector<16xf32>,
              %add3A_1219 = arith.addf %get3A_1215, %get3A_1218 : vector<16xf32>
              %swap3A_1220 = arith.constant 80 : index
              %swap3A_1221 = tpu.vector_load %arg10[%swap3A_1220] {strides = array<i32>} : memref<128xf32, #tpu.memory_space<vmem>>, vector<16xf32>,
              tpu.vector_store %arg10[%swap3A_1220], %add3A_1219 {strides = array<i32>} : memref<128xf32, #tpu.memory_space<vmem>>, vector<16xf32>,
              %get3A_1222 = arith.constant 96 : index
              %get3A_1223 = tpu.vector_load %arg10[%get3A_1222] {strides = array<i32>} : memref<128xf32, #tpu.memory_space<vmem>>, vector<16xf32>,
              %get3A_1224 = arith.index_cast %while3A_1173 : i32 to index
              %get3A_1225 = arith.constant 96 : index
              %get3A_1226 = tpu.vector_load %arg9[%get3A_1224, %get3A_1225] {strides = array<i32>} : memref<16x128xf32, #tpu.memory_space<vmem>>, vector<16xf32>,
              %add3A_1227 = arith.addf %get3A_1223, %get3A_1226 : vector<16xf32>
              %swap3A_1228 = arith.constant 96 : index
              %swap3A_1229 = tpu.vector_load %arg10[%swap3A_1228] {strides = array<i32>} : memref<128xf32, #tpu.memory_space<vmem>>, vector<16xf32>,
              tpu.vector_store %arg10[%swap3A_1228], %add3A_1227 {strides = array<i32>} : memref<128xf32, #tpu.memory_space<vmem>>, vector<16xf32>,
              %get3A_1230 = arith.constant 112 : index
              %get3A_1231 = tpu.vector_load %arg10[%get3A_1230] {strides = array<i32>} : memref<128xf32, #tpu.memory_space<vmem>>, vector<16xf32>,
              %get3A_1232 = arith.index_cast %while3A_1173 : i32 to index
              %get3A_1233 = arith.constant 112 : index
              %get3A_1234 = tpu.vector_load %arg9[%get3A_1232, %get3A_1233] {strides = array<i32>} : memref<16x128xf32, #tpu.memory_space<vmem>>, vector<16xf32>,
              %add3A_1235 = arith.addf %get3A_1231, %get3A_1234 : vector<16xf32>
              %swap3A_1236 = arith.constant 112 : index
              %swap3A_1237 = tpu.vector_load %arg10[%swap3A_1236] {strides = array<i32>} : memref<128xf32, #tpu.memory_space<vmem>>, vector<16xf32>,
              tpu.vector_store %arg10[%swap3A_1236], %add3A_1235 {strides = array<i32>} : memref<128xf32, #tpu.memory_space<vmem>>, vector<16xf32>,
            }
          } else {
          }
        } else {
        }
        %gt3A_1080 = arith.constant 1 : i32
        %gt3A_1081 = arith.cmpi sgt, %max3A, %gt3A_1080 : i32
        %convert_element_type3A_1082 = arith.extui %gt3A_1081 : i1 to i32
        %cond3A_1083 = arith.constant 0 : i32
        %cond3A_1084 = arith.cmpi ne, %convert_element_type3A_1082, %cond3A_1083 : i32
        scf.if %cond3A_1084 {
          %scan3A_1085 = arith.constant 0 : i32
          %scan3A_1086 = arith.constant 0 : i32
          %scan3A_1087 = arith.constant 40 : i32
          %scan3A_1088 = arith.addi %scan3A_1086, %scan3A_1087 : i32
          %scan3A_1089 = arith.constant 1 : i32
          scf.for %scan3A_1091 = %scan3A_1086 to %scan3A_1088 step %scan3A_1089  : i32 {
            %mul3A_1092 = arith.constant 16 : i32
            %mul3A_1093 = arith.muli %scan3A_1091, %mul3A_1092 : i32
            %mul3A_1094 = arith.constant 16 : i32
            %mul3A_1095 = arith.muli %mul3A_1093, %mul3A_1094 : i32
            %get3A_1096 = arith.index_cast %mul3A_1095 : i32 to index
            %get3A_1097 = tpu.vector_load %arg6[%get3A_1096] {strides = array<i32>} : memref<10240xi32, #tpu.memory_space<vmem>>, vector<16xi32>,
            %add3A_1098 = arith.constant 16 : i32
            %add3A_1099 = arith.addi %mul3A_1095, %add3A_1098 : i32
            %get3A_1100 = arith.index_cast %add3A_1099 : i32 to index
            %get3A_1101 = tpu.vector_load %arg6[%get3A_1100] {strides = array<i32>} : memref<10240xi32, #tpu.memory_space<vmem>>, vector<16xi32>,
            %min3A_1102 = arith.minsi %get3A_1097, %get3A_1101 : vector<16xi32>
            %add3A_1103 = arith.constant 32 : i32
            %add3A_1104 = arith.addi %mul3A_1095, %add3A_1103 : i32
            %get3A_1105 = arith.index_cast %add3A_1104 : i32 to index
            %get3A_1106 = tpu.vector_load %arg6[%get3A_1105] {strides = array<i32>} : memref<10240xi32, #tpu.memory_space<vmem>>, vector<16xi32>,
            %min3A_1107 = arith.minsi %min3A_1102, %get3A_1106 : vector<16xi32>
            %add3A_1108 = arith.constant 48 : i32
            %add3A_1109 = arith.addi %mul3A_1095, %add3A_1108 : i32
            %get3A_1110 = arith.index_cast %add3A_1109 : i32 to index
            %get3A_1111 = tpu.vector_load %arg6[%get3A_1110] {strides = array<i32>} : memref<10240xi32, #tpu.memory_space<vmem>>, vector<16xi32>,
            %min3A_1112 = arith.minsi %min3A_1107, %get3A_1111 : vector<16xi32>
            %add3A_1113 = arith.constant 64 : i32
            %add3A_1114 = arith.addi %mul3A_1095, %add3A_1113 : i32
            %get3A_1115 = arith.index_cast %add3A_1114 : i32 to index
            %get3A_1116 = tpu.vector_load %arg6[%get3A_1115] {strides = array<i32>} : memref<10240xi32, #tpu.memory_space<vmem>>, vector<16xi32>,
            %min3A_1117 = arith.minsi %min3A_1112, %get3A_1116 : vector<16xi32>
            %add3A_1118 = arith.constant 80 : i32
            %add3A_1119 = arith.addi %mul3A_1095, %add3A_1118 : i32
            %get3A_1120 = arith.index_cast %add3A_1119 : i32 to index
            %get3A_1121 = tpu.vector_load %arg6[%get3A_1120] {strides = array<i32>} : memref<10240xi32, #tpu.memory_space<vmem>>, vector<16xi32>,
            %min3A_1122 = arith.minsi %min3A_1117, %get3A_1121 : vector<16xi32>
            %add3A_1123 = arith.constant 96 : i32
            %add3A_1124 = arith.addi %mul3A_1095, %add3A_1123 : i32
            %get3A_1125 = arith.index_cast %add3A_1124 : i32 to index
            %get3A_1126 = tpu.vector_load %arg6[%get3A_1125] {strides = array<i32>} : memref<10240xi32, #tpu.memory_space<vmem>>, vector<16xi32>,
            %min3A_1127 = arith.minsi %min3A_1122, %get3A_1126 : vector<16xi32>
            %add3A_1128 = arith.constant 112 : i32
            %add3A_1129 = arith.addi %mul3A_1095, %add3A_1128 : i32
            %get3A_1130 = arith.index_cast %add3A_1129 : i32 to index
            %get3A_1131 = tpu.vector_load %arg6[%get3A_1130] {strides = array<i32>} : memref<10240xi32, #tpu.memory_space<vmem>>, vector<16xi32>,
            %min3A_1132 = arith.minsi %min3A_1127, %get3A_1131 : vector<16xi32>
            %add3A_1133 = arith.constant 128 : i32
            %add3A_1134 = arith.addi %mul3A_1095, %add3A_1133 : i32
            %get3A_1135 = arith.index_cast %add3A_1134 : i32 to index
            %get3A_1136 = tpu.vector_load %arg6[%get3A_1135] {strides = array<i32>} : memref<10240xi32, #tpu.memory_space<vmem>>, vector<16xi32>,
            %min3A_1137 = arith.minsi %min3A_1132, %get3A_1136 : vector<16xi32>
            %add3A_1138 = arith.constant 144 : i32
            %add3A_1139 = arith.addi %mul3A_1095, %add3A_1138 : i32
            %get3A_1140 = arith.index_cast %add3A_1139 : i32 to index
            %get3A_1141 = tpu.vector_load %arg6[%get3A_1140] {strides = array<i32>} : memref<10240xi32, #tpu.memory_space<vmem>>, vector<16xi32>,
            %min3A_1142 = arith.minsi %min3A_1137, %get3A_1141 : vector<16xi32>
            %add3A_1143 = arith.constant 160 : i32
            %add3A_1144 = arith.addi %mul3A_1095, %add3A_1143 : i32
            %get3A_1145 = arith.index_cast %add3A_1144 : i32 to index
            %get3A_1146 = tpu.vector_load %arg6[%get3A_1145] {strides = array<i32>} : memref<10240xi32, #tpu.memory_space<vmem>>, vector<16xi32>,
            %min3A_1147 = arith.minsi %min3A_1142, %get3A_1146 : vector<16xi32>
            %add3A_1148 = arith.constant 176 : i32
            %add3A_1149 = arith.addi %mul3A_1095, %add3A_1148 : i32
            %get3A_1150 = arith.index_cast %add3A_1149 : i32 to index
            %get3A_1151 = tpu.vector_load %arg6[%get3A_1150] {strides = array<i32>} : memref<10240xi32, #tpu.memory_space<vmem>>, vector<16xi32>,
            %min3A_1152 = arith.minsi %min3A_1147, %get3A_1151 : vector<16xi32>
            %add3A_1153 = arith.constant 192 : i32
            %add3A_1154 = arith.addi %mul3A_1095, %add3A_1153 : i32
            %get3A_1155 = arith.index_cast %add3A_1154 : i32 to index
            %get3A_1156 = tpu.vector_load %arg6[%get3A_1155] {strides = array<i32>} : memref<10240xi32, #tpu.memory_space<vmem>>, vector<16xi32>,
            %min3A_1157 = arith.minsi %min3A_1152, %get3A_1156 : vector<16xi32>
            %add3A_1158 = arith.constant 208 : i32
            %add3A_1159 = arith.addi %mul3A_1095, %add3A_1158 : i32
            %get3A_1160 = arith.index_cast %add3A_1159 : i32 to index
            %get3A_1161 = tpu.vector_load %arg6[%get3A_1160] {strides = array<i32>} : memref<10240xi32, #tpu.memory_space<vmem>>, vector<16xi32>,
            %min3A_1162 = arith.minsi %min3A_1157, %get3A_1161 : vector<16xi32>
            %add3A_1163 = arith.constant 224 : i32
            %add3A_1164 = arith.addi %mul3A_1095, %add3A_1163 : i32
            %get3A_1165 = arith.index_cast %add3A_1164 : i32 to index
            %get3A_1166 = tpu.vector_load %arg6[%get3A_1165] {strides = array<i32>} : memref<10240xi32, #tpu.memory_space<vmem>>, vector<16xi32>,
            %min3A_1167 = arith.minsi %min3A_1162, %get3A_1166 : vector<16xi32>
            %add3A_1168 = arith.constant 240 : i32
            %add3A_1169 = arith.addi %mul3A_1095, %add3A_1168 : i32
            %get3A_1170 = arith.index_cast %add3A_1169 : i32 to index
            %get3A_1171 = tpu.vector_load %arg6[%get3A_1170] {strides = array<i32>} : memref<10240xi32, #tpu.memory_space<vmem>>, vector<16xi32>,
            %min3A_1172 = arith.minsi %min3A_1167, %get3A_1171 : vector<16xi32>
            %reduce_min3A = arith.constant true
            %reduce_min3A_1173 = vector.broadcast %reduce_min3A : i1 to vector<16xi1>
            %reduce_min3A_1174 = arith.constant -2147483648 : i32
            %reduce_min3A_1175 = vector.broadcast %reduce_min3A_1174 : i32 to vector<16xi32>
            %reduce_min3A_1176 = arith.xori %min3A_1172, %reduce_min3A_1175 : vector<16xi32>
            %reduce_min3A_1177 = tpu.scan <min>, %reduce_min3A_1176 masked %reduce_min3A_1173 : vector<16xi32>, vector<16xi1> -> vector<16xi32>
            %reduce_min3A_1178 = arith.xori %reduce_min3A_1177, %reduce_min3A_1175 : vector<16xi32>
            %reduce_min3A_1179 = vector.extract %reduce_min3A_1178[15] : i32 from vector<16xi32>
            %eq3A_1180 = arith.constant 0 : i32
            %eq3A_1181 = arith.cmpi eq, %reduce_min3A_1179, %eq3A_1180 : i32
            %convert_element_type3A_1182 = arith.extui %eq3A_1181 : i1 to i32
            %cond3A_1183 = arith.constant 0 : i32
            %cond3A_1184 = arith.cmpi ne, %convert_element_type3A_1182, %cond3A_1183 : i32
            scf.if %cond3A_1184 {
              %mul3A_1185 = arith.constant 16 : i32
              %mul3A_1186 = arith.muli %scan3A_1091, %mul3A_1185 : i32
              %add3A_1187 = arith.constant 1 : i32
              %add3A_1188 = arith.addi %scan3A_1091, %add3A_1187 : i32
              %mul3A_1189 = arith.constant 16 : i32
              %mul3A_1190 = arith.muli %add3A_1188, %mul3A_1189 : i32
              %while3A_1191 = arith.constant 0 : i32
              %while3A_1192 = arith.subi %mul3A_1190, %mul3A_1186 : i32
              %while3A_1193 = arith.addi %mul3A_1186, %while3A_1192 : i32
              %while3A_1194 = arith.constant 1 : i32
              %while3A_1195 = arith.divsi %while3A_1192, %while3A_1194 : i32
              %while3A_1196 = arith.muli %while3A_1195, %while3A_1194 : i32
              %while3A_1197 = arith.addi %mul3A_1186, %while3A_1196 : i32
              %while3A_1198 = arith.constant 1 : i32
              scf.for %while3A_1200 = %mul3A_1186 to %while3A_1197 step %while3A_1198  : i32 {
                %mul3A_1201 = arith.constant 16 : i32
                %mul3A_1202 = arith.muli %while3A_1200, %mul3A_1201 : i32
                %get3A_1203 = arith.index_cast %mul3A_1202 : i32 to index
                %get3A_1204 = tpu.vector_load %arg6[%get3A_1203] {strides = array<i32>} : memref<10240xi32, #tpu.memory_space<vmem>>, vector<16xi32>,
                %eq3A_1205 = arith.constant 0 : i32
                %eq3A_1206 = vector.broadcast %eq3A_1205 : i32 to vector<16xi32>
                %eq3A_1207 = arith.cmpi eq, %get3A_1204, %eq3A_1206 : vector<16xi32>
                %jit3A_1208 = arith.constant 1 : i32
                %jit3A_1209 = arith.constant 0 : i32
                %broadcast_in_dim3A_1210 = vector.broadcast %jit3A_1208 : i32 to vector<16xi32>
                %broadcast_in_dim3A_1211 = vector.broadcast %jit3A_1209 : i32 to vector<16xi32>
                %select_n3A_1212 = arith.select %eq3A_1207, %broadcast_in_dim3A_1210, %broadcast_in_dim3A_1211 : vector<16xi1>, vector<16xi32>
                %reduce_sum3A_1213 = arith.constant true
                %reduce_sum3A_1214 = vector.broadcast %reduce_sum3A_1213 : i1 to vector<16xi1>
                %reduce_sum3A_1215 = tpu.scan <sum>, %select_n3A_1212 masked %reduce_sum3A_1214 : vector<16xi32>, vector<16xi1> -> vector<16xi32>
                %reduce_sum3A_1216 = vector.extract %reduce_sum3A_1215[15] : i32 from vector<16xi32>
                %gt3A_1217 = arith.constant 0 : i32
                %gt3A_1218 = arith.cmpi sgt, %reduce_sum3A_1216, %gt3A_1217 : i32
                %convert_element_type3A_1219 = arith.extui %gt3A_1218 : i1 to i32
                %cond3A_1220 = arith.constant 0 : i32
                %cond3A_1221 = arith.cmpi ne, %convert_element_type3A_1219, %cond3A_1220 : i32
                scf.if %cond3A_1221 {
                  %get3A_1222 = arith.index_cast %mul3A_1202 : i32 to index
                  %get3A_1223 = tpu.vector_load %arg7[%get3A_1222] {strides = array<i32>} : memref<10240xi32, #tpu.memory_space<vmem>>, vector<16xi32>,
                  %broadcast_in_dim3A_1224 = arith.constant 0 : i32
                  %broadcast_in_dim3A_1225 = vector.broadcast %broadcast_in_dim3A_1224 : i32 to vector<16xi32>
                  %swap3A_1226 = arith.constant 0 : index
                  %swap3A_1227 = tpu.vector_load %arg8[%swap3A_1226] {strides = array<i32>} : memref<16xi32, #tpu.memory_space<vmem>>, vector<16xi32>,
                  tpu.vector_store %arg8[%swap3A_1226], %broadcast_in_dim3A_1225 {strides = array<i32>} : memref<16xi32, #tpu.memory_space<vmem>>, vector<16xi32>,
                  %swap3A_1228 = arith.constant 0 : index
                  %swap3A_1229 = tpu.vector_load %arg8[%swap3A_1228] masked %eq3A_1207 {strides = array<i32>} : memref<16xi32, #tpu.memory_space<vmem>>, vector<16xi32>, vector<16xi1>
                  tpu.vector_store %arg8[%swap3A_1228], %get3A_1223 masked %eq3A_1207 {strides = array<i32>} : memref<16xi32, #tpu.memory_space<vmem>>, vector<16xi32>, vector<16xi1>
                  %get3A_1230 = arith.constant 0 : index
                  %get3A_1231 = tpu.vector_load %arg11[%get3A_1230] {strides = array<i32>} : memref<16xi32, #tpu.memory_space<vmem>>, vector<16xi32>,
                  %add3A_1232 = arith.addi %get3A_1231, %select_n3A_1212 : vector<16xi32>
                  %swap3A_1233 = arith.constant 0 : index
                  %swap3A_1234 = tpu.vector_load %arg11[%swap3A_1233] {strides = array<i32>} : memref<16xi32, #tpu.memory_space<vmem>>, vector<16xi32>,
                  tpu.vector_store %arg11[%swap3A_1233], %add3A_1232 {strides = array<i32>} : memref<16xi32, #tpu.memory_space<vmem>>, vector<16xi32>,
                  %dma_start3A_1235 = arith.constant 0 : i32
                  %dma_start3A_1236 = arith.constant 0 : i32
                  %dma_start3A_1237 = tpu.memref_slice %arg2[%dma_start3A_1235, %dma_start3A_1236] : memref<10000x128xf32, #tpu.memory_space<hbm>> -> memref<10000x128xf32, #tpu.memory_space<hbm>>
                  tpu.enqueue_indirect_dma source(%dma_start3A_1237 : memref<10000x128xf32, #tpu.memory_space<hbm>>) target(%arg9 : memref<16x128xf32, #tpu.memory_space<vmem>>) offsets(%arg8 : memref<16xi32, #tpu.memory_space<vmem>>) semaphore(%arg18 : memref<!tpu.dma_semaphore, #tpu.memory_space<semaphore_mem>>)
                  %dma_wait3A_1238 = arith.constant 0 : i32
                  %dma_wait3A_1239 = arith.constant 0 : i32
                  %dma_wait3A_1240 = tpu.memref_slice %arg2[%dma_wait3A_1238, %dma_wait3A_1239] : memref<10000x128xf32, #tpu.memory_space<hbm>> -> memref<10000x128xf32, #tpu.memory_space<hbm>>
                  tpu.wait_indirect_dma semaphore(%arg18 : memref<!tpu.dma_semaphore, #tpu.memory_space<semaphore_mem>>) src(%dma_wait3A_1240 : memref<10000x128xf32, #tpu.memory_space<hbm>>) dst(%arg9 : memref<16x128xf32, #tpu.memory_space<vmem>>)
                  %while3A_1241 = arith.constant 0 : i32
                  %while3A_1242 = arith.constant 0 : i32
                  %while3A_1243 = arith.subi %reduce_sum3A_1216, %while3A_1242 : i32
                  %while3A_1244 = arith.addi %while3A_1242, %while3A_1243 : i32
                  %while3A_1245 = arith.constant 1 : i32
                  %while3A_1246 = arith.divsi %while3A_1243, %while3A_1245 : i32
                  %while3A_1247 = arith.muli %while3A_1246, %while3A_1245 : i32
                  %while3A_1248 = arith.addi %while3A_1242, %while3A_1247 : i32
                  %while3A_1249 = arith.constant 1 : i32
                  scf.for %while3A_1251 = %while3A_1242 to %while3A_1248 step %while3A_1249  : i32 {
                    %get3A_1252 = arith.constant 0 : index
                    %get3A_1253 = tpu.vector_load %arg10[%get3A_1252] {strides = array<i32>} : memref<128xf32, #tpu.memory_space<vmem>>, vector<16xf32>,
                    %get3A_1254 = arith.index_cast %while3A_1251 : i32 to index
                    %get3A_1255 = arith.constant 0 : index
                    %get3A_1256 = tpu.vector_load %arg9[%get3A_1254, %get3A_1255] {strides = array<i32>} : memref<16x128xf32, #tpu.memory_space<vmem>>, vector<16xf32>,
                    %add3A_1257 = arith.addf %get3A_1253, %get3A_1256 : vector<16xf32>
                    %swap3A_1258 = arith.constant 0 : index
                    %swap3A_1259 = tpu.vector_load %arg10[%swap3A_1258] {strides = array<i32>} : memref<128xf32, #tpu.memory_space<vmem>>, vector<16xf32>,
                    tpu.vector_store %arg10[%swap3A_1258], %add3A_1257 {strides = array<i32>} : memref<128xf32, #tpu.memory_space<vmem>>, vector<16xf32>,
                    %get3A_1260 = arith.constant 16 : index
                    %get3A_1261 = tpu.vector_load %arg10[%get3A_1260] {strides = array<i32>} : memref<128xf32, #tpu.memory_space<vmem>>, vector<16xf32>,
                    %get3A_1262 = arith.index_cast %while3A_1251 : i32 to index
                    %get3A_1263 = arith.constant 16 : index
                    %get3A_1264 = tpu.vector_load %arg9[%get3A_1262, %get3A_1263] {strides = array<i32>} : memref<16x128xf32, #tpu.memory_space<vmem>>, vector<16xf32>,
                    %add3A_1265 = arith.addf %get3A_1261, %get3A_1264 : vector<16xf32>
                    %swap3A_1266 = arith.constant 16 : index
                    %swap3A_1267 = tpu.vector_load %arg10[%swap3A_1266] {strides = array<i32>} : memref<128xf32, #tpu.memory_space<vmem>>, vector<16xf32>,
                    tpu.vector_store %arg10[%swap3A_1266], %add3A_1265 {strides = array<i32>} : memref<128xf32, #tpu.memory_space<vmem>>, vector<16xf32>,
                    %get3A_1268 = arith.constant 32 : index
                    %get3A_1269 = tpu.vector_load %arg10[%get3A_1268] {strides = array<i32>} : memref<128xf32, #tpu.memory_space<vmem>>, vector<16xf32>,
                    %get3A_1270 = arith.index_cast %while3A_1251 : i32 to index
                    %get3A_1271 = arith.constant 32 : index
                    %get3A_1272 = tpu.vector_load %arg9[%get3A_1270, %get3A_1271] {strides = array<i32>} : memref<16x128xf32, #tpu.memory_space<vmem>>, vector<16xf32>,
                    %add3A_1273 = arith.addf %get3A_1269, %get3A_1272 : vector<16xf32>
                    %swap3A_1274 = arith.constant 32 : index
                    %swap3A_1275 = tpu.vector_load %arg10[%swap3A_1274] {strides = array<i32>} : memref<128xf32, #tpu.memory_space<vmem>>, vector<16xf32>,
                    tpu.vector_store %arg10[%swap3A_1274], %add3A_1273 {strides = array<i32>} : memref<128xf32, #tpu.memory_space<vmem>>, vector<16xf32>,
                    %get3A_1276 = arith.constant 48 : index
                    %get3A_1277 = tpu.vector_load %arg10[%get3A_1276] {strides = array<i32>} : memref<128xf32, #tpu.memory_space<vmem>>, vector<16xf32>,
                    %get3A_1278 = arith.index_cast %while3A_1251 : i32 to index
                    %get3A_1279 = arith.constant 48 : index
                    %get3A_1280 = tpu.vector_load %arg9[%get3A_1278, %get3A_1279] {strides = array<i32>} : memref<16x128xf32, #tpu.memory_space<vmem>>, vector<16xf32>,
                    %add3A_1281 = arith.addf %get3A_1277, %get3A_1280 : vector<16xf32>
                    %swap3A_1282 = arith.constant 48 : index
                    %swap3A_1283 = tpu.vector_load %arg10[%swap3A_1282] {strides = array<i32>} : memref<128xf32, #tpu.memory_space<vmem>>, vector<16xf32>,
                    tpu.vector_store %arg10[%swap3A_1282], %add3A_1281 {strides = array<i32>} : memref<128xf32, #tpu.memory_space<vmem>>, vector<16xf32>,
                    %get3A_1284 = arith.constant 64 : index
                    %get3A_1285 = tpu.vector_load %arg10[%get3A_1284] {strides = array<i32>} : memref<128xf32, #tpu.memory_space<vmem>>, vector<16xf32>,
                    %get3A_1286 = arith.index_cast %while3A_1251 : i32 to index
                    %get3A_1287 = arith.constant 64 : index
                    %get3A_1288 = tpu.vector_load %arg9[%get3A_1286, %get3A_1287] {strides = array<i32>} : memref<16x128xf32, #tpu.memory_space<vmem>>, vector<16xf32>,
                    %add3A_1289 = arith.addf %get3A_1285, %get3A_1288 : vector<16xf32>
                    %swap3A_1290 = arith.constant 64 : index
                    %swap3A_1291 = tpu.vector_load %arg10[%swap3A_1290] {strides = array<i32>} : memref<128xf32, #tpu.memory_space<vmem>>, vector<16xf32>,
                    tpu.vector_store %arg10[%swap3A_1290], %add3A_1289 {strides = array<i32>} : memref<128xf32, #tpu.memory_space<vmem>>, vector<16xf32>,
                    %get3A_1292 = arith.constant 80 : index
                    %get3A_1293 = tpu.vector_load %arg10[%get3A_1292] {strides = array<i32>} : memref<128xf32, #tpu.memory_space<vmem>>, vector<16xf32>,
                    %get3A_1294 = arith.index_cast %while3A_1251 : i32 to index
                    %get3A_1295 = arith.constant 80 : index
                    %get3A_1296 = tpu.vector_load %arg9[%get3A_1294, %get3A_1295] {strides = array<i32>} : memref<16x128xf32, #tpu.memory_space<vmem>>, vector<16xf32>,
                    %add3A_1297 = arith.addf %get3A_1293, %get3A_1296 : vector<16xf32>
                    %swap3A_1298 = arith.constant 80 : index
                    %swap3A_1299 = tpu.vector_load %arg10[%swap3A_1298] {strides = array<i32>} : memref<128xf32, #tpu.memory_space<vmem>>, vector<16xf32>,
                    tpu.vector_store %arg10[%swap3A_1298], %add3A_1297 {strides = array<i32>} : memref<128xf32, #tpu.memory_space<vmem>>, vector<16xf32>,
                    %get3A_1300 = arith.constant 96 : index
                    %get3A_1301 = tpu.vector_load %arg10[%get3A_1300] {strides = array<i32>} : memref<128xf32, #tpu.memory_space<vmem>>, vector<16xf32>,
                    %get3A_1302 = arith.index_cast %while3A_1251 : i32 to index
                    %get3A_1303 = arith.constant 96 : index
                    %get3A_1304 = tpu.vector_load %arg9[%get3A_1302, %get3A_1303] {strides = array<i32>} : memref<16x128xf32, #tpu.memory_space<vmem>>, vector<16xf32>,
                    %add3A_1305 = arith.addf %get3A_1301, %get3A_1304 : vector<16xf32>
                    %swap3A_1306 = arith.constant 96 : index
                    %swap3A_1307 = tpu.vector_load %arg10[%swap3A_1306] {strides = array<i32>} : memref<128xf32, #tpu.memory_space<vmem>>, vector<16xf32>,
                    tpu.vector_store %arg10[%swap3A_1306], %add3A_1305 {strides = array<i32>} : memref<128xf32, #tpu.memory_space<vmem>>, vector<16xf32>,
                    %get3A_1308 = arith.constant 112 : index
                    %get3A_1309 = tpu.vector_load %arg10[%get3A_1308] {strides = array<i32>} : memref<128xf32, #tpu.memory_space<vmem>>, vector<16xf32>,
                    %get3A_1310 = arith.index_cast %while3A_1251 : i32 to index
                    %get3A_1311 = arith.constant 112 : index
                    %get3A_1312 = tpu.vector_load %arg9[%get3A_1310, %get3A_1311] {strides = array<i32>} : memref<16x128xf32, #tpu.memory_space<vmem>>, vector<16xf32>,
                    %add3A_1313 = arith.addf %get3A_1309, %get3A_1312 : vector<16xf32>
                    %swap3A_1314 = arith.constant 112 : index
                    %swap3A_1315 = tpu.vector_load %arg10[%swap3A_1314] {strides = array<i32>} : memref<128xf32, #tpu.memory_space<vmem>>, vector<16xf32>,
                    tpu.vector_store %arg10[%swap3A_1314], %add3A_1313 {strides = array<i32>} : memref<128xf32, #tpu.memory_space<vmem>>, vector<16xf32>,
                  }
                  %while3A_1250 = arith.constant 1 : i32
                  scf.for %while3A_1251 = %while3A_1248 to %while3A_1244 step %while3A_1250  : i32 {
                    %get3A_1252 = arith.constant 0 : index
                    %get3A_1253 = tpu.vector_load %arg10[%get3A_1252] {strides = array<i32>} : memref<128xf32, #tpu.memory_space<vmem>>, vector<16xf32>,
                    %get3A_1254 = arith.index_cast %while3A_1251 : i32 to index
                    %get3A_1255 = arith.constant 0 : index
                    %get3A_1256 = tpu.vector_load %arg9[%get3A_1254, %get3A_1255] {strides = array<i32>} : memref<16x128xf32, #tpu.memory_space<vmem>>, vector<16xf32>,
                    %add3A_1257 = arith.addf %get3A_1253, %get3A_1256 : vector<16xf32>
                    %swap3A_1258 = arith.constant 0 : index
                    %swap3A_1259 = tpu.vector_load %arg10[%swap3A_1258] {strides = array<i32>} : memref<128xf32, #tpu.memory_space<vmem>>, vector<16xf32>,
                    tpu.vector_store %arg10[%swap3A_1258], %add3A_1257 {strides = array<i32>} : memref<128xf32, #tpu.memory_space<vmem>>, vector<16xf32>,
                    %get3A_1260 = arith.constant 16 : index
                    %get3A_1261 = tpu.vector_load %arg10[%get3A_1260] {strides = array<i32>} : memref<128xf32, #tpu.memory_space<vmem>>, vector<16xf32>,
                    %get3A_1262 = arith.index_cast %while3A_1251 : i32 to index
                    %get3A_1263 = arith.constant 16 : index
                    %get3A_1264 = tpu.vector_load %arg9[%get3A_1262, %get3A_1263] {strides = array<i32>} : memref<16x128xf32, #tpu.memory_space<vmem>>, vector<16xf32>,
                    %add3A_1265 = arith.addf %get3A_1261, %get3A_1264 : vector<16xf32>
                    %swap3A_1266 = arith.constant 16 : index
                    %swap3A_1267 = tpu.vector_load %arg10[%swap3A_1266] {strides = array<i32>} : memref<128xf32, #tpu.memory_space<vmem>>, vector<16xf32>,
                    tpu.vector_store %arg10[%swap3A_1266], %add3A_1265 {strides = array<i32>} : memref<128xf32, #tpu.memory_space<vmem>>, vector<16xf32>,
                    %get3A_1268 = arith.constant 32 : index
                    %get3A_1269 = tpu.vector_load %arg10[%get3A_1268] {strides = array<i32>} : memref<128xf32, #tpu.memory_space<vmem>>, vector<16xf32>,
                    %get3A_1270 = arith.index_cast %while3A_1251 : i32 to index
                    %get3A_1271 = arith.constant 32 : index
                    %get3A_1272 = tpu.vector_load %arg9[%get3A_1270, %get3A_1271] {strides = array<i32>} : memref<16x128xf32, #tpu.memory_space<vmem>>, vector<16xf32>,
                    %add3A_1273 = arith.addf %get3A_1269, %get3A_1272 : vector<16xf32>
                    %swap3A_1274 = arith.constant 32 : index
                    %swap3A_1275 = tpu.vector_load %arg10[%swap3A_1274] {strides = array<i32>} : memref<128xf32, #tpu.memory_space<vmem>>, vector<16xf32>,
                    tpu.vector_store %arg10[%swap3A_1274], %add3A_1273 {strides = array<i32>} : memref<128xf32, #tpu.memory_space<vmem>>, vector<16xf32>,
                    %get3A_1276 = arith.constant 48 : index
                    %get3A_1277 = tpu.vector_load %arg10[%get3A_1276] {strides = array<i32>} : memref<128xf32, #tpu.memory_space<vmem>>, vector<16xf32>,
                    %get3A_1278 = arith.index_cast %while3A_1251 : i32 to index
                    %get3A_1279 = arith.constant 48 : index
                    %get3A_1280 = tpu.vector_load %arg9[%get3A_1278, %get3A_1279] {strides = array<i32>} : memref<16x128xf32, #tpu.memory_space<vmem>>, vector<16xf32>,
                    %add3A_1281 = arith.addf %get3A_1277, %get3A_1280 : vector<16xf32>
                    %swap3A_1282 = arith.constant 48 : index
                    %swap3A_1283 = tpu.vector_load %arg10[%swap3A_1282] {strides = array<i32>} : memref<128xf32, #tpu.memory_space<vmem>>, vector<16xf32>,
                    tpu.vector_store %arg10[%swap3A_1282], %add3A_1281 {strides = array<i32>} : memref<128xf32, #tpu.memory_space<vmem>>, vector<16xf32>,
                    %get3A_1284 = arith.constant 64 : index
                    %get3A_1285 = tpu.vector_load %arg10[%get3A_1284] {strides = array<i32>} : memref<128xf32, #tpu.memory_space<vmem>>, vector<16xf32>,
                    %get3A_1286 = arith.index_cast %while3A_1251 : i32 to index
                    %get3A_1287 = arith.constant 64 : index
                    %get3A_1288 = tpu.vector_load %arg9[%get3A_1286, %get3A_1287] {strides = array<i32>} : memref<16x128xf32, #tpu.memory_space<vmem>>, vector<16xf32>,
                    %add3A_1289 = arith.addf %get3A_1285, %get3A_1288 : vector<16xf32>
                    %swap3A_1290 = arith.constant 64 : index
                    %swap3A_1291 = tpu.vector_load %arg10[%swap3A_1290] {strides = array<i32>} : memref<128xf32, #tpu.memory_space<vmem>>, vector<16xf32>,
                    tpu.vector_store %arg10[%swap3A_1290], %add3A_1289 {strides = array<i32>} : memref<128xf32, #tpu.memory_space<vmem>>, vector<16xf32>,
                    %get3A_1292 = arith.constant 80 : index
                    %get3A_1293 = tpu.vector_load %arg10[%get3A_1292] {strides = array<i32>} : memref<128xf32, #tpu.memory_space<vmem>>, vector<16xf32>,
                    %get3A_1294 = arith.index_cast %while3A_1251 : i32 to index
                    %get3A_1295 = arith.constant 80 : index
                    %get3A_1296 = tpu.vector_load %arg9[%get3A_1294, %get3A_1295] {strides = array<i32>} : memref<16x128xf32, #tpu.memory_space<vmem>>, vector<16xf32>,
                    %add3A_1297 = arith.addf %get3A_1293, %get3A_1296 : vector<16xf32>
                    %swap3A_1298 = arith.constant 80 : index
                    %swap3A_1299 = tpu.vector_load %arg10[%swap3A_1298] {strides = array<i32>} : memref<128xf32, #tpu.memory_space<vmem>>, vector<16xf32>,
                    tpu.vector_store %arg10[%swap3A_1298], %add3A_1297 {strides = array<i32>} : memref<128xf32, #tpu.memory_space<vmem>>, vector<16xf32>,
                    %get3A_1300 = arith.constant 96 : index
                    %get3A_1301 = tpu.vector_load %arg10[%get3A_1300] {strides = array<i32>} : memref<128xf32, #tpu.memory_space<vmem>>, vector<16xf32>,
                    %get3A_1302 = arith.index_cast %while3A_1251 : i32 to index
                    %get3A_1303 = arith.constant 96 : index
                    %get3A_1304 = tpu.vector_load %arg9[%get3A_1302, %get3A_1303] {strides = array<i32>} : memref<16x128xf32, #tpu.memory_space<vmem>>, vector<16xf32>,
                    %add3A_1305 = arith.addf %get3A_1301, %get3A_1304 : vector<16xf32>
                    %swap3A_1306 = arith.constant 96 : index
                    %swap3A_1307 = tpu.vector_load %arg10[%swap3A_1306] {strides = array<i32>} : memref<128xf32, #tpu.memory_space<vmem>>, vector<16xf32>,
                    tpu.vector_store %arg10[%swap3A_1306], %add3A_1305 {strides = array<i32>} : memref<128xf32, #tpu.memory_space<vmem>>, vector<16xf32>,
                    %get3A_1308 = arith.constant 112 : index
                    %get3A_1309 = tpu.vector_load %arg10[%get3A_1308] {strides = array<i32>} : memref<128xf32, #tpu.memory_space<vmem>>, vector<16xf32>,
                    %get3A_1310 = arith.index_cast %while3A_1251 : i32 to index
                    %get3A_1311 = arith.constant 112 : index
                    %get3A_1312 = tpu.vector_load %arg9[%get3A_1310, %get3A_1311] {strides = array<i32>} : memref<16x128xf32, #tpu.memory_space<vmem>>, vector<16xf32>,
                    %add3A_1313 = arith.addf %get3A_1309, %get3A_1312 : vector<16xf32>
                    %swap3A_1314 = arith.constant 112 : index
                    %swap3A_1315 = tpu.vector_load %arg10[%swap3A_1314] {strides = array<i32>} : memref<128xf32, #tpu.memory_space<vmem>>, vector<16xf32>,
                    tpu.vector_store %arg10[%swap3A_1314], %add3A_1313 {strides = array<i32>} : memref<128xf32, #tpu.memory_space<vmem>>, vector<16xf32>,
                  }
                } else {
                }
              }
              %while3A_1199 = arith.constant 1 : i32
              scf.for %while3A_1200 = %while3A_1197 to %while3A_1193 step %while3A_1199  : i32 {
                %mul3A_1201 = arith.constant 16 : i32
                %mul3A_1202 = arith.muli %while3A_1200, %mul3A_1201 : i32
                %get3A_1203 = arith.index_cast %mul3A_1202 : i32 to index
                %get3A_1204 = tpu.vector_load %arg6[%get3A_1203] {strides = array<i32>} : memref<10240xi32, #tpu.memory_space<vmem>>, vector<16xi32>,
                %eq3A_1205 = arith.constant 0 : i32
                %eq3A_1206 = vector.broadcast %eq3A_1205 : i32 to vector<16xi32>
                %eq3A_1207 = arith.cmpi eq, %get3A_1204, %eq3A_1206 : vector<16xi32>
                %jit3A_1208 = arith.constant 1 : i32
                %jit3A_1209 = arith.constant 0 : i32
                %broadcast_in_dim3A_1210 = vector.broadcast %jit3A_1208 : i32 to vector<16xi32>
                %broadcast_in_dim3A_1211 = vector.broadcast %jit3A_1209 : i32 to vector<16xi32>
                %select_n3A_1212 = arith.select %eq3A_1207, %broadcast_in_dim3A_1210, %broadcast_in_dim3A_1211 : vector<16xi1>, vector<16xi32>
                %reduce_sum3A_1213 = arith.constant true
                %reduce_sum3A_1214 = vector.broadcast %reduce_sum3A_1213 : i1 to vector<16xi1>
                %reduce_sum3A_1215 = tpu.scan <sum>, %select_n3A_1212 masked %reduce_sum3A_1214 : vector<16xi32>, vector<16xi1> -> vector<16xi32>
                %reduce_sum3A_1216 = vector.extract %reduce_sum3A_1215[15] : i32 from vector<16xi32>
                %gt3A_1217 = arith.constant 0 : i32
                %gt3A_1218 = arith.cmpi sgt, %reduce_sum3A_1216, %gt3A_1217 : i32
                %convert_element_type3A_1219 = arith.extui %gt3A_1218 : i1 to i32
                %cond3A_1220 = arith.constant 0 : i32
                %cond3A_1221 = arith.cmpi ne, %convert_element_type3A_1219, %cond3A_1220 : i32
                scf.if %cond3A_1221 {
                  %get3A_1222 = arith.index_cast %mul3A_1202 : i32 to index
                  %get3A_1223 = tpu.vector_load %arg7[%get3A_1222] {strides = array<i32>} : memref<10240xi32, #tpu.memory_space<vmem>>, vector<16xi32>,
                  %broadcast_in_dim3A_1224 = arith.constant 0 : i32
                  %broadcast_in_dim3A_1225 = vector.broadcast %broadcast_in_dim3A_1224 : i32 to vector<16xi32>
                  %swap3A_1226 = arith.constant 0 : index
                  %swap3A_1227 = tpu.vector_load %arg8[%swap3A_1226] {strides = array<i32>} : memref<16xi32, #tpu.memory_space<vmem>>, vector<16xi32>,
                  tpu.vector_store %arg8[%swap3A_1226], %broadcast_in_dim3A_1225 {strides = array<i32>} : memref<16xi32, #tpu.memory_space<vmem>>, vector<16xi32>,
                  %swap3A_1228 = arith.constant 0 : index
                  %swap3A_1229 = tpu.vector_load %arg8[%swap3A_1228] masked %eq3A_1207 {strides = array<i32>} : memref<16xi32, #tpu.memory_space<vmem>>, vector<16xi32>, vector<16xi1>
                  tpu.vector_store %arg8[%swap3A_1228], %get3A_1223 masked %eq3A_1207 {strides = array<i32>} : memref<16xi32, #tpu.memory_space<vmem>>, vector<16xi32>, vector<16xi1>
                  %get3A_1230 = arith.constant 0 : index
                  %get3A_1231 = tpu.vector_load %arg11[%get3A_1230] {strides = array<i32>} : memref<16xi32, #tpu.memory_space<vmem>>, vector<16xi32>,
                  %add3A_1232 = arith.addi %get3A_1231, %select_n3A_1212 : vector<16xi32>
                  %swap3A_1233 = arith.constant 0 : index
                  %swap3A_1234 = tpu.vector_load %arg11[%swap3A_1233] {strides = array<i32>} : memref<16xi32, #tpu.memory_space<vmem>>, vector<16xi32>,
                  tpu.vector_store %arg11[%swap3A_1233], %add3A_1232 {strides = array<i32>} : memref<16xi32, #tpu.memory_space<vmem>>, vector<16xi32>,
                  %dma_start3A_1235 = arith.constant 0 : i32
                  %dma_start3A_1236 = arith.constant 0 : i32
                  %dma_start3A_1237 = tpu.memref_slice %arg2[%dma_start3A_1235, %dma_start3A_1236] : memref<10000x128xf32, #tpu.memory_space<hbm>> -> memref<10000x128xf32, #tpu.memory_space<hbm>>
                  tpu.enqueue_indirect_dma source(%dma_start3A_1237 : memref<10000x128xf32, #tpu.memory_space<hbm>>) target(%arg9 : memref<16x128xf32, #tpu.memory_space<vmem>>) offsets(%arg8 : memref<16xi32, #tpu.memory_space<vmem>>) semaphore(%arg18 : memref<!tpu.dma_semaphore, #tpu.memory_space<semaphore_mem>>)
                  %dma_wait3A_1238 = arith.constant 0 : i32
                  %dma_wait3A_1239 = arith.constant 0 : i32
                  %dma_wait3A_1240 = tpu.memref_slice %arg2[%dma_wait3A_1238, %dma_wait3A_1239] : memref<10000x128xf32, #tpu.memory_space<hbm>> -> memref<10000x128xf32, #tpu.memory_space<hbm>>
                  tpu.wait_indirect_dma semaphore(%arg18 : memref<!tpu.dma_semaphore, #tpu.memory_space<semaphore_mem>>) src(%dma_wait3A_1240 : memref<10000x128xf32, #tpu.memory_space<hbm>>) dst(%arg9 : memref<16x128xf32, #tpu.memory_space<vmem>>)
                  %while3A_1241 = arith.constant 0 : i32
                  %while3A_1242 = arith.constant 0 : i32
                  %while3A_1243 = arith.subi %reduce_sum3A_1216, %while3A_1242 : i32
                  %while3A_1244 = arith.addi %while3A_1242, %while3A_1243 : i32
                  %while3A_1245 = arith.constant 1 : i32
                  %while3A_1246 = arith.divsi %while3A_1243, %while3A_1245 : i32
                  %while3A_1247 = arith.muli %while3A_1246, %while3A_1245 : i32
                  %while3A_1248 = arith.addi %while3A_1242, %while3A_1247 : i32
                  %while3A_1249 = arith.constant 1 : i32
                  scf.for %while3A_1251 = %while3A_1242 to %while3A_1248 step %while3A_1249  : i32 {
                    %get3A_1252 = arith.constant 0 : index
                    %get3A_1253 = tpu.vector_load %arg10[%get3A_1252] {strides = array<i32>} : memref<128xf32, #tpu.memory_space<vmem>>, vector<16xf32>,
                    %get3A_1254 = arith.index_cast %while3A_1251 : i32 to index
                    %get3A_1255 = arith.constant 0 : index
                    %get3A_1256 = tpu.vector_load %arg9[%get3A_1254, %get3A_1255] {strides = array<i32>} : memref<16x128xf32, #tpu.memory_space<vmem>>, vector<16xf32>,
                    %add3A_1257 = arith.addf %get3A_1253, %get3A_1256 : vector<16xf32>
                    %swap3A_1258 = arith.constant 0 : index
                    %swap3A_1259 = tpu.vector_load %arg10[%swap3A_1258] {strides = array<i32>} : memref<128xf32, #tpu.memory_space<vmem>>, vector<16xf32>,
                    tpu.vector_store %arg10[%swap3A_1258], %add3A_1257 {strides = array<i32>} : memref<128xf32, #tpu.memory_space<vmem>>, vector<16xf32>,
                    %get3A_1260 = arith.constant 16 : index
                    %get3A_1261 = tpu.vector_load %arg10[%get3A_1260] {strides = array<i32>} : memref<128xf32, #tpu.memory_space<vmem>>, vector<16xf32>,
                    %get3A_1262 = arith.index_cast %while3A_1251 : i32 to index
                    %get3A_1263 = arith.constant 16 : index
                    %get3A_1264 = tpu.vector_load %arg9[%get3A_1262, %get3A_1263] {strides = array<i32>} : memref<16x128xf32, #tpu.memory_space<vmem>>, vector<16xf32>,
                    %add3A_1265 = arith.addf %get3A_1261, %get3A_1264 : vector<16xf32>
                    %swap3A_1266 = arith.constant 16 : index
                    %swap3A_1267 = tpu.vector_load %arg10[%swap3A_1266] {strides = array<i32>} : memref<128xf32, #tpu.memory_space<vmem>>, vector<16xf32>,
                    tpu.vector_store %arg10[%swap3A_1266], %add3A_1265 {strides = array<i32>} : memref<128xf32, #tpu.memory_space<vmem>>, vector<16xf32>,
                    %get3A_1268 = arith.constant 32 : index
                    %get3A_1269 = tpu.vector_load %arg10[%get3A_1268] {strides = array<i32>} : memref<128xf32, #tpu.memory_space<vmem>>, vector<16xf32>,
                    %get3A_1270 = arith.index_cast %while3A_1251 : i32 to index
                    %get3A_1271 = arith.constant 32 : index
                    %get3A_1272 = tpu.vector_load %arg9[%get3A_1270, %get3A_1271] {strides = array<i32>} : memref<16x128xf32, #tpu.memory_space<vmem>>, vector<16xf32>,
                    %add3A_1273 = arith.addf %get3A_1269, %get3A_1272 : vector<16xf32>
                    %swap3A_1274 = arith.constant 32 : index
                    %swap3A_1275 = tpu.vector_load %arg10[%swap3A_1274] {strides = array<i32>} : memref<128xf32, #tpu.memory_space<vmem>>, vector<16xf32>,
                    tpu.vector_store %arg10[%swap3A_1274], %add3A_1273 {strides = array<i32>} : memref<128xf32, #tpu.memory_space<vmem>>, vector<16xf32>,
                    %get3A_1276 = arith.constant 48 : index
                    %get3A_1277 = tpu.vector_load %arg10[%get3A_1276] {strides = array<i32>} : memref<128xf32, #tpu.memory_space<vmem>>, vector<16xf32>,
                    %get3A_1278 = arith.index_cast %while3A_1251 : i32 to index
                    %get3A_1279 = arith.constant 48 : index
                    %get3A_1280 = tpu.vector_load %arg9[%get3A_1278, %get3A_1279] {strides = array<i32>} : memref<16x128xf32, #tpu.memory_space<vmem>>, vector<16xf32>,
                    %add3A_1281 = arith.addf %get3A_1277, %get3A_1280 : vector<16xf32>
                    %swap3A_1282 = arith.constant 48 : index
                    %swap3A_1283 = tpu.vector_load %arg10[%swap3A_1282] {strides = array<i32>} : memref<128xf32, #tpu.memory_space<vmem>>, vector<16xf32>,
                    tpu.vector_store %arg10[%swap3A_1282], %add3A_1281 {strides = array<i32>} : memref<128xf32, #tpu.memory_space<vmem>>, vector<16xf32>,
                    %get3A_1284 = arith.constant 64 : index
                    %get3A_1285 = tpu.vector_load %arg10[%get3A_1284] {strides = array<i32>} : memref<128xf32, #tpu.memory_space<vmem>>, vector<16xf32>,
                    %get3A_1286 = arith.index_cast %while3A_1251 : i32 to index
                    %get3A_1287 = arith.constant 64 : index
                    %get3A_1288 = tpu.vector_load %arg9[%get3A_1286, %get3A_1287] {strides = array<i32>} : memref<16x128xf32, #tpu.memory_space<vmem>>, vector<16xf32>,
                    %add3A_1289 = arith.addf %get3A_1285, %get3A_1288 : vector<16xf32>
                    %swap3A_1290 = arith.constant 64 : index
                    %swap3A_1291 = tpu.vector_load %arg10[%swap3A_1290] {strides = array<i32>} : memref<128xf32, #tpu.memory_space<vmem>>, vector<16xf32>,
                    tpu.vector_store %arg10[%swap3A_1290], %add3A_1289 {strides = array<i32>} : memref<128xf32, #tpu.memory_space<vmem>>, vector<16xf32>,
                    %get3A_1292 = arith.constant 80 : index
                    %get3A_1293 = tpu.vector_load %arg10[%get3A_1292] {strides = array<i32>} : memref<128xf32, #tpu.memory_space<vmem>>, vector<16xf32>,
                    %get3A_1294 = arith.index_cast %while3A_1251 : i32 to index
                    %get3A_1295 = arith.constant 80 : index
                    %get3A_1296 = tpu.vector_load %arg9[%get3A_1294, %get3A_1295] {strides = array<i32>} : memref<16x128xf32, #tpu.memory_space<vmem>>, vector<16xf32>,
                    %add3A_1297 = arith.addf %get3A_1293, %get3A_1296 : vector<16xf32>
                    %swap3A_1298 = arith.constant 80 : index
                    %swap3A_1299 = tpu.vector_load %arg10[%swap3A_1298] {strides = array<i32>} : memref<128xf32, #tpu.memory_space<vmem>>, vector<16xf32>,
                    tpu.vector_store %arg10[%swap3A_1298], %add3A_1297 {strides = array<i32>} : memref<128xf32, #tpu.memory_space<vmem>>, vector<16xf32>,
                    %get3A_1300 = arith.constant 96 : index
                    %get3A_1301 = tpu.vector_load %arg10[%get3A_1300] {strides = array<i32>} : memref<128xf32, #tpu.memory_space<vmem>>, vector<16xf32>,
                    %get3A_1302 = arith.index_cast %while3A_1251 : i32 to index
                    %get3A_1303 = arith.constant 96 : index
                    %get3A_1304 = tpu.vector_load %arg9[%get3A_1302, %get3A_1303] {strides = array<i32>} : memref<16x128xf32, #tpu.memory_space<vmem>>, vector<16xf32>,
                    %add3A_1305 = arith.addf %get3A_1301, %get3A_1304 : vector<16xf32>
                    %swap3A_1306 = arith.constant 96 : index
                    %swap3A_1307 = tpu.vector_load %arg10[%swap3A_1306] {strides = array<i32>} : memref<128xf32, #tpu.memory_space<vmem>>, vector<16xf32>,
                    tpu.vector_store %arg10[%swap3A_1306], %add3A_1305 {strides = array<i32>} : memref<128xf32, #tpu.memory_space<vmem>>, vector<16xf32>,
                    %get3A_1308 = arith.constant 112 : index
                    %get3A_1309 = tpu.vector_load %arg10[%get3A_1308] {strides = array<i32>} : memref<128xf32, #tpu.memory_space<vmem>>, vector<16xf32>,
                    %get3A_1310 = arith.index_cast %while3A_1251 : i32 to index
                    %get3A_1311 = arith.constant 112 : index
                    %get3A_1312 = tpu.vector_load %arg9[%get3A_1310, %get3A_1311] {strides = array<i32>} : memref<16x128xf32, #tpu.memory_space<vmem>>, vector<16xf32>,
                    %add3A_1313 = arith.addf %get3A_1309, %get3A_1312 : vector<16xf32>
                    %swap3A_1314 = arith.constant 112 : index
                    %swap3A_1315 = tpu.vector_load %arg10[%swap3A_1314] {strides = array<i32>} : memref<128xf32, #tpu.memory_space<vmem>>, vector<16xf32>,
                    tpu.vector_store %arg10[%swap3A_1314], %add3A_1313 {strides = array<i32>} : memref<128xf32, #tpu.memory_space<vmem>>, vector<16xf32>,
                  }
                  %while3A_1250 = arith.constant 1 : i32
                  scf.for %while3A_1251 = %while3A_1248 to %while3A_1244 step %while3A_1250  : i32 {
                    %get3A_1252 = arith.constant 0 : index
                    %get3A_1253 = tpu.vector_load %arg10[%get3A_1252] {strides = array<i32>} : memref<128xf32, #tpu.memory_space<vmem>>, vector<16xf32>,
                    %get3A_1254 = arith.index_cast %while3A_1251 : i32 to index
                    %get3A_1255 = arith.constant 0 : index
                    %get3A_1256 = tpu.vector_load %arg9[%get3A_1254, %get3A_1255] {strides = array<i32>} : memref<16x128xf32, #tpu.memory_space<vmem>>, vector<16xf32>,
                    %add3A_1257 = arith.addf %get3A_1253, %get3A_1256 : vector<16xf32>
                    %swap3A_1258 = arith.constant 0 : index
                    %swap3A_1259 = tpu.vector_load %arg10[%swap3A_1258] {strides = array<i32>} : memref<128xf32, #tpu.memory_space<vmem>>, vector<16xf32>,
                    tpu.vector_store %arg10[%swap3A_1258], %add3A_1257 {strides = array<i32>} : memref<128xf32, #tpu.memory_space<vmem>>, vector<16xf32>,
                    %get3A_1260 = arith.constant 16 : index
                    %get3A_1261 = tpu.vector_load %arg10[%get3A_1260] {strides = array<i32>} : memref<128xf32, #tpu.memory_space<vmem>>, vector<16xf32>,
                    %get3A_1262 = arith.index_cast %while3A_1251 : i32 to index
                    %get3A_1263 = arith.constant 16 : index
                    %get3A_1264 = tpu.vector_load %arg9[%get3A_1262, %get3A_1263] {strides = array<i32>} : memref<16x128xf32, #tpu.memory_space<vmem>>, vector<16xf32>,
                    %add3A_1265 = arith.addf %get3A_1261, %get3A_1264 : vector<16xf32>
                    %swap3A_1266 = arith.constant 16 : index
                    %swap3A_1267 = tpu.vector_load %arg10[%swap3A_1266] {strides = array<i32>} : memref<128xf32, #tpu.memory_space<vmem>>, vector<16xf32>,
                    tpu.vector_store %arg10[%swap3A_1266], %add3A_1265 {strides = array<i32>} : memref<128xf32, #tpu.memory_space<vmem>>, vector<16xf32>,
                    %get3A_1268 = arith.constant 32 : index
                    %get3A_1269 = tpu.vector_load %arg10[%get3A_1268] {strides = array<i32>} : memref<128xf32, #tpu.memory_space<vmem>>, vector<16xf32>,
                    %get3A_1270 = arith.index_cast %while3A_1251 : i32 to index
                    %get3A_1271 = arith.constant 32 : index
                    %get3A_1272 = tpu.vector_load %arg9[%get3A_1270, %get3A_1271] {strides = array<i32>} : memref<16x128xf32, #tpu.memory_space<vmem>>, vector<16xf32>,
                    %add3A_1273 = arith.addf %get3A_1269, %get3A_1272 : vector<16xf32>
                    %swap3A_1274 = arith.constant 32 : index
                    %swap3A_1275 = tpu.vector_load %arg10[%swap3A_1274] {strides = array<i32>} : memref<128xf32, #tpu.memory_space<vmem>>, vector<16xf32>,
                    tpu.vector_store %arg10[%swap3A_1274], %add3A_1273 {strides = array<i32>} : memref<128xf32, #tpu.memory_space<vmem>>, vector<16xf32>,
                    %get3A_1276 = arith.constant 48 : index
                    %get3A_1277 = tpu.vector_load %arg10[%get3A_1276] {strides = array<i32>} : memref<128xf32, #tpu.memory_space<vmem>>, vector<16xf32>,
                    %get3A_1278 = arith.index_cast %while3A_1251 : i32 to index
                    %get3A_1279 = arith.constant 48 : index
                    %get3A_1280 = tpu.vector_load %arg9[%get3A_1278, %get3A_1279] {strides = array<i32>} : memref<16x128xf32, #tpu.memory_space<vmem>>, vector<16xf32>,
                    %add3A_1281 = arith.addf %get3A_1277, %get3A_1280 : vector<16xf32>
                    %swap3A_1282 = arith.constant 48 : index
                    %swap3A_1283 = tpu.vector_load %arg10[%swap3A_1282] {strides = array<i32>} : memref<128xf32, #tpu.memory_space<vmem>>, vector<16xf32>,
                    tpu.vector_store %arg10[%swap3A_1282], %add3A_1281 {strides = array<i32>} : memref<128xf32, #tpu.memory_space<vmem>>, vector<16xf32>,
                    %get3A_1284 = arith.constant 64 : index
                    %get3A_1285 = tpu.vector_load %arg10[%get3A_1284] {strides = array<i32>} : memref<128xf32, #tpu.memory_space<vmem>>, vector<16xf32>,
                    %get3A_1286 = arith.index_cast %while3A_1251 : i32 to index
                    %get3A_1287 = arith.constant 64 : index
                    %get3A_1288 = tpu.vector_load %arg9[%get3A_1286, %get3A_1287] {strides = array<i32>} : memref<16x128xf32, #tpu.memory_space<vmem>>, vector<16xf32>,
                    %add3A_1289 = arith.addf %get3A_1285, %get3A_1288 : vector<16xf32>
                    %swap3A_1290 = arith.constant 64 : index
                    %swap3A_1291 = tpu.vector_load %arg10[%swap3A_1290] {strides = array<i32>} : memref<128xf32, #tpu.memory_space<vmem>>, vector<16xf32>,
                    tpu.vector_store %arg10[%swap3A_1290], %add3A_1289 {strides = array<i32>} : memref<128xf32, #tpu.memory_space<vmem>>, vector<16xf32>,
                    %get3A_1292 = arith.constant 80 : index
                    %get3A_1293 = tpu.vector_load %arg10[%get3A_1292] {strides = array<i32>} : memref<128xf32, #tpu.memory_space<vmem>>, vector<16xf32>,
                    %get3A_1294 = arith.index_cast %while3A_1251 : i32 to index
                    %get3A_1295 = arith.constant 80 : index
                    %get3A_1296 = tpu.vector_load %arg9[%get3A_1294, %get3A_1295] {strides = array<i32>} : memref<16x128xf32, #tpu.memory_space<vmem>>, vector<16xf32>,
                    %add3A_1297 = arith.addf %get3A_1293, %get3A_1296 : vector<16xf32>
                    %swap3A_1298 = arith.constant 80 : index
                    %swap3A_1299 = tpu.vector_load %arg10[%swap3A_1298] {strides = array<i32>} : memref<128xf32, #tpu.memory_space<vmem>>, vector<16xf32>,
                    tpu.vector_store %arg10[%swap3A_1298], %add3A_1297 {strides = array<i32>} : memref<128xf32, #tpu.memory_space<vmem>>, vector<16xf32>,
                    %get3A_1300 = arith.constant 96 : index
                    %get3A_1301 = tpu.vector_load %arg10[%get3A_1300] {strides = array<i32>} : memref<128xf32, #tpu.memory_space<vmem>>, vector<16xf32>,
                    %get3A_1302 = arith.index_cast %while3A_1251 : i32 to index
                    %get3A_1303 = arith.constant 96 : index
                    %get3A_1304 = tpu.vector_load %arg9[%get3A_1302, %get3A_1303] {strides = array<i32>} : memref<16x128xf32, #tpu.memory_space<vmem>>, vector<16xf32>,
                    %add3A_1305 = arith.addf %get3A_1301, %get3A_1304 : vector<16xf32>
                    %swap3A_1306 = arith.constant 96 : index
                    %swap3A_1307 = tpu.vector_load %arg10[%swap3A_1306] {strides = array<i32>} : memref<128xf32, #tpu.memory_space<vmem>>, vector<16xf32>,
                    tpu.vector_store %arg10[%swap3A_1306], %add3A_1305 {strides = array<i32>} : memref<128xf32, #tpu.memory_space<vmem>>, vector<16xf32>,
                    %get3A_1308 = arith.constant 112 : index
                    %get3A_1309 = tpu.vector_load %arg10[%get3A_1308] {strides = array<i32>} : memref<128xf32, #tpu.memory_space<vmem>>, vector<16xf32>,
                    %get3A_1310 = arith.index_cast %while3A_1251 : i32 to index
                    %get3A_1311 = arith.constant 112 : index
                    %get3A_1312 = tpu.vector_load %arg9[%get3A_1310, %get3A_1311] {strides = array<i32>} : memref<16x128xf32, #tpu.memory_space<vmem>>, vector<16xf32>,
                    %add3A_1313 = arith.addf %get3A_1309, %get3A_1312 : vector<16xf32>
                    %swap3A_1314 = arith.constant 112 : index
                    %swap3A_1315 = tpu.vector_load %arg10[%swap3A_1314] {strides = array<i32>} : memref<128xf32, #tpu.memory_space<vmem>>, vector<16xf32>,
                    tpu.vector_store %arg10[%swap3A_1314], %add3A_1313 {strides = array<i32>} : memref<128xf32, #tpu.memory_space<vmem>>, vector<16xf32>,
                  }
                } else {
                }
              }
            } else {
            }
          }
          %scan3A_1090 = arith.constant 40 : i32
        } else {
        }
      } else {
      }
      %gt3A_253 = arith.constant 2 : i32
      %gt3A_254 = arith.cmpi sgt, %reduce_max3A_248, %gt3A_253 : i32
      %convert_element_type3A_255 = arith.extui %gt3A_254 : i1 to i32
      %cond3A_256 = arith.constant 0 : i32
      %cond3A_257 = arith.cmpi ne, %convert_element_type3A_255, %cond3A_256 : i32
      scf.if %cond3A_257 {
        %scan3A_258 = arith.constant 0 : i32
        %scan3A_259 = arith.constant 0 : i32
        %scan3A_260 = arith.constant 40 : i32
        %scan3A_261 = arith.addi %scan3A_259, %scan3A_260 : i32
        %scan3A_262 = arith.constant 1 : i32
        scf.for %scan3A_264 = %scan3A_259 to %scan3A_261 step %scan3A_262  : i32 {
          %mul3A_265 = arith.constant 16 : i32
          %mul3A_266 = arith.muli %scan3A_264, %mul3A_265 : i32
          %mul3A_267 = arith.constant 16 : i32
          %mul3A_268 = arith.muli %mul3A_266, %mul3A_267 : i32
          %get3A_269 = arith.index_cast %mul3A_268 : i32 to index
          %get3A_270 = tpu.vector_load %arg6[%get3A_269] {strides = array<i32>} : memref<10240xi32, #tpu.memory_space<vmem>>, vector<16xi32>,
          %add3A_271 = arith.constant 16 : i32
          %add3A_272 = arith.addi %mul3A_268, %add3A_271 : i32
          %get3A_273 = arith.index_cast %add3A_272 : i32 to index
          %get3A_274 = tpu.vector_load %arg6[%get3A_273] {strides = array<i32>} : memref<10240xi32, #tpu.memory_space<vmem>>, vector<16xi32>,
          %min3A_275 = arith.minsi %get3A_270, %get3A_274 : vector<16xi32>
          %add3A_276 = arith.constant 32 : i32
          %add3A_277 = arith.addi %mul3A_268, %add3A_276 : i32
          %get3A_278 = arith.index_cast %add3A_277 : i32 to index
          %get3A_279 = tpu.vector_load %arg6[%get3A_278] {strides = array<i32>} : memref<10240xi32, #tpu.memory_space<vmem>>, vector<16xi32>,
          %min3A_280 = arith.minsi %min3A_275, %get3A_279 : vector<16xi32>
          %add3A_281 = arith.constant 48 : i32
          %add3A_282 = arith.addi %mul3A_268, %add3A_281 : i32
          %get3A_283 = arith.index_cast %add3A_282 : i32 to index
          %get3A_284 = tpu.vector_load %arg6[%get3A_283] {strides = array<i32>} : memref<10240xi32, #tpu.memory_space<vmem>>, vector<16xi32>,
          %min3A_285 = arith.minsi %min3A_280, %get3A_284 : vector<16xi32>
          %add3A_286 = arith.constant 64 : i32
          %add3A_287 = arith.addi %mul3A_268, %add3A_286 : i32
          %get3A_288 = arith.index_cast %add3A_287 : i32 to index
          %get3A_289 = tpu.vector_load %arg6[%get3A_288] {strides = array<i32>} : memref<10240xi32, #tpu.memory_space<vmem>>, vector<16xi32>,
          %min3A_290 = arith.minsi %min3A_285, %get3A_289 : vector<16xi32>
          %add3A_291 = arith.constant 80 : i32
          %add3A_292 = arith.addi %mul3A_268, %add3A_291 : i32
          %get3A_293 = arith.index_cast %add3A_292 : i32 to index
          %get3A_294 = tpu.vector_load %arg6[%get3A_293] {strides = array<i32>} : memref<10240xi32, #tpu.memory_space<vmem>>, vector<16xi32>,
          %min3A_295 = arith.minsi %min3A_290, %get3A_294 : vector<16xi32>
          %add3A_296 = arith.constant 96 : i32
          %add3A_297 = arith.addi %mul3A_268, %add3A_296 : i32
          %get3A_298 = arith.index_cast %add3A_297 : i32 to index
          %get3A_299 = tpu.vector_load %arg6[%get3A_298] {strides = array<i32>} : memref<10240xi32, #tpu.memory_space<vmem>>, vector<16xi32>,
          %min3A_300 = arith.minsi %min3A_295, %get3A_299 : vector<16xi32>
          %add3A_301 = arith.constant 112 : i32
          %add3A_302 = arith.addi %mul3A_268, %add3A_301 : i32
          %get3A_303 = arith.index_cast %add3A_302 : i32 to index
          %get3A_304 = tpu.vector_load %arg6[%get3A_303] {strides = array<i32>} : memref<10240xi32, #tpu.memory_space<vmem>>, vector<16xi32>,
          %min3A_305 = arith.minsi %min3A_300, %get3A_304 : vector<16xi32>
          %add3A_306 = arith.constant 128 : i32
          %add3A_307 = arith.addi %mul3A_268, %add3A_306 : i32
          %get3A_308 = arith.index_cast %add3A_307 : i32 to index
          %get3A_309 = tpu.vector_load %arg6[%get3A_308] {strides = array<i32>} : memref<10240xi32, #tpu.memory_space<vmem>>, vector<16xi32>,
          %min3A_310 = arith.minsi %min3A_305, %get3A_309 : vector<16xi32>
          %add3A_311 = arith.constant 144 : i32
          %add3A_312 = arith.addi %mul3A_268, %add3A_311 : i32
          %get3A_313 = arith.index_cast %add3A_312 : i32 to index
          %get3A_314 = tpu.vector_load %arg6[%get3A_313] {strides = array<i32>} : memref<10240xi32, #tpu.memory_space<vmem>>, vector<16xi32>,
          %min3A_315 = arith.minsi %min3A_310, %get3A_314 : vector<16xi32>
          %add3A_316 = arith.constant 160 : i32
          %add3A_317 = arith.addi %mul3A_268, %add3A_316 : i32
          %get3A_318 = arith.index_cast %add3A_317 : i32 to index
          %get3A_319 = tpu.vector_load %arg6[%get3A_318] {strides = array<i32>} : memref<10240xi32, #tpu.memory_space<vmem>>, vector<16xi32>,
          %min3A_320 = arith.minsi %min3A_315, %get3A_319 : vector<16xi32>
          %add3A_321 = arith.constant 176 : i32
          %add3A_322 = arith.addi %mul3A_268, %add3A_321 : i32
          %get3A_323 = arith.index_cast %add3A_322 : i32 to index
          %get3A_324 = tpu.vector_load %arg6[%get3A_323] {strides = array<i32>} : memref<10240xi32, #tpu.memory_space<vmem>>, vector<16xi32>,
          %min3A_325 = arith.minsi %min3A_320, %get3A_324 : vector<16xi32>
          %add3A_326 = arith.constant 192 : i32
          %add3A_327 = arith.addi %mul3A_268, %add3A_326 : i32
          %get3A_328 = arith.index_cast %add3A_327 : i32 to index
          %get3A_329 = tpu.vector_load %arg6[%get3A_328] {strides = array<i32>} : memref<10240xi32, #tpu.memory_space<vmem>>, vector<16xi32>,
          %min3A_330 = arith.minsi %min3A_325, %get3A_329 : vector<16xi32>
          %add3A_331 = arith.constant 208 : i32
          %add3A_332 = arith.addi %mul3A_268, %add3A_331 : i32
          %get3A_333 = arith.index_cast %add3A_332 : i32 to index
          %get3A_334 = tpu.vector_load %arg6[%get3A_333] {strides = array<i32>} : memref<10240xi32, #tpu.memory_space<vmem>>, vector<16xi32>,
          %min3A_335 = arith.minsi %min3A_330, %get3A_334 : vector<16xi32>
          %add3A_336 = arith.constant 224 : i32
          %add3A_337 = arith.addi %mul3A_268, %add3A_336 : i32
          %get3A_338 = arith.index_cast %add3A_337 : i32 to index
          %get3A_339 = tpu.vector_load %arg6[%get3A_338] {strides = array<i32>} : memref<10240xi32, #tpu.memory_space<vmem>>, vector<16xi32>,
          %min3A_340 = arith.minsi %min3A_335, %get3A_339 : vector<16xi32>
          %add3A_341 = arith.constant 240 : i32
          %add3A_342 = arith.addi %mul3A_268, %add3A_341 : i32
          %get3A_343 = arith.index_cast %add3A_342 : i32 to index
          %get3A_344 = tpu.vector_load %arg6[%get3A_343] {strides = array<i32>} : memref<10240xi32, #tpu.memory_space<vmem>>, vector<16xi32>,
          %min3A_345 = arith.minsi %min3A_340, %get3A_344 : vector<16xi32>
          %reduce_min3A = arith.constant true
          %reduce_min3A_346 = vector.broadcast %reduce_min3A : i1 to vector<16xi1>
          %reduce_min3A_347 = arith.constant -2147483648 : i32
          %reduce_min3A_348 = vector.broadcast %reduce_min3A_347 : i32 to vector<16xi32>
          %reduce_min3A_349 = arith.xori %min3A_345, %reduce_min3A_348 : vector<16xi32>
          %reduce_min3A_350 = tpu.scan <min>, %reduce_min3A_349 masked %reduce_min3A_346 : vector<16xi32>, vector<16xi1> -> vector<16xi32>
          %reduce_min3A_351 = arith.xori %reduce_min3A_350, %reduce_min3A_348 : vector<16xi32>
          %reduce_min3A_352 = vector.extract %reduce_min3A_351[15] : i32 from vector<16xi32>
          %eq3A = arith.constant 0 : i32
          %eq3A_353 = arith.cmpi eq, %reduce_min3A_352, %eq3A : i32
          %convert_element_type3A_354 = arith.extui %eq3A_353 : i1 to i32
          %cond3A_355 = arith.constant 0 : i32
          %cond3A_356 = arith.cmpi ne, %convert_element_type3A_354, %cond3A_355 : i32
          scf.if %cond3A_356 {
            %mul3A_357 = arith.constant 16 : i32
            %mul3A_358 = arith.muli %scan3A_264, %mul3A_357 : i32
            %add3A_359 = arith.constant 1 : i32
            %add3A_360 = arith.addi %scan3A_264, %add3A_359 : i32
            %mul3A_361 = arith.constant 16 : i32
            %mul3A_362 = arith.muli %add3A_360, %mul3A_361 : i32
            %while3A_363 = arith.constant 0 : i32
            %while3A_364 = arith.subi %mul3A_362, %mul3A_358 : i32
            %while3A_365 = arith.addi %mul3A_358, %while3A_364 : i32
            %while3A_366 = arith.constant 1 : i32
            %while3A_367 = arith.divsi %while3A_364, %while3A_366 : i32
            %while3A_368 = arith.muli %while3A_367, %while3A_366 : i32
            %while3A_369 = arith.addi %mul3A_358, %while3A_368 : i32
            %while3A_370 = arith.constant 1 : i32
            scf.for %while3A_372 = %mul3A_358 to %while3A_369 step %while3A_370  : i32 {
              %mul3A_373 = arith.constant 16 : i32
              %mul3A_374 = arith.muli %while3A_372, %mul3A_373 : i32
              %get3A_375 = arith.index_cast %mul3A_374 : i32 to index
              %get3A_376 = tpu.vector_load %arg6[%get3A_375] {strides = array<i32>} : memref<10240xi32, #tpu.memory_space<vmem>>, vector<16xi32>,
              %eq3A_377 = arith.constant 0 : i32
              %eq3A_378 = vector.broadcast %eq3A_377 : i32 to vector<16xi32>
              %eq3A_379 = arith.cmpi eq, %get3A_376, %eq3A_378 : vector<16xi32>
              %jit3A_380 = arith.constant 1 : i32
              %jit3A_381 = arith.constant 0 : i32
              %broadcast_in_dim3A_382 = vector.broadcast %jit3A_380 : i32 to vector<16xi32>
              %broadcast_in_dim3A_383 = vector.broadcast %jit3A_381 : i32 to vector<16xi32>
              %select_n3A_384 = arith.select %eq3A_379, %broadcast_in_dim3A_382, %broadcast_in_dim3A_383 : vector<16xi1>, vector<16xi32>
              %reduce_sum3A_385 = arith.constant true
              %reduce_sum3A_386 = vector.broadcast %reduce_sum3A_385 : i1 to vector<16xi1>
              %reduce_sum3A_387 = tpu.scan <sum>, %select_n3A_384 masked %reduce_sum3A_386 : vector<16xi32>, vector<16xi1> -> vector<16xi32>
              %reduce_sum3A_388 = vector.extract %reduce_sum3A_387[15] : i32 from vector<16xi32>
              %gt3A_389 = arith.constant 0 : i32
              %gt3A_390 = arith.cmpi sgt, %reduce_sum3A_388, %gt3A_389 : i32
              %convert_element_type3A_391 = arith.extui %gt3A_390 : i1 to i32
              %cond3A_392 = arith.constant 0 : i32
              %cond3A_393 = arith.cmpi ne, %convert_element_type3A_391, %cond3A_392 : i32
              scf.if %cond3A_393 {
                %get3A_394 = arith.index_cast %mul3A_374 : i32 to index
                %get3A_395 = tpu.vector_load %arg7[%get3A_394] {strides = array<i32>} : memref<10240xi32, #tpu.memory_space<vmem>>, vector<16xi32>,
                %broadcast_in_dim3A_396 = arith.constant 0 : i32
                %broadcast_in_dim3A_397 = vector.broadcast %broadcast_in_dim3A_396 : i32 to vector<16xi32>
                %swap3A_398 = arith.constant 0 : index
                %swap3A_399 = tpu.vector_load %arg8[%swap3A_398] {strides = array<i32>} : memref<16xi32, #tpu.memory_space<vmem>>, vector<16xi32>,
                tpu.vector_store %arg8[%swap3A_398], %broadcast_in_dim3A_397 {strides = array<i32>} : memref<16xi32, #tpu.memory_space<vmem>>, vector<16xi32>,
                %swap3A_400 = arith.constant 0 : index
                %swap3A_401 = tpu.vector_load %arg8[%swap3A_400] masked %eq3A_379 {strides = array<i32>} : memref<16xi32, #tpu.memory_space<vmem>>, vector<16xi32>, vector<16xi1>
                tpu.vector_store %arg8[%swap3A_400], %get3A_395 masked %eq3A_379 {strides = array<i32>} : memref<16xi32, #tpu.memory_space<vmem>>, vector<16xi32>, vector<16xi1>
                %get3A_402 = arith.constant 0 : index
                %get3A_403 = tpu.vector_load %arg11[%get3A_402] {strides = array<i32>} : memref<16xi32, #tpu.memory_space<vmem>>, vector<16xi32>,
                %add3A_404 = arith.addi %get3A_403, %select_n3A_384 : vector<16xi32>
                %swap3A_405 = arith.constant 0 : index
                %swap3A_406 = tpu.vector_load %arg11[%swap3A_405] {strides = array<i32>} : memref<16xi32, #tpu.memory_space<vmem>>, vector<16xi32>,
                tpu.vector_store %arg11[%swap3A_405], %add3A_404 {strides = array<i32>} : memref<16xi32, #tpu.memory_space<vmem>>, vector<16xi32>,
                %dma_start3A_407 = arith.constant 0 : i32
                %dma_start3A_408 = arith.constant 0 : i32
                %dma_start3A_409 = tpu.memref_slice %arg2[%dma_start3A_407, %dma_start3A_408] : memref<10000x128xf32, #tpu.memory_space<hbm>> -> memref<10000x128xf32, #tpu.memory_space<hbm>>
                tpu.enqueue_indirect_dma source(%dma_start3A_409 : memref<10000x128xf32, #tpu.memory_space<hbm>>) target(%arg9 : memref<16x128xf32, #tpu.memory_space<vmem>>) offsets(%arg8 : memref<16xi32, #tpu.memory_space<vmem>>) semaphore(%arg18 : memref<!tpu.dma_semaphore, #tpu.memory_space<semaphore_mem>>)
                %dma_wait3A_410 = arith.constant 0 : i32
                %dma_wait3A_411 = arith.constant 0 : i32
                %dma_wait3A_412 = tpu.memref_slice %arg2[%dma_wait3A_410, %dma_wait3A_411] : memref<10000x128xf32, #tpu.memory_space<hbm>> -> memref<10000x128xf32, #tpu.memory_space<hbm>>
                tpu.wait_indirect_dma semaphore(%arg18 : memref<!tpu.dma_semaphore, #tpu.memory_space<semaphore_mem>>) src(%dma_wait3A_412 : memref<10000x128xf32, #tpu.memory_space<hbm>>) dst(%arg9 : memref<16x128xf32, #tpu.memory_space<vmem>>)
                %while3A_413 = arith.constant 0 : i32
                %while3A_414 = arith.constant 0 : i32
                %while3A_415 = arith.subi %reduce_sum3A_388, %while3A_414 : i32
                %while3A_416 = arith.addi %while3A_414, %while3A_415 : i32
                %while3A_417 = arith.constant 1 : i32
                %while3A_418 = arith.divsi %while3A_415, %while3A_417 : i32
                %while3A_419 = arith.muli %while3A_418, %while3A_417 : i32
                %while3A_420 = arith.addi %while3A_414, %while3A_419 : i32
                %while3A_421 = arith.constant 1 : i32
                scf.for %while3A_423 = %while3A_414 to %while3A_420 step %while3A_421  : i32 {
                  %get3A_424 = arith.constant 0 : index
                  %get3A_425 = tpu.vector_load %arg10[%get3A_424] {strides = array<i32>} : memref<128xf32, #tpu.memory_space<vmem>>, vector<16xf32>,
                  %get3A_426 = arith.index_cast %while3A_423 : i32 to index
                  %get3A_427 = arith.constant 0 : index
                  %get3A_428 = tpu.vector_load %arg9[%get3A_426, %get3A_427] {strides = array<i32>} : memref<16x128xf32, #tpu.memory_space<vmem>>, vector<16xf32>,
                  %add3A_429 = arith.addf %get3A_425, %get3A_428 : vector<16xf32>
                  %swap3A_430 = arith.constant 0 : index
                  %swap3A_431 = tpu.vector_load %arg10[%swap3A_430] {strides = array<i32>} : memref<128xf32, #tpu.memory_space<vmem>>, vector<16xf32>,
                  tpu.vector_store %arg10[%swap3A_430], %add3A_429 {strides = array<i32>} : memref<128xf32, #tpu.memory_space<vmem>>, vector<16xf32>,
                  %get3A_432 = arith.constant 16 : index
                  %get3A_433 = tpu.vector_load %arg10[%get3A_432] {strides = array<i32>} : memref<128xf32, #tpu.memory_space<vmem>>, vector<16xf32>,
                  %get3A_434 = arith.index_cast %while3A_423 : i32 to index
                  %get3A_435 = arith.constant 16 : index
                  %get3A_436 = tpu.vector_load %arg9[%get3A_434, %get3A_435] {strides = array<i32>} : memref<16x128xf32, #tpu.memory_space<vmem>>, vector<16xf32>,
                  %add3A_437 = arith.addf %get3A_433, %get3A_436 : vector<16xf32>
                  %swap3A_438 = arith.constant 16 : index
                  %swap3A_439 = tpu.vector_load %arg10[%swap3A_438] {strides = array<i32>} : memref<128xf32, #tpu.memory_space<vmem>>, vector<16xf32>,
                  tpu.vector_store %arg10[%swap3A_438], %add3A_437 {strides = array<i32>} : memref<128xf32, #tpu.memory_space<vmem>>, vector<16xf32>,
                  %get3A_440 = arith.constant 32 : index
                  %get3A_441 = tpu.vector_load %arg10[%get3A_440] {strides = array<i32>} : memref<128xf32, #tpu.memory_space<vmem>>, vector<16xf32>,
                  %get3A_442 = arith.index_cast %while3A_423 : i32 to index
                  %get3A_443 = arith.constant 32 : index
                  %get3A_444 = tpu.vector_load %arg9[%get3A_442, %get3A_443] {strides = array<i32>} : memref<16x128xf32, #tpu.memory_space<vmem>>, vector<16xf32>,
                  %add3A_445 = arith.addf %get3A_441, %get3A_444 : vector<16xf32>
                  %swap3A_446 = arith.constant 32 : index
                  %swap3A_447 = tpu.vector_load %arg10[%swap3A_446] {strides = array<i32>} : memref<128xf32, #tpu.memory_space<vmem>>, vector<16xf32>,
                  tpu.vector_store %arg10[%swap3A_446], %add3A_445 {strides = array<i32>} : memref<128xf32, #tpu.memory_space<vmem>>, vector<16xf32>,
                  %get3A_448 = arith.constant 48 : index
                  %get3A_449 = tpu.vector_load %arg10[%get3A_448] {strides = array<i32>} : memref<128xf32, #tpu.memory_space<vmem>>, vector<16xf32>,
                  %get3A_450 = arith.index_cast %while3A_423 : i32 to index
                  %get3A_451 = arith.constant 48 : index
                  %get3A_452 = tpu.vector_load %arg9[%get3A_450, %get3A_451] {strides = array<i32>} : memref<16x128xf32, #tpu.memory_space<vmem>>, vector<16xf32>,
                  %add3A_453 = arith.addf %get3A_449, %get3A_452 : vector<16xf32>
                  %swap3A_454 = arith.constant 48 : index
                  %swap3A_455 = tpu.vector_load %arg10[%swap3A_454] {strides = array<i32>} : memref<128xf32, #tpu.memory_space<vmem>>, vector<16xf32>,
                  tpu.vector_store %arg10[%swap3A_454], %add3A_453 {strides = array<i32>} : memref<128xf32, #tpu.memory_space<vmem>>, vector<16xf32>,
                  %get3A_456 = arith.constant 64 : index
                  %get3A_457 = tpu.vector_load %arg10[%get3A_456] {strides = array<i32>} : memref<128xf32, #tpu.memory_space<vmem>>, vector<16xf32>,
                  %get3A_458 = arith.index_cast %while3A_423 : i32 to index
                  %get3A_459 = arith.constant 64 : index
                  %get3A_460 = tpu.vector_load %arg9[%get3A_458, %get3A_459] {strides = array<i32>} : memref<16x128xf32, #tpu.memory_space<vmem>>, vector<16xf32>,
                  %add3A_461 = arith.addf %get3A_457, %get3A_460 : vector<16xf32>
                  %swap3A_462 = arith.constant 64 : index
                  %swap3A_463 = tpu.vector_load %arg10[%swap3A_462] {strides = array<i32>} : memref<128xf32, #tpu.memory_space<vmem>>, vector<16xf32>,
                  tpu.vector_store %arg10[%swap3A_462], %add3A_461 {strides = array<i32>} : memref<128xf32, #tpu.memory_space<vmem>>, vector<16xf32>,
                  %get3A_464 = arith.constant 80 : index
                  %get3A_465 = tpu.vector_load %arg10[%get3A_464] {strides = array<i32>} : memref<128xf32, #tpu.memory_space<vmem>>, vector<16xf32>,
                  %get3A_466 = arith.index_cast %while3A_423 : i32 to index
                  %get3A_467 = arith.constant 80 : index
                  %get3A_468 = tpu.vector_load %arg9[%get3A_466, %get3A_467] {strides = array<i32>} : memref<16x128xf32, #tpu.memory_space<vmem>>, vector<16xf32>,
                  %add3A_469 = arith.addf %get3A_465, %get3A_468 : vector<16xf32>
                  %swap3A_470 = arith.constant 80 : index
                  %swap3A_471 = tpu.vector_load %arg10[%swap3A_470] {strides = array<i32>} : memref<128xf32, #tpu.memory_space<vmem>>, vector<16xf32>,
                  tpu.vector_store %arg10[%swap3A_470], %add3A_469 {strides = array<i32>} : memref<128xf32, #tpu.memory_space<vmem>>, vector<16xf32>,
                  %get3A_472 = arith.constant 96 : index
                  %get3A_473 = tpu.vector_load %arg10[%get3A_472] {strides = array<i32>} : memref<128xf32, #tpu.memory_space<vmem>>, vector<16xf32>,
                  %get3A_474 = arith.index_cast %while3A_423 : i32 to index
                  %get3A_475 = arith.constant 96 : index
                  %get3A_476 = tpu.vector_load %arg9[%get3A_474, %get3A_475] {strides = array<i32>} : memref<16x128xf32, #tpu.memory_space<vmem>>, vector<16xf32>,
                  %add3A_477 = arith.addf %get3A_473, %get3A_476 : vector<16xf32>
                  %swap3A_478 = arith.constant 96 : index
                  %swap3A_479 = tpu.vector_load %arg10[%swap3A_478] {strides = array<i32>} : memref<128xf32, #tpu.memory_space<vmem>>, vector<16xf32>,
                  tpu.vector_store %arg10[%swap3A_478], %add3A_477 {strides = array<i32>} : memref<128xf32, #tpu.memory_space<vmem>>, vector<16xf32>,
                  %get3A_480 = arith.constant 112 : index
                  %get3A_481 = tpu.vector_load %arg10[%get3A_480] {strides = array<i32>} : memref<128xf32, #tpu.memory_space<vmem>>, vector<16xf32>,
                  %get3A_482 = arith.index_cast %while3A_423 : i32 to index
                  %get3A_483 = arith.constant 112 : index
                  %get3A_484 = tpu.vector_load %arg9[%get3A_482, %get3A_483] {strides = array<i32>} : memref<16x128xf32, #tpu.memory_space<vmem>>, vector<16xf32>,
                  %add3A_485 = arith.addf %get3A_481, %get3A_484 : vector<16xf32>
                  %swap3A_486 = arith.constant 112 : index
                  %swap3A_487 = tpu.vector_load %arg10[%swap3A_486] {strides = array<i32>} : memref<128xf32, #tpu.memory_space<vmem>>, vector<16xf32>,
                  tpu.vector_store %arg10[%swap3A_486], %add3A_485 {strides = array<i32>} : memref<128xf32, #tpu.memory_space<vmem>>, vector<16xf32>,
                }
                %while3A_422 = arith.constant 1 : i32
                scf.for %while3A_423 = %while3A_420 to %while3A_416 step %while3A_422  : i32 {
                  %get3A_424 = arith.constant 0 : index
                  %get3A_425 = tpu.vector_load %arg10[%get3A_424] {strides = array<i32>} : memref<128xf32, #tpu.memory_space<vmem>>, vector<16xf32>,
                  %get3A_426 = arith.index_cast %while3A_423 : i32 to index
                  %get3A_427 = arith.constant 0 : index
                  %get3A_428 = tpu.vector_load %arg9[%get3A_426, %get3A_427] {strides = array<i32>} : memref<16x128xf32, #tpu.memory_space<vmem>>, vector<16xf32>,
                  %add3A_429 = arith.addf %get3A_425, %get3A_428 : vector<16xf32>
                  %swap3A_430 = arith.constant 0 : index
                  %swap3A_431 = tpu.vector_load %arg10[%swap3A_430] {strides = array<i32>} : memref<128xf32, #tpu.memory_space<vmem>>, vector<16xf32>,
                  tpu.vector_store %arg10[%swap3A_430], %add3A_429 {strides = array<i32>} : memref<128xf32, #tpu.memory_space<vmem>>, vector<16xf32>,
                  %get3A_432 = arith.constant 16 : index
                  %get3A_433 = tpu.vector_load %arg10[%get3A_432] {strides = array<i32>} : memref<128xf32, #tpu.memory_space<vmem>>, vector<16xf32>,
                  %get3A_434 = arith.index_cast %while3A_423 : i32 to index
                  %get3A_435 = arith.constant 16 : index
                  %get3A_436 = tpu.vector_load %arg9[%get3A_434, %get3A_435] {strides = array<i32>} : memref<16x128xf32, #tpu.memory_space<vmem>>, vector<16xf32>,
                  %add3A_437 = arith.addf %get3A_433, %get3A_436 : vector<16xf32>
                  %swap3A_438 = arith.constant 16 : index
                  %swap3A_439 = tpu.vector_load %arg10[%swap3A_438] {strides = array<i32>} : memref<128xf32, #tpu.memory_space<vmem>>, vector<16xf32>,
                  tpu.vector_store %arg10[%swap3A_438], %add3A_437 {strides = array<i32>} : memref<128xf32, #tpu.memory_space<vmem>>, vector<16xf32>,
                  %get3A_440 = arith.constant 32 : index
                  %get3A_441 = tpu.vector_load %arg10[%get3A_440] {strides = array<i32>} : memref<128xf32, #tpu.memory_space<vmem>>, vector<16xf32>,
                  %get3A_442 = arith.index_cast %while3A_423 : i32 to index
                  %get3A_443 = arith.constant 32 : index
                  %get3A_444 = tpu.vector_load %arg9[%get3A_442, %get3A_443] {strides = array<i32>} : memref<16x128xf32, #tpu.memory_space<vmem>>, vector<16xf32>,
                  %add3A_445 = arith.addf %get3A_441, %get3A_444 : vector<16xf32>
                  %swap3A_446 = arith.constant 32 : index
                  %swap3A_447 = tpu.vector_load %arg10[%swap3A_446] {strides = array<i32>} : memref<128xf32, #tpu.memory_space<vmem>>, vector<16xf32>,
                  tpu.vector_store %arg10[%swap3A_446], %add3A_445 {strides = array<i32>} : memref<128xf32, #tpu.memory_space<vmem>>, vector<16xf32>,
                  %get3A_448 = arith.constant 48 : index
                  %get3A_449 = tpu.vector_load %arg10[%get3A_448] {strides = array<i32>} : memref<128xf32, #tpu.memory_space<vmem>>, vector<16xf32>,
                  %get3A_450 = arith.index_cast %while3A_423 : i32 to index
                  %get3A_451 = arith.constant 48 : index
                  %get3A_452 = tpu.vector_load %arg9[%get3A_450, %get3A_451] {strides = array<i32>} : memref<16x128xf32, #tpu.memory_space<vmem>>, vector<16xf32>,
                  %add3A_453 = arith.addf %get3A_449, %get3A_452 : vector<16xf32>
                  %swap3A_454 = arith.constant 48 : index
                  %swap3A_455 = tpu.vector_load %arg10[%swap3A_454] {strides = array<i32>} : memref<128xf32, #tpu.memory_space<vmem>>, vector<16xf32>,
                  tpu.vector_store %arg10[%swap3A_454], %add3A_453 {strides = array<i32>} : memref<128xf32, #tpu.memory_space<vmem>>, vector<16xf32>,
                  %get3A_456 = arith.constant 64 : index
                  %get3A_457 = tpu.vector_load %arg10[%get3A_456] {strides = array<i32>} : memref<128xf32, #tpu.memory_space<vmem>>, vector<16xf32>,
                  %get3A_458 = arith.index_cast %while3A_423 : i32 to index
                  %get3A_459 = arith.constant 64 : index
                  %get3A_460 = tpu.vector_load %arg9[%get3A_458, %get3A_459] {strides = array<i32>} : memref<16x128xf32, #tpu.memory_space<vmem>>, vector<16xf32>,
                  %add3A_461 = arith.addf %get3A_457, %get3A_460 : vector<16xf32>
                  %swap3A_462 = arith.constant 64 : index
                  %swap3A_463 = tpu.vector_load %arg10[%swap3A_462] {strides = array<i32>} : memref<128xf32, #tpu.memory_space<vmem>>, vector<16xf32>,
                  tpu.vector_store %arg10[%swap3A_462], %add3A_461 {strides = array<i32>} : memref<128xf32, #tpu.memory_space<vmem>>, vector<16xf32>,
                  %get3A_464 = arith.constant 80 : index
                  %get3A_465 = tpu.vector_load %arg10[%get3A_464] {strides = array<i32>} : memref<128xf32, #tpu.memory_space<vmem>>, vector<16xf32>,
                  %get3A_466 = arith.index_cast %while3A_423 : i32 to index
                  %get3A_467 = arith.constant 80 : index
                  %get3A_468 = tpu.vector_load %arg9[%get3A_466, %get3A_467] {strides = array<i32>} : memref<16x128xf32, #tpu.memory_space<vmem>>, vector<16xf32>,
                  %add3A_469 = arith.addf %get3A_465, %get3A_468 : vector<16xf32>
                  %swap3A_470 = arith.constant 80 : index
                  %swap3A_471 = tpu.vector_load %arg10[%swap3A_470] {strides = array<i32>} : memref<128xf32, #tpu.memory_space<vmem>>, vector<16xf32>,
                  tpu.vector_store %arg10[%swap3A_470], %add3A_469 {strides = array<i32>} : memref<128xf32, #tpu.memory_space<vmem>>, vector<16xf32>,
                  %get3A_472 = arith.constant 96 : index
                  %get3A_473 = tpu.vector_load %arg10[%get3A_472] {strides = array<i32>} : memref<128xf32, #tpu.memory_space<vmem>>, vector<16xf32>,
                  %get3A_474 = arith.index_cast %while3A_423 : i32 to index
                  %get3A_475 = arith.constant 96 : index
                  %get3A_476 = tpu.vector_load %arg9[%get3A_474, %get3A_475] {strides = array<i32>} : memref<16x128xf32, #tpu.memory_space<vmem>>, vector<16xf32>,
                  %add3A_477 = arith.addf %get3A_473, %get3A_476 : vector<16xf32>
                  %swap3A_478 = arith.constant 96 : index
                  %swap3A_479 = tpu.vector_load %arg10[%swap3A_478] {strides = array<i32>} : memref<128xf32, #tpu.memory_space<vmem>>, vector<16xf32>,
                  tpu.vector_store %arg10[%swap3A_478], %add3A_477 {strides = array<i32>} : memref<128xf32, #tpu.memory_space<vmem>>, vector<16xf32>,
                  %get3A_480 = arith.constant 112 : index
                  %get3A_481 = tpu.vector_load %arg10[%get3A_480] {strides = array<i32>} : memref<128xf32, #tpu.memory_space<vmem>>, vector<16xf32>,
                  %get3A_482 = arith.index_cast %while3A_423 : i32 to index
                  %get3A_483 = arith.constant 112 : index
                  %get3A_484 = tpu.vector_load %arg9[%get3A_482, %get3A_483] {strides = array<i32>} : memref<16x128xf32, #tpu.memory_space<vmem>>, vector<16xf32>,
                  %add3A_485 = arith.addf %get3A_481, %get3A_484 : vector<16xf32>
                  %swap3A_486 = arith.constant 112 : index
                  %swap3A_487 = tpu.vector_load %arg10[%swap3A_486] {strides = array<i32>} : memref<128xf32, #tpu.memory_space<vmem>>, vector<16xf32>,
                  tpu.vector_store %arg10[%swap3A_486], %add3A_485 {strides = array<i32>} : memref<128xf32, #tpu.memory_space<vmem>>, vector<16xf32>,
                }
              } else {
              }
            }
            %while3A_371 = arith.constant 1 : i32
            scf.for %while3A_372 = %while3A_369 to %while3A_365 step %while3A_371  : i32 {
              %mul3A_373 = arith.constant 16 : i32
              %mul3A_374 = arith.muli %while3A_372, %mul3A_373 : i32
              %get3A_375 = arith.index_cast %mul3A_374 : i32 to index
              %get3A_376 = tpu.vector_load %arg6[%get3A_375] {strides = array<i32>} : memref<10240xi32, #tpu.memory_space<vmem>>, vector<16xi32>,
              %eq3A_377 = arith.constant 0 : i32
              %eq3A_378 = vector.broadcast %eq3A_377 : i32 to vector<16xi32>
              %eq3A_379 = arith.cmpi eq, %get3A_376, %eq3A_378 : vector<16xi32>
              %jit3A_380 = arith.constant 1 : i32
              %jit3A_381 = arith.constant 0 : i32
              %broadcast_in_dim3A_382 = vector.broadcast %jit3A_380 : i32 to vector<16xi32>
              %broadcast_in_dim3A_383 = vector.broadcast %jit3A_381 : i32 to vector<16xi32>
              %select_n3A_384 = arith.select %eq3A_379, %broadcast_in_dim3A_382, %broadcast_in_dim3A_383 : vector<16xi1>, vector<16xi32>
              %reduce_sum3A_385 = arith.constant true
              %reduce_sum3A_386 = vector.broadcast %reduce_sum3A_385 : i1 to vector<16xi1>
              %reduce_sum3A_387 = tpu.scan <sum>, %select_n3A_384 masked %reduce_sum3A_386 : vector<16xi32>, vector<16xi1> -> vector<16xi32>
              %reduce_sum3A_388 = vector.extract %reduce_sum3A_387[15] : i32 from vector<16xi32>
              %gt3A_389 = arith.constant 0 : i32
              %gt3A_390 = arith.cmpi sgt, %reduce_sum3A_388, %gt3A_389 : i32
              %convert_element_type3A_391 = arith.extui %gt3A_390 : i1 to i32
              %cond3A_392 = arith.constant 0 : i32
              %cond3A_393 = arith.cmpi ne, %convert_element_type3A_391, %cond3A_392 : i32
              scf.if %cond3A_393 {
                %get3A_394 = arith.index_cast %mul3A_374 : i32 to index
                %get3A_395 = tpu.vector_load %arg7[%get3A_394] {strides = array<i32>} : memref<10240xi32, #tpu.memory_space<vmem>>, vector<16xi32>,
                %broadcast_in_dim3A_396 = arith.constant 0 : i32
                %broadcast_in_dim3A_397 = vector.broadcast %broadcast_in_dim3A_396 : i32 to vector<16xi32>
                %swap3A_398 = arith.constant 0 : index
                %swap3A_399 = tpu.vector_load %arg8[%swap3A_398] {strides = array<i32>} : memref<16xi32, #tpu.memory_space<vmem>>, vector<16xi32>,
                tpu.vector_store %arg8[%swap3A_398], %broadcast_in_dim3A_397 {strides = array<i32>} : memref<16xi32, #tpu.memory_space<vmem>>, vector<16xi32>,
                %swap3A_400 = arith.constant 0 : index
                %swap3A_401 = tpu.vector_load %arg8[%swap3A_400] masked %eq3A_379 {strides = array<i32>} : memref<16xi32, #tpu.memory_space<vmem>>, vector<16xi32>, vector<16xi1>
                tpu.vector_store %arg8[%swap3A_400], %get3A_395 masked %eq3A_379 {strides = array<i32>} : memref<16xi32, #tpu.memory_space<vmem>>, vector<16xi32>, vector<16xi1>
                %get3A_402 = arith.constant 0 : index
                %get3A_403 = tpu.vector_load %arg11[%get3A_402] {strides = array<i32>} : memref<16xi32, #tpu.memory_space<vmem>>, vector<16xi32>,
                %add3A_404 = arith.addi %get3A_403, %select_n3A_384 : vector<16xi32>
                %swap3A_405 = arith.constant 0 : index
                %swap3A_406 = tpu.vector_load %arg11[%swap3A_405] {strides = array<i32>} : memref<16xi32, #tpu.memory_space<vmem>>, vector<16xi32>,
                tpu.vector_store %arg11[%swap3A_405], %add3A_404 {strides = array<i32>} : memref<16xi32, #tpu.memory_space<vmem>>, vector<16xi32>,
                %dma_start3A_407 = arith.constant 0 : i32
                %dma_start3A_408 = arith.constant 0 : i32
                %dma_start3A_409 = tpu.memref_slice %arg2[%dma_start3A_407, %dma_start3A_408] : memref<10000x128xf32, #tpu.memory_space<hbm>> -> memref<10000x128xf32, #tpu.memory_space<hbm>>
                tpu.enqueue_indirect_dma source(%dma_start3A_409 : memref<10000x128xf32, #tpu.memory_space<hbm>>) target(%arg9 : memref<16x128xf32, #tpu.memory_space<vmem>>) offsets(%arg8 : memref<16xi32, #tpu.memory_space<vmem>>) semaphore(%arg18 : memref<!tpu.dma_semaphore, #tpu.memory_space<semaphore_mem>>)
                %dma_wait3A_410 = arith.constant 0 : i32
                %dma_wait3A_411 = arith.constant 0 : i32
                %dma_wait3A_412 = tpu.memref_slice %arg2[%dma_wait3A_410, %dma_wait3A_411] : memref<10000x128xf32, #tpu.memory_space<hbm>> -> memref<10000x128xf32, #tpu.memory_space<hbm>>
                tpu.wait_indirect_dma semaphore(%arg18 : memref<!tpu.dma_semaphore, #tpu.memory_space<semaphore_mem>>) src(%dma_wait3A_412 : memref<10000x128xf32, #tpu.memory_space<hbm>>) dst(%arg9 : memref<16x128xf32, #tpu.memory_space<vmem>>)
                %while3A_413 = arith.constant 0 : i32
                %while3A_414 = arith.constant 0 : i32
                %while3A_415 = arith.subi %reduce_sum3A_388, %while3A_414 : i32
                %while3A_416 = arith.addi %while3A_414, %while3A_415 : i32
                %while3A_417 = arith.constant 1 : i32
                %while3A_418 = arith.divsi %while3A_415, %while3A_417 : i32
                %while3A_419 = arith.muli %while3A_418, %while3A_417 : i32
                %while3A_420 = arith.addi %while3A_414, %while3A_419 : i32
                %while3A_421 = arith.constant 1 : i32
                scf.for %while3A_423 = %while3A_414 to %while3A_420 step %while3A_421  : i32 {
                  %get3A_424 = arith.constant 0 : index
                  %get3A_425 = tpu.vector_load %arg10[%get3A_424] {strides = array<i32>} : memref<128xf32, #tpu.memory_space<vmem>>, vector<16xf32>,
                  %get3A_426 = arith.index_cast %while3A_423 : i32 to index
                  %get3A_427 = arith.constant 0 : index
                  %get3A_428 = tpu.vector_load %arg9[%get3A_426, %get3A_427] {strides = array<i32>} : memref<16x128xf32, #tpu.memory_space<vmem>>, vector<16xf32>,
                  %add3A_429 = arith.addf %get3A_425, %get3A_428 : vector<16xf32>
                  %swap3A_430 = arith.constant 0 : index
                  %swap3A_431 = tpu.vector_load %arg10[%swap3A_430] {strides = array<i32>} : memref<128xf32, #tpu.memory_space<vmem>>, vector<16xf32>,
                  tpu.vector_store %arg10[%swap3A_430], %add3A_429 {strides = array<i32>} : memref<128xf32, #tpu.memory_space<vmem>>, vector<16xf32>,
                  %get3A_432 = arith.constant 16 : index
                  %get3A_433 = tpu.vector_load %arg10[%get3A_432] {strides = array<i32>} : memref<128xf32, #tpu.memory_space<vmem>>, vector<16xf32>,
                  %get3A_434 = arith.index_cast %while3A_423 : i32 to index
                  %get3A_435 = arith.constant 16 : index
                  %get3A_436 = tpu.vector_load %arg9[%get3A_434, %get3A_435] {strides = array<i32>} : memref<16x128xf32, #tpu.memory_space<vmem>>, vector<16xf32>,
                  %add3A_437 = arith.addf %get3A_433, %get3A_436 : vector<16xf32>
                  %swap3A_438 = arith.constant 16 : index
                  %swap3A_439 = tpu.vector_load %arg10[%swap3A_438] {strides = array<i32>} : memref<128xf32, #tpu.memory_space<vmem>>, vector<16xf32>,
                  tpu.vector_store %arg10[%swap3A_438], %add3A_437 {strides = array<i32>} : memref<128xf32, #tpu.memory_space<vmem>>, vector<16xf32>,
                  %get3A_440 = arith.constant 32 : index
                  %get3A_441 = tpu.vector_load %arg10[%get3A_440] {strides = array<i32>} : memref<128xf32, #tpu.memory_space<vmem>>, vector<16xf32>,
                  %get3A_442 = arith.index_cast %while3A_423 : i32 to index
                  %get3A_443 = arith.constant 32 : index
                  %get3A_444 = tpu.vector_load %arg9[%get3A_442, %get3A_443] {strides = array<i32>} : memref<16x128xf32, #tpu.memory_space<vmem>>, vector<16xf32>,
                  %add3A_445 = arith.addf %get3A_441, %get3A_444 : vector<16xf32>
                  %swap3A_446 = arith.constant 32 : index
                  %swap3A_447 = tpu.vector_load %arg10[%swap3A_446] {strides = array<i32>} : memref<128xf32, #tpu.memory_space<vmem>>, vector<16xf32>,
                  tpu.vector_store %arg10[%swap3A_446], %add3A_445 {strides = array<i32>} : memref<128xf32, #tpu.memory_space<vmem>>, vector<16xf32>,
                  %get3A_448 = arith.constant 48 : index
                  %get3A_449 = tpu.vector_load %arg10[%get3A_448] {strides = array<i32>} : memref<128xf32, #tpu.memory_space<vmem>>, vector<16xf32>,
                  %get3A_450 = arith.index_cast %while3A_423 : i32 to index
                  %get3A_451 = arith.constant 48 : index
                  %get3A_452 = tpu.vector_load %arg9[%get3A_450, %get3A_451] {strides = array<i32>} : memref<16x128xf32, #tpu.memory_space<vmem>>, vector<16xf32>,
                  %add3A_453 = arith.addf %get3A_449, %get3A_452 : vector<16xf32>
                  %swap3A_454 = arith.constant 48 : index
                  %swap3A_455 = tpu.vector_load %arg10[%swap3A_454] {strides = array<i32>} : memref<128xf32, #tpu.memory_space<vmem>>, vector<16xf32>,
                  tpu.vector_store %arg10[%swap3A_454], %add3A_453 {strides = array<i32>} : memref<128xf32, #tpu.memory_space<vmem>>, vector<16xf32>,
                  %get3A_456 = arith.constant 64 : index
                  %get3A_457 = tpu.vector_load %arg10[%get3A_456] {strides = array<i32>} : memref<128xf32, #tpu.memory_space<vmem>>, vector<16xf32>,
                  %get3A_458 = arith.index_cast %while3A_423 : i32 to index
                  %get3A_459 = arith.constant 64 : index
                  %get3A_460 = tpu.vector_load %arg9[%get3A_458, %get3A_459] {strides = array<i32>} : memref<16x128xf32, #tpu.memory_space<vmem>>, vector<16xf32>,
                  %add3A_461 = arith.addf %get3A_457, %get3A_460 : vector<16xf32>
                  %swap3A_462 = arith.constant 64 : index
                  %swap3A_463 = tpu.vector_load %arg10[%swap3A_462] {strides = array<i32>} : memref<128xf32, #tpu.memory_space<vmem>>, vector<16xf32>,
                  tpu.vector_store %arg10[%swap3A_462], %add3A_461 {strides = array<i32>} : memref<128xf32, #tpu.memory_space<vmem>>, vector<16xf32>,
                  %get3A_464 = arith.constant 80 : index
                  %get3A_465 = tpu.vector_load %arg10[%get3A_464] {strides = array<i32>} : memref<128xf32, #tpu.memory_space<vmem>>, vector<16xf32>,
                  %get3A_466 = arith.index_cast %while3A_423 : i32 to index
                  %get3A_467 = arith.constant 80 : index
                  %get3A_468 = tpu.vector_load %arg9[%get3A_466, %get3A_467] {strides = array<i32>} : memref<16x128xf32, #tpu.memory_space<vmem>>, vector<16xf32>,
                  %add3A_469 = arith.addf %get3A_465, %get3A_468 : vector<16xf32>
                  %swap3A_470 = arith.constant 80 : index
                  %swap3A_471 = tpu.vector_load %arg10[%swap3A_470] {strides = array<i32>} : memref<128xf32, #tpu.memory_space<vmem>>, vector<16xf32>,
                  tpu.vector_store %arg10[%swap3A_470], %add3A_469 {strides = array<i32>} : memref<128xf32, #tpu.memory_space<vmem>>, vector<16xf32>,
                  %get3A_472 = arith.constant 96 : index
                  %get3A_473 = tpu.vector_load %arg10[%get3A_472] {strides = array<i32>} : memref<128xf32, #tpu.memory_space<vmem>>, vector<16xf32>,
                  %get3A_474 = arith.index_cast %while3A_423 : i32 to index
                  %get3A_475 = arith.constant 96 : index
                  %get3A_476 = tpu.vector_load %arg9[%get3A_474, %get3A_475] {strides = array<i32>} : memref<16x128xf32, #tpu.memory_space<vmem>>, vector<16xf32>,
                  %add3A_477 = arith.addf %get3A_473, %get3A_476 : vector<16xf32>
                  %swap3A_478 = arith.constant 96 : index
                  %swap3A_479 = tpu.vector_load %arg10[%swap3A_478] {strides = array<i32>} : memref<128xf32, #tpu.memory_space<vmem>>, vector<16xf32>,
                  tpu.vector_store %arg10[%swap3A_478], %add3A_477 {strides = array<i32>} : memref<128xf32, #tpu.memory_space<vmem>>, vector<16xf32>,
                  %get3A_480 = arith.constant 112 : index
                  %get3A_481 = tpu.vector_load %arg10[%get3A_480] {strides = array<i32>} : memref<128xf32, #tpu.memory_space<vmem>>, vector<16xf32>,
                  %get3A_482 = arith.index_cast %while3A_423 : i32 to index
                  %get3A_483 = arith.constant 112 : index
                  %get3A_484 = tpu.vector_load %arg9[%get3A_482, %get3A_483] {strides = array<i32>} : memref<16x128xf32, #tpu.memory_space<vmem>>, vector<16xf32>,
                  %add3A_485 = arith.addf %get3A_481, %get3A_484 : vector<16xf32>
                  %swap3A_486 = arith.constant 112 : index
                  %swap3A_487 = tpu.vector_load %arg10[%swap3A_486] {strides = array<i32>} : memref<128xf32, #tpu.memory_space<vmem>>, vector<16xf32>,
                  tpu.vector_store %arg10[%swap3A_486], %add3A_485 {strides = array<i32>} : memref<128xf32, #tpu.memory_space<vmem>>, vector<16xf32>,
                }
                %while3A_422 = arith.constant 1 : i32
                scf.for %while3A_423 = %while3A_420 to %while3A_416 step %while3A_422  : i32 {
                  %get3A_424 = arith.constant 0 : index
                  %get3A_425 = tpu.vector_load %arg10[%get3A_424] {strides = array<i32>} : memref<128xf32, #tpu.memory_space<vmem>>, vector<16xf32>,
                  %get3A_426 = arith.index_cast %while3A_423 : i32 to index
                  %get3A_427 = arith.constant 0 : index
                  %get3A_428 = tpu.vector_load %arg9[%get3A_426, %get3A_427] {strides = array<i32>} : memref<16x128xf32, #tpu.memory_space<vmem>>, vector<16xf32>,
                  %add3A_429 = arith.addf %get3A_425, %get3A_428 : vector<16xf32>
                  %swap3A_430 = arith.constant 0 : index
                  %swap3A_431 = tpu.vector_load %arg10[%swap3A_430] {strides = array<i32>} : memref<128xf32, #tpu.memory_space<vmem>>, vector<16xf32>,
                  tpu.vector_store %arg10[%swap3A_430], %add3A_429 {strides = array<i32>} : memref<128xf32, #tpu.memory_space<vmem>>, vector<16xf32>,
                  %get3A_432 = arith.constant 16 : index
                  %get3A_433 = tpu.vector_load %arg10[%get3A_432] {strides = array<i32>} : memref<128xf32, #tpu.memory_space<vmem>>, vector<16xf32>,
                  %get3A_434 = arith.index_cast %while3A_423 : i32 to index
                  %get3A_435 = arith.constant 16 : index
                  %get3A_436 = tpu.vector_load %arg9[%get3A_434, %get3A_435] {strides = array<i32>} : memref<16x128xf32, #tpu.memory_space<vmem>>, vector<16xf32>,
                  %add3A_437 = arith.addf %get3A_433, %get3A_436 : vector<16xf32>
                  %swap3A_438 = arith.constant 16 : index
                  %swap3A_439 = tpu.vector_load %arg10[%swap3A_438] {strides = array<i32>} : memref<128xf32, #tpu.memory_space<vmem>>, vector<16xf32>,
                  tpu.vector_store %arg10[%swap3A_438], %add3A_437 {strides = array<i32>} : memref<128xf32, #tpu.memory_space<vmem>>, vector<16xf32>,
                  %get3A_440 = arith.constant 32 : index
                  %get3A_441 = tpu.vector_load %arg10[%get3A_440] {strides = array<i32>} : memref<128xf32, #tpu.memory_space<vmem>>, vector<16xf32>,
                  %get3A_442 = arith.index_cast %while3A_423 : i32 to index
                  %get3A_443 = arith.constant 32 : index
                  %get3A_444 = tpu.vector_load %arg9[%get3A_442, %get3A_443] {strides = array<i32>} : memref<16x128xf32, #tpu.memory_space<vmem>>, vector<16xf32>,
                  %add3A_445 = arith.addf %get3A_441, %get3A_444 : vector<16xf32>
                  %swap3A_446 = arith.constant 32 : index
                  %swap3A_447 = tpu.vector_load %arg10[%swap3A_446] {strides = array<i32>} : memref<128xf32, #tpu.memory_space<vmem>>, vector<16xf32>,
                  tpu.vector_store %arg10[%swap3A_446], %add3A_445 {strides = array<i32>} : memref<128xf32, #tpu.memory_space<vmem>>, vector<16xf32>,
                  %get3A_448 = arith.constant 48 : index
                  %get3A_449 = tpu.vector_load %arg10[%get3A_448] {strides = array<i32>} : memref<128xf32, #tpu.memory_space<vmem>>, vector<16xf32>,
                  %get3A_450 = arith.index_cast %while3A_423 : i32 to index
                  %get3A_451 = arith.constant 48 : index
                  %get3A_452 = tpu.vector_load %arg9[%get3A_450, %get3A_451] {strides = array<i32>} : memref<16x128xf32, #tpu.memory_space<vmem>>, vector<16xf32>,
                  %add3A_453 = arith.addf %get3A_449, %get3A_452 : vector<16xf32>
                  %swap3A_454 = arith.constant 48 : index
                  %swap3A_455 = tpu.vector_load %arg10[%swap3A_454] {strides = array<i32>} : memref<128xf32, #tpu.memory_space<vmem>>, vector<16xf32>,
                  tpu.vector_store %arg10[%swap3A_454], %add3A_453 {strides = array<i32>} : memref<128xf32, #tpu.memory_space<vmem>>, vector<16xf32>,
                  %get3A_456 = arith.constant 64 : index
                  %get3A_457 = tpu.vector_load %arg10[%get3A_456] {strides = array<i32>} : memref<128xf32, #tpu.memory_space<vmem>>, vector<16xf32>,
                  %get3A_458 = arith.index_cast %while3A_423 : i32 to index
                  %get3A_459 = arith.constant 64 : index
                  %get3A_460 = tpu.vector_load %arg9[%get3A_458, %get3A_459] {strides = array<i32>} : memref<16x128xf32, #tpu.memory_space<vmem>>, vector<16xf32>,
                  %add3A_461 = arith.addf %get3A_457, %get3A_460 : vector<16xf32>
                  %swap3A_462 = arith.constant 64 : index
                  %swap3A_463 = tpu.vector_load %arg10[%swap3A_462] {strides = array<i32>} : memref<128xf32, #tpu.memory_space<vmem>>, vector<16xf32>,
                  tpu.vector_store %arg10[%swap3A_462], %add3A_461 {strides = array<i32>} : memref<128xf32, #tpu.memory_space<vmem>>, vector<16xf32>,
                  %get3A_464 = arith.constant 80 : index
                  %get3A_465 = tpu.vector_load %arg10[%get3A_464] {strides = array<i32>} : memref<128xf32, #tpu.memory_space<vmem>>, vector<16xf32>,
                  %get3A_466 = arith.index_cast %while3A_423 : i32 to index
                  %get3A_467 = arith.constant 80 : index
                  %get3A_468 = tpu.vector_load %arg9[%get3A_466, %get3A_467] {strides = array<i32>} : memref<16x128xf32, #tpu.memory_space<vmem>>, vector<16xf32>,
                  %add3A_469 = arith.addf %get3A_465, %get3A_468 : vector<16xf32>
                  %swap3A_470 = arith.constant 80 : index
                  %swap3A_471 = tpu.vector_load %arg10[%swap3A_470] {strides = array<i32>} : memref<128xf32, #tpu.memory_space<vmem>>, vector<16xf32>,
                  tpu.vector_store %arg10[%swap3A_470], %add3A_469 {strides = array<i32>} : memref<128xf32, #tpu.memory_space<vmem>>, vector<16xf32>,
                  %get3A_472 = arith.constant 96 : index
                  %get3A_473 = tpu.vector_load %arg10[%get3A_472] {strides = array<i32>} : memref<128xf32, #tpu.memory_space<vmem>>, vector<16xf32>,
                  %get3A_474 = arith.index_cast %while3A_423 : i32 to index
                  %get3A_475 = arith.constant 96 : index
                  %get3A_476 = tpu.vector_load %arg9[%get3A_474, %get3A_475] {strides = array<i32>} : memref<16x128xf32, #tpu.memory_space<vmem>>, vector<16xf32>,
                  %add3A_477 = arith.addf %get3A_473, %get3A_476 : vector<16xf32>
                  %swap3A_478 = arith.constant 96 : index
                  %swap3A_479 = tpu.vector_load %arg10[%swap3A_478] {strides = array<i32>} : memref<128xf32, #tpu.memory_space<vmem>>, vector<16xf32>,
                  tpu.vector_store %arg10[%swap3A_478], %add3A_477 {strides = array<i32>} : memref<128xf32, #tpu.memory_space<vmem>>, vector<16xf32>,
                  %get3A_480 = arith.constant 112 : index
                  %get3A_481 = tpu.vector_load %arg10[%get3A_480] {strides = array<i32>} : memref<128xf32, #tpu.memory_space<vmem>>, vector<16xf32>,
                  %get3A_482 = arith.index_cast %while3A_423 : i32 to index
                  %get3A_483 = arith.constant 112 : index
                  %get3A_484 = tpu.vector_load %arg9[%get3A_482, %get3A_483] {strides = array<i32>} : memref<16x128xf32, #tpu.memory_space<vmem>>, vector<16xf32>,
                  %add3A_485 = arith.addf %get3A_481, %get3A_484 : vector<16xf32>
                  %swap3A_486 = arith.constant 112 : index
                  %swap3A_487 = tpu.vector_load %arg10[%swap3A_486] {strides = array<i32>} : memref<128xf32, #tpu.memory_space<vmem>>, vector<16xf32>,
                  tpu.vector_store %arg10[%swap3A_486], %add3A_485 {strides = array<i32>} : memref<128xf32, #tpu.memory_space<vmem>>, vector<16xf32>,
                }
              } else {
              }
            }
          } else {
          }
        }
        %scan3A_263 = arith.constant 40 : i32
      } else {
      }
    } else {
    }
    "tpu.region"() ({
      %run_scoped3A = tpu.sem_alloc : memref<!tpu.dma_semaphore, #tpu.memory_space<semaphore_mem>>
      %dma_start3A_242 = arith.constant 0 : i32
      %dma_start3A_243 = tpu.memref_slice %arg4[%add3A, %dma_start3A_242] : memref<32x128xf32, #tpu.memory_space<hbm>> -> memref<1x128xf32, #tpu.memory_space<hbm>>
      %dma_start3A_244 = tpu.memref_squeeze %dma_start3A_243 : memref<1x128xf32, #tpu.memory_space<hbm>> -> memref<128xf32, #tpu.memory_space<hbm>>
      %dma_start3A_245 = arith.constant 0 : i32
      %dma_start3A_246 = tpu.memref_slice %arg4[%add3A, %dma_start3A_245] : memref<32x128xf32, #tpu.memory_space<hbm>> -> memref<1x128xf32, #tpu.memory_space<hbm>>
      %dma_start3A_247 = tpu.memref_squeeze %dma_start3A_246 : memref<1x128xf32, #tpu.memory_space<hbm>> -> memref<128xf32, #tpu.memory_space<hbm>>
      tpu.enqueue_dma source(%arg10 : memref<128xf32, #tpu.memory_space<vmem>>) target(%dma_start3A_247 : memref<128xf32, #tpu.memory_space<hbm>>) target_semaphore(%run_scoped3A : memref<!tpu.dma_semaphore, #tpu.memory_space<semaphore_mem>>)
      %dma_wait3A_248 = arith.constant 0 : i32
      %dma_wait3A_249 = tpu.memref_slice %arg4[%add3A, %dma_wait3A_248] : memref<32x128xf32, #tpu.memory_space<hbm>> -> memref<1x128xf32, #tpu.memory_space<hbm>>
      %dma_wait3A_250 = tpu.memref_squeeze %dma_wait3A_249 : memref<1x128xf32, #tpu.memory_space<hbm>> -> memref<128xf32, #tpu.memory_space<hbm>>
      %dma_wait3A_251 = arith.constant 0 : i32
      %dma_wait3A_252 = tpu.memref_slice %arg4[%add3A, %dma_wait3A_251] : memref<32x128xf32, #tpu.memory_space<hbm>> -> memref<1x128xf32, #tpu.memory_space<hbm>>
      %dma_wait3A_253 = tpu.memref_squeeze %dma_wait3A_252 : memref<1x128xf32, #tpu.memory_space<hbm>> -> memref<128xf32, #tpu.memory_space<hbm>>
      tpu.wait_dma2 semaphore(%run_scoped3A : memref<!tpu.dma_semaphore, #tpu.memory_space<semaphore_mem>>) src(%arg10 : memref<128xf32, #tpu.memory_space<vmem>>) dst(%dma_wait3A_253 : memref<128xf32, #tpu.memory_space<hbm>>)
      tpu.yield
    }) : () -> ()
    %get3A = arith.constant 0 : index
    %get3A_212 = tpu.vector_load %arg11[%get3A] {strides = array<i32>} : memref<16xi32, #tpu.memory_space<vmem>>, vector<16xi32>,
    %reduce_sum3A_213 = arith.constant true
    %reduce_sum3A_214 = vector.broadcast %reduce_sum3A_213 : i1 to vector<16xi1>
    %reduce_sum3A_215 = tpu.scan <sum>, %get3A_212 masked %reduce_sum3A_214 : vector<16xi32>, vector<16xi1> -> vector<16xi32>
    %reduce_sum3A_216 = vector.extract %reduce_sum3A_215[15] : i32 from vector<16xi32>
    %convert_element_type3A_217 = arith.sitofp %reduce_sum3A_216 : i32 to f32
    %broadcast_in_dim3A_218 = vector.broadcast %convert_element_type3A_217 : f32 to vector<16xf32>
    %swap3A_219 = arith.constant 0 : index
    %swap3A_220 = tpu.vector_load %arg12[%swap3A_219] {strides = array<i32>} : memref<128xf32, #tpu.memory_space<vmem>>, vector<16xf32>,
    tpu.vector_store %arg12[%swap3A_219], %broadcast_in_dim3A_218 {strides = array<i32>} : memref<128xf32, #tpu.memory_space<vmem>>, vector<16xf32>,
    %broadcast_in_dim3A_221 = vector.broadcast %convert_element_type3A_217 : f32 to vector<16xf32>
    %swap3A_222 = arith.constant 16 : index
    %swap3A_223 = tpu.vector_load %arg12[%swap3A_222] {strides = array<i32>} : memref<128xf32, #tpu.memory_space<vmem>>, vector<16xf32>,
    tpu.vector_store %arg12[%swap3A_222], %broadcast_in_dim3A_221 {strides = array<i32>} : memref<128xf32, #tpu.memory_space<vmem>>, vector<16xf32>,
    %broadcast_in_dim3A_224 = vector.broadcast %convert_element_type3A_217 : f32 to vector<16xf32>
    %swap3A_225 = arith.constant 32 : index
    %swap3A_226 = tpu.vector_load %arg12[%swap3A_225] {strides = array<i32>} : memref<128xf32, #tpu.memory_space<vmem>>, vector<16xf32>,
    tpu.vector_store %arg12[%swap3A_225], %broadcast_in_dim3A_224 {strides = array<i32>} : memref<128xf32, #tpu.memory_space<vmem>>, vector<16xf32>,
    %broadcast_in_dim3A_227 = vector.broadcast %convert_element_type3A_217 : f32 to vector<16xf32>
    %swap3A_228 = arith.constant 48 : index
    %swap3A_229 = tpu.vector_load %arg12[%swap3A_228] {strides = array<i32>} : memref<128xf32, #tpu.memory_space<vmem>>, vector<16xf32>,
    tpu.vector_store %arg12[%swap3A_228], %broadcast_in_dim3A_227 {strides = array<i32>} : memref<128xf32, #tpu.memory_space<vmem>>, vector<16xf32>,
    %broadcast_in_dim3A_230 = vector.broadcast %convert_element_type3A_217 : f32 to vector<16xf32>
    %swap3A_231 = arith.constant 64 : index
    %swap3A_232 = tpu.vector_load %arg12[%swap3A_231] {strides = array<i32>} : memref<128xf32, #tpu.memory_space<vmem>>, vector<16xf32>,
    tpu.vector_store %arg12[%swap3A_231], %broadcast_in_dim3A_230 {strides = array<i32>} : memref<128xf32, #tpu.memory_space<vmem>>, vector<16xf32>,
    %broadcast_in_dim3A_233 = vector.broadcast %convert_element_type3A_217 : f32 to vector<16xf32>
    %swap3A_234 = arith.constant 80 : index
    %swap3A_235 = tpu.vector_load %arg12[%swap3A_234] {strides = array<i32>} : memref<128xf32, #tpu.memory_space<vmem>>, vector<16xf32>,
    tpu.vector_store %arg12[%swap3A_234], %broadcast_in_dim3A_233 {strides = array<i32>} : memref<128xf32, #tpu.memory_space<vmem>>, vector<16xf32>,
    %broadcast_in_dim3A_236 = vector.broadcast %convert_element_type3A_217 : f32 to vector<16xf32>
    %swap3A_237 = arith.constant 96 : index
    %swap3A_238 = tpu.vector_load %arg12[%swap3A_237] {strides = array<i32>} : memref<128xf32, #tpu.memory_space<vmem>>, vector<16xf32>,
    tpu.vector_store %arg12[%swap3A_237], %broadcast_in_dim3A_236 {strides = array<i32>} : memref<128xf32, #tpu.memory_space<vmem>>, vector<16xf32>,
    %broadcast_in_dim3A_239 = vector.broadcast %convert_element_type3A_217 : f32 to vector<16xf32>
    %swap3A_240 = arith.constant 112 : index
    %swap3A_241 = tpu.vector_load %arg12[%swap3A_240] {strides = array<i32>} : memref<128xf32, #tpu.memory_space<vmem>>, vector<16xf32>,
    tpu.vector_store %arg12[%swap3A_240], %broadcast_in_dim3A_239 {strides = array<i32>} : memref<128xf32, #tpu.memory_space<vmem>>, vector<16xf32>,
    "tpu.region"() ({
      %run_scoped3A = tpu.sem_alloc : memref<!tpu.dma_semaphore, #tpu.memory_space<semaphore_mem>>
      %dma_start3A_242 = arith.constant 0 : i32
      %dma_start3A_243 = tpu.memref_slice %arg5[%add3A, %dma_start3A_242] : memref<32x128xf32, #tpu.memory_space<hbm>> -> memref<1x128xf32, #tpu.memory_space<hbm>>
      %dma_start3A_244 = tpu.memref_squeeze %dma_start3A_243 : memref<1x128xf32, #tpu.memory_space<hbm>> -> memref<128xf32, #tpu.memory_space<hbm>>
      %dma_start3A_245 = arith.constant 0 : i32
      %dma_start3A_246 = tpu.memref_slice %arg5[%add3A, %dma_start3A_245] : memref<32x128xf32, #tpu.memory_space<hbm>> -> memref<1x128xf32, #tpu.memory_space<hbm>>
      %dma_start3A_247 = tpu.memref_squeeze %dma_start3A_246 : memref<1x128xf32, #tpu.memory_space<hbm>> -> memref<128xf32, #tpu.memory_space<hbm>>
      tpu.enqueue_dma source(%arg12 : memref<128xf32, #tpu.memory_space<vmem>>) target(%dma_start3A_247 : memref<128xf32, #tpu.memory_space<hbm>>) target_semaphore(%run_scoped3A : memref<!tpu.dma_semaphore, #tpu.memory_space<semaphore_mem>>)
      %dma_wait3A_248 = arith.constant 0 : i32
      %dma_wait3A_249 = tpu.memref_slice %arg5[%add3A, %dma_wait3A_248] : memref<32x128xf32, #tpu.memory_space<hbm>> -> memref<1x128xf32, #tpu.memory_space<hbm>>
      %dma_wait3A_250 = tpu.memref_squeeze %dma_wait3A_249 : memref<1x128xf32, #tpu.memory_space<hbm>> -> memref<128xf32, #tpu.memory_space<hbm>>
      %dma_wait3A_251 = arith.constant 0 : i32
      %dma_wait3A_252 = tpu.memref_slice %arg5[%add3A, %dma_wait3A_251] : memref<32x128xf32, #tpu.memory_space<hbm>> -> memref<1x128xf32, #tpu.memory_space<hbm>>
      %dma_wait3A_253 = tpu.memref_squeeze %dma_wait3A_252 : memref<1x128xf32, #tpu.memory_space<hbm>> -> memref<128xf32, #tpu.memory_space<hbm>>
      tpu.wait_dma2 semaphore(%run_scoped3A : memref<!tpu.dma_semaphore, #tpu.memory_space<semaphore_mem>>) src(%arg12 : memref<128xf32, #tpu.memory_space<vmem>>) dst(%dma_wait3A_253 : memref<128xf32, #tpu.memory_space<hbm>>)
      tpu.yield
    }) : () -> ()
    return
  }
}

module attributes {stable_mosaic.version = 14 : i64} {
  func.func @_tc_finish(%arg0: i32, %arg1: memref<32x128xf32, #tpu.memory_space<vmem>>, %arg2: memref<32x128xf32, #tpu.memory_space<vmem>>, %arg3: memref<8x128xf32, #tpu.memory_space<vmem>>, %arg4: memref<128x128xf32, #tpu.memory_space<vmem>>, %arg5: memref<128x128xf32, #tpu.memory_space<vmem>>, %arg6: memref<128xf32, #tpu.memory_space<vmem>>, %arg7: memref<128x64xf32, #tpu.memory_space<vmem>>, %arg8: memref<64xf32, #tpu.memory_space<vmem>>, %arg9: memref<1x64xf32, #tpu.memory_space<vmem>>) attributes {dimension_semantics = [#tpu.dimension_semantics<arbitrary>], iteration_bounds = array<i64: 1>, scalar_prefetch = 0 : i64, scratch_operands = 0 : i64, tpu.core_type = #tpu.core_type<tc>, window_params = [{pipeline_mode = #tpu.pipeline_mode<synchronous>, transform_indices = @transform_0, window_bounds = array<i64: 32, 128>}, {pipeline_mode = #tpu.pipeline_mode<synchronous>, transform_indices = @transform_1, window_bounds = array<i64: 32, 128>}, {transform_indices = @transform_2, window_bounds = array<i64: 8, 128>}, {pipeline_mode = #tpu.pipeline_mode<synchronous>, transform_indices = @transform_3, window_bounds = array<i64: 128, 128>}, {pipeline_mode = #tpu.pipeline_mode<synchronous>, transform_indices = @transform_4, window_bounds = array<i64: 128, 128>}, {pipeline_mode = #tpu.pipeline_mode<synchronous>, transform_indices = @transform_5, window_bounds = array<i64: 128>}, {pipeline_mode = #tpu.pipeline_mode<synchronous>, transform_indices = @transform_6, window_bounds = array<i64: 128, 64>}, {pipeline_mode = #tpu.pipeline_mode<synchronous>, transform_indices = @transform_7, window_bounds = array<i64: 64>}, {pipeline_mode = #tpu.pipeline_mode<synchronous>, transform_indices = @transform_8, window_bounds = array<i64: 1, 64>}]} {
    %get3A = arith.constant 0 : index
    %get3A_0 = arith.constant 0 : index
    %get3A_1 = vector.load %arg1[%get3A, %get3A_0] : memref<32x128xf32, #tpu.memory_space<vmem>>, vector<32x128xf32>
    %reduce_sum3A = arith.constant dense<0.000000e+00> : vector<128xf32>
    %reduce_sum3A_2 = vector.multi_reduction <add>, %get3A_1, %reduce_sum3A [0] : vector<32x128xf32> to vector<128xf32>
    %broadcast_in_dim3A = vector.shape_cast %reduce_sum3A_2 : vector<128xf32> to vector<1x128xf32>
    %get3A_3 = arith.constant 0 : index
    %get3A_4 = arith.constant 0 : index
    %get3A_5 = vector.load %arg2[%get3A_3, %get3A_4] : memref<32x128xf32, #tpu.memory_space<vmem>>, vector<32x128xf32>
    %reduce_sum3A_6 = arith.constant dense<0.000000e+00> : vector<128xf32>
    %reduce_sum3A_7 = vector.multi_reduction <add>, %get3A_5, %reduce_sum3A_6 [0] : vector<32x128xf32> to vector<128xf32>
    %broadcast_in_dim3A_8 = vector.shape_cast %reduce_sum3A_7 : vector<128xf32> to vector<1x128xf32>
    %slice3A = vector.extract_strided_slice %broadcast_in_dim3A_8 {offsets = [0, 0], sizes = [1, 1], strides = [1, 1]} : vector<1x128xf32> to vector<1x1xf32>
    %max3A = arith.constant 1.000000e+00 : f32
    %max3A_9 = vector.broadcast %max3A : f32 to vector<1x1xf32>
    %max3A_10 = arith.maximumf %slice3A, %max3A_9 : vector<1x1xf32>
    %div3A = vector.broadcast %max3A_10 : vector<1x1xf32> to vector<1x128xf32>
    %div3A_11 = arith.divf %broadcast_in_dim3A, %div3A : vector<1x128xf32>
    %get3A_12 = arith.constant 0 : index
    %get3A_13 = arith.constant 0 : index
    %get3A_14 = vector.load %arg3[%get3A_12, %get3A_13] : memref<8x128xf32, #tpu.memory_space<vmem>>, vector<1x128xf32>
    %get3A_15 = arith.constant 0 : index
    %get3A_16 = arith.constant 0 : index
    %get3A_17 = vector.load %arg4[%get3A_15, %get3A_16] : memref<128x128xf32, #tpu.memory_space<vmem>>, vector<128x128xf32>
    %dot_general3A = arith.constant dense<0.000000e+00> : vector<1x128xf32>
    %dot_general3A_18 = tpu.matmul %get3A_14, %get3A_17, %dot_general3A {dimension_numbers = #tpu.dot_dimension_numbers<[1], [0], [0], [1], [0, 0, 1, 1], [], []>, transpose_lhs_hint = false} : vector<1x128xf32>, vector<128x128xf32>, vector<1x128xf32> -> vector<1x128xf32>
    %get3A_19 = arith.constant 0 : index
    %get3A_20 = arith.constant 0 : index
    %get3A_21 = vector.load %arg5[%get3A_19, %get3A_20] : memref<128x128xf32, #tpu.memory_space<vmem>>, vector<128x128xf32>
    %dot_general3A_22 = arith.constant dense<0.000000e+00> : vector<1x128xf32>
    %dot_general3A_23 = tpu.matmul %div3A_11, %get3A_21, %dot_general3A_22 {dimension_numbers = #tpu.dot_dimension_numbers<[1], [0], [0], [1], [0, 0, 1, 1], [], []>, transpose_lhs_hint = false} : vector<1x128xf32>, vector<128x128xf32>, vector<1x128xf32> -> vector<1x128xf32>
    %add3A = arith.addf %dot_general3A_18, %dot_general3A_23 : vector<1x128xf32>
    %get3A_24 = arith.constant 0 : index
    %get3A_25 = vector.load %arg6[%get3A_24] : memref<128xf32, #tpu.memory_space<vmem>>, vector<128xf32>
    %broadcast_in_dim3A_26 = vector.shape_cast %get3A_25 : vector<128xf32> to vector<1x128xf32>
    %add3A_27 = arith.addf %add3A, %broadcast_in_dim3A_26 : vector<1x128xf32>
    %max3A_28 = arith.constant 0.000000e+00 : f32
    %max3A_29 = vector.broadcast %max3A_28 : f32 to vector<1x128xf32>
    %max3A_30 = arith.maximumf %add3A_27, %max3A_29 : vector<1x128xf32>
    %get3A_31 = arith.constant 0 : index
    %get3A_32 = arith.constant 0 : index
    %get3A_33 = vector.load %arg7[%get3A_31, %get3A_32] : memref<128x64xf32, #tpu.memory_space<vmem>>, vector<128x64xf32>
    %dot_general3A_34 = arith.constant dense<0.000000e+00> : vector<1x64xf32>
    %dot_general3A_35 = tpu.matmul %max3A_30, %get3A_33, %dot_general3A_34 {dimension_numbers = #tpu.dot_dimension_numbers<[1], [0], [0], [1], [0, 0, 1, 1], [], []>, transpose_lhs_hint = false} : vector<1x128xf32>, vector<128x64xf32>, vector<1x64xf32> -> vector<1x64xf32>
    %get3A_36 = arith.constant 0 : index
    %get3A_37 = vector.load %arg8[%get3A_36] : memref<64xf32, #tpu.memory_space<vmem>>, vector<64xf32>
    %broadcast_in_dim3A_38 = vector.shape_cast %get3A_37 : vector<64xf32> to vector<1x64xf32>
    %add3A_39 = arith.addf %dot_general3A_35, %broadcast_in_dim3A_38 : vector<1x64xf32>
    %swap3A = arith.constant 0 : index
    %swap3A_40 = arith.constant 0 : index
    %swap3A_41 = vector.load %arg9[%swap3A, %swap3A_40] : memref<1x64xf32, #tpu.memory_space<vmem>>, vector<1x64xf32>
    tpu.vector_store %arg9[%swap3A, %swap3A_40], %add3A_39 {strides = array<i32>} : memref<1x64xf32, #tpu.memory_space<vmem>>, vector<1x64xf32>,
    return
  }
  func.func @transform_0(%arg0: i32) -> (i32, i32) {
    %c0_i32 = arith.constant 0 : i32
    %c0_i32_0 = arith.constant 0 : i32
    %c0_i32_1 = arith.constant 0 : i32
    return %c0_i32, %c0_i32_0 : i32, i32
  }
  func.func @transform_1(%arg0: i32) -> (i32, i32) {
    %c0_i32 = arith.constant 0 : i32
    %c0_i32_0 = arith.constant 0 : i32
    %c0_i32_1 = arith.constant 0 : i32
    return %c0_i32, %c0_i32_0 : i32, i32
  }
  func.func @transform_2(%arg0: i32) -> (i32, i32) {
    %c0_i32 = arith.constant 0 : i32
    %c0_i32_0 = arith.constant 0 : i32
    %c0_i32_1 = arith.constant 0 : i32
    return %c0_i32, %c0_i32_0 : i32, i32
  }
  func.func @transform_3(%arg0: i32) -> (i32, i32) {
    %c0_i32 = arith.constant 0 : i32
    %c0_i32_0 = arith.constant 0 : i32
    %c0_i32_1 = arith.constant 0 : i32
    return %c0_i32, %c0_i32_0 : i32, i32
  }
  func.func @transform_4(%arg0: i32) -> (i32, i32) {
    %c0_i32 = arith.constant 0 : i32
    %c0_i32_0 = arith.constant 0 : i32
    %c0_i32_1 = arith.constant 0 : i32
    return %c0_i32, %c0_i32_0 : i32, i32
  }
  func.func @transform_5(%arg0: i32) -> i32 {
    %c0_i32 = arith.constant 0 : i32
    %c0_i32_0 = arith.constant 0 : i32
    return %c0_i32 : i32
  }
  func.func @transform_6(%arg0: i32) -> (i32, i32) {
    %c0_i32 = arith.constant 0 : i32
    %c0_i32_0 = arith.constant 0 : i32
    %c0_i32_1 = arith.constant 0 : i32
    return %c0_i32, %c0_i32_0 : i32, i32
  }
  func.func @transform_7(%arg0: i32) -> i32 {
    %c0_i32 = arith.constant 0 : i32
    %c0_i32_0 = arith.constant 0 : i32
    return %c0_i32 : i32
  }
  func.func @transform_8(%arg0: i32) -> (i32, i32) {
    %c0_i32 = arith.constant 0 : i32
    %c0_i32_0 = arith.constant 0 : i32
    %c0_i32_1 = arith.constant 0 : i32
    return %c0_i32, %c0_i32_0 : i32, i32
  }
}

</mosaic_0001>

<sc_bundles>
// kernel: kernel.4.cloned.1.call-start
scs
__scs_entry_jumppad:
0x0: {  	(pc) =	sbr.rel $0x88, $3  }
0x1: {  	(tag) =	ssettag $0x0;
	lr =	simm.s32 $0x1  }
0x2: {  	[smem:$0x3F9A] =	sst lr;
	_ =	strace $0xD0000000  }
0x3: {  	_ = 	snop  }
0x4: {  	_ = 	snop  }
0x5: {  	_ = 	snop  }
0x6: {  	_ = 	snop  }
0x7: {  	_ = 	snop  }
__scs_overlays_trampoline_lowered:
0x8: {  	[smem:$0x3FA9] =	sst s0  }
0x9: {  	[smem:$0x3FAA] =	sst s1  }
0xa: {  	[smem:$0x3FAB] =	sst s2  }
0xb: {  	[smem:$0x3FAC] =	sst s3  }
0xc: {  	[smem:$0x3FAD] =	sst s4  }
0xd: {  	[smem:$0x3FAE] =	sst s5  }
0xe: {  	[smem:$0x3FAF] =	sst s6  }
0xf: {  	[smem:$0x3FB0] =	sst s7  }
0x10: {  	[smem:$0x3FB1] =	sst s8  }
0x11: {  	[smem:$0x3FB2] =	sst s9;
	s0 =	simm.s32 @!p0 $0x0  }
0x12: {  	s1 =	sld [smem:$0x3F98];
	s0 =	simm.s32 @p0 $0x1  }
0x13: {  	[smem:$0x3FB3] =	sst s0;
	s0 =	simm.s32 @!p1 $0x0  }
0x14: {  	s2 =	sld [smem:$0x3F97];
	s0 =	simm.s32 @p1 $0x1  }
0x15: {  	[smem:$0x3FB4] =	sst s0;
	s0 =	simm.s32 @!p2 $0x0  }
0x16: {  	s3 =	sld [smem:$0x3FDB];
	s0 =	simm.s32 @p2 $0x1  }
0x17: {  	s4 =	simm.s32 $0x1BF5;
	[smem:$0x3FB6] =	sst s0  }
0x18: {  	s0 =	sld [smem:$0x3F99];
	_ =	swait.ge [sflag:s4], $0x0  }
0x19: {  	s7 =	sld [smem:$0x3F9A]  }
0x1a: {  	s8 =	sadd.s32 $0xFFFFE003, lr  }
0x1b: {  	s9 =	sadd.s32 $0xFFFFFEF7, lr;
	s5 =	simm.s32 $0xFFFFFFFF;
	p2 =	slt.u32 s8, $0xFFFFF086  }
0x1c: {  	p1 =	slt.u32 s9, $0xF7A;
	s5 =	simm.s32 @!p2 $0x0  }
0x1d: {  	s5 =	simm.s32 @p1 $0x1;
	p0 =	seq.s32 s7, s2  }
0x1e: {  	s7 =	smul.u32 @!p0 $0xF7A, s2;
	p2 =	seq.s32 @!p0 s5, $0x0  }
0x1f: {  	s9 =	smul.u32 $0xF7A, s1;
	s8 =	simm.s32 @!p0 $0x1BF5;
	p2 =	por !p2, p0  }
0x20: {  	[sflag:s8] =	ssyncset.s32 @!p0 $0xFFFFF086;
	s6 =	sadd.s32 @!p0 s3, s7;
	s7 =	simm.s32 @!p0 $0x108  }
0x21: {  	s3 =	sadd.s32 s3, s9;
	s6 =	sadd.s32 @!p0 $0x88, s6;
	s7 =	simm.s32 @p2 $0x1082  }
0x22: {  	[simem:s7], [sflag:s8] =	dma.local @!p0 [hbm:s6], $0xF7A  }
0x23: {  	s9 =	sor.u32 $0xD0000000, s2;
	s6 =	simm.s32 $0x108;
	_ =	swait.ge @!p0 [sflag:s8], $0x0  }
0x24: {  	s3 =	sadd.s32 $0x88, s3;
	s6 =	simm.s32 @!p1 $0x1082;
	[sflag:s4] =	ssyncset.s32 $0xFFFFF086  }
0x25: {  	[simem:s6], [sflag:s4] =	dma.local [hbm:s3], $0xF7A  }
0x26: {  	[smem:$0x3F9A] =	sst s1;
	(tag) =	ssettag s2;
	_ =	strace s9  }
0x27: {  	s1 =	sld [smem:$0x3FAA]  }
0x28: {  	s2 =	sld [smem:$0x3FAB]  }
0x29: {  	s4 =	sld [smem:$0x3FAD]  }
0x2a: {  	p0 =	seq.s32 s5, $0x0;
	s5 =	sld [smem:$0x3FAE]  }
0x2b: {  	s6 =	sld [smem:$0x3FAF]  }
0x2c: {  	s7 =	sld [smem:$0x3FB0]  }
0x2d: {  	s3 =	simm.s32 $0x108;
	s8 =	sld [smem:$0x3FB1]  }
0x2e: {  	s3 =	simm.s32 @!p0 $0x1082;
	s9 =	sld [smem:$0x3FB2]  }
0x2f: {  	lr =	sadd.s32 s0, s3;
	s0 =	sld [smem:$0x3FA9]  }
0x30: {  	s3 =	sld [smem:$0x3FAC]  }
0x31: {  	[smem:$0x3FB5] =	sst s10  }
0x32: {  	s10 =	sld [smem:$0x3FB3];
	_ =	sdelay $0x3  }
0x33: {  	p0 =	seq.s32 s10, $0x1;
	s10 =	sld [smem:$0x3FB5];
	_ =	sdelay $0x3  }
0x34: {  	[smem:$0x3FB5] =	sst s10  }
0x35: {  	s10 =	sld [smem:$0x3FB4];
	_ =	sdelay $0x3  }
0x36: {  	p1 =	seq.s32 s10, $0x1;
	s10 =	sld [smem:$0x3FB5];
	_ =	sdelay $0x3  }
0x37: {  	[smem:$0x3FB5] =	sst s10  }
0x38: {  	s10 =	sld [smem:$0x3FB6]  }
0x39: {  	_ = 	snop;
	(pc) =	sbr.ind lr, $3  }
0x3a: {  	_ = 	snop  }
0x3b: {  	_ = 	snop  }
0x3c: {  	p2 =	seq.s32 s10, $0x1;
	s10 =	sld [smem:$0x3FB5]  }
0x3d: {  	_ =	shalt  }
0x3e: {  	_ =	shalt  }
0x3f: {  	_ =	shalt  }
0x40: {  	_ =	shalt  }
0x41: {  	_ =	shalt  }
0x42: {  	_ =	shalt  }
0x43: {  	_ =	shalt  }
0x44: {  	_ =	shalt  }
0x45: {  	_ =	shalt  }
0x46: {  	_ =	shalt  }
0x47: {  	_ =	shalt  }
0x48: {  	_ =	shalt  }
0x49: {  	_ =	shalt  }
0x4a: {  	_ =	shalt  }
0x4b: {  	_ =	shalt  }
0x4c: {  	_ =	shalt  }
0x4d: {  	_ =	shalt  }
0x4e: {  	_ =	shalt  }
0x4f: {  	_ =	shalt  }
0x50: {  	_ =	shalt  }
0x51: {  	_ =	shalt  }
0x52: {  	_ =	shalt  }
0x53: {  	_ =	shalt  }
0x54: {  	_ =	shalt  }
0x55: {  	_ =	shalt  }
0x56: {  	_ =	shalt  }
0x57: {  	_ =	shalt  }
0x58: {  	_ =	shalt  }
0x59: {  	_ =	shalt  }
0x5a: {  	_ =	shalt  }
0x5b: {  	_ =	shalt  }
0x5c: {  	_ =	shalt  }
0x5d: {  	_ =	shalt  }
0x5e: {  	_ =	shalt  }
0x5f: {  	_ =	shalt  }
0x60: {  	_ =	shalt  }
0x61: {  	_ =	shalt  }
0x62: {  	_ =	shalt  }
0x63: {  	_ =	shalt  }
0x64: {  	_ =	shalt  }
0x65: {  	_ =	shalt  }
0x66: {  	_ =	shalt  }
0x67: {  	_ =	shalt  }
0x68: {  	_ =	shalt  }
0x69: {  	_ =	shalt  }
0x6a: {  	_ =	shalt  }
0x6b: {  	_ =	shalt  }
0x6c: {  	_ =	shalt  }
0x6d: {  	_ =	shalt  }
0x6e: {  	_ =	shalt  }
0x6f: {  	_ =	shalt  }
0x70: {  	_ =	shalt  }
0x71: {  	_ =	shalt  }
0x72: {  	_ =	shalt  }
0x73: {  	_ =	shalt  }
0x74: {  	_ =	shalt  }
0x75: {  	_ =	shalt  }
0x76: {  	_ =	shalt  }
0x77: {  	_ =	shalt  }
0x78: {  	_ =	shalt  }
0x79: {  	_ =	shalt  }
0x7a: {  	_ =	shalt  }
0x7b: {  	_ =	shalt  }
0x7c: {  	_ =	shalt  }
0x7d: {  	_ =	shalt  }
0x7e: {  	_ =	shalt  }
0x7f: {  	_ =	shalt  }
0x80: {  	_ =	shalt  }
0x81: {  	_ =	shalt  }
0x82: {  	_ =	shalt  }
0x83: {  	_ =	shalt  }
0x84: {  	_ =	shalt  }
0x85: {  	_ =	shalt  }
0x86: {  	_ =	shalt  }
0x87: {  	_ =	shalt  }
.Lfunc_end0:
.L_simem_size_0:
called_computation_lowered:
.L_overlay_start_0:
0x88: {  	s2 =	sld [smem:$0x3FD9]  }
0x89: {  	s3 =	sld [smem:$0x3FFE];
	_ =	sdelay $0x1  }
0x8a: {  	s1 =	srdreg.scid  }
0x8b: {  	s0 =	sand.u32 $0x1, s1  }
0x8c: {  	s17 =	sshll.u32 s0, $0xA;
	s2 =	sadd.s32 s3, s2  }
0x8d: {  	s2 =	sadd.s32 s2, s17  }
0x8e: {  	[smem:$0x3FC1] =	sst s2  }
0x8f: {  	_ = 	snop  }
0x90: {  	s2 =	sld [smem:$0x3FC9]  }
0x91: {  	s18 =	sld [smem:$0x3FC8];
	(tm) =	ssettm $0x1  }
0x92: {  	s4 =	sld [smem:$0x3FFB];
	_ =	sdelay $0x3  }
0x93: {  	_ =	strace s4  }
0x94: {  	s4 =	sld [smem:$0x3FFC];
	_ =	sdelay $0x3  }
0x95: {  	_ =	strace s4  }
0x96: {  	s4 =	sld [smem:$0x3FFD];
	_ =	sdelay $0x3  }
0x97: {  	_ =	strace s4  }
0x98: {  	_ =	strace $0x8FFFFFFF  }
0x99: {  	s19 =	sld [smem:$0x3FDB];
	_ =	sdelay $0x1  }
0x9a: {  	s5 =	simm.s32 $_scs_section_size  }
0x9b: {  	s6 =	simm.s32 $_size__tile_overlayer_lowered;
	s7 =	simm.s32 $_tile_overlayer_lowered  }
0x9c: {  	s22 =	simm.s32 $0x1BFF;
	s21 =	sshll.u32 s7, $0x1;
	s4 =	sadd.s32 s5, s19  }
0x9d: {  	s8 =	simm.s32 $0x0;
	s20 =	sshll.u32 s6, $0x1;
	s6 =	sadd.s32 s21, s4  }
0x9e: {  	[timem:s8], [sflag:s22] =	dma.local [hbm:s6], s20  }
0x9f: {  	_ =	swait.ge [sflag:s22], s20  }
0xa0: {  	s5 =	ssub.s32 $0x0, s20;
	[sflag:s22] =	ssyncset.done $0x0  }
0xa1: {  	[sflag:s22] =	ssyncadd.s32 s5;
	_ =	sdelay $0x1  }
0xa2: {  	s23 =	simm.s32 $0x1B8B  }
0xa3: {  	_ =	swait.ge [sflag:s23], $0x1  }
0xa4: {  	[sflag:s23] =	ssyncset.done $0x0  }
0xa5: {  	s25 =	simm.s32 $0x1B8E;
	s24 =	sld [smem:$0x3FFE];
	[sflag:s23] =	ssyncadd.s32 $0xFFFFFFFF  }
0xa6: {  	s26 =	simm.s32 $execute0_lowered;
	[smem:$0x3FD2] =	sst s25  }
0xa7: {  	s6 =	sshll.u32 s26, $0x1;
	_ =	strace $0x80000046;
	[dreg:$0x1] =	wrdreg $0xFFFFFFFF  }
0xa8: {  	s28 =	simm.s32 $_size_execute0_lowered;
	s4 =	sadd.s32 s4, s6;
	[dreg:$0x0] =	wrdreg $0x0  }
0xa9: {  	s6 =	sshll.u32 s28, $0x1;
	[dreg:$0x2] =	wrdreg s4  }
0xaa: {  	[dreg:$0x3] =	wrdreg s6  }
0xab: {  	[dreg:$0x4] =	wrdreg $0xC0  }
0xac: {  	_ =	task [dreg:s8], $0x5FFFF  }
0xad: {  	[dreg:$0x1] =	wrdreg $0xFFFFFFFF  }
0xae: {  	[dreg:$0x0] =	wrdreg $0x60  }
0xaf: {  	[dreg:$0x2] =	wrdreg s2  }
0xb0: {  	[dreg:$0x3] =	wrdreg s18  }
0xb1: {  	[dreg:$0x4] =	wrdreg s24  }
0xb2: {  	[dreg:$0x5] =	wrdreg $0x9  }
0xb3: {  	_ =	task.clear_ibuf [dreg:s8], $0x6FFFF;
	_ =	strace $0x90000046  }
0xb4: {  	s29 =	simm.s32 $0x9;
	_ =	strace $0x80000048  }
0xb5: {  	_ =	swait.ge [sflag:s29], $0x1  }
0xb6: {  	[sflag:s29] =	ssyncadd.s32 $0xFFFFFFFF  }
0xb7: {  	_ =	strace $0x90000048  }
0xb8: {  	_ =	sfence  }
0xb9: {  	s30 =	sld [smem:$0x0];
	_ =	sdelay $0x2  }
0xba: {  	s31 =	sshll.u32 s1, $0xD;
	s1 =	sshrl.u32 s1, $0x2  }
0xbb: {  	s3 =	sand.u32 $0x4000, s31;
	s1 =	sadd.s32 s1, s30  }
0xbc: {  	s0 =	sor.u32 s3, s0;
	s1 =	sshll.u32 s1, $0x11  }
0xbd: {  	s0 =	sor.u32 s1, s0  }
0xbe: {  	s0 =	sadd.s32 $0x8F2B, s0  }
0xbf: {  	[sflag:s0] =	ssyncadd.remote.s32 $0x1  }
0xc0: {  	_ =	sfence.sel $0xFFFF  }
0xc1: {  	[dreg:$0x0] =	wrdreg $0xFFFFFFFF;
	(pc) =	sbr.abs _section_cstart, $3  }
0xc2: {  	[dreg:$0x1] =	wrdreg $0xFFFFFFFF  }
0xc3: {  	_ =	task.clear_ibuf [dreg:s8], $0x2FFFF;
	_ =	strace $0x9FFFFFFF  }
0xc4: {  	(tm) =	ssettm $0x7FFFFFFF  }
0xc5: {  	_ =	shalt  }
tec
execute0_lowered:
.L_overlay_start_1:
0x0: {  	(tag) =	ssettag $0x1  }
0x1: {  	s1 =	rddreg [dreg:$0x0]  }
0x2: {  	s0 =	srdreg.scid;
	s2 =	rddreg [dreg:$0x1]  }
0x3: {  	s3 =	stileid.u32;
	s4 =	rddreg [dreg:$0x2];
	s15 =	simm.s32 $0x80  }
0x4: {  	s16 =	simm.s32 $0x100;
	s21 =	simm.s32 $0x1;
	s22 =	simm.s32 $0x2  }
0x5: {  	s23 =	simm.s32 $0x3;
	s24 =	simm.s32 $0x4;
	s28 =	simm.s32 $0x10  }
0x6: {  	s29 =	simm.s32 $0x5080;
	s0 =	sand.u32 $0x1, s0;
	s3 =	sshll.u32 s3, $0x1  }
0x7: {  	s30 =	simm.s32 $0x6;
	s17 =	simm.s32 $0x0;
	s5 =	sor.u32 s0, s3  }
0x8: {  	s3 =	simm.s32 $0x0;
	s0 =	ssub.s32 $0x2, s0;
	s6 =	smul.u32 $0x2710, s5  }
0x9: {  	[smem:$0x7FF] =	sst s3;
	s5 =	sshll.u32 s5, $0x4;
	s26 =	sshrl.u32 s0, $0x1  }
0xa: {  	_ =	strace $0x80000047;
	s11 =	sadd.s32 s5, s4;
	s0 =	ssub.s32 s0, s26  }
0xb: {  	s26 =	simm.s32 $0x5000;
	s7 =	sand.u32 $0x7FF80, s6;
	s10 =	sadd.s32 $0x1800, s11  }
0xc: {  	s11 =	sadd.s32 $0x1A00, s11;
	s12 =	smax.u32 s0, $0x1;
	s25 =	smin.u32 s7, $0x4BA00  }
.Ltmp0:
0xd: {  	s14 =	ssub.s32 s6, s25;
	s31 =	sshrl.u32 s25, $0x2;
	(pc) =	sbr.rel .LBB2_1-.Ltmp0, $4  }
0xe: {  	s25 =	simm.s32 $0x5;
	s4 =	sshra.s32 s14, $0x4;
	s5 =	sadd.s32 s2, s31  }
0xf: {  	s14 =	sadd.s32 $0x2710, s14;
	s2 =	simm.s32 $0x7;
	s6 =	sadd.s32 $0x10, s5  }
0x10: {  	v0 =	vimm.f32 $0.0e+00;
	s7 =	sadd.s32 $0x290, s5;
	s8 =	sadd.s32 $0x510, s5;
	s9 =	sadd.s32 $0x790, s5  }
0x11: {  	v1 =	vimm.s32 $0x0;
	v2 =	vimm.s32 $0x1;
	v3 =	vlaneseq.u32;
	s13 =	ssub.s32 $0xF, s4;
	p0 =	slt.s32 s4, $0x1;
	p1 =	sgt.s32 s4, $0xE  }
.LBB2_34:
0x12: {  	v11 =	vadd.f32 v12, v11;
	_ =	sdelay $0x1  }
0x13: {  	[tilespmem:$0x5880] =	vst v11  }
0x14: {  	v11 =	vld [tilespmem:s18+$0xFFFFFFD0];
	_ =	sdelay $0x4  }
0x15: {  	v10 =	vadd.f32 v11, v10;
	_ =	sdelay $0x1  }
0x16: {  	[tilespmem:$0x5890] =	vst v10  }
0x17: {  	v10 =	vld [tilespmem:s18+$0xFFFFFFE0];
	_ =	sdelay $0x4  }
0x18: {  	v9 =	vadd.f32 v10, v9;
	_ =	sdelay $0x1  }
0x19: {  	[tilespmem:$0x58A0] =	vst v9  }
0x1a: {  	v9 =	vld [tilespmem:s18+$0xFFFFFFF0];
	_ =	sdelay $0x4  }
0x1b: {  	v8 =	vadd.f32 v9, v8;
	_ =	sdelay $0x1  }
0x1c: {  	[tilespmem:$0x58B0] =	vst v8  }
0x1d: {  	v8 =	vld [tilespmem:s18+$0x0];
	_ =	sdelay $0x4  }
0x1e: {  	v7 =	vadd.f32 v8, v7;
	_ =	sdelay $0x1  }
0x1f: {  	[tilespmem:$0x58C0] =	vst v7  }
0x20: {  	v7 =	vld [tilespmem:s18+$0x10];
	_ =	sdelay $0x4  }
0x21: {  	v6 =	vadd.f32 v7, v6;
	_ =	sdelay $0x1  }
0x22: {  	[tilespmem:$0x58D0] =	vst v6  }
0x23: {  	v6 =	vld [tilespmem:s18+$0x20];
	_ =	sdelay $0x4  }
0x24: {  	v5 =	vadd.f32 v6, v5;
	_ =	sdelay $0x1  }
0x25: {  	[tilespmem:$0x58E0] =	vst v5  }
0x26: {  	v5 =	vld [tilespmem:s18+$0x30];
	_ =	sdelay $0x4  }
0x27: {  	v4 =	vadd.f32 v5, v4;
	_ =	sdelay $0x1  }
0x28: {  	[tilespmem:$0x58F0] =	vst v4  }
.LBB2_43:
0x29: {  	s0 =	simm.s32 $0x5880  }
0x2a: {  	[hbm4b:s10+s3] =	stream.linear.scatter [tilespmem:s0], [sflag:$0x7], $0x80, $0x38;
	[tilespmem:$0x5A00] =	vst v63  }
0x2b: {  	_ =	swait.ge [sflag:s2], $0x80  }
0x2c: {  	[sflag:s2] =	ssyncset.done $0x0  }
0x2d: {  	[sflag:s2] =	ssyncadd.s32 $0xFFFFFF80  }
0x2e: {  	v4 =	vld [tilespmem:$0x5900];
	_ =	sdelay $0x4  }
0x2f: {  	(xrf0) =	vadd.scan.msk.s32 $0xffff, v4;
	_ =	sdelay $0x5  }
0x30: {  	v4, _, _ =	vpop (xrf0)  }
0x31: {  	(v2sf) =	vpush v4, $0xF;
	_ =	sdelay $0xe  }
0x32: {  	s20 =	spop (v2sf)  }
0x33: {  	s0 =	scvt.s32.f32 s20;
	_ =	sdelay $0x1  }
0x34: {  	v4 =	vmov s0  }
0x35: {  	[tilespmem:$0x5980] =	vst v4  }
0x36: {  	[tilespmem:$0x5990] =	vst v4  }
0x37: {  	[tilespmem:$0x59A0] =	vst v4  }
0x38: {  	[tilespmem:$0x59B0] =	vst v4  }
0x39: {  	[tilespmem:$0x59C0] =	vst v4  }
0x3a: {  	s17 =	sadd.s32 $0x1, s17;
	[tilespmem:$0x59D0] =	vst v4  }
0x3b: {  	p2 =	sne.s32 s17, s12;
	[tilespmem:$0x59E0] =	vst v4  }
.Ltmp1:
0x3c: {  	s31 =	simm.s32 $0x5980;
	[tilespmem:$0x59F0] =	vst v4;
	(pc) =	sbr.rel @!p2 .LBB2_44-.Ltmp1, $4  }
0x3d: {  	[hbm4b:s11+s3] =	stream.linear.scatter [tilespmem:s31], [sflag:$0x7], $0x80, $0x38;
	[tilespmem:$0x5A00] =	vst v63  }
0x3e: {  	_ =	swait.ge [sflag:s2], $0x80  }
0x3f: {  	[sflag:s2] =	ssyncset.done $0x0  }
0x40: {  	[sflag:s2] =	ssyncadd.s32 $0xFFFFFF80  }
.LBB2_1:
0x41: {  	[tilespmem:s3], [sflag:$0x1] =	stream.strided.gather [hbm4b:s6+s15], $0xA00, s16, s15, $0x38;
	[tilespmem:$0x5A00] =	vst v63  }
0x42: {  	s0 =	simm.s32 $0xA00  }
0x43: {  	[tilespmem:s0], [sflag:$0x2] =	stream.strided.gather [hbm4b:s7+s15], $0xA00, s16, s15, $0x38;
	[tilespmem:$0x5A00] =	vst v63  }
0x44: {  	s19 =	simm.s32 $0x1400  }
0x45: {  	[tilespmem:s19], [sflag:$0x3] =	stream.strided.gather [hbm4b:s8+s15], $0xA00, s16, s15, $0x38;
	[tilespmem:$0x5A00] =	vst v63  }
0x46: {  	s20 =	simm.s32 $0x1E00  }
0x47: {  	[tilespmem:s20], [sflag:$0x4] =	stream.strided.gather [hbm4b:s9+s15], $0xA00, s16, s15, $0x38;
	[tilespmem:$0x5A00] =	vst v63  }
0x48: {  	s31 =	simm.s32 $0x2800  }
0x49: {  	[tilespmem:s31], [sflag:$0x5] =	stream.strided.gather [hbm4b:s5+s15], $0x2800, s16, s15, $0x38;
	[tilespmem:$0x5A00] =	vst v63  }
0x4a: {  	[tilespmem:$0x5880] =	vst v0  }
0x4b: {  	[tilespmem:$0x5890] =	vst v0  }
0x4c: {  	[tilespmem:$0x58A0] =	vst v0  }
0x4d: {  	[tilespmem:$0x58B0] =	vst v0  }
0x4e: {  	[tilespmem:$0x58C0] =	vst v0  }
0x4f: {  	[tilespmem:$0x58D0] =	vst v0  }
0x50: {  	[tilespmem:$0x58E0] =	vst v0  }
.Ltmp2:
0x51: {  	[tilespmem:$0x58F0] =	vst v0;
	(pc) =	sbr.rel @p0 .LBB2_4-.Ltmp2, $4  }
0x52: {  	[tilespmem:$0x5900] =	vst v1  }
0x53: {  	_ =	swait.ge [sflag:s21], $0xA00  }
0x54: {  	[sflag:s21] =	ssyncset.done $0x0  }
0x55: {  	[sflag:s21] =	ssyncadd.s32 $0xFFFFF600  }
0x56: {  	p2 =	sne.s32 s4, $0x1  }
.Ltmp3:
0x57: {  	_ = 	snop;
	(pc) =	sbr.rel @!p2 .LBB2_4-.Ltmp3, $2  }
0x58: {  	_ =	sdelay $0x2  }
0x59: {  	s0 =	sadd.s32 $0xFFFFFFFF, s4;
	[tilespmem:s3+$0x0] =	vst v2;
	s18 =	simm.s32 $0x0  }
.LBB2_3:
0x5a: {  	p2 =	sne.s32 s0, $0x1  }
.Ltmp4:
0x5b: {  	_ = 	snop;
	(pc) =	sbr.rel @p2 .LBB2_3-.Ltmp4, $3  }
0x5c: {  	_ =	sdelay $0x1  }
0x5d: {  	s0 =	sadd.s32 $0xFFFFFFFF, s0;
	s18 =	sadd.s32 $0x10, s18  }
0x5e: {  	[tilespmem:s18+$0x0] =	vst v2  }
.LBB2_4:
0x5f: {  	s0 =	simm.s32 $0x80  }
0x60: {  	v7 =	vld [tilespmem:s0+$0xFFFFFF80]  }
0x61: {  	v5 =	vld [tilespmem:s0+$0x70]  }
0x62: {  	v6 =	vld [tilespmem:s0+$0x60]  }
0x63: {  	v8 =	vld [tilespmem:s0+$0x50]  }
0x64: {  	v9 =	vld [tilespmem:s0+$0x40]  }
0x65: {  	v10 =	vld [tilespmem:s0+$0x30]  }
0x66: {  	v11 =	vld [tilespmem:s0+$0x20]  }
0x67: {  	v12 =	vld [tilespmem:s0+$0x10]  }
0x68: {  	v13 =	vld [tilespmem:s0+$0x0]  }
0x69: {  	v14 =	vld [tilespmem:s0+$0xFFFFFFF0]  }
0x6a: {  	v15 =	vld [tilespmem:s0+$0xFFFFFFE0]  }
0x6b: {  	v16 =	vld [tilespmem:s0+$0xFFFFFFD0]  }
0x6c: {  	v17 =	vld [tilespmem:s0+$0xFFFFFFC0]  }
0x6d: {  	v18 =	vld [tilespmem:s0+$0xFFFFFFB0]  }
0x6e: {  	v20 =	vimm.s32 $0x0;
	v19 =	vld [tilespmem:s0+$0xFFFFFFA0]  }
0x6f: {  	v4 =	vimm.s32 $0x8000000;
	s18 =	simm.s32 $0x180;
	v21 =	vld [tilespmem:s0+$0xFFFFFF90];
	vm0 =	vlt.s32 v6, v5;
	vm1 =	vlt.s32 v9, v8  }
0x70: {  	s31 =	simm.s32 $0x0;
	v22 =	vld [tilespmem:s18+$0x70];
	v8 =	vsel vm1, v9, v8;
	v9 =	vsel vm0, v6, v5;
	vm0 =	vlt.s32 v11, v10  }
0x71: {  	v23 =	vld [tilespmem:s18+$0x60];
	v63 =	vmov s31;
	vm1 =	vlt.s32 v8, v9;
	v10 =	vsel vm0, v11, v10  }
0x72: {  	v6 =	vld [tilespmem:s18+$0xFFFFFF80];
	vm0 =	vlt.s32 v13, v12;
	v8 =	vsel vm1, v8, v9;
	vm1 =	vlt.s32 v17, v16  }
0x73: {  	v9 =	vsel vm0, v13, v12;
	vm0 =	vlt.s32 v19, v18;
	v11 =	vsel vm1, v17, v16;
	v16 =	vld [tilespmem:s18+$0x50]  }
0x74: {  	v17 =	vld [tilespmem:s18+$0x40];
	vm1 =	vlt.s32 v7, v21;
	v13 =	vsel vm0, v19, v18;
	vm0 =	vlt.s32 v15, v14  }
0x75: {  	v5 =	vimm.s32 $0xFFFFFFFF;
	v19 =	vld [tilespmem:s18+$0x30];
	v7 =	vsel vm1, v7, v21;
	v14 =	vsel vm0, v15, v14  }
0x76: {  	vm2 =	vlt.s32 v9, v10;
	v15 =	vld [tilespmem:s18+$0x20];
	vm0 =	vlt.s32 v7, v13;
	vm1 =	vlt.s32 v11, v14  }
0x77: {  	v12 =	vld [tilespmem:s18+$0x10];
	v10 =	vsel vm2, v9, v10;
	v7 =	vsel vm0, v7, v13;
	v11 =	vsel vm1, v11, v14  }
0x78: {  	vm2 =	vlt.s32 v10, v8;
	v13 =	vld [tilespmem:s18+$0x0];
	vm0 =	vlt.s32 v23, v22;
	vm1 =	vlt.s32 v7, v11  }
0x79: {  	v18 =	vld [tilespmem:s18+$0xFFFFFFC0];
	v8 =	vsel vm2, v10, v8;
	vm3 =	vlt.s32 v17, v16;
	v7 =	vsel vm1, v7, v11  }
0x7a: {  	v9 =	vld [tilespmem:s18+$0xFFFFFFF0];
	v16 =	vsel vm3, v17, v16;
	v17 =	vsel vm0, v23, v22;
	vm0 =	vlt.s32 v7, v8  }
0x7b: {  	v14 =	vld [tilespmem:s18+$0xFFFFFFD0];
	vm1 =	vlt.s32 v15, v19;
	vm2 =	vlt.s32 v16, v17;
	v7 =	vsel vm0, v7, v8  }
0x7c: {  	v11 =	vld [tilespmem:s18+$0xFFFFFFE0];
	v10 =	vsel vm1, v15, v19;
	v8 =	vsel vm2, v16, v17;
	vm0 =	veq.s32 v7, $0x0  }
0x7d: {  	v19 =	vld [tilespmem:s18+$0xFFFFFFA0];
	vm1 =	vlt.s32 v13, v12;
	v7 =	vsel vm0, $0x1, v1;
	v15 =	vnsel vm0, $0xFFFFFFFF, v63  }
0x7e: {  	s19 =	simm.s32 $0x1;
	s0 =	simm.s32 $0x2;
	v17 =	vld [tilespmem:s18+$0xFFFFFFB0];
	v16 =	vnsel vm0, $0x8000000, v63;
	v7 =	vadd.s32 v7, v20;
	vm0 =	vgt.s32 v5, v15  }
.LBB2_5:
0x7f: {  	p2 =	sne.s32 s0, $0x9  }
0x80: {  	v20 =	vld [tilespmem:s18+$0xFFFFFF90];
	v13 =	vsel vm1, v13, v12;
	s18 =	sadd.s32 $0x100, s18;
	vm1 =	vlt.s32 v4, v16;
	v5 =	vsel vm0, v5, v15;
	s20 =	smov.u32 s0;
	s0 =	sadd.s32 $0x1, s0  }
0x81: {  	v12 =	vld [tilespmem:s18+$0xFFFFFF80];
	v4 =	vsel vm1, v4, v16  }
0x82: {  	v15 =	vld [tilespmem:s18+$0x70];
	vm0 =	vlt.s32 v18, v14  }
0x83: {  	v16 =	vld [tilespmem:s18+$0x60];
	v14 =	vsel vm0, v18, v14  }
0x84: {  	v18 =	vld [tilespmem:s18+$0x50];
	vm0 =	vlt.s32 v19, v17  }
0x85: {  	v21 =	vld [tilespmem:s18+$0x40];
	vm1 =	vlt.s32 v6, v20;
	v17 =	vsel vm0, v19, v17;
	vm0 =	vlt.s32 v11, v9  }
0x86: {  	v22 =	vmov s19;
	s19 =	smov.u32 s20;
	v19 =	vld [tilespmem:s18+$0x30];
	v20 =	vsel vm1, v6, v20;
	v9 =	vsel vm0, v11, v9;
	v6 =	vmovc v12  }
0x87: {  	vm2 =	vlt.s32 v13, v10;
	v23 =	vld [tilespmem:s18+$0x20];
	vm0 =	vlt.s32 v20, v17;
	vm1 =	vlt.s32 v14, v9  }
0x88: {  	v10 =	vsel vm2, v13, v10;
	v12 =	vld [tilespmem:s18+$0x10];
	v11 =	vsel vm0, v20, v17;
	v14 =	vsel vm1, v14, v9  }
0x89: {  	vm2 =	vlt.s32 v10, v8;
	vm0 =	vlt.s32 v16, v15;
	v13 =	vld [tilespmem:s18+$0x0];
	vm1 =	vlt.s32 v11, v14  }
0x8a: {  	v8 =	vsel vm2, v10, v8;
	v9 =	vld [tilespmem:s18+$0xFFFFFFF0];
	vm3 =	vlt.s32 v21, v18;
	v17 =	vsel vm1, v11, v14  }
.Ltmp5:
0x8b: {  	v15 =	vsel vm0, v16, v15;
	v11 =	vld [tilespmem:s18+$0xFFFFFFE0];
	v20 =	vsel vm3, v21, v18;
	vm0 =	vlt.s32 v17, v8;
	(pc) =	sbr.rel @p2 .LBB2_5-.Ltmp5, $4  }
0x8c: {  	v14 =	vld [tilespmem:s18+$0xFFFFFFD0];
	vm1 =	vlt.s32 v23, v19;
	vm2 =	vlt.s32 v20, v15;
	v16 =	vsel vm0, v17, v8  }
0x8d: {  	v18 =	vld [tilespmem:s18+$0xFFFFFFC0];
	v10 =	vsel vm1, v23, v19;
	v8 =	vsel vm2, v20, v15;
	vm0 =	veq.s32 v16, $0x0  }
0x8e: {  	v17 =	vld [tilespmem:s18+$0xFFFFFFB0];
	vm1 =	vlt.s32 v13, v12;
	v16 =	vsel vm0, $0x1, v1;
	v15 =	vnsel vm0, $0xFFFFFFFF, v22  }
0x8f: {  	v19 =	vld [tilespmem:s18+$0xFFFFFFA0];
	v7 =	vadd.s32 v16, v7;
	v16 =	vnsel vm0, $0x8000000, v22;
	vm0 =	vgt.s32 v5, v15  }
0x90: {  	v20 =	vld [tilespmem:s18+$0xFFFFFF90];
	_ =	swait.ge [sflag:s22], $0xA00  }
0x91: {  	[sflag:s22] =	ssyncset.done $0x0  }
0x92: {  	s0 =	simm.s32 $0xAF0;
	[sflag:s22] =	ssyncadd.s32 $0xFFFFF600  }
0x93: {  	v21 =	vld [tilespmem:s0+$0xFFFFFF10]  }
0x94: {  	vm2 =	vlt.s32 v18, v14;
	v22 =	vld [tilespmem:s0+$0x0]  }
0x95: {  	v12 =	vsel vm1, v13, v12;
	vm3 =	vlt.s32 v11, v9;
	v13 =	vsel vm2, v18, v14;
	v14 =	vld [tilespmem:s0+$0xFFFFFFF0]  }
0x96: {  	v9 =	vsel vm3, v11, v9;
	v18 =	vld [tilespmem:s0+$0xFFFFFFE0];
	vm1 =	vlt.s32 v19, v17;
	vm2 =	vlt.s32 v6, v20  }
0x97: {  	vm3 =	vlt.s32 v12, v10;
	v11 =	vld [tilespmem:s0+$0xFFFFFFD0];
	v17 =	vsel vm1, v19, v17;
	v6 =	vsel vm2, v6, v20  }
0x98: {  	v10 =	vsel vm3, v12, v10;
	v12 =	vld [tilespmem:s0+$0xFFFFFFB0];
	vm2 =	vlt.s32 v13, v9;
	vm1 =	vlt.s32 v6, v17  }
0x99: {  	v5 =	vsel vm0, v5, v15;
	v15 =	vld [tilespmem:s0+$0xFFFFFF50];
	v9 =	vsel vm2, v13, v9;
	v6 =	vsel vm1, v6, v17  }
0x9a: {  	v23 =	vld [tilespmem:s0+$0xFFFFFF40];
	vm2 =	vlt.s32 v10, v8;
	vm1 =	vlt.s32 v6, v9  }
0x9b: {  	v24 =	vld [tilespmem:s0+$0xFFFFFF30];
	v8 =	vsel vm2, v10, v8;
	v6 =	vsel vm1, v6, v9  }
0x9c: {  	v19 =	vld [tilespmem:s0+$0xFFFFFFC0];
	vm1 =	vlt.s32 v6, v8  }
0x9d: {  	v20 =	vld [tilespmem:s0+$0xFFFFFF60];
	v6 =	vsel vm1, v6, v8  }
0x9e: {  	v13 =	vld [tilespmem:s0+$0xFFFFFFA0];
	v17 =	vmov s19;
	vm1 =	veq.s32 v6, $0x0  }
0x9f: {  	v10 =	vld [tilespmem:s0+$0xFFFFFF80];
	vm2 =	vlt.s32 v4, v16;
	v6 =	vnsel vm1, $0xFFFFFFFF, v17  }
0xa0: {  	v16 =	vsel vm2, v4, v16;
	v9 =	vld [tilespmem:s0+$0xFFFFFF90];
	v4 =	vsel vm1, $0x1, v1;
	vm0 =	vgt.s32 v5, v6  }
0xa1: {  	v8 =	vld [tilespmem:s0+$0xFFFFFF70];
	v7 =	vadd.s32 v4, v7;
	v4 =	vsel vm0, v5, v6;
	vm0 =	vlt.s32 v11, v18  }
0xa2: {  	s18 =	simm.s32 $0xBF0;
	v5 =	vnsel vm1, $0x8000000, v17;
	vm1 =	vlt.s32 v14, v22;
	v17 =	vld [tilespmem:s0+$0xFFFFFF20];
	v11 =	vsel vm0, v11, v18  }
0xa3: {  	v62 =	vld [tilespmem:s18+$0xFFFFFFC0];
	vm0 =	vlt.s32 v16, v5;
	v14 =	vsel vm1, v14, v22;
	vm1 =	vlt.s32 v12, v19  }
0xa4: {  	v18 =	vld [tilespmem:s18+$0x0];
	v5 =	vsel vm0, v16, v5;
	vm0 =	vlt.s32 v11, v14;
	v16 =	vsel vm1, v12, v19  }
0xa5: {  	vm1 =	vlt.s32 v15, v20;
	v19 =	vld [tilespmem:s18+$0xFFFFFFD0];
	v11 =	vsel vm0, v11, v14;
	vm0 =	vlt.s32 v9, v13  }
0xa6: {  	v14 =	vld [tilespmem:s18+$0xFFFFFFF0];
	v9 =	vsel vm0, v9, v13;
	v13 =	vsel vm1, v15, v20;
	vm0 =	vlt.s32 v24, v23  }
0xa7: {  	s31 =	simm.s32 $0xA;
	v15 =	vld [tilespmem:s18+$0xFFFFFFE0];
	vm1 =	vlt.s32 v21, v17;
	v20 =	vsel vm0, v24, v23;
	vm0 =	vlt.s32 v8, v10  }
0xa8: {  	v63 =	vmov s31;
	v6 =	vld [tilespmem:s18+$0xFFFFFF10];
	v17 =	vsel vm1, v21, v17;
	v8 =	vsel vm0, v8, v10  }
0xa9: {  	vm2 =	vlt.s32 v9, v16;
	v10 =	vld [tilespmem:s18+$0xFFFFFFB0];
	vm0 =	vlt.s32 v17, v20;
	vm1 =	vlt.s32 v13, v8  }
0xaa: {  	v12 =	vld [tilespmem:s18+$0xFFFFFFA0];
	v16 =	vsel vm2, v9, v16;
	v17 =	vsel vm0, v17, v20;
	v8 =	vsel vm1, v13, v8  }
0xab: {  	vm2 =	vlt.s32 v16, v11;
	v13 =	vld [tilespmem:s18+$0xFFFFFF90];
	vm0 =	vlt.s32 v14, v18;
	vm1 =	vlt.s32 v17, v8  }
0xac: {  	v9 =	vld [tilespmem:s18+$0xFFFFFF80];
	v16 =	vsel vm2, v16, v11;
	vm3 =	vlt.s32 v19, v15;
	v8 =	vsel vm1, v17, v8  }
0xad: {  	v11 =	vld [tilespmem:s18+$0xFFFFFF70];
	v15 =	vsel vm3, v19, v15;
	v17 =	vsel vm0, v14, v18;
	vm0 =	vlt.s32 v8, v16  }
0xae: {  	v14 =	vld [tilespmem:s18+$0xFFFFFF60];
	vm1 =	vlt.s32 v10, v62;
	vm2 =	vlt.s32 v15, v17;
	v16 =	vsel vm0, v8, v16  }
0xaf: {  	v18 =	vld [tilespmem:s18+$0xFFFFFF50];
	v10 =	vsel vm1, v10, v62;
	v8 =	vsel vm2, v15, v17;
	vm0 =	veq.s32 v16, $0x0  }
0xb0: {  	v19 =	vld [tilespmem:s18+$0xFFFFFF30];
	vm1 =	vlt.s32 v13, v12;
	v16 =	vsel vm0, $0x1, v1;
	v15 =	vnsel vm0, $0xFFFFFFFF, v63  }
0xb1: {  	s19 =	simm.s32 $0xB;
	s0 =	simm.s32 $0xC;
	v17 =	vld [tilespmem:s18+$0xFFFFFF40];
	v7 =	vadd.s32 v16, v7;
	v16 =	vnsel vm0, $0x8000000, v63;
	vm0 =	vgt.s32 v4, v15  }
.LBB2_7:
0xb2: {  	p2 =	sne.s32 s0, $0x13  }
0xb3: {  	v20 =	vld [tilespmem:s18+$0xFFFFFF20];
	v13 =	vsel vm1, v13, v12;
	s18 =	sadd.s32 $0x100, s18;
	vm1 =	vlt.s32 v5, v16;
	v4 =	vsel vm0, v4, v15;
	s20 =	smov.u32 s0;
	s0 =	sadd.s32 $0x1, s0  }
0xb4: {  	v12 =	vld [tilespmem:s18+$0xFFFFFF10];
	v5 =	vsel vm1, v5, v16  }
0xb5: {  	v15 =	vld [tilespmem:s18+$0x0];
	vm0 =	vlt.s32 v18, v14  }
0xb6: {  	v16 =	vld [tilespmem:s18+$0xFFFFFFF0];
	v14 =	vsel vm0, v18, v14  }
0xb7: {  	v18 =	vld [tilespmem:s18+$0xFFFFFFE0];
	vm0 =	vlt.s32 v19, v17  }
0xb8: {  	v21 =	vld [tilespmem:s18+$0xFFFFFFD0];
	vm1 =	vlt.s32 v6, v20;
	v17 =	vsel vm0, v19, v17;
	vm0 =	vlt.s32 v11, v9  }
0xb9: {  	v22 =	vmov s19;
	s19 =	smov.u32 s20;
	v19 =	vld [tilespmem:s18+$0xFFFFFFC0];
	v20 =	vsel vm1, v6, v20;
	v9 =	vsel vm0, v11, v9;
	v6 =	vmovc v12  }
0xba: {  	vm2 =	vlt.s32 v13, v10;
	v23 =	vld [tilespmem:s18+$0xFFFFFFB0];
	vm0 =	vlt.s32 v20, v17;
	vm1 =	vlt.s32 v14, v9  }
0xbb: {  	v10 =	vsel vm2, v13, v10;
	v12 =	vld [tilespmem:s18+$0xFFFFFFA0];
	v11 =	vsel vm0, v20, v17;
	v14 =	vsel vm1, v14, v9  }
0xbc: {  	vm2 =	vlt.s32 v10, v8;
	vm0 =	vlt.s32 v16, v15;
	v13 =	vld [tilespmem:s18+$0xFFFFFF90];
	vm1 =	vlt.s32 v11, v14  }
0xbd: {  	v8 =	vsel vm2, v10, v8;
	v9 =	vld [tilespmem:s18+$0xFFFFFF80];
	vm3 =	vlt.s32 v21, v18;
	v17 =	vsel vm1, v11, v14  }
.Ltmp6:
0xbe: {  	v15 =	vsel vm0, v16, v15;
	v11 =	vld [tilespmem:s18+$0xFFFFFF70];
	v20 =	vsel vm3, v21, v18;
	vm0 =	vlt.s32 v17, v8;
	(pc) =	sbr.rel @p2 .LBB2_7-.Ltmp6, $4  }
0xbf: {  	v14 =	vld [tilespmem:s18+$0xFFFFFF60];
	vm1 =	vlt.s32 v23, v19;
	vm2 =	vlt.s32 v20, v15;
	v16 =	vsel vm0, v17, v8  }
0xc0: {  	v18 =	vld [tilespmem:s18+$0xFFFFFF50];
	v10 =	vsel vm1, v23, v19;
	v8 =	vsel vm2, v20, v15;
	vm0 =	veq.s32 v16, $0x0  }
0xc1: {  	v17 =	vld [tilespmem:s18+$0xFFFFFF40];
	vm1 =	vlt.s32 v13, v12;
	v16 =	vsel vm0, $0x1, v1;
	v15 =	vnsel vm0, $0xFFFFFFFF, v22  }
0xc2: {  	v19 =	vld [tilespmem:s18+$0xFFFFFF30];
	v7 =	vadd.s32 v16, v7;
	v16 =	vnsel vm0, $0x8000000, v22;
	vm0 =	vgt.s32 v4, v15  }
0xc3: {  	v20 =	vld [tilespmem:s18+$0xFFFFFF20];
	_ =	swait.ge [sflag:s23], $0xA00  }
0xc4: {  	[sflag:s23] =	ssyncset.done $0x0  }
0xc5: {  	s0 =	simm.s32 $0x14F0;
	[sflag:s23] =	ssyncadd.s32 $0xFFFFF600  }
0xc6: {  	v21 =	vld [tilespmem:s0+$0xFFFFFF10]  }
0xc7: {  	vm2 =	vlt.s32 v18, v14;
	v22 =	vld [tilespmem:s0+$0x0]  }
0xc8: {  	v12 =	vsel vm1, v13, v12;
	vm3 =	vlt.s32 v11, v9;
	v13 =	vsel vm2, v18, v14;
	v14 =	vld [tilespmem:s0+$0xFFFFFFF0]  }
0xc9: {  	v9 =	vsel vm3, v11, v9;
	v18 =	vld [tilespmem:s0+$0xFFFFFFE0];
	vm1 =	vlt.s32 v19, v17;
	vm2 =	vlt.s32 v6, v20  }
0xca: {  	vm3 =	vlt.s32 v12, v10;
	v11 =	vld [tilespmem:s0+$0xFFFFFFD0];
	v17 =	vsel vm1, v19, v17;
	v6 =	vsel vm2, v6, v20  }
0xcb: {  	v10 =	vsel vm3, v12, v10;
	v12 =	vld [tilespmem:s0+$0xFFFFFFB0];
	vm2 =	vlt.s32 v13, v9;
	vm1 =	vlt.s32 v6, v17  }
0xcc: {  	v4 =	vsel vm0, v4, v15;
	v15 =	vld [tilespmem:s0+$0xFFFFFF50];
	v9 =	vsel vm2, v13, v9;
	v6 =	vsel vm1, v6, v17  }
0xcd: {  	v23 =	vld [tilespmem:s0+$0xFFFFFF40];
	vm2 =	vlt.s32 v10, v8;
	vm1 =	vlt.s32 v6, v9  }
0xce: {  	v19 =	vld [tilespmem:s0+$0xFFFFFFC0];
	v8 =	vsel vm2, v10, v8;
	v6 =	vsel vm1, v6, v9  }
0xcf: {  	v20 =	vld [tilespmem:s0+$0xFFFFFF60];
	vm1 =	vlt.s32 v6, v8  }
0xd0: {  	v13 =	vld [tilespmem:s0+$0xFFFFFFA0];
	v6 =	vsel vm1, v6, v8  }
0xd1: {  	v10 =	vld [tilespmem:s0+$0xFFFFFF80];
	v17 =	vmov s19;
	vm1 =	veq.s32 v6, $0x0  }
0xd2: {  	vm2 =	vlt.s32 v5, v16;
	v9 =	vld [tilespmem:s0+$0xFFFFFF90];
	v6 =	vnsel vm1, $0xFFFFFFFF, v17  }
0xd3: {  	v5 =	vsel vm2, v5, v16;
	v8 =	vld [tilespmem:s0+$0xFFFFFF70];
	v16 =	vsel vm1, $0x1, v1;
	vm0 =	vgt.s32 v4, v6  }
0xd4: {  	v7 =	vadd.s32 v16, v7;
	v16 =	vld [tilespmem:s0+$0xFFFFFF30];
	v4 =	vsel vm0, v4, v6;
	vm0 =	vlt.s32 v11, v18  }
0xd5: {  	s18 =	simm.s32 $0x15F0;
	v17 =	vnsel vm1, $0x8000000, v17;
	vm1 =	vlt.s32 v14, v22;
	v11 =	vsel vm0, v11, v18;
	v18 =	vld [tilespmem:s0+$0xFFFFFF20]  }
0xd6: {  	v61 =	vld [tilespmem:s18+$0xFFFFFFC0];
	v14 =	vsel vm1, v14, v22;
	vm1 =	vlt.s32 v12, v19;
	vm0 =	vlt.s32 v5, v17  }
0xd7: {  	v5 =	vsel vm0, v5, v17;
	vm0 =	vlt.s32 v11, v14;
	v17 =	vsel vm1, v12, v19;
	v19 =	vld [tilespmem:s18+$0x0]  }
0xd8: {  	vm1 =	vlt.s32 v15, v20;
	v11 =	vsel vm0, v11, v14;
	vm0 =	vlt.s32 v9, v13;
	v14 =	vld [tilespmem:s18+$0xFFFFFFF0]  }
0xd9: {  	v9 =	vsel vm0, v9, v13;
	v13 =	vsel vm1, v15, v20;
	v15 =	vld [tilespmem:s18+$0xFFFFFFE0];
	vm0 =	vlt.s32 v16, v23  }
0xda: {  	s31 =	simm.s32 $0x14;
	v20 =	vld [tilespmem:s18+$0xFFFFFFD0];
	v16 =	vsel vm0, v16, v23;
	vm0 =	vlt.s32 v8, v10;
	vm1 =	vlt.s32 v21, v18  }
0xdb: {  	v62 =	vmov s31;
	v63 =	vld [tilespmem:s18+$0xFFFFFFB0];
	v8 =	vsel vm0, v8, v10;
	v18 =	vsel vm1, v21, v18  }
0xdc: {  	v6 =	vld [tilespmem:s18+$0xFFFFFF10];
	vm2 =	vlt.s32 v9, v17;
	vm1 =	vlt.s32 v13, v8;
	vm0 =	vlt.s32 v18, v16  }
0xdd: {  	v12 =	vld [tilespmem:s18+$0xFFFFFFA0];
	v8 =	vsel vm1, v13, v8;
	v10 =	vsel vm0, v18, v16;
	v16 =	vsel vm2, v9, v17  }
0xde: {  	v13 =	vld [tilespmem:s18+$0xFFFFFF90];
	vm0 =	vlt.s32 v14, v19;
	vm1 =	vlt.s32 v10, v8;
	vm2 =	vlt.s32 v16, v11  }
0xdf: {  	v9 =	vld [tilespmem:s18+$0xFFFFFF80];
	vm3 =	vlt.s32 v20, v15;
	v8 =	vsel vm1, v10, v8;
	v11 =	vsel vm2, v16, v11  }
0xe0: {  	v15 =	vsel vm3, v20, v15;
	v17 =	vsel vm0, v14, v19;
	v14 =	vld [tilespmem:s18+$0xFFFFFF60];
	vm0 =	vlt.s32 v8, v11  }
0xe1: {  	v19 =	vld [tilespmem:s18+$0xFFFFFF30];
	vm1 =	vlt.s32 v63, v61;
	vm2 =	vlt.s32 v15, v17;
	v18 =	vsel vm0, v8, v11  }
0xe2: {  	v10 =	vld [tilespmem:s18+$0xFFFFFF70];
	v11 =	vsel vm1, v63, v61;
	v8 =	vsel vm2, v15, v17;
	vm0 =	veq.s32 v18, $0x0  }
0xe3: {  	v16 =	vld [tilespmem:s18+$0xFFFFFF50];
	vm1 =	vlt.s32 v13, v12;
	v18 =	vsel vm0, $0x1, v1;
	v17 =	vnsel vm0, $0xFFFFFFFF, v62  }
0xe4: {  	s19 =	simm.s32 $0x16;
	s0 =	simm.s32 $0x15;
	v15 =	vld [tilespmem:s18+$0xFFFFFF40];
	v7 =	vadd.s32 v18, v7;
	v18 =	vnsel vm0, $0x8000000, v62;
	vm0 =	vgt.s32 v4, v17  }
.LBB2_9:
0xe5: {  	p2 =	sne.s32 s19, $0x1D  }
0xe6: {  	v20 =	vld [tilespmem:s18+$0xFFFFFF20];
	v13 =	vsel vm1, v13, v12;
	s18 =	sadd.s32 $0x100, s18;
	vm1 =	vlt.s32 v5, v18;
	v4 =	vsel vm0, v4, v17;
	s20 =	smov.u32 s19;
	s19 =	sadd.s32 $0x1, s19  }
0xe7: {  	v12 =	vld [tilespmem:s18+$0xFFFFFF10];
	v5 =	vsel vm1, v5, v18  }
0xe8: {  	v17 =	vld [tilespmem:s18+$0x0];
	vm0 =	vlt.s32 v16, v14  }
0xe9: {  	v18 =	vld [tilespmem:s18+$0xFFFFFFF0];
	v14 =	vsel vm0, v16, v14  }
0xea: {  	v16 =	vld [tilespmem:s18+$0xFFFFFFE0];
	vm0 =	vlt.s32 v19, v15  }
0xeb: {  	v21 =	vld [tilespmem:s18+$0xFFFFFFD0];
	vm1 =	vlt.s32 v6, v20;
	v15 =	vsel vm0, v19, v15;
	vm0 =	vlt.s32 v10, v9  }
0xec: {  	v22 =	vmov s0;
	s0 =	smov.u32 s20;
	v19 =	vld [tilespmem:s18+$0xFFFFFFC0];
	v20 =	vsel vm1, v6, v20;
	v9 =	vsel vm0, v10, v9;
	v6 =	vmovc v12  }
0xed: {  	vm2 =	vlt.s32 v13, v11;
	v23 =	vld [tilespmem:s18+$0xFFFFFFB0];
	vm0 =	vlt.s32 v20, v15;
	vm1 =	vlt.s32 v14, v9  }
0xee: {  	v11 =	vsel vm2, v13, v11;
	v12 =	vld [tilespmem:s18+$0xFFFFFFA0];
	v10 =	vsel vm0, v20, v15;
	v14 =	vsel vm1, v14, v9  }
0xef: {  	vm2 =	vlt.s32 v11, v8;
	vm0 =	vlt.s32 v18, v17;
	v13 =	vld [tilespmem:s18+$0xFFFFFF90];
	vm1 =	vlt.s32 v10, v14  }
0xf0: {  	v8 =	vsel vm2, v11, v8;
	v9 =	vld [tilespmem:s18+$0xFFFFFF80];
	vm3 =	vlt.s32 v21, v16;
	v15 =	vsel vm1, v10, v14  }
.Ltmp7:
0xf1: {  	v17 =	vsel vm0, v18, v17;
	v10 =	vld [tilespmem:s18+$0xFFFFFF70];
	v20 =	vsel vm3, v21, v16;
	vm0 =	vlt.s32 v15, v8;
	(pc) =	sbr.rel @p2 .LBB2_9-.Ltmp7, $4  }
0xf2: {  	v14 =	vld [tilespmem:s18+$0xFFFFFF60];
	vm1 =	vlt.s32 v23, v19;
	vm2 =	vlt.s32 v20, v17;
	v15 =	vsel vm0, v15, v8  }
0xf3: {  	v16 =	vld [tilespmem:s18+$0xFFFFFF50];
	v11 =	vsel vm1, v23, v19;
	v8 =	vsel vm2, v20, v17;
	vm0 =	veq.s32 v15, $0x0  }
0xf4: {  	v15 =	vld [tilespmem:s18+$0xFFFFFF40];
	vm1 =	vlt.s32 v13, v12;
	v18 =	vsel vm0, $0x1, v1;
	v17 =	vnsel vm0, $0xFFFFFFFF, v22  }
0xf5: {  	v19 =	vld [tilespmem:s18+$0xFFFFFF30];
	v7 =	vadd.s32 v18, v7;
	v18 =	vnsel vm0, $0x8000000, v22;
	vm0 =	vgt.s32 v4, v17  }
0xf6: {  	v20 =	vld [tilespmem:s18+$0xFFFFFF20];
	_ =	sdelay $0x2  }
0xf7: {  	vm3 =	vlt.s32 v10, v9  }
0xf8: {  	v12 =	vsel vm1, v13, v12;
	v9 =	vsel vm3, v10, v9  }
0xf9: {  	vm2 =	vlt.s32 v16, v14;
	vm7 =	vlt.s32 v19, v15;
	vm8 =	vlt.s32 v6, v20  }
0xfa: {  	v60 =	vsel vm2, v16, v14;
	v61 =	vsel vm7, v19, v15;
	v6 =	vsel vm8, v6, v20  }
0xfb: {  	vm10 =	vlt.s32 v12, v11;
	vm9 =	vlt.s32 v60, v9;
	vm1 =	vlt.s32 v6, v61  }
0xfc: {  	v62 =	vsel vm10, v12, v11;
	v9 =	vsel vm9, v60, v9;
	v6 =	vsel vm1, v6, v61  }
0xfd: {  	vm11 =	vlt.s32 v62, v8;
	vm1 =	vlt.s32 v6, v9  }
0xfe: {  	v8 =	vsel vm11, v62, v8;
	v6 =	vsel vm1, v6, v9  }
0xff: {  	vm1 =	vlt.s32 v6, v8  }
.Ltmp8:
0x100: {  	vm12 =	vlt.s32 v5, v18;
	v6 =	vsel vm1, v6, v8;
	(pc) =	sbr.rel @p1 .LBB2_13-.Ltmp8, $4  }
0x101: {  	v4 =	vsel vm0, v4, v17;
	v8 =	vmov s0;
	vm13 =	veq.s32 v6, $0x0  }
0x102: {  	_ =	swait.ge [sflag:s24], $0xA00;
	v6 =	vsel vm12, v5, v18;
	v5 =	vnsel vm13, $0xFFFFFFFF, v8;
	v8 =	vnsel vm13, $0x8000000, v8  }
0x103: {  	[sflag:s24] =	ssyncset.done $0x0;
	v63 =	vsel vm13, $0x1, v1;
	vm14 =	vgt.s32 v4, v5;
	vm15 =	vlt.s32 v6, v8  }
0x104: {  	[sflag:s24] =	ssyncadd.s32 $0xFFFFF600;
	v7 =	vadd.s32 v63, v7;
	v5 =	vsel vm14, v4, v5;
	v4 =	vsel vm15, v6, v8  }
0x105: {  	p2 =	sne.s32 s13, $0x1  }
.Ltmp9:
0x106: {  	_ = 	snop;
	(pc) =	sbr.rel @!p2 .LBB2_13-.Ltmp9, $2  }
0x107: {  	_ =	sdelay $0x2  }
0x108: {  	s0 =	sadd.s32 $0xFFFFFFFF, s13;
	[tilespmem:s14+$0x0] =	vst v2;
	s18 =	smov.u32 s14  }
.LBB2_12:
0x109: {  	p2 =	sne.s32 s0, $0x1  }
.Ltmp10:
0x10a: {  	_ = 	snop;
	(pc) =	sbr.rel @p2 .LBB2_12-.Ltmp10, $3  }
0x10b: {  	_ =	sdelay $0x1  }
0x10c: {  	s0 =	sadd.s32 $0xFFFFFFFF, s0;
	s18 =	sadd.s32 $0x10, s18  }
0x10d: {  	[tilespmem:s18+$0x0] =	vst v2  }
.LBB2_13:
0x10e: {  	s0 =	simm.s32 $0x1EF0  }
0x10f: {  	v8 =	vld [tilespmem:s0+$0xFFFFFF10]  }
0x110: {  	v6 =	vld [tilespmem:s0+$0x0]  }
0x111: {  	v9 =	vld [tilespmem:s0+$0xFFFFFFF0]  }
0x112: {  	v10 =	vld [tilespmem:s0+$0xFFFFFFE0]  }
0x113: {  	v11 =	vld [tilespmem:s0+$0xFFFFFFD0]  }
0x114: {  	v12 =	vld [tilespmem:s0+$0xFFFFFFC0]  }
0x115: {  	v13 =	vld [tilespmem:s0+$0xFFFFFFB0]  }
0x116: {  	v14 =	vld [tilespmem:s0+$0xFFFFFFA0]  }
0x117: {  	v15 =	vld [tilespmem:s0+$0xFFFFFF90]  }
0x118: {  	v16 =	vld [tilespmem:s0+$0xFFFFFF80]  }
0x119: {  	v17 =	vld [tilespmem:s0+$0xFFFFFF70]  }
0x11a: {  	v18 =	vld [tilespmem:s0+$0xFFFFFF60]  }
0x11b: {  	v19 =	vld [tilespmem:s0+$0xFFFFFF50]  }
0x11c: {  	v20 =	vld [tilespmem:s0+$0xFFFFFF40]  }
0x11d: {  	v21 =	vld [tilespmem:s0+$0xFFFFFF30]  }
0x11e: {  	s18 =	simm.s32 $0x1FF0;
	v22 =	vld [tilespmem:s0+$0xFFFFFF20];
	vm0 =	vlt.s32 v9, v6;
	vm1 =	vlt.s32 v11, v10  }
0x11f: {  	v23 =	vld [tilespmem:s18+$0x0];
	v10 =	vsel vm1, v11, v10;
	v9 =	vsel vm0, v9, v6;
	vm0 =	vlt.s32 v13, v12  }
0x120: {  	v24 =	vld [tilespmem:s18+$0xFFFFFFF0];
	vm1 =	vlt.s32 v10, v9;
	v11 =	vsel vm0, v13, v12  }
0x121: {  	v63 =	vld [tilespmem:s18+$0xFFFFFFB0];
	vm0 =	vlt.s32 v15, v14;
	v10 =	vsel vm1, v10, v9;
	vm1 =	vlt.s32 v19, v18  }
0x122: {  	v9 =	vsel vm0, v15, v14;
	v14 =	vld [tilespmem:s18+$0xFFFFFFE0];
	vm0 =	vlt.s32 v21, v20;
	v13 =	vsel vm1, v19, v18  }
0x123: {  	s31 =	simm.s32 $0x1E;
	v15 =	vld [tilespmem:s18+$0xFFFFFFD0];
	vm1 =	vlt.s32 v8, v22;
	v18 =	vsel vm0, v21, v20;
	vm0 =	vlt.s32 v17, v16  }
0x124: {  	v6 =	vld [tilespmem:s18+$0xFFFFFF10];
	v20 =	vmov s31;
	v8 =	vsel vm1, v8, v22;
	v16 =	vsel vm0, v17, v16  }
0x125: {  	v19 =	vld [tilespmem:s18+$0xFFFFFFC0];
	vm2 =	vlt.s32 v9, v11;
	vm0 =	vlt.s32 v8, v18;
	vm1 =	vlt.s32 v13, v16  }
0x126: {  	v12 =	vld [tilespmem:s18+$0xFFFFFFA0];
	v11 =	vsel vm2, v9, v11;
	v8 =	vsel vm0, v8, v18;
	v16 =	vsel vm1, v13, v16  }
0x127: {  	vm2 =	vlt.s32 v11, v10;
	v13 =	vld [tilespmem:s18+$0xFFFFFF90];
	vm0 =	vlt.s32 v24, v23;
	vm1 =	vlt.s32 v8, v16  }
0x128: {  	v9 =	vld [tilespmem:s18+$0xFFFFFF80];
	v11 =	vsel vm2, v11, v10;
	vm3 =	vlt.s32 v15, v14;
	v8 =	vsel vm1, v8, v16  }
0x129: {  	v17 =	vld [tilespmem:s18+$0xFFFFFF50];
	v15 =	vsel vm3, v15, v14;
	v16 =	vsel vm0, v24, v23;
	vm0 =	vlt.s32 v8, v11  }
0x12a: {  	v10 =	vld [tilespmem:s18+$0xFFFFFF70];
	vm1 =	vlt.s32 v63, v19;
	vm2 =	vlt.s32 v15, v16;
	v18 =	vsel vm0, v8, v11  }
0x12b: {  	v14 =	vld [tilespmem:s18+$0xFFFFFF60];
	v11 =	vsel vm1, v63, v19;
	v8 =	vsel vm2, v15, v16;
	vm0 =	veq.s32 v18, $0x0  }
0x12c: {  	v15 =	vld [tilespmem:s18+$0xFFFFFF40];
	vm1 =	vlt.s32 v13, v12;
	v18 =	vsel vm0, $0x1, v1;
	v16 =	vnsel vm0, $0xFFFFFFFF, v20  }
0x12d: {  	s19 =	simm.s32 $0x20;
	s0 =	simm.s32 $0x1F;
	v19 =	vld [tilespmem:s18+$0xFFFFFF30];
	v7 =	vadd.s32 v18, v7;
	v18 =	vnsel vm0, $0x8000000, v20;
	vm0 =	vgt.s32 v5, v16  }
.LBB2_14:
0x12e: {  	p2 =	sne.s32 s19, $0x27  }
0x12f: {  	v20 =	vld [tilespmem:s18+$0xFFFFFF20];
	v13 =	vsel vm1, v13, v12;
	s18 =	sadd.s32 $0x100, s18;
	vm1 =	vlt.s32 v4, v18;
	v5 =	vsel vm0, v5, v16;
	s20 =	smov.u32 s19;
	s19 =	sadd.s32 $0x1, s19  }
0x130: {  	v12 =	vld [tilespmem:s18+$0xFFFFFF10];
	v4 =	vsel vm1, v4, v18  }
0x131: {  	v16 =	vld [tilespmem:s18+$0x0];
	vm0 =	vlt.s32 v17, v14  }
0x132: {  	v18 =	vld [tilespmem:s18+$0xFFFFFFF0];
	v14 =	vsel vm0, v17, v14  }
0x133: {  	v17 =	vld [tilespmem:s18+$0xFFFFFFE0];
	vm0 =	vlt.s32 v19, v15  }
0x134: {  	v21 =	vld [tilespmem:s18+$0xFFFFFFD0];
	vm1 =	vlt.s32 v6, v20;
	v15 =	vsel vm0, v19, v15;
	vm0 =	vlt.s32 v10, v9  }
0x135: {  	v22 =	vmov s0;
	s0 =	smov.u32 s20;
	v19 =	vld [tilespmem:s18+$0xFFFFFFC0];
	v20 =	vsel vm1, v6, v20;
	v9 =	vsel vm0, v10, v9;
	v6 =	vmovc v12  }
0x136: {  	vm2 =	vlt.s32 v13, v11;
	v23 =	vld [tilespmem:s18+$0xFFFFFFB0];
	vm0 =	vlt.s32 v20, v15;
	vm1 =	vlt.s32 v14, v9  }
0x137: {  	v11 =	vsel vm2, v13, v11;
	v12 =	vld [tilespmem:s18+$0xFFFFFFA0];
	v10 =	vsel vm0, v20, v15;
	v14 =	vsel vm1, v14, v9  }
0x138: {  	vm2 =	vlt.s32 v11, v8;
	vm0 =	vlt.s32 v18, v16;
	v13 =	vld [tilespmem:s18+$0xFFFFFF90];
	vm1 =	vlt.s32 v10, v14  }
0x139: {  	v8 =	vsel vm2, v11, v8;
	v9 =	vld [tilespmem:s18+$0xFFFFFF80];
	vm3 =	vlt.s32 v21, v17;
	v15 =	vsel vm1, v10, v14  }
.Ltmp11:
0x13a: {  	v16 =	vsel vm0, v18, v16;
	v10 =	vld [tilespmem:s18+$0xFFFFFF70];
	v20 =	vsel vm3, v21, v17;
	vm0 =	vlt.s32 v15, v8;
	(pc) =	sbr.rel @p2 .LBB2_14-.Ltmp11, $4  }
0x13b: {  	v14 =	vld [tilespmem:s18+$0xFFFFFF60];
	vm1 =	vlt.s32 v23, v19;
	vm2 =	vlt.s32 v20, v16;
	v15 =	vsel vm0, v15, v8  }
0x13c: {  	v17 =	vld [tilespmem:s18+$0xFFFFFF50];
	v11 =	vsel vm1, v23, v19;
	v8 =	vsel vm2, v20, v16;
	vm0 =	veq.s32 v15, $0x0  }
0x13d: {  	v15 =	vld [tilespmem:s18+$0xFFFFFF40];
	vm1 =	vlt.s32 v13, v12;
	v18 =	vsel vm0, $0x1, v1;
	v16 =	vnsel vm0, $0xFFFFFFFF, v22  }
0x13e: {  	v19 =	vld [tilespmem:s18+$0xFFFFFF30];
	v7 =	vadd.s32 v18, v7;
	v18 =	vnsel vm0, $0x8000000, v22;
	vm0 =	vgt.s32 v5, v16  }
0x13f: {  	v20 =	vld [tilespmem:s18+$0xFFFFFF20];
	_ =	sdelay $0x2  }
0x140: {  	vm3 =	vlt.s32 v10, v9  }
0x141: {  	v12 =	vsel vm1, v13, v12;
	v9 =	vsel vm3, v10, v9  }
0x142: {  	vm2 =	vlt.s32 v17, v14;
	vm10 =	vlt.s32 v19, v15;
	vm11 =	vlt.s32 v6, v20  }
0x143: {  	v61 =	vsel vm2, v17, v14;
	v62 =	vsel vm10, v19, v15;
	v6 =	vsel vm11, v6, v20  }
0x144: {  	vm13 =	vlt.s32 v12, v11;
	vm12 =	vlt.s32 v61, v9;
	vm1 =	vlt.s32 v6, v62  }
0x145: {  	v63 =	vsel vm13, v12, v11;
	v9 =	vsel vm12, v61, v9;
	v6 =	vsel vm1, v6, v62  }
0x146: {  	vm14 =	vlt.s32 v63, v8;
	vm1 =	vlt.s32 v6, v9  }
0x147: {  	v8 =	vsel vm14, v63, v8;
	v6 =	vsel vm1, v6, v9  }
0x148: {  	vm1 =	vlt.s32 v6, v8  }
0x149: {  	v6 =	vsel vm1, v6, v8  }
0x14a: {  	vm1 =	veq.s32 v6, $0x0  }
0x14b: {  	v6 =	vsel vm1, $0x1, v1  }
0x14c: {  	v6 =	vadd.s32 v6, v7  }
0x14d: {  	(xrf0) =	vadd.scan.msk.s32 $0xffff, v6;
	_ =	sdelay $0x5  }
0x14e: {  	v7, _, _ =	vpop (xrf0)  }
0x14f: {  	(v2sf) =	vpush v7, $0xF;
	_ =	sdelay $0xe  }
0x150: {  	s31 =	spop (v2sf)  }
0x151: {  	p2 =	slt.s32 s31, $0x1  }
.Ltmp12:
0x152: {  	_ = 	snop;
	(pc) =	sbr.rel @p2 .LBB2_43-.Ltmp12, $4  }
0x153: {  	vm15 =	vlt.s32 v4, v18;
	v5 =	vsel vm0, v5, v16;
	v7 =	vmov s0  }
0x154: {  	v8 =	vsel vm15, v4, v18;
	v4 =	vnsel vm1, $0xFFFFFFFF, v7;
	v7 =	vnsel vm1, $0x8000000, v7;
	_ =	swait.ge [sflag:s25], $0x2800  }
0x155: {  	vm0 =	vgt.s32 v5, v4;
	vm1 =	vlt.s32 v8, v7;
	[sflag:s25] =	ssyncset.done $0x0  }
0x156: {  	v4 =	vsel vm0, v5, v4;
	v5 =	vsel vm1, v8, v7;
	[sflag:s25] =	ssyncadd.s32 $0xFFFFD800  }
0x157: {  	v7 =	vxor.u32 $0x80000000, v6  }
0x158: {  	(xrf0) =	vmax.scan.msk.u32 $0xffff, v7;
	_ =	sdelay $0x5  }
0x159: {  	v7, _, _ =	vpop (xrf0)  }
0x15a: {  	(v2sf) =	vpush v7, $0xF;
	_ =	sdelay $0xe  }
0x15b: {  	s0 =	spop (v2sf)  }
0x15c: {  	p2 =	sgt.u32 s0, $0x80000002  }
.Ltmp13:
0x15d: {  	_ = 	snop;
	(pc) =	sbr.rel @p2 .LBB2_17-.Ltmp13, $1  }
0x15e: {  	_ =	sdelay $0x3  }
0x15f: {  	vm0 =	vgt.s32 v6, $0x0;
	v5 =	vshll.u32 v5, $0x4  }
0x160: {  	v15 =	vnsel vm0, $0x0, v5  }
0x161: {  	v5 =	vshll.u32 v15, $0x4  }
0x162: {  	v7 =	vor.u32 v3, v5;
	_ =	sdelay $0x1  }
0x163: {  	v9 =	vor.u32 $0x10, v3  }
0x164: {  	v8 =	vor.u32 v9, v5  }
0x165: {  	s18 =	simm.s32 $0x0;
	v10 =	vor.u32 $0x20, v3  }
0x166: {  	v11 =	vor.u32 v10, v5;
	v7 =	vld.idx.msk [tilespmem:v7+s18+$0x0], $0xffff;
	_ =	sdelay $0x1  }
0x167: {  	v12 =	vor.u32 $0x30, v3  }
0x168: {  	v22 =	vor.u32 $0x40, v3;
	v13 =	vor.u32 v12, v5;
	v8 =	vld.idx.msk [tilespmem:v8+s18+$0x0], $0xffff  }
0x169: {  	v17 =	vor.u32 v22, v5  }
0x16a: {  	vm0 =	veq.s32 v7, $0x0;
	v7 =	vld.idx.msk [tilespmem:v11+s18+$0x0], $0xffff  }
0x16b: {  	v24 =	vor.u32 $0x50, v3;
	v23 =	vor.u32 $0x60, v3;
	v14 =	vimm.s32 $0x0  }
0x16c: {  	v20 =	vimm.s32 $0x0;
	v26 =	vimm.s32 $0x0;
	v18 =	vor.u32 v24, v5  }
0x16d: {  	v14 =	vsel vm0, $0xFFFFFFFF, v14;
	v19 =	vsel vm0, $0x1, v1;
	vm0 =	veq.s32 v8, $0x0;
	v8 =	vld.idx.msk [tilespmem:v13+s18+$0x0], $0xffff  }
0x16e: {  	v16 =	vor.u32 $0x8, v15;
	v21 =	vld.idx.msk [tilespmem:v17+s18+$0x0], $0xffff;
	v17 =	vor.u32 $0x9, v15;
	v20 =	vsel vm0, $0xFFFFFFFF, v20  }
0x16f: {  	v11 =	vor.u32 v23, v5;
	[tilespmem:$0x1FE80] =	vst v20;
	v20 =	vsel vm0, $0x1, v1;
	vm0 =	veq.s32 v7, $0x0  }
0x170: {  	v13 =	vshll.u32 v16, $0x4;
	[tilespmem:$0x1FE70] =	vst v14;
	v14 =	vor.u32 $0x70, v3;
	v26 =	vsel vm0, $0xFFFFFFFF, v26  }
0x171: {  	v5 =	vor.u32 v14, v5;
	v20 =	vadd.s32 v19, v20;
	[tilespmem:$0x1FE90] =	vst v26;
	v26 =	vsel vm0, $0x1, v1  }
0x172: {  	v25 =	vld.idx.msk [tilespmem:v18+s18+$0x0], $0xffff;
	vm0 =	veq.s32 v8, $0x0;
	v20 =	vadd.s32 v26, v20;
	v26 =	vimm.s32 $0x0  }
0x173: {  	v13 =	vor.u32 v3, v13;
	v19 =	vshll.u32 v17, $0x4;
	v26 =	vsel vm0, $0xFFFFFFFF, v26  }
0x174: {  	[tilespmem:$0x1FEA0] =	vst v26;
	v26 =	vsel vm0, $0x1, v1;
	vm0 =	veq.s32 v21, $0x0;
	v21 =	vimm.s32 $0x0  }
0x175: {  	v18 =	vor.u32 $0xA, v15;
	v7 =	vld.idx.msk [tilespmem:v11+s18+$0x0], $0xffff;
	v11 =	vor.u32 v9, v19;
	v21 =	vsel vm0, $0xFFFFFFFF, v21  }
0x176: {  	v19 =	vshll.u32 v18, $0x4;
	v20 =	vadd.s32 v26, v20;
	[tilespmem:$0x1FEB0] =	vst v21;
	v21 =	vsel vm0, $0x1, v1  }
0x177: {  	v5 =	vld.idx.msk [tilespmem:v5+s18+$0x0], $0xffff;
	vm0 =	veq.s32 v25, $0x0;
	v20 =	vadd.s32 v21, v20;
	v21 =	vimm.s32 $0x0  }
0x178: {  	v27 =	vor.u32 v10, v19;
	v19 =	vor.u32 $0xB, v15;
	v21 =	vsel vm0, $0xFFFFFFFF, v21  }
0x179: {  	v8 =	vshll.u32 v19, $0x4;
	v13 =	vld.idx.msk [tilespmem:v13+s18+$0x0], $0xffff;
	[tilespmem:$0x1FEC0] =	vst v21;
	v21 =	vsel vm0, $0x1, v1  }
0x17a: {  	vm0 =	veq.s32 v7, $0x0;
	v7 =	vld.idx.msk [tilespmem:v11+s18+$0x0], $0xffff;
	v11 =	vadd.s32 v21, v20;
	v20 =	vimm.s32 $0x0  }
0x17b: {  	vm12 =	veq.s32 v6, $0x2;
	v8 =	vor.u32 v12, v8;
	v20 =	vsel vm0, $0xFFFFFFFF, v20  }
0x17c: {  	[tilespmem:$0x1FED0] =	vst v20;
	v20 =	vsel vm0, $0x1, v1;
	vm0 =	veq.s32 v5, $0x0;
	v5 =	vimm.s32 $0x0  }
0x17d: {  	v6 =	vshll.u32 v4, $0x4;
	v4 =	vimm.s32 $0x0;
	v21 =	vld.idx.msk [tilespmem:v27+s18+$0x0], $0xffff;
	v5 =	vsel vm0, $0xFFFFFFFF, v5  }
0x17e: {  	v11 =	vadd.s32 v20, v11;
	[tilespmem:$0x1FEE0] =	vst v5;
	v5 =	vsel vm0, $0x1, v1;
	vm0 =	veq.s32 v13, $0x0  }
0x17f: {  	v5 =	vadd.s32 v5, v11;
	v4 =	vsel vm0, $0xFFFFFFFF, v4;
	v11 =	vsel vm0, $0x1, v1  }
0x180: {  	v8 =	vld.idx.msk [tilespmem:v8+s18+$0x0], $0xffff;
	vm0 =	veq.s32 v7, $0x0;
	v5 =	vadd.s32 v11, v5;
	v11 =	vimm.s32 $0x0  }
0x181: {  	v51 =	vimm.s32 $0x0;
	[tilespmem:$0x1FEF0] =	vst v4;
	v4 =	vnsel vm12, $0x0, v6;
	v11 =	vsel vm0, $0xFFFFFFFF, v11  }
0x182: {  	v7 =	vshll.u32 v4, $0x4;
	[tilespmem:$0x1FF00] =	vst v11;
	v11 =	vsel vm0, $0x1, v1;
	vm0 =	veq.s32 v21, $0x0  }
0x183: {  	v13 =	vor.u32 v3, v7;
	v5 =	vadd.s32 v11, v5;
	v11 =	vimm.s32 $0x0  }
0x184: {  	v55 =	vimm.s32 $0x0;
	v25 =	vor.u32 v9, v7;
	v11 =	vsel vm0, $0xFFFFFFFF, v11  }
0x185: {  	v57 =	vimm.s32 $0x0;
	[tilespmem:$0x1FF10] =	vst v11;
	v11 =	vsel vm0, $0x1, v1;
	vm0 =	veq.s32 v8, $0x0  }
0x186: {  	v8 =	vor.u32 v10, v7;
	v26 =	vadd.s32 v11, v5;
	v5 =	vimm.s32 $0x0  }
0x187: {  	v21 =	vor.u32 $0xC, v15;
	v11 =	vor.u32 v12, v7;
	v5 =	vsel vm0, $0xFFFFFFFF, v5  }
0x188: {  	v20 =	vor.u32 $0xD, v15;
	v28 =	vor.u32 v22, v7;
	v30 =	vld.idx.msk [tilespmem:v13+s18+$0x0], $0xffff;
	[tilespmem:$0x1FF20] =	vst v5;
	v5 =	vshll.u32 v21, $0x4  }
0x189: {  	v32 =	vor.u32 v23, v7;
	v25 =	vld.idx.msk [tilespmem:v25+s18+$0x0], $0xffff;
	v29 =	vor.u32 v22, v5;
	v5 =	vshll.u32 v20, $0x4  }
0x18a: {  	v34 =	vor.u32 v14, v7;
	v31 =	vor.u32 v24, v5;
	v5 =	vor.u32 $0x8, v4  }
0x18b: {  	v13 =	vor.u32 v24, v7;
	v7 =	vor.u32 $0x9, v4;
	v33 =	vld.idx.msk [tilespmem:v8+s18+$0x0], $0xffff;
	v8 =	vshll.u32 v5, $0x4  }
0x18c: {  	v27 =	vsel vm0, $0x1, v1;
	v35 =	vld.idx.msk [tilespmem:v11+s18+$0x0], $0xffff;
	v11 =	vshll.u32 v7, $0x4;
	v36 =	vor.u32 v3, v8  }
0x18d: {  	v8 =	vor.u32 $0xA, v4;
	v37 =	vor.u32 v9, v11;
	v9 =	vor.u32 $0xB, v4  }
0x18e: {  	vm13 =	veq.s32 v30, $0x0;
	vm14 =	veq.s32 v25, $0x0;
	v11 =	vshll.u32 v8, $0x4  }
0x18f: {  	v28 =	vld.idx.msk [tilespmem:v28+s18+$0x0], $0xffff;
	v39 =	vor.u32 v10, v11;
	v11 =	vshll.u32 v9, $0x4;
	v10 =	vor.u32 $0xC, v4  }
0x190: {  	v38 =	vld.idx.msk [tilespmem:v13+s18+$0x0], $0xffff;
	vm1 =	vmand vm12, vm13;
	v40 =	vor.u32 v12, v11;
	v12 =	vshll.u32 v10, $0x4  }
0x191: {  	vm0 =	vmand vm12, vm14;
	v11 =	vor.u32 $0xD, v4;
	v41 =	vor.u32 v22, v12  }
0x192: {  	v32 =	vld.idx.msk [tilespmem:v32+s18+$0x0], $0xffff;
	v52 =	vsel vm0, $0x1, v1;
	vm15 =	veq.s32 v33, $0x0;
	v13 =	vshll.u32 v11, $0x4  }
0x193: {  	v34 =	vld.idx.msk [tilespmem:v34+s18+$0x0], $0xffff;
	v12 =	vor.u32 $0xE, v4;
	vm2 =	vmand vm12, vm15;
	v24 =	vor.u32 v24, v13  }
0x194: {  	vm13 =	veq.s32 v35, $0x0;
	v22 =	vshll.u32 v12, $0x4;
	v13 =	vor.u32 $0xF, v4;
	v45 =	vld.idx.msk [tilespmem:v37+s18+$0x0], $0xffff  }
0x195: {  	vm10 =	vmand vm12, vm13;
	vm13 =	veq.s32 v28, $0x0;
	vm14 =	veq.s32 v38, $0x0;
	v25 =	vld.idx.msk [tilespmem:v39+s18+$0x0], $0xffff  }
0x196: {  	v28 =	vsel vm0, $0xFFFFFFFF, v51;
	v56 =	vsel vm2, $0x1, v1;
	v46 =	vor.u32 v23, v22;
	v41 =	vld.idx.msk [tilespmem:v41+s18+$0x0], $0xffff  }
0x197: {  	v42 =	vshll.u32 v13, $0x4;
	vm11 =	vmand vm12, vm13;
	vm13 =	veq.s32 v32, $0x0  }
0x198: {  	v22 =	vor.u32 $0xE, v15;
	vm7 =	vmand vm12, vm13;
	vm13 =	veq.s32 v34, $0x0;
	v24 =	vld.idx.msk [tilespmem:v24+s18+$0x0], $0xffff  }
0x199: {  	vm9 =	vmand vm12, vm14;
	vm8 =	vmand vm12, vm13;
	vm13 =	veq.s32 v45, $0x0  }
0x19a: {  	[tilespmem:$0x1FF40] =	vst v28;
	v28 =	vsel vm2, $0xFFFFFFFF, v55;
	vm4 =	vmand vm12, vm13;
	vm13 =	veq.s32 v25, $0x0  }
0x19b: {  	v36 =	vld.idx.msk [tilespmem:v36+s18+$0x0], $0xffff;
	v25 =	vimm.s32 $0x0;
	vm3 =	vmand vm12, vm13;
	vm13 =	veq.s32 v41, $0x0  }
0x19c: {  	v58 =	vsel vm10, $0x1, v1;
	v40 =	vld.idx.msk [tilespmem:v40+s18+$0x0], $0xffff;
	v25 =	vsel vm3, $0xFFFFFFFF, v25;
	vm15 =	vmand vm12, vm13  }
0x19d: {  	[tilespmem:$0x1FFB0] =	vst v25;
	vm13 =	veq.s32 v24, $0x0;
	v24 =	vld.idx.msk [tilespmem:v29+s18+$0x0], $0xffff;
	v25 =	vadd.s32 v27, v26;
	v27 =	vimm.s32 $0x0  }
0x19e: {  	v47 =	vor.u32 v14, v42;
	v48 =	vshll.u32 v22, $0x4;
	[tilespmem:$0x1FF50] =	vst v28;
	v27 =	vsel vm1, $0xFFFFFFFF, v27  }
0x19f: {  	v28 =	vsel vm10, $0xFFFFFFFF, v57;
	vm10 =	vmmov vm11;
	[tilespmem:$0x1FF30] =	vst v27;
	v27 =	vsel vm1, $0x1, v1  }
0x1a0: {  	v59 =	vsel vm11, $0x1, v1;
	vm14 =	veq.s32 v36, $0x0;
	v27 =	vadd.s32 v27, v52  }
0x1a1: {  	v61 =	vsel vm9, $0x1, v1;
	v49 =	vld.idx.msk [tilespmem:v46+s18+$0x0], $0xffff;
	vm6 =	vmand vm12, vm14;
	v27 =	vadd.s32 v56, v27  }
0x1a2: {  	vm14 =	veq.s32 v40, $0x0;
	v27 =	vadd.s32 v58, v27;
	vm11 =	veq.s32 v24, $0x0  }
0x1a3: {  	v26 =	vor.u32 v23, v48;
	v24 =	vsel vm11, $0x1, v1;
	v27 =	vadd.s32 v59, v27  }
0x1a4: {  	v50 =	vld.idx.msk [tilespmem:v47+s18+$0x0], $0xffff;
	v24 =	vadd.s32 v24, v25;
	v25 =	vadd.s32 v61, v27;
	v27 =	vimm.s32 $0x0  }
0x1a5: {  	vm3 =	vmand vm12, vm14;
	v27 =	vsel vm7, $0xFFFFFFFF, v27  }
0x1a6: {  	v53 =	vld.idx.msk [tilespmem:v31+s18+$0x0], $0xffff;
	v23 =	vor.u32 $0xF, v15;
	vm14 =	veq.s32 v49, $0x0;
	[tilespmem:$0x1FF80] =	vst v27;
	v27 =	vsel vm7, $0x1, v1  }
0x1a7: {  	vm5 =	vmand vm12, vm13;
	v25 =	vadd.s32 v27, v25;
	v27 =	vsel vm8, $0x1, v1  }
0x1a8: {  	v54 =	vshll.u32 v23, $0x4;
	v63 =	vld [tilespmem:$0x1FFB0];
	v25 =	vadd.s32 v27, v25;
	v27 =	vimm.s32 $0x0  }
0x1a9: {  	vm14 =	vmand vm12, vm14;
	vm13 =	veq.s32 v50, $0x0;
	v26 =	vld.idx.msk [tilespmem:v26+s18+$0x0], $0xffff;
	v27 =	vsel vm6, $0xFFFFFFFF, v27  }
0x1aa: {  	v14 =	vor.u32 v14, v54;
	vm12 =	vmand vm12, vm13;
	[tilespmem:$0x1FF90] =	vst v27;
	v27 =	vsel vm6, $0x1, v1  }
0x1ab: {  	vm13 =	veq.s32 v53, $0x0;
	v25 =	vadd.s32 v27, v25;
	v27 =	vimm.s32 $0x0  }
0x1ac: {  	v62 =	vsel vm13, $0x1, v1;
	v27 =	vsel vm4, $0xFFFFFFFF, v27  }
0x1ad: {  	v24 =	vadd.s32 v62, v24;
	[tilespmem:$0x1FFA0] =	vst v27;
	v27 =	vsel vm4, $0x1, v1;
	vm4 =	vnez.u8 v63  }
0x1ae: {  	vm1 =	veq.s32 v26, $0x0;
	v25 =	vadd.s32 v27, v25;
	v27 =	vsel vm4, $0x1, v1  }
0x1af: {  	v26 =	vsel vm1, $0x1, v1;
	v25 =	vadd.s32 v27, v25;
	v27 =	vimm.s32 $0x0  }
0x1b0: {  	v14 =	vld.idx.msk [tilespmem:v14+s18+$0x0], $0xffff;
	v24 =	vadd.s32 v26, v24;
	v26 =	vimm.s32 $0x0;
	v27 =	vsel vm3, $0xFFFFFFFF, v27  }
0x1b1: {  	v26 =	vsel vm15, $0xFFFFFFFF, v26;
	[tilespmem:$0x1FFC0] =	vst v27;
	v27 =	vsel vm3, $0x1, v1  }
0x1b2: {  	[tilespmem:$0x1FFD0] =	vst v26;
	v26 =	vsel vm15, $0x1, v1;
	v25 =	vadd.s32 v27, v25  }
0x1b3: {  	v25 =	vadd.s32 v26, v25;
	v26 =	vsel vm5, $0x1, v1  }
0x1b4: {  	v25 =	vadd.s32 v26, v25;
	v26 =	vimm.s32 $0x0  }
0x1b5: {  	vm15 =	veq.s32 v14, $0x0;
	v26 =	vsel vm14, $0xFFFFFFFF, v26  }
0x1b6: {  	v14 =	vsel vm15, $0x1, v1;
	[tilespmem:$0x1FFE0] =	vst v26;
	v26 =	vsel vm14, $0x1, v1  }
0x1b7: {  	v24 =	vadd.s32 v14, v24;
	v14 =	vadd.s32 v26, v25;
	v25 =	vimm.s32 $0x0  }
0x1b8: {  	v25 =	vsel vm12, $0xFFFFFFFF, v25  }
0x1b9: {  	[tilespmem:$0x1FFF0] =	vst v25;
	v25 =	vsel vm12, $0x1, v1  }
0x1ba: {  	v14 =	vadd.s32 v25, v14;
	v25 =	vxor.u32 $0x80000000, v24  }
0x1bb: {  	(xrf0) =	vmax.scan.msk.u32 $0xffff, v25;
	v25 =	vxor.u32 $0x80000000, v14  }
0x1bc: {  	(xrf0) =	vmax.scan.msk.u32 $0xffff, v25;
	_ =	sdelay $0x4  }
0x1bd: {  	v25, _, _ =	vpop (xrf0)  }
0x1be: {  	(v2sf) =	vpush v25, $0xF;
	v25, _, _ =	vpop (xrf0)  }
0x1bf: {  	(v2sf) =	vpush v25, $0xF;
	_ =	sdelay $0xd  }
0x1c0: {  	s0 =	spop (v2sf)  }
0x1c1: {  	s19 =	spop (v2sf)  }
0x1c2: {  	s0 =	sxor.u32 $0x80000000, s0;
	s19 =	sxor.u32 $0x80000000, s19  }
0x1c3: {  	p2 =	sgt.s32 s0, s19  }
0x1c4: {  	s19 =	smov.u32 @p2 s0  }
0x1c5: {  	p2 =	sgt.s32 s19, $0x1  }
.Ltmp14:
0x1c6: {  	_ = 	snop;
	(pc) =	sbr.rel @p2 .LBB2_35-.Ltmp14, $4  }
0x1c7: {  	_ = 	snop  }
0x1c8: {  	v60 =	vimm.s32 $0x0  }
0x1c9: {  	[tilespmem:$0x1FF60] =	vst v28;
	v28 =	vsel vm9, $0xFFFFFFFF, v60  }
0x1ca: {  	[tilespmem:$0x1FF70] =	vst v28;
	s19 =	simm.s32 $0x10  }
0x1cb: {  	v26 =	vld [tilespmem:$0x1FE70];
	_ =	sdelay $0x1  }
0x1cc: {  	v28 =	vld [tilespmem:$0x1FE80]  }
0x1cd: {  	v44 =	vld [tilespmem:$0x1FE90]  }
0x1ce: {  	vm0 =	vlt.s32 v15, $0x8000000  }
0x1cf: {  	v46 =	vld [tilespmem:$0x1FEA0];
	v25 =	vnsel vm0, $0x8000000, v15;
	vm12 =	vnez.u8 v26  }
0x1d0: {  	v43 =	vor.u32 $0x1, v15;
	v25 =	vnsel vm12, $0x8000000, v25  }
0x1d1: {  	v27 =	vor.u32 $0x2, v15;
	v48 =	vld [tilespmem:$0x1FEB0];
	vm0 =	vlt.s32 v25, v43  }
0x1d2: {  	vm14 =	vnez.u8 v28;
	vm12 =	vnez.u8 v44;
	v26 =	vsel vm0, v25, v43  }
0x1d3: {  	v50 =	vld [tilespmem:$0x1FEC0];
	v25 =	vsel vm14, v26, v25;
	v26 =	vnsel vm12, $0x8000000, v27  }
0x1d4: {  	v45 =	vor.u32 $0x3, v15;
	vm14 =	vnez.u8 v46;
	vm0 =	vlt.s32 v25, v26  }
0x1d5: {  	v52 =	vld [tilespmem:$0x1FED0];
	v25 =	vsel vm0, v25, v26;
	v26 =	vnsel vm14, $0x8000000, v45  }
0x1d6: {  	v47 =	vor.u32 $0x4, v15;
	vm12 =	vnez.u8 v48;
	vm0 =	vlt.s32 v25, v26  }
0x1d7: {  	v53 =	vld [tilespmem:$0x1FEE0];
	v25 =	vsel vm0, v25, v26;
	v26 =	vnsel vm12, $0x8000000, v47  }
0x1d8: {  	v49 =	vor.u32 $0x5, v15;
	vm14 =	vnez.u8 v50;
	vm0 =	vlt.s32 v25, v26  }
0x1d9: {  	v54 =	vld [tilespmem:$0x1FEF0];
	v25 =	vsel vm0, v25, v26;
	v26 =	vnsel vm14, $0x8000000, v49  }
0x1da: {  	v51 =	vor.u32 $0x6, v15;
	vm12 =	vnez.u8 v52;
	vm0 =	vlt.s32 v25, v26  }
0x1db: {  	v55 =	vld [tilespmem:$0x1FF00];
	v25 =	vsel vm0, v25, v26;
	v26 =	vnsel vm12, $0x8000000, v51  }
0x1dc: {  	v15 =	vor.u32 $0x7, v15;
	vm14 =	vnez.u8 v53;
	vm0 =	vlt.s32 v25, v26  }
0x1dd: {  	v56 =	vld [tilespmem:$0x1FF10];
	v15 =	vnsel vm14, $0x8000000, v15;
	v25 =	vsel vm0, v25, v26  }
0x1de: {  	vm12 =	vnez.u8 v54;
	vm0 =	vlt.s32 v25, v15  }
0x1df: {  	v57 =	vld [tilespmem:$0x1FF20];
	v16 =	vnsel vm12, $0x8000000, v16;
	v15 =	vsel vm0, v25, v15  }
0x1e0: {  	vm14 =	vnez.u8 v55;
	vm0 =	vlt.s32 v15, v16  }
0x1e1: {  	v15 =	vsel vm0, v15, v16;
	v16 =	vnsel vm14, $0x8000000, v17  }
0x1e2: {  	vm12 =	vnez.u8 v56;
	vm0 =	vlt.s32 v15, v16  }
0x1e3: {  	v15 =	vsel vm0, v15, v16;
	v16 =	vnsel vm12, $0x8000000, v18  }
0x1e4: {  	vm14 =	vnez.u8 v57;
	vm0 =	vlt.s32 v15, v16  }
0x1e5: {  	(xrf0) =	vadd.scan.msk.s32 $0xffff, v24;
	v15 =	vsel vm0, v15, v16;
	v16 =	vnsel vm14, $0x8000000, v19  }
0x1e6: {  	vm0 =	vlt.s32 v15, v16  }
0x1e7: {  	v58 =	vnsel vm11, $0x8000000, v21;
	v15 =	vsel vm0, v15, v16  }
0x1e8: {  	vm0 =	vlt.s32 v15, v58  }
0x1e9: {  	v59 =	vnsel vm13, $0x8000000, v20;
	v15 =	vsel vm0, v15, v58  }
0x1ea: {  	vm0 =	vlt.s32 v15, v59  }
0x1eb: {  	v60 =	vnsel vm1, $0x8000000, v22;
	v62, _, _ =	vpop (xrf0);
	v15 =	vsel vm0, v15, v59  }
0x1ec: {  	(v2sf) =	vpush v62, $0xF;
	vm0 =	vlt.s32 v15, v60  }
0x1ed: {  	v61 =	vnsel vm15, $0x8000000, v23;
	v15 =	vsel vm0, v15, v60  }
0x1ee: {  	vm0 =	vlt.s32 v15, v61  }
0x1ef: {  	v15 =	vsel vm0, v15, v61  }
0x1f0: {  	v15 =	vshll.u32 v15, $0x4  }
0x1f1: {  	vm15 =	veq.s32 v24, $0x1;
	v15 =	vor.u32 v3, v15  }
0x1f2: {  	v15 =	vsel vm15, v15, v3;
	_ =	sdelay $0x2  }
0x1f3: {  	v63 =	vadd.s32 v24, v14  }
0x1f4: {  	s0 =	simm.s32 $0x2800;
	[tilespmem:$0x5900] =	vst v63  }
0x1f5: {  	v15 =	vld.idx.msk [tilespmem:v15+s0+$0x0], $0xffff;
	_ =	sdelay $0x3  }
0x1f6: {  	s0 =	spop (v2sf)  }
0x1f7: {  	[tilespmem:$0x5000] =	vst v1;
	p2 =	slt.s32 s0, $0x1;
	v15 =	vnsel vm15, $0x0, v15  }
.Ltmp15:
0x1f8: {  	[tilespmem:s26+$0x0] =	vst.msk vm15, v15;
	(pc) =	sbr.rel @p2 .LBB2_31-.Ltmp15, $4  }
0x1f9: {  	[tilespmem:s29], [sflag:$0x6] =	stream.indirect.gather [hbm4b:s1+s28], $0x80, s26, s28, $0xb8;
	[tilespmem:$0x5A00] =	vst v63  }
0x1fa: {  	_ =	swait.ge [sflag:s30], $0x800  }
0x1fb: {  	[sflag:s30] =	ssyncset.done $0x0  }
0x1fc: {  	[sflag:s30] =	ssyncadd.s32 $0xFFFFF800  }
0x1fd: {  	v22 =	vld [tilespmem:$0x5880]  }
0x1fe: {  	v21 =	vld [tilespmem:$0x5890]  }
0x1ff: {  	v20 =	vld [tilespmem:$0x58A0]  }
0x200: {  	v19 =	vld [tilespmem:$0x58B0];
	p2 =	sne.s32 s0, $0x1  }
.Ltmp16:
0x201: {  	v18 =	vld [tilespmem:$0x58C0];
	(pc) =	sbr.rel @!p2 .LBB2_30-.Ltmp16, $4  }
0x202: {  	v17 =	vld [tilespmem:$0x58D0]  }
0x203: {  	v16 =	vld [tilespmem:$0x58E0]  }
0x204: {  	s18 =	simm.s32 $0x50C0;
	v15 =	vld [tilespmem:$0x58F0]  }
0x205: {  	s0 =	sadd.s32 $0xFFFFFFFF, s0;
	v23 =	vld [tilespmem:s18+$0xFFFFFFC0]  }
.LBB2_29:
0x206: {  	p2 =	sne.s32 s0, $0x1;
	_ =	sdelay $0x3  }
0x207: {  	v22 =	vadd.f32 v23, v22;
	_ =	sdelay $0x1  }
0x208: {  	[tilespmem:$0x5880] =	vst v22  }
0x209: {  	v23 =	vld [tilespmem:s18+$0xFFFFFFD0];
	_ =	sdelay $0x4  }
0x20a: {  	v21 =	vadd.f32 v23, v21;
	_ =	sdelay $0x1  }
0x20b: {  	[tilespmem:$0x5890] =	vst v21  }
0x20c: {  	v23 =	vld [tilespmem:s18+$0xFFFFFFE0];
	_ =	sdelay $0x4  }
0x20d: {  	v20 =	vadd.f32 v23, v20;
	_ =	sdelay $0x1  }
0x20e: {  	[tilespmem:$0x58A0] =	vst v20  }
0x20f: {  	v23 =	vld [tilespmem:s18+$0xFFFFFFF0];
	_ =	sdelay $0x4  }
0x210: {  	v19 =	vadd.f32 v23, v19;
	_ =	sdelay $0x1  }
0x211: {  	[tilespmem:$0x58B0] =	vst v19  }
0x212: {  	v23 =	vld [tilespmem:s18+$0x0];
	_ =	sdelay $0x4  }
0x213: {  	v18 =	vadd.f32 v23, v18;
	_ =	sdelay $0x1  }
0x214: {  	[tilespmem:$0x58C0] =	vst v18  }
0x215: {  	v23 =	vld [tilespmem:s18+$0x10];
	_ =	sdelay $0x4  }
0x216: {  	v17 =	vadd.f32 v23, v17;
	_ =	sdelay $0x1  }
0x217: {  	[tilespmem:$0x58D0] =	vst v17  }
0x218: {  	v23 =	vld [tilespmem:s18+$0x20];
	_ =	sdelay $0x4  }
0x219: {  	v16 =	vadd.f32 v23, v16;
	_ =	sdelay $0x1  }
0x21a: {  	[tilespmem:$0x58E0] =	vst v16  }
0x21b: {  	v23 =	vld [tilespmem:s18+$0x30];
	_ =	sdelay $0x3  }
.Ltmp17:
0x21c: {  	(pc) =	sbr.rel @p2 .LBB2_29-.Ltmp17, $3  }
0x21d: {  	v15 =	vadd.f32 v23, v15;
	_ =	sdelay $0x1  }
0x21e: {  	s18 =	sadd.s32 $0x80, s18;
	[tilespmem:$0x58F0] =	vst v15  }
0x21f: {  	s0 =	sadd.s32 $0xFFFFFFFF, s0;
	v23 =	vld [tilespmem:s18+$0xFFFFFFC0]  }
.LBB2_30:
0x220: {  	_ =	sdelay $0x3  }
0x221: {  	v22 =	vadd.f32 v23, v22;
	_ =	sdelay $0x1  }
0x222: {  	[tilespmem:$0x5880] =	vst v22  }
0x223: {  	v22 =	vld [tilespmem:s18+$0xFFFFFFD0];
	_ =	sdelay $0x4  }
0x224: {  	v21 =	vadd.f32 v22, v21;
	_ =	sdelay $0x1  }
0x225: {  	[tilespmem:$0x5890] =	vst v21  }
0x226: {  	v21 =	vld [tilespmem:s18+$0xFFFFFFE0];
	_ =	sdelay $0x4  }
0x227: {  	v20 =	vadd.f32 v21, v20;
	_ =	sdelay $0x1  }
0x228: {  	[tilespmem:$0x58A0] =	vst v20  }
0x229: {  	v20 =	vld [tilespmem:s18+$0xFFFFFFF0];
	_ =	sdelay $0x4  }
0x22a: {  	v19 =	vadd.f32 v20, v19;
	_ =	sdelay $0x1  }
0x22b: {  	[tilespmem:$0x58B0] =	vst v19  }
0x22c: {  	v19 =	vld [tilespmem:s18+$0x0];
	_ =	sdelay $0x4  }
0x22d: {  	v18 =	vadd.f32 v19, v18;
	_ =	sdelay $0x1  }
0x22e: {  	[tilespmem:$0x58C0] =	vst v18  }
0x22f: {  	v18 =	vld [tilespmem:s18+$0x10];
	_ =	sdelay $0x4  }
0x230: {  	v17 =	vadd.f32 v18, v17;
	_ =	sdelay $0x1  }
0x231: {  	[tilespmem:$0x58D0] =	vst v17  }
0x232: {  	v17 =	vld [tilespmem:s18+$0x20];
	_ =	sdelay $0x4  }
0x233: {  	v16 =	vadd.f32 v17, v16;
	_ =	sdelay $0x1  }
0x234: {  	[tilespmem:$0x58E0] =	vst v16  }
0x235: {  	v16 =	vld [tilespmem:s18+$0x30];
	_ =	sdelay $0x4  }
0x236: {  	v15 =	vadd.f32 v16, v15;
	_ =	sdelay $0x1  }
0x237: {  	[tilespmem:$0x58F0] =	vst v15  }
.LBB2_31:
0x238: {  	(xrf0) =	vadd.scan.msk.s32 $0xffff, v14;
	_ =	sdelay $0x5  }
0x239: {  	v15, _, _ =	vpop (xrf0)  }
0x23a: {  	(v2sf) =	vpush v15, $0xF;
	_ =	sdelay $0xe  }
0x23b: {  	s0 =	spop (v2sf)  }
0x23c: {  	p2 =	slt.s32 s0, $0x1  }
.Ltmp18:
0x23d: {  	_ = 	snop;
	(pc) =	sbr.rel @p2 .LBB2_43-.Ltmp18, $1  }
0x23e: {  	_ =	sdelay $0x3  }
0x23f: {  	v15 =	vld [tilespmem:$0x1FF30];
	_ =	sdelay $0x2  }
0x240: {  	v17 =	vld [tilespmem:$0x1FF40]  }
0x241: {  	vm0 =	vlt.s32 v6, $0x8000000  }
0x242: {  	v6 =	vnsel vm0, $0x8000000, v6;
	vm12 =	vnez.u8 v15  }
0x243: {  	v15 =	vor.u32 $0x1, v4;
	v6 =	vnsel vm12, $0x8000000, v6  }
0x244: {  	vm0 =	vlt.s32 v6, v15  }
0x245: {  	vm13 =	vnez.u8 v17;
	v15 =	vsel vm0, v6, v15  }
0x246: {  	v6 =	vsel vm13, v15, v6;
	v15 =	vld [tilespmem:$0x1FF50];
	_ =	sdelay $0x4  }
0x247: {  	v16 =	vor.u32 $0x2, v4;
	vm14 =	vnez.u8 v15  }
0x248: {  	v15 =	vnsel vm14, $0x8000000, v16  }
0x249: {  	vm0 =	vlt.s32 v6, v15  }
0x24a: {  	v6 =	vsel vm0, v6, v15;
	v15 =	vld [tilespmem:$0x1FF60];
	_ =	sdelay $0x4  }
0x24b: {  	v60 =	vor.u32 $0x3, v4;
	vm15 =	vnez.u8 v15  }
0x24c: {  	v15 =	vnsel vm15, $0x8000000, v60  }
0x24d: {  	v61 =	vor.u32 $0x4, v4;
	vm0 =	vlt.s32 v6, v15  }
0x24e: {  	v6 =	vsel vm0, v6, v15;
	v15 =	vnsel vm10, $0x8000000, v61  }
0x24f: {  	vm0 =	vlt.s32 v6, v15  }
0x250: {  	v6 =	vsel vm0, v6, v15;
	v15 =	vld [tilespmem:$0x1FF70];
	_ =	sdelay $0x4  }
0x251: {  	v62 =	vor.u32 $0x5, v4;
	vm6 =	vnez.u8 v15  }
0x252: {  	v15 =	vnsel vm6, $0x8000000, v62  }
0x253: {  	vm0 =	vlt.s32 v6, v15  }
0x254: {  	v6 =	vsel vm0, v6, v15;
	v15 =	vld [tilespmem:$0x1FF80];
	_ =	sdelay $0x4  }
0x255: {  	v63 =	vor.u32 $0x6, v4;
	vm7 =	vnez.u8 v15  }
0x256: {  	v15 =	vnsel vm7, $0x8000000, v63  }
0x257: {  	v4 =	vor.u32 $0x7, v4;
	vm0 =	vlt.s32 v6, v15  }
0x258: {  	v4 =	vnsel vm8, $0x8000000, v4;
	v6 =	vsel vm0, v6, v15  }
0x259: {  	vm0 =	vlt.s32 v6, v4  }
0x25a: {  	v4 =	vsel vm0, v6, v4;
	v6 =	vld [tilespmem:$0x1FF90];
	_ =	sdelay $0x4  }
0x25b: {  	vm9 =	vnez.u8 v6  }
0x25c: {  	v5 =	vnsel vm9, $0x8000000, v5  }
0x25d: {  	vm0 =	vlt.s32 v4, v5  }
0x25e: {  	v4 =	vsel vm0, v4, v5;
	v5 =	vld [tilespmem:$0x1FFA0];
	_ =	sdelay $0x4  }
0x25f: {  	vm10 =	vnez.u8 v5  }
0x260: {  	v5 =	vnsel vm10, $0x8000000, v7  }
0x261: {  	vm0 =	vlt.s32 v4, v5  }
0x262: {  	v4 =	vsel vm0, v4, v5;
	v5 =	vnsel vm4, $0x8000000, v8  }
0x263: {  	vm0 =	vlt.s32 v4, v5  }
0x264: {  	v4 =	vsel vm0, v4, v5;
	v5 =	vld [tilespmem:$0x1FFC0];
	_ =	sdelay $0x4  }
0x265: {  	vm11 =	vnez.u8 v5  }
0x266: {  	v5 =	vnsel vm11, $0x8000000, v9  }
0x267: {  	vm0 =	vlt.s32 v4, v5  }
0x268: {  	v4 =	vsel vm0, v4, v5;
	v5 =	vld [tilespmem:$0x1FFD0];
	_ =	sdelay $0x4  }
0x269: {  	vm12 =	vnez.u8 v5  }
0x26a: {  	v5 =	vnsel vm12, $0x8000000, v10  }
0x26b: {  	vm0 =	vlt.s32 v4, v5  }
0x26c: {  	v4 =	vsel vm0, v4, v5;
	v5 =	vnsel vm5, $0x8000000, v11  }
0x26d: {  	vm0 =	vlt.s32 v4, v5  }
0x26e: {  	v4 =	vsel vm0, v4, v5;
	v5 =	vld [tilespmem:$0x1FFE0];
	_ =	sdelay $0x4  }
0x26f: {  	vm13 =	vnez.u8 v5  }
0x270: {  	v5 =	vnsel vm13, $0x8000000, v12  }
0x271: {  	vm0 =	vlt.s32 v4, v5  }
0x272: {  	v4 =	vsel vm0, v4, v5;
	v5 =	vld [tilespmem:$0x1FFF0];
	_ =	sdelay $0x4  }
0x273: {  	vm14 =	vnez.u8 v5  }
0x274: {  	v5 =	vnsel vm14, $0x8000000, v13  }
0x275: {  	vm0 =	vlt.s32 v4, v5  }
0x276: {  	v4 =	vsel vm0, v4, v5  }
0x277: {  	v4 =	vshll.u32 v4, $0x4  }
0x278: {  	vm15 =	veq.s32 v14, $0x1;
	v4 =	vor.u32 v3, v4  }
0x279: {  	v4 =	vsel vm15, v4, v3;
	_ =	sdelay $0x3  }
0x27a: {  	s18 =	simm.s32 $0x2800  }
0x27b: {  	v4 =	vld.idx.msk [tilespmem:v4+s18+$0x0], $0xffff;
	_ =	sdelay $0x4  }
0x27c: {  	[tilespmem:$0x5000] =	vst v1;
	v4 =	vnsel vm15, $0x0, v4  }
0x27d: {  	[tilespmem:s26+$0x0] =	vst.msk vm15, v4  }
0x27e: {  	[tilespmem:s29], [sflag:$0x6] =	stream.indirect.gather [hbm4b:s1+s28], $0x80, s26, s28, $0xb8;
	[tilespmem:$0x5A00] =	vst v63  }
0x27f: {  	_ =	swait.ge [sflag:s30], $0x800  }
0x280: {  	[sflag:s30] =	ssyncset.done $0x0  }
0x281: {  	[sflag:s30] =	ssyncadd.s32 $0xFFFFF800  }
0x282: {  	v11 =	vld [tilespmem:$0x5880]  }
0x283: {  	v10 =	vld [tilespmem:$0x5890]  }
0x284: {  	v9 =	vld [tilespmem:$0x58A0]  }
0x285: {  	p2 =	seq.s32 s0, $0x1;
	s18 =	simm.s32 $0x50C0;
	v8 =	vld [tilespmem:$0x58B0]  }
.Ltmp19:
0x286: {  	v12 =	vld [tilespmem:s18+$0xFFFFFFC0];
	(pc) =	sbr.rel @p2 .LBB2_34-.Ltmp19, $4  }
0x287: {  	v7 =	vld [tilespmem:$0x58C0]  }
0x288: {  	v6 =	vld [tilespmem:$0x58D0]  }
0x289: {  	v5 =	vld [tilespmem:$0x58E0]  }
0x28a: {  	s0 =	sadd.s32 $0xFFFFFFFF, s0;
	v4 =	vld [tilespmem:$0x58F0]  }
.LBB2_33:
0x28b: {  	p2 =	seq.s32 s0, $0x1;
	_ =	sdelay $0x3  }
0x28c: {  	v11 =	vadd.f32 v12, v11;
	_ =	sdelay $0x1  }
0x28d: {  	[tilespmem:$0x5880] =	vst v11  }
0x28e: {  	v12 =	vld [tilespmem:s18+$0xFFFFFFD0];
	_ =	sdelay $0x4  }
0x28f: {  	v10 =	vadd.f32 v12, v10;
	_ =	sdelay $0x1  }
0x290: {  	[tilespmem:$0x5890] =	vst v10  }
0x291: {  	v12 =	vld [tilespmem:s18+$0xFFFFFFE0];
	_ =	sdelay $0x4  }
0x292: {  	v9 =	vadd.f32 v12, v9;
	_ =	sdelay $0x1  }
0x293: {  	[tilespmem:$0x58A0] =	vst v9  }
0x294: {  	v12 =	vld [tilespmem:s18+$0xFFFFFFF0];
	_ =	sdelay $0x4  }
0x295: {  	v8 =	vadd.f32 v12, v8;
	_ =	sdelay $0x1  }
0x296: {  	[tilespmem:$0x58B0] =	vst v8  }
0x297: {  	v12 =	vld [tilespmem:s18+$0x0];
	_ =	sdelay $0x4  }
0x298: {  	v7 =	vadd.f32 v12, v7;
	_ =	sdelay $0x1  }
0x299: {  	[tilespmem:$0x58C0] =	vst v7  }
0x29a: {  	v12 =	vld [tilespmem:s18+$0x10];
	_ =	sdelay $0x4  }
0x29b: {  	v6 =	vadd.f32 v12, v6;
	_ =	sdelay $0x1  }
0x29c: {  	[tilespmem:$0x58D0] =	vst v6  }
0x29d: {  	v12 =	vld [tilespmem:s18+$0x20];
	_ =	sdelay $0x4  }
0x29e: {  	v5 =	vadd.f32 v12, v5;
	_ =	sdelay $0x1  }
0x29f: {  	[tilespmem:$0x58E0] =	vst v5  }
0x2a0: {  	v12 =	vld [tilespmem:s18+$0x30];
	_ =	sdelay $0x3  }
.Ltmp20:
0x2a1: {  	(pc) =	sbr.rel @!p2 .LBB2_33-.Ltmp20, $3  }
0x2a2: {  	v4 =	vadd.f32 v12, v4;
	_ =	sdelay $0x1  }
0x2a3: {  	s18 =	sadd.s32 $0x80, s18;
	[tilespmem:$0x58F0] =	vst v4  }
0x2a4: {  	s0 =	sadd.s32 $0xFFFFFFFF, s0;
	v12 =	vld [tilespmem:s18+$0xFFFFFFC0]  }
.Ltmp21:
0x2a5: {  	_ = 	snop;
	(pc) =	sbr.rel .LBB2_34-.Ltmp21, $1  }
0x2a6: {  	_ =	sdelay $0x3  }
.LBB2_42:
0x2a7: {  	s18 =	sadd.s32 $0x1, s18  }
0x2a8: {  	p2 =	seq.s32 s18, $0x28  }
.Ltmp22:
0x2a9: {  	_ = 	snop;
	(pc) =	sbr.rel @p2 .LBB2_43-.Ltmp22, $2  }
0x2aa: {  	_ =	sdelay $0x2  }
0x2ab: {  	s19 =	sadd.s32 $0x10, s19  }
.LBB2_35:
0x2ac: {  	s0 =	sshll.u32 s18, $0x8  }
0x2ad: {  	s0 =	sand.u32 $0x3FFFFF00, s0  }
0x2ae: {  	v4 =	vld [tilespmem:s0+$0x0]  }
0x2af: {  	v5 =	vld [tilespmem:s0+$0x10];
	_ =	sdelay $0x1  }
0x2b0: {  	v6 =	vld [tilespmem:s0+$0x20];
	_ =	sdelay $0x1  }
0x2b1: {  	v7 =	vld [tilespmem:s0+$0x30]  }
0x2b2: {  	vm0 =	vlt.s32 v4, v5  }
0x2b3: {  	v4 =	vsel vm0, v4, v5;
	v5 =	vld [tilespmem:s0+$0x40]  }
0x2b4: {  	vm0 =	vlt.s32 v4, v6  }
0x2b5: {  	v56 =	vld [tilespmem:s0+$0x50];
	v4 =	vsel vm0, v4, v6  }
0x2b6: {  	vm0 =	vlt.s32 v4, v7  }
0x2b7: {  	v57 =	vld [tilespmem:s0+$0x60];
	v4 =	vsel vm0, v4, v7  }
0x2b8: {  	vm0 =	vlt.s32 v4, v5  }
0x2b9: {  	v4 =	vsel vm0, v4, v5;
	v5 =	vld [tilespmem:s0+$0x70]  }
0x2ba: {  	vm0 =	vlt.s32 v4, v56  }
0x2bb: {  	v58 =	vld [tilespmem:s0+$0x80];
	v4 =	vsel vm0, v4, v56  }
0x2bc: {  	vm0 =	vlt.s32 v4, v57  }
0x2bd: {  	v59 =	vld [tilespmem:s0+$0x90];
	v4 =	vsel vm0, v4, v57  }
0x2be: {  	vm0 =	vlt.s32 v4, v5  }
0x2bf: {  	v4 =	vsel vm0, v4, v5;
	v5 =	vld [tilespmem:s0+$0xA0]  }
0x2c0: {  	vm0 =	vlt.s32 v4, v58  }
0x2c1: {  	v60 =	vld [tilespmem:s0+$0xB0];
	v4 =	vsel vm0, v4, v58  }
0x2c2: {  	vm0 =	vlt.s32 v4, v59  }
0x2c3: {  	v61 =	vld [tilespmem:s0+$0xC0];
	v4 =	vsel vm0, v4, v59  }
0x2c4: {  	vm0 =	vlt.s32 v4, v5  }
0x2c5: {  	v4 =	vsel vm0, v4, v5;
	v5 =	vld [tilespmem:s0+$0xD0]  }
0x2c6: {  	vm0 =	vlt.s32 v4, v60  }
0x2c7: {  	v62 =	vld [tilespmem:s0+$0xE0];
	v4 =	vsel vm0, v4, v60  }
0x2c8: {  	vm0 =	vlt.s32 v4, v61  }
0x2c9: {  	v63 =	vld [tilespmem:s0+$0xF0];
	v4 =	vsel vm0, v4, v61  }
0x2ca: {  	vm0 =	vlt.s32 v4, v5  }
0x2cb: {  	v4 =	vsel vm0, v4, v5  }
0x2cc: {  	vm0 =	vlt.s32 v4, v62  }
0x2cd: {  	v4 =	vsel vm0, v4, v62  }
0x2ce: {  	vm0 =	vlt.s32 v4, v63  }
0x2cf: {  	v4 =	vsel vm0, v4, v63  }
0x2d0: {  	v4 =	vxor.u32 $0x80000000, v4  }
0x2d1: {  	(xrf0) =	vmin.scan.msk.u32 $0xffff, v4;
	_ =	sdelay $0x5  }
0x2d2: {  	v4, _, _ =	vpop (xrf0)  }
0x2d3: {  	(v2sf) =	vpush v4, $0xF;
	_ =	sdelay $0xe  }
0x2d4: {  	s31 =	spop (v2sf)  }
0x2d5: {  	p2 =	sne.s32 s31, $0x80000000  }
.Ltmp23:
0x2d6: {  	_ = 	snop;
	(pc) =	sbr.rel @p2 .LBB2_42-.Ltmp23, $1  }
0x2d7: {  	_ =	sdelay $0x3  }
.Ltmp24:
0x2d8: {  	(pc) =	sbr.rel .LBB2_37-.Ltmp24, $2  }
0x2d9: {  	_ =	sdelay $0x2  }
0x2da: {  	s31 =	sshll.u32 s18, $0x4  }
.LBB2_40:
0x2db: {  	v11 =	vadd.f32 v12, v11;
	_ =	sdelay $0x1  }
0x2dc: {  	[tilespmem:$0x5880] =	vst v11  }
0x2dd: {  	v11 =	vld [tilespmem:s0+$0xFFFFFFD0];
	_ =	sdelay $0x4  }
0x2de: {  	v10 =	vadd.f32 v11, v10;
	_ =	sdelay $0x1  }
0x2df: {  	[tilespmem:$0x5890] =	vst v10  }
0x2e0: {  	v10 =	vld [tilespmem:s0+$0xFFFFFFE0];
	_ =	sdelay $0x4  }
0x2e1: {  	v9 =	vadd.f32 v10, v9;
	_ =	sdelay $0x1  }
0x2e2: {  	[tilespmem:$0x58A0] =	vst v9  }
0x2e3: {  	v9 =	vld [tilespmem:s0+$0xFFFFFFF0];
	_ =	sdelay $0x4  }
0x2e4: {  	v8 =	vadd.f32 v9, v8;
	_ =	sdelay $0x1  }
0x2e5: {  	[tilespmem:$0x58B0] =	vst v8  }
0x2e6: {  	v8 =	vld [tilespmem:s0+$0x0];
	_ =	sdelay $0x4  }
0x2e7: {  	v7 =	vadd.f32 v8, v7;
	_ =	sdelay $0x1  }
0x2e8: {  	[tilespmem:$0x58C0] =	vst v7  }
0x2e9: {  	v7 =	vld [tilespmem:s0+$0x10];
	_ =	sdelay $0x4  }
0x2ea: {  	v6 =	vadd.f32 v7, v6;
	_ =	sdelay $0x1  }
0x2eb: {  	[tilespmem:$0x58D0] =	vst v6  }
0x2ec: {  	v6 =	vld [tilespmem:s0+$0x20];
	_ =	sdelay $0x4  }
0x2ed: {  	v5 =	vadd.f32 v6, v5;
	_ =	sdelay $0x1  }
0x2ee: {  	[tilespmem:$0x58E0] =	vst v5  }
0x2ef: {  	v5 =	vld [tilespmem:s0+$0x30];
	_ =	sdelay $0x4  }
0x2f0: {  	v4 =	vadd.f32 v5, v4;
	_ =	sdelay $0x1  }
0x2f1: {  	[tilespmem:$0x58F0] =	vst v4  }
.LBB2_41:
0x2f2: {  	s31 =	sadd.s32 $0x1, s31  }
0x2f3: {  	p2 =	sne.s32 s31, s19  }
.Ltmp25:
0x2f4: {  	_ = 	snop;
	(pc) =	sbr.rel @!p2 .LBB2_42-.Ltmp25, $1  }
0x2f5: {  	_ =	sdelay $0x3  }
.LBB2_37:
0x2f6: {  	s0 =	sshll.u32 s31, $0x4  }
0x2f7: {  	v4 =	vld [tilespmem:s0+$0x0];
	_ =	sdelay $0x4  }
0x2f8: {  	vm0 =	veq.s32 v4, $0x0  }
0x2f9: {  	v4 =	vsel vm0, $0x1, v1  }
0x2fa: {  	(xrf0) =	vadd.scan.msk.s32 $0xffff, v4;
	_ =	sdelay $0x5  }
0x2fb: {  	v5, _, _ =	vpop (xrf0)  }
0x2fc: {  	(v2sf) =	vpush v5, $0xF;
	_ =	sdelay $0xe  }
0x2fd: {  	s20 =	spop (v2sf)  }
0x2fe: {  	p2 =	slt.s32 s20, $0x1  }
.Ltmp26:
0x2ff: {  	_ = 	snop;
	(pc) =	sbr.rel @p2 .LBB2_41-.Ltmp26, $1  }
0x300: {  	_ =	sdelay $0x3  }
0x301: {  	v5 =	vld [tilespmem:s0+$0x2800];
	_ =	sdelay $0x3  }
0x302: {  	[tilespmem:$0x5000] =	vst v1  }
0x303: {  	[tilespmem:s26+$0x0] =	vst.msk vm0, v5  }
0x304: {  	v5 =	vld [tilespmem:$0x5900];
	_ =	sdelay $0x4  }
0x305: {  	v4 =	vadd.s32 v4, v5  }
0x306: {  	[tilespmem:$0x5900] =	vst v4  }
0x307: {  	[tilespmem:s29], [sflag:$0x6] =	stream.indirect.gather [hbm4b:s1+s28], $0x80, s26, s28, $0xb8;
	[tilespmem:$0x5A00] =	vst v63  }
0x308: {  	_ =	swait.ge [sflag:s30], $0x800  }
0x309: {  	[sflag:s30] =	ssyncset.done $0x0  }
0x30a: {  	[sflag:s30] =	ssyncadd.s32 $0xFFFFF800  }
0x30b: {  	v11 =	vld [tilespmem:$0x5880]  }
0x30c: {  	v10 =	vld [tilespmem:$0x5890]  }
0x30d: {  	v9 =	vld [tilespmem:$0x58A0]  }
0x30e: {  	s0 =	simm.s32 $0x50C0;
	p2 =	sne.s32 s20, $0x1;
	v8 =	vld [tilespmem:$0x58B0]  }
.Ltmp27:
0x30f: {  	v12 =	vld [tilespmem:s0+$0xFFFFFFC0];
	(pc) =	sbr.rel @!p2 .LBB2_40-.Ltmp27, $4  }
0x310: {  	v7 =	vld [tilespmem:$0x58C0]  }
0x311: {  	v6 =	vld [tilespmem:$0x58D0]  }
0x312: {  	v5 =	vld [tilespmem:$0x58E0]  }
0x313: {  	s20 =	sadd.s32 $0xFFFFFFFF, s20;
	v4 =	vld [tilespmem:$0x58F0]  }
.LBB2_39:
0x314: {  	p2 =	sne.s32 s20, $0x1;
	_ =	sdelay $0x3  }
0x315: {  	v11 =	vadd.f32 v12, v11;
	_ =	sdelay $0x1  }
0x316: {  	[tilespmem:$0x5880] =	vst v11  }
0x317: {  	v12 =	vld [tilespmem:s0+$0xFFFFFFD0];
	_ =	sdelay $0x4  }
0x318: {  	v10 =	vadd.f32 v12, v10;
	_ =	sdelay $0x1  }
0x319: {  	[tilespmem:$0x5890] =	vst v10  }
0x31a: {  	v12 =	vld [tilespmem:s0+$0xFFFFFFE0];
	_ =	sdelay $0x4  }
0x31b: {  	v9 =	vadd.f32 v12, v9;
	_ =	sdelay $0x1  }
0x31c: {  	[tilespmem:$0x58A0] =	vst v9  }
0x31d: {  	v12 =	vld [tilespmem:s0+$0xFFFFFFF0];
	_ =	sdelay $0x4  }
0x31e: {  	v8 =	vadd.f32 v12, v8;
	_ =	sdelay $0x1  }
0x31f: {  	[tilespmem:$0x58B0] =	vst v8  }
0x320: {  	v12 =	vld [tilespmem:s0+$0x0];
	_ =	sdelay $0x4  }
0x321: {  	v7 =	vadd.f32 v12, v7;
	_ =	sdelay $0x1  }
0x322: {  	[tilespmem:$0x58C0] =	vst v7  }
0x323: {  	v12 =	vld [tilespmem:s0+$0x10];
	_ =	sdelay $0x4  }
0x324: {  	v6 =	vadd.f32 v12, v6;
	_ =	sdelay $0x1  }
0x325: {  	[tilespmem:$0x58D0] =	vst v6  }
0x326: {  	v12 =	vld [tilespmem:s0+$0x20];
	_ =	sdelay $0x4  }
0x327: {  	v5 =	vadd.f32 v12, v5;
	_ =	sdelay $0x1  }
0x328: {  	[tilespmem:$0x58E0] =	vst v5  }
0x329: {  	v12 =	vld [tilespmem:s0+$0x30];
	_ =	sdelay $0x3  }
.Ltmp28:
0x32a: {  	(pc) =	sbr.rel @p2 .LBB2_39-.Ltmp28, $3  }
0x32b: {  	v4 =	vadd.f32 v12, v4;
	_ =	sdelay $0x1  }
0x32c: {  	s0 =	sadd.s32 $0x80, s0;
	[tilespmem:$0x58F0] =	vst v4  }
0x32d: {  	s20 =	sadd.s32 $0xFFFFFFFF, s20;
	v12 =	vld [tilespmem:s0+$0xFFFFFFC0]  }
.Ltmp29:
0x32e: {  	_ = 	snop;
	(pc) =	sbr.rel .LBB2_40-.Ltmp29, $1  }
0x32f: {  	_ =	sdelay $0x3  }
.LBB2_17:
.Ltmp30:
0x330: {  	(pc) =	sbr.rel .LBB2_18-.Ltmp30, $2  }
0x331: {  	_ =	sdelay $0x2  }
0x332: {  	s18 =	simm.s32 $0x0;
	s19 =	simm.s32 $0x10  }
.LBB2_25:
0x333: {  	s18 =	sadd.s32 $0x1, s18  }
0x334: {  	p2 =	sne.s32 s18, $0x28  }
.Ltmp31:
0x335: {  	_ = 	snop;
	(pc) =	sbr.rel @!p2 .LBB2_43-.Ltmp31, $2  }
0x336: {  	_ =	sdelay $0x2  }
0x337: {  	s19 =	sadd.s32 $0x10, s19  }
.LBB2_18:
0x338: {  	s0 =	sshll.u32 s18, $0x8  }
0x339: {  	s0 =	sand.u32 $0x3FFFFF00, s0  }
0x33a: {  	v4 =	vld [tilespmem:s0+$0x0]  }
0x33b: {  	v5 =	vld [tilespmem:s0+$0x10];
	_ =	sdelay $0x1  }
0x33c: {  	v6 =	vld [tilespmem:s0+$0x20];
	_ =	sdelay $0x1  }
0x33d: {  	v7 =	vld [tilespmem:s0+$0x30]  }
0x33e: {  	vm0 =	vlt.s32 v4, v5  }
0x33f: {  	v4 =	vsel vm0, v4, v5;
	v5 =	vld [tilespmem:s0+$0x40]  }
0x340: {  	vm0 =	vlt.s32 v4, v6  }
0x341: {  	v56 =	vld [tilespmem:s0+$0x50];
	v4 =	vsel vm0, v4, v6  }
0x342: {  	vm0 =	vlt.s32 v4, v7  }
0x343: {  	v57 =	vld [tilespmem:s0+$0x60];
	v4 =	vsel vm0, v4, v7  }
0x344: {  	vm0 =	vlt.s32 v4, v5  }
0x345: {  	v4 =	vsel vm0, v4, v5;
	v5 =	vld [tilespmem:s0+$0x70]  }
0x346: {  	vm0 =	vlt.s32 v4, v56  }
0x347: {  	v58 =	vld [tilespmem:s0+$0x80];
	v4 =	vsel vm0, v4, v56  }
0x348: {  	vm0 =	vlt.s32 v4, v57  }
0x349: {  	v59 =	vld [tilespmem:s0+$0x90];
	v4 =	vsel vm0, v4, v57  }
0x34a: {  	vm0 =	vlt.s32 v4, v5  }
0x34b: {  	v4 =	vsel vm0, v4, v5;
	v5 =	vld [tilespmem:s0+$0xA0]  }
0x34c: {  	vm0 =	vlt.s32 v4, v58  }
0x34d: {  	v60 =	vld [tilespmem:s0+$0xB0];
	v4 =	vsel vm0, v4, v58  }
0x34e: {  	vm0 =	vlt.s32 v4, v59  }
0x34f: {  	v61 =	vld [tilespmem:s0+$0xC0];
	v4 =	vsel vm0, v4, v59  }
0x350: {  	vm0 =	vlt.s32 v4, v5  }
0x351: {  	v4 =	vsel vm0, v4, v5;
	v5 =	vld [tilespmem:s0+$0xD0]  }
0x352: {  	vm0 =	vlt.s32 v4, v60  }
0x353: {  	v62 =	vld [tilespmem:s0+$0xE0];
	v4 =	vsel vm0, v4, v60  }
0x354: {  	vm0 =	vlt.s32 v4, v61  }
0x355: {  	v63 =	vld [tilespmem:s0+$0xF0];
	v4 =	vsel vm0, v4, v61  }
0x356: {  	vm0 =	vlt.s32 v4, v5  }
0x357: {  	v4 =	vsel vm0, v4, v5  }
0x358: {  	vm0 =	vlt.s32 v4, v62  }
0x359: {  	v4 =	vsel vm0, v4, v62  }
0x35a: {  	vm0 =	vlt.s32 v4, v63  }
0x35b: {  	v4 =	vsel vm0, v4, v63  }
0x35c: {  	v4 =	vxor.u32 $0x80000000, v4  }
0x35d: {  	(xrf0) =	vmin.scan.msk.u32 $0xffff, v4;
	_ =	sdelay $0x5  }
0x35e: {  	v4, _, _ =	vpop (xrf0)  }
0x35f: {  	(v2sf) =	vpush v4, $0xF;
	_ =	sdelay $0xe  }
0x360: {  	s31 =	spop (v2sf)  }
0x361: {  	p2 =	sne.s32 s31, $0x80000000  }
.Ltmp32:
0x362: {  	_ = 	snop;
	(pc) =	sbr.rel @p2 .LBB2_25-.Ltmp32, $1  }
0x363: {  	_ =	sdelay $0x3  }
.Ltmp33:
0x364: {  	(pc) =	sbr.rel .LBB2_20-.Ltmp33, $2  }
0x365: {  	_ =	sdelay $0x2  }
0x366: {  	s31 =	sshll.u32 s18, $0x4  }
.LBB2_23:
0x367: {  	v11 =	vadd.f32 v12, v11;
	_ =	sdelay $0x1  }
0x368: {  	[tilespmem:$0x5880] =	vst v11  }
0x369: {  	v11 =	vld [tilespmem:s0+$0xFFFFFFD0];
	_ =	sdelay $0x4  }
0x36a: {  	v10 =	vadd.f32 v11, v10;
	_ =	sdelay $0x1  }
0x36b: {  	[tilespmem:$0x5890] =	vst v10  }
0x36c: {  	v10 =	vld [tilespmem:s0+$0xFFFFFFE0];
	_ =	sdelay $0x4  }
0x36d: {  	v9 =	vadd.f32 v10, v9;
	_ =	sdelay $0x1  }
0x36e: {  	[tilespmem:$0x58A0] =	vst v9  }
0x36f: {  	v9 =	vld [tilespmem:s0+$0xFFFFFFF0];
	_ =	sdelay $0x4  }
0x370: {  	v8 =	vadd.f32 v9, v8;
	_ =	sdelay $0x1  }
0x371: {  	[tilespmem:$0x58B0] =	vst v8  }
0x372: {  	v8 =	vld [tilespmem:s0+$0x0];
	_ =	sdelay $0x4  }
0x373: {  	v7 =	vadd.f32 v8, v7;
	_ =	sdelay $0x1  }
0x374: {  	[tilespmem:$0x58C0] =	vst v7  }
0x375: {  	v7 =	vld [tilespmem:s0+$0x10];
	_ =	sdelay $0x4  }
0x376: {  	v6 =	vadd.f32 v7, v6;
	_ =	sdelay $0x1  }
0x377: {  	[tilespmem:$0x58D0] =	vst v6  }
0x378: {  	v6 =	vld [tilespmem:s0+$0x20];
	_ =	sdelay $0x4  }
0x379: {  	v5 =	vadd.f32 v6, v5;
	_ =	sdelay $0x1  }
0x37a: {  	[tilespmem:$0x58E0] =	vst v5  }
0x37b: {  	v5 =	vld [tilespmem:s0+$0x30];
	_ =	sdelay $0x4  }
0x37c: {  	v4 =	vadd.f32 v5, v4;
	_ =	sdelay $0x1  }
0x37d: {  	[tilespmem:$0x58F0] =	vst v4  }
.LBB2_24:
0x37e: {  	s31 =	sadd.s32 $0x1, s31  }
0x37f: {  	p2 =	sne.s32 s31, s19  }
.Ltmp34:
0x380: {  	_ = 	snop;
	(pc) =	sbr.rel @!p2 .LBB2_25-.Ltmp34, $1  }
0x381: {  	_ =	sdelay $0x3  }
.LBB2_20:
0x382: {  	s0 =	sshll.u32 s31, $0x4  }
0x383: {  	v4 =	vld [tilespmem:s0+$0x0];
	_ =	sdelay $0x4  }
0x384: {  	vm0 =	veq.s32 v4, $0x0  }
0x385: {  	v4 =	vsel vm0, $0x1, v1  }
0x386: {  	(xrf0) =	vadd.scan.msk.s32 $0xffff, v4;
	_ =	sdelay $0x5  }
0x387: {  	v5, _, _ =	vpop (xrf0)  }
0x388: {  	(v2sf) =	vpush v5, $0xF;
	_ =	sdelay $0xe  }
0x389: {  	s20 =	spop (v2sf)  }
0x38a: {  	p2 =	slt.s32 s20, $0x1  }
.Ltmp35:
0x38b: {  	_ = 	snop;
	(pc) =	sbr.rel @p2 .LBB2_24-.Ltmp35, $1  }
0x38c: {  	_ =	sdelay $0x3  }
0x38d: {  	v5 =	vld [tilespmem:s0+$0x2800];
	_ =	sdelay $0x3  }
0x38e: {  	[tilespmem:$0x5000] =	vst v1  }
0x38f: {  	[tilespmem:s26+$0x0] =	vst.msk vm0, v5  }
0x390: {  	v5 =	vld [tilespmem:$0x5900];
	_ =	sdelay $0x4  }
0x391: {  	v4 =	vadd.s32 v4, v5  }
0x392: {  	[tilespmem:$0x5900] =	vst v4  }
0x393: {  	[tilespmem:s29], [sflag:$0x6] =	stream.indirect.gather [hbm4b:s1+s28], $0x80, s26, s28, $0xb8;
	[tilespmem:$0x5A00] =	vst v63  }
0x394: {  	_ =	swait.ge [sflag:s30], $0x800  }
0x395: {  	[sflag:s30] =	ssyncset.done $0x0  }
0x396: {  	[sflag:s30] =	ssyncadd.s32 $0xFFFFF800  }
0x397: {  	v11 =	vld [tilespmem:$0x5880]  }
0x398: {  	v10 =	vld [tilespmem:$0x5890]  }
0x399: {  	v9 =	vld [tilespmem:$0x58A0]  }
0x39a: {  	s0 =	simm.s32 $0x50C0;
	p2 =	sne.s32 s20, $0x1;
	v8 =	vld [tilespmem:$0x58B0]  }
.Ltmp36:
0x39b: {  	v12 =	vld [tilespmem:s0+$0xFFFFFFC0];
	(pc) =	sbr.rel @!p2 .LBB2_23-.Ltmp36, $4  }
0x39c: {  	v7 =	vld [tilespmem:$0x58C0]  }
0x39d: {  	v6 =	vld [tilespmem:$0x58D0]  }
0x39e: {  	v5 =	vld [tilespmem:$0x58E0]  }
0x39f: {  	s20 =	sadd.s32 $0xFFFFFFFF, s20;
	v4 =	vld [tilespmem:$0x58F0]  }
.LBB2_22:
0x3a0: {  	p2 =	sne.s32 s20, $0x1;
	_ =	sdelay $0x3  }
0x3a1: {  	v11 =	vadd.f32 v12, v11;
	_ =	sdelay $0x1  }
0x3a2: {  	[tilespmem:$0x5880] =	vst v11  }
0x3a3: {  	v12 =	vld [tilespmem:s0+$0xFFFFFFD0];
	_ =	sdelay $0x4  }
0x3a4: {  	v10 =	vadd.f32 v12, v10;
	_ =	sdelay $0x1  }
0x3a5: {  	[tilespmem:$0x5890] =	vst v10  }
0x3a6: {  	v12 =	vld [tilespmem:s0+$0xFFFFFFE0];
	_ =	sdelay $0x4  }
0x3a7: {  	v9 =	vadd.f32 v12, v9;
	_ =	sdelay $0x1  }
0x3a8: {  	[tilespmem:$0x58A0] =	vst v9  }
0x3a9: {  	v12 =	vld [tilespmem:s0+$0xFFFFFFF0];
	_ =	sdelay $0x4  }
0x3aa: {  	v8 =	vadd.f32 v12, v8;
	_ =	sdelay $0x1  }
0x3ab: {  	[tilespmem:$0x58B0] =	vst v8  }
0x3ac: {  	v12 =	vld [tilespmem:s0+$0x0];
	_ =	sdelay $0x4  }
0x3ad: {  	v7 =	vadd.f32 v12, v7;
	_ =	sdelay $0x1  }
0x3ae: {  	[tilespmem:$0x58C0] =	vst v7  }
0x3af: {  	v12 =	vld [tilespmem:s0+$0x10];
	_ =	sdelay $0x4  }
0x3b0: {  	v6 =	vadd.f32 v12, v6;
	_ =	sdelay $0x1  }
0x3b1: {  	[tilespmem:$0x58D0] =	vst v6  }
0x3b2: {  	v12 =	vld [tilespmem:s0+$0x20];
	_ =	sdelay $0x4  }
0x3b3: {  	v5 =	vadd.f32 v12, v5;
	_ =	sdelay $0x1  }
0x3b4: {  	[tilespmem:$0x58E0] =	vst v5  }
0x3b5: {  	v12 =	vld [tilespmem:s0+$0x30];
	_ =	sdelay $0x3  }
.Ltmp37:
0x3b6: {  	(pc) =	sbr.rel @p2 .LBB2_22-.Ltmp37, $3  }
0x3b7: {  	v4 =	vadd.f32 v12, v4;
	_ =	sdelay $0x1  }
0x3b8: {  	s0 =	sadd.s32 $0x80, s0;
	[tilespmem:$0x58F0] =	vst v4  }
0x3b9: {  	s20 =	sadd.s32 $0xFFFFFFFF, s20;
	v12 =	vld [tilespmem:s0+$0xFFFFFFC0]  }
.Ltmp38:
0x3ba: {  	_ = 	snop;
	(pc) =	sbr.rel .LBB2_23-.Ltmp38, $1  }
0x3bb: {  	_ =	sdelay $0x3  }
.LBB2_44:
0x3bc: {  	_ =	sfence.sel $0x180000  }
0x3bd: {  	[bflag:$0x0] =	sbarrier.arrive $0xFFFF  }
0x3be: {  	_ =	strace $0x90000047  }
0x3bf: {  	s0 =	stileid.u32;
	[bflag:$0x2] =	sbarrier.arrive $0xFFFF  }
0x3c0: {  	p0 =	sne.s32 s0, $0x0;
	s0 =	rddreg [dreg:$0x3]  }
0x3c1: {  	s0 =	sadd.s32 @!p0 $0x100000, s0  }
0x3c2: {  	[sflag:s0] =	ssyncadd.tile.s32 @!p0 $0x1;
	_ =	shalt  }
.Lfunc_end2:
_tile_overlayer_lowered:
.L_overlay_start_2:
0x3c3: {  	(tag) =	ssettag $0x2  }
0x3c4: {  	s0 =	rddreg [dreg:$0x0];
	s2 =	stileid.u32  }
0x3c5: {  	s1 =	rddreg [dreg:$0x1];
	p0 =	sne.s32 s2, $0x0  }
0x3c6: {  	s3 =	rddreg [dreg:$0x2];
	[bflag:$0x3] =	sbarrier.arrive $0xFFFF;
	s2 =	simm.s32 @!p0 $0x1C07  }
0x3c7: {  	[timem:s3], [sflag:s2] =	dma.local @!p0 [hbm:s0], s1  }
0x3c8: {  	s0 =	simm.s32 @!p0 $0x7  }
0x3c9: {  	_ =	swait.ge @!p0 [sflag:s0], s1  }
0x3ca: {  	s1 =	ssub.s32 @!p0 $0x0, s1;
	[sflag:s0] =	ssyncset.done @!p0 $0x0  }
0x3cb: {  	[sflag:s0] =	ssyncadd.s32 @!p0 s1  }
0x3cc: {  	[bflag:$0x3] =	sbarrier.arrive $0xFFFF  }
0x3cd: {  	_ =	shalt  }

</sc_bundles>
